<compile_context>
chip_gen: v7x
topology: tpu7x:2x2x1
jax: 0.10.2.dev20260603
libtpu: 0.0.44.dev20260713+nightly
codegen_flags: <defaults>
</compile_context>

<pallas_src>
import functools

import jax
import jax.numpy as jnp
from jax import lax
from jax.experimental import pallas as pl
from jax.experimental.pallas import tpu as pltpu
from jax.experimental.pallas import tpu_sc as plsc

N = 10000
D = 128
NS_SUP = 2
E_TOT = 2 * 320000
NC = 2
NSC = 16
NW = NC * NSC
CHUNK = 128
EB = 8
NCH = 160
NB = NCH // EB
E_PAD = NW * CHUNK * NCH
SHARE = 624
SHARE_SPLIT = (128, 128, 128, 128, 112)
REM_START = NSC * SHARE
REM = N - REM_START


def _mm_body(x_ref, w_ref, o_ref):
    o_ref[...] = jnp.dot(x_ref[...], w_ref[0],
                         preferred_element_type=jnp.float32)[None]


def _tc_matmul(x, W):
    BR = 2000
    out = pl.pallas_call(
        _mm_body,
        grid=(NS_SUP, N // BR),
        in_specs=[
            pl.BlockSpec((BR, D), lambda s, i: (i, 0)),
            pl.BlockSpec((1, D, D), lambda s, i: (s, 0, 0)),
        ],
        out_specs=pl.BlockSpec((1, BR, D), lambda s, i: (s, i, 0)),
        out_shape=jax.ShapeDtypeStruct((NS_SUP, N, D), jnp.float32),
    )(x, W)
    return out.reshape(NS_SUP * N, D)


def _add_body(p_ref, o_ref):
    o_ref[...] = p_ref[0] + p_ref[1]


def _tc_combine(partial):
    BR = 2000
    return pl.pallas_call(
        _add_body,
        grid=(N // BR,),
        in_specs=[pl.BlockSpec((NC, BR, D), lambda i: (0, i, 0))],
        out_specs=pl.BlockSpec((BR, D), lambda i: (i, 0)),
        out_shape=jax.ShapeDtypeStruct((N, D), jnp.float32),
    )(partial)


def _splat_lane(vec, lane):
    idx = jnp.full((16, 1), lane, jnp.int32)
    return lax.gather(
        vec, idx,
        lax.GatherDimensionNumbers(
            offset_dims=(), collapsed_slice_dims=(0,), start_index_map=(0,)),
        slice_sizes=(1,),
        mode=lax.GatherScatterMode.PROMISE_IN_BOUNDS)


_sc_mesh = plsc.VectorSubcoreMesh(
    core_axis_name="c", subcore_axis_name="s", num_cores=NC, num_subcores=NSC
)


@functools.partial(
    pl.kernel,
    out_type=jax.ShapeDtypeStruct((NC, N, D), jnp.float32),
    mesh=_sc_mesh,
    scratch_types=[
        pltpu.VMEM((2, EB, CHUNK), jnp.int32),
        pltpu.VMEM((2, EB, CHUNK), jnp.int32),
        pltpu.VMEM((2, EB, CHUNK), jnp.float32),
        pltpu.VMEM((CHUNK, D), jnp.float32),
        pltpu.VMEM((CHUNK, D), jnp.float32),
        pltpu.VMEM_SHARED((N, D), jnp.float32),
        pltpu.SemaphoreType.DMA,
        pltpu.SemaphoreType.DMA,
        pltpu.SemaphoreType.DMA,
        pltpu.SemaphoreType.DMA,
        pltpu.SemaphoreType.DMA,
    ],
)
def _sc_scatter(xw_hbm, src_hbm, dst_hbm, ew_hbm, out_hbm,
                src_v, dst_v, ew_v, rows0_v, rows1_v, acc,
                gsem_a0, gsem_a1, gsem_b0, gsem_b1, esem):
    rows_v = rows0_v
    H = CHUNK // 2

    def _gather_start(es, j, rows, s0, s1):
        pltpu.async_copy(xw_hbm.at[src_v.at[es, j, pl.ds(0, H)]],
                         rows.at[pl.ds(0, H)], s0)
        pltpu.async_copy(xw_hbm.at[src_v.at[es, j, pl.ds(H, H)]],
                         rows.at[pl.ds(H, H)], s1)

    def _gather_wait(es, j, rows, s0, s1):
        pltpu.make_async_copy(xw_hbm.at[src_v.at[es, j, pl.ds(0, H)]],
                              rows.at[pl.ds(0, H)], s0).wait()
        pltpu.make_async_copy(xw_hbm.at[src_v.at[es, j, pl.ds(H, H)]],
                              rows.at[pl.ds(H, H)], s1).wait()
    cid = lax.axis_index("c")
    sid = lax.axis_index("s")
    wid = cid * NSC + sid

    def _zero_body(i, carry):
        z = jnp.zeros((16,), jnp.float32)
        for g in range(8):
            rows_v[i, pl.ds(g * 16, 16)] = z
        return carry

    lax.fori_loop(0, CHUNK, _zero_body, 0)
    off = 0
    for ln in SHARE_SPLIT:
        pltpu.sync_copy(rows_v.at[pl.ds(0, ln)],
                        acc.at[pl.ds(sid * SHARE + off, ln)])
        off += ln

    @pl.when(sid == 0)
    def _zero_rem():
        pltpu.sync_copy(rows_v.at[pl.ds(0, REM)], acc.at[pl.ds(REM_START, REM)])

    plsc.subcore_barrier()

    def _scale(rows, es, j):
        def _group_body(gr, c2):
            wv = ew_v[es, j, pl.ds(gr * 16, 16)]
            for ln in range(16):
                w = _splat_lane(wv, ln)
                e = gr * 16 + ln
                for g in range(8):
                    rows[e, pl.ds(g * 16, 16)] = rows[e, pl.ds(g * 16, 16)] * w
            return c2

        lax.fori_loop(0, CHUNK // 16, _group_body, 0)

    def _stage_start(b, slot):
        bsl = pl.ds(b * EB, EB)
        pltpu.async_copy(src_hbm.at[wid, bsl], src_v.at[slot], esem)
        pltpu.async_copy(dst_hbm.at[wid, bsl], dst_v.at[slot], esem)
        pltpu.async_copy(ew_hbm.at[wid, bsl], ew_v.at[slot], esem)

    def _stage_wait(b, slot):
        bsl = pl.ds(b * EB, EB)
        pltpu.make_async_copy(src_hbm.at[wid, bsl], src_v.at[slot], esem).wait()
        pltpu.make_async_copy(dst_hbm.at[wid, bsl], dst_v.at[slot], esem).wait()
        pltpu.make_async_copy(ew_hbm.at[wid, bsl], ew_v.at[slot], esem).wait()

    _stage_start(0, 0)
    _stage_wait(0, 0)

    def _block_body(b, carry):
        es = b & 1
        @pl.when(b < NB - 1)
        def _stage_next():
            _stage_start(b + 1, 1 - es)

        _gather_start(es, 0, rows0_v, gsem_a0, gsem_a1)

        def _pair_body(p, c1):
            ja = 2 * p
            jb = ja + 1
            _gather_wait(es, ja, rows0_v, gsem_a0, gsem_a1)
            _gather_start(es, jb, rows1_v, gsem_b0, gsem_b1)
            _scale(rows0_v, es, ja)
            pltpu.sync_copy(rows0_v, acc.at[dst_v.at[es, ja]], add=True)

            _gather_wait(es, jb, rows1_v, gsem_b0, gsem_b1)

            @pl.when(p < EB // 2 - 1)
            def _prefetch_next():
                _gather_start(es, ja + 2, rows0_v, gsem_a0, gsem_a1)

            _scale(rows1_v, es, jb)
            pltpu.sync_copy(rows1_v, acc.at[dst_v.at[es, jb]], add=True)
            return c1

        lax.fori_loop(0, EB // 2, _pair_body, 0)

        @pl.when(b < NB - 1)
        def _stage_drain():
            _stage_wait(b + 1, 1 - es)

        return carry

    lax.fori_loop(0, NB, _block_body, 0)
    plsc.subcore_barrier()

    off = 0
    for ln in SHARE_SPLIT:
        sl = pl.ds(sid * SHARE + off, ln)
        pltpu.sync_copy(acc.at[sl], out_hbm.at[cid, sl])
        off += ln

    @pl.when(sid == 0)
    def _write_rem():
        sl = pl.ds(REM_START, REM)
        pltpu.sync_copy(acc.at[sl], out_hbm.at[cid, sl])


def kernel(x, edge_index_0, edge_weight_0, edge_index_1, edge_weight_1, W):
    xw = _tc_matmul(x, W)

    src = jnp.concatenate([
        edge_index_0[1].astype(jnp.int32),
        edge_index_1[1].astype(jnp.int32) + N,
    ])
    dst = jnp.concatenate([
        edge_index_0[0].astype(jnp.int32),
        edge_index_1[0].astype(jnp.int32),
    ])
    ew = jnp.concatenate([edge_weight_0, edge_weight_1])

    pad = E_PAD - E_TOT
    pad_idx = jnp.arange(pad, dtype=jnp.int32) % N
    src = jnp.concatenate([src, pad_idx]).reshape(NW, NCH, CHUNK)
    dst = jnp.concatenate([dst, pad_idx]).reshape(NW, NCH, CHUNK)
    ew = jnp.concatenate([ew, jnp.zeros((pad,), jnp.float32)])
    ew = ew.reshape(NW, NCH, CHUNK)

    partial = _sc_scatter(xw, src, dst, ew)
    return _tc_combine(partial)

# --- scband reference (transcript-rebuilt; emitter-appended) ---
"""Pipeline reference for scband-graph-convolution-53463752900742 (READ-ONLY COPY).

The authoritative reference and input builder live on the scoring server;
editing this copy changes nothing except your own understanding.
"""

import jax, jax.numpy as jnp
import numpy as np

N_NODES = 10000
D_FEAT = 128
OUT_DIM = 128
SUPPORT = 2
N_EDGES = 320000


def setup_inputs(seed: int = 0) -> dict:
    key = jax.random.key(seed)
    k_x, k_e0, k_w0, k_e1, k_w1, k_W = jax.random.split(key, 6)
    x = jax.random.normal(k_x, (N_NODES, D_FEAT), dtype=jnp.float32)
    edge_index_0 = jax.random.randint(k_e0, (2, N_EDGES), 0, N_NODES, dtype=jnp.int64) if jax.config.jax_enable_x64 else jax.random.randint(k_e0, (2, N_EDGES), 0, N_NODES).astype(jnp.int32)
    edge_weight_0 = jax.random.uniform(k_w0, (N_EDGES,), dtype=jnp.float32)
    edge_index_1 = jax.random.randint(k_e1, (2, N_EDGES), 0, N_NODES).astype(edge_index_0.dtype)
    edge_weight_1 = jax.random.uniform(k_w1, (N_EDGES,), dtype=jnp.float32)
    # glorot-uniform init for W: shape (support, in_dim, out_dim)
    limit = float(np.sqrt(6.0 / (D_FEAT + OUT_DIM)))
    W = jax.random.uniform(k_W, (SUPPORT, D_FEAT, OUT_DIM), dtype=jnp.float32, minval=-limit, maxval=limit)
    return {
        "x": x,
        "edge_index_0": edge_index_0,
        "edge_weight_0": edge_weight_0,
        "edge_index_1": edge_index_1,
        "edge_weight_1": edge_weight_1,
        "W": W,
    }


def reference(x, edge_index_0, edge_weight_0, edge_index_1, edge_weight_1, W):
    # XW = einsum('ij,bjk->bik', X, W): per-support dense transform -> [support, N, out]
    XW = jnp.einsum("ij,bjk->bik", x, W)
    # A = sparse_concat([A_0, A_1], axis=1), AXW = A @ reshape(XW, [support*N, out])
    # equivalent to sum_s A_s @ XW[s]; sparse matmul done as gather + scatter-add.
    n = x.shape[0]
    out = jnp.zeros((n, W.shape[2]), dtype=x.dtype)
    for s, (ei, ew) in enumerate([
        (edge_index_0, edge_weight_0),
        (edge_index_1, edge_weight_1),
    ]):
        dst = ei[0]
        src = ei[1]
        msg = XW[s][src] * ew[:, None]
        out = out.at[dst].add(msg)
    # bias=False, activation='linear' -> identity
    return out

if __name__ == "__main__":
    import jax
    _d = setup_inputs()
    print(jax.jit(kernel)(*tuple(_d.values())))

</pallas_src>

<mosaic_0001>
#map = affine_map<(d0, d1) -> (0, 0)>
#map1 = affine_map<(d0, d1) -> (0, 0, 0)>
module attributes {stable_mosaic.version = 14 : i64} {
  func.func @_sc_scatter(%arg0: i32, %arg1: i32, %arg2: memref<20000x128xf32, #tpu.memory_space<hbm>>, %arg3: memref<32x160x128xi32, #tpu.memory_space<hbm>>, %arg4: memref<32x160x128xi32, #tpu.memory_space<hbm>>, %arg5: memref<32x160x128xf32, #tpu.memory_space<hbm>>, %arg6: memref<2x10000x128xf32, #tpu.memory_space<hbm>>, %arg7: memref<2x8x128xi32, #tpu.memory_space<vmem>>, %arg8: memref<2x8x128xi32, #tpu.memory_space<vmem>>, %arg9: memref<2x8x128xf32, #tpu.memory_space<vmem>>, %arg10: memref<128x128xf32, #tpu.memory_space<vmem>>, %arg11: memref<128x128xf32, #tpu.memory_space<vmem>>, %arg12: memref<10000x128xf32, #tpu.memory_space<vmem_shared>>, %arg13: memref<!tpu.dma_semaphore, #tpu.memory_space<semaphore_mem>>, %arg14: memref<!tpu.dma_semaphore, #tpu.memory_space<semaphore_mem>>, %arg15: memref<!tpu.dma_semaphore, #tpu.memory_space<semaphore_mem>>, %arg16: memref<!tpu.dma_semaphore, #tpu.memory_space<semaphore_mem>>, %arg17: memref<!tpu.dma_semaphore, #tpu.memory_space<semaphore_mem>>) attributes {dimension_semantics = [#tpu.dimension_semantics<core_parallel>, #tpu.dimension_semantics<subcore_parallel>], iteration_bounds = array<i64: 2, 16>, scalar_prefetch = 0 : i64, scratch_operands = 11 : i64, tpu.core_type = #tpu.core_type<sc_vector_subcore>, window_params = [{transform_indices = #map}, {transform_indices = #map1}, {transform_indices = #map1}, {transform_indices = #map1}, {transform_indices = #map1}]} {
    %mul3A = arith.constant 16 : i32
    %mul3A_0 = arith.muli %arg0, %mul3A : i32
    %add3A = arith.addi %mul3A_0, %arg1 : i32
    %scan3A = arith.constant 0 : i32
    %scan3A_1 = arith.constant 0 : i32
    %scan3A_2 = arith.constant 128 : i32
    %scan3A_3 = arith.addi %scan3A_1, %scan3A_2 : i32
    %scan3A_4 = arith.constant 1 : i32
    scf.for %scan3A_160 = %scan3A_1 to %scan3A_3 step %scan3A_4  : i32 {
      %broadcast_in_dim3A = arith.constant 0.000000e+00 : f32
      %broadcast_in_dim3A_161 = vector.broadcast %broadcast_in_dim3A : f32 to vector<16xf32>
      %swap3A = arith.index_cast %scan3A_160 : i32 to index
      %swap3A_162 = arith.constant 0 : index
      %swap3A_163 = tpu.vector_load %arg10[%swap3A, %swap3A_162] {strides = array<i32>} : memref<128x128xf32, #tpu.memory_space<vmem>>, vector<1x16xf32>,
      %swap3A_164 = vector.shape_cast %swap3A_163 : vector<1x16xf32> to vector<16xf32>
      %swap3A_165 = vector.shape_cast %broadcast_in_dim3A_161 : vector<16xf32> to vector<1x16xf32>
      tpu.vector_store %arg10[%swap3A, %swap3A_162], %swap3A_165 {strides = array<i32>} : memref<128x128xf32, #tpu.memory_space<vmem>>, vector<1x16xf32>,
      %swap3A_166 = arith.index_cast %scan3A_160 : i32 to index
      %swap3A_167 = arith.constant 16 : index
      %swap3A_168 = tpu.vector_load %arg10[%swap3A_166, %swap3A_167] {strides = array<i32>} : memref<128x128xf32, #tpu.memory_space<vmem>>, vector<1x16xf32>,
      %swap3A_169 = vector.shape_cast %swap3A_168 : vector<1x16xf32> to vector<16xf32>
      %swap3A_170 = vector.shape_cast %broadcast_in_dim3A_161 : vector<16xf32> to vector<1x16xf32>
      tpu.vector_store %arg10[%swap3A_166, %swap3A_167], %swap3A_170 {strides = array<i32>} : memref<128x128xf32, #tpu.memory_space<vmem>>, vector<1x16xf32>,
      %swap3A_171 = arith.index_cast %scan3A_160 : i32 to index
      %swap3A_172 = arith.constant 32 : index
      %swap3A_173 = tpu.vector_load %arg10[%swap3A_171, %swap3A_172] {strides = array<i32>} : memref<128x128xf32, #tpu.memory_space<vmem>>, vector<1x16xf32>,
      %swap3A_174 = vector.shape_cast %swap3A_173 : vector<1x16xf32> to vector<16xf32>
      %swap3A_175 = vector.shape_cast %broadcast_in_dim3A_161 : vector<16xf32> to vector<1x16xf32>
      tpu.vector_store %arg10[%swap3A_171, %swap3A_172], %swap3A_175 {strides = array<i32>} : memref<128x128xf32, #tpu.memory_space<vmem>>, vector<1x16xf32>,
      %swap3A_176 = arith.index_cast %scan3A_160 : i32 to index
      %swap3A_177 = arith.constant 48 : index
      %swap3A_178 = tpu.vector_load %arg10[%swap3A_176, %swap3A_177] {strides = array<i32>} : memref<128x128xf32, #tpu.memory_space<vmem>>, vector<1x16xf32>,
      %swap3A_179 = vector.shape_cast %swap3A_178 : vector<1x16xf32> to vector<16xf32>
      %swap3A_180 = vector.shape_cast %broadcast_in_dim3A_161 : vector<16xf32> to vector<1x16xf32>
      tpu.vector_store %arg10[%swap3A_176, %swap3A_177], %swap3A_180 {strides = array<i32>} : memref<128x128xf32, #tpu.memory_space<vmem>>, vector<1x16xf32>,
      %swap3A_181 = arith.index_cast %scan3A_160 : i32 to index
      %swap3A_182 = arith.constant 64 : index
      %swap3A_183 = tpu.vector_load %arg10[%swap3A_181, %swap3A_182] {strides = array<i32>} : memref<128x128xf32, #tpu.memory_space<vmem>>, vector<1x16xf32>,
      %swap3A_184 = vector.shape_cast %swap3A_183 : vector<1x16xf32> to vector<16xf32>
      %swap3A_185 = vector.shape_cast %broadcast_in_dim3A_161 : vector<16xf32> to vector<1x16xf32>
      tpu.vector_store %arg10[%swap3A_181, %swap3A_182], %swap3A_185 {strides = array<i32>} : memref<128x128xf32, #tpu.memory_space<vmem>>, vector<1x16xf32>,
      %swap3A_186 = arith.index_cast %scan3A_160 : i32 to index
      %swap3A_187 = arith.constant 80 : index
      %swap3A_188 = tpu.vector_load %arg10[%swap3A_186, %swap3A_187] {strides = array<i32>} : memref<128x128xf32, #tpu.memory_space<vmem>>, vector<1x16xf32>,
      %swap3A_189 = vector.shape_cast %swap3A_188 : vector<1x16xf32> to vector<16xf32>
      %swap3A_190 = vector.shape_cast %broadcast_in_dim3A_161 : vector<16xf32> to vector<1x16xf32>
      tpu.vector_store %arg10[%swap3A_186, %swap3A_187], %swap3A_190 {strides = array<i32>} : memref<128x128xf32, #tpu.memory_space<vmem>>, vector<1x16xf32>,
      %swap3A_191 = arith.index_cast %scan3A_160 : i32 to index
      %swap3A_192 = arith.constant 96 : index
      %swap3A_193 = tpu.vector_load %arg10[%swap3A_191, %swap3A_192] {strides = array<i32>} : memref<128x128xf32, #tpu.memory_space<vmem>>, vector<1x16xf32>,
      %swap3A_194 = vector.shape_cast %swap3A_193 : vector<1x16xf32> to vector<16xf32>
      %swap3A_195 = vector.shape_cast %broadcast_in_dim3A_161 : vector<16xf32> to vector<1x16xf32>
      tpu.vector_store %arg10[%swap3A_191, %swap3A_192], %swap3A_195 {strides = array<i32>} : memref<128x128xf32, #tpu.memory_space<vmem>>, vector<1x16xf32>,
      %swap3A_196 = arith.index_cast %scan3A_160 : i32 to index
      %swap3A_197 = arith.constant 112 : index
      %swap3A_198 = tpu.vector_load %arg10[%swap3A_196, %swap3A_197] {strides = array<i32>} : memref<128x128xf32, #tpu.memory_space<vmem>>, vector<1x16xf32>,
      %swap3A_199 = vector.shape_cast %swap3A_198 : vector<1x16xf32> to vector<16xf32>
      %swap3A_200 = vector.shape_cast %broadcast_in_dim3A_161 : vector<16xf32> to vector<1x16xf32>
      tpu.vector_store %arg10[%swap3A_196, %swap3A_197], %swap3A_200 {strides = array<i32>} : memref<128x128xf32, #tpu.memory_space<vmem>>, vector<1x16xf32>,
    }
    %scan3A_5 = arith.constant 128 : i32
    %mul3A_6 = arith.constant 624 : i32
    %mul3A_7 = arith.muli %arg1, %mul3A_6 : i32
    %add3A_8 = arith.constant 0 : i32
    %add3A_9 = arith.addi %mul3A_7, %add3A_8 : i32
    "tpu.region"() ({
      %run_scoped3A = tpu.sem_alloc : memref<!tpu.dma_semaphore, #tpu.memory_space<semaphore_mem>>
      %dma_start3A_160 = arith.constant 0 : i32
      %dma_start3A_161 = arith.constant 0 : i32
      %dma_start3A_162 = tpu.memref_slice %arg10[%dma_start3A_160, %dma_start3A_161] : memref<128x128xf32, #tpu.memory_space<vmem>> -> memref<128x128xf32, #tpu.memory_space<vmem>>
      %dma_start3A_163 = arith.constant 0 : i32
      %dma_start3A_164 = tpu.memref_slice %arg12[%add3A_9, %dma_start3A_163] : memref<10000x128xf32, #tpu.memory_space<vmem_shared>> -> memref<128x128xf32, #tpu.memory_space<vmem_shared>>
      %dma_start3A_165 = arith.constant 0 : i32
      %dma_start3A_166 = tpu.memref_slice %arg12[%add3A_9, %dma_start3A_165] : memref<10000x128xf32, #tpu.memory_space<vmem_shared>> -> memref<128x128xf32, #tpu.memory_space<vmem_shared>>
      %dma_start3A_167 = arith.constant 0 : i32
      %dma_start3A_168 = arith.constant 0 : i32
      %dma_start3A_169 = tpu.memref_slice %arg10[%dma_start3A_167, %dma_start3A_168] : memref<128x128xf32, #tpu.memory_space<vmem>> -> memref<128x128xf32, #tpu.memory_space<vmem>>
      tpu.enqueue_dma source(%dma_start3A_169 : memref<128x128xf32, #tpu.memory_space<vmem>>) target(%dma_start3A_166 : memref<128x128xf32, #tpu.memory_space<vmem_shared>>) target_semaphore(%run_scoped3A : memref<!tpu.dma_semaphore, #tpu.memory_space<semaphore_mem>>)
      %dma_wait3A_170 = arith.constant 0 : i32
      %dma_wait3A_171 = arith.constant 0 : i32
      %dma_wait3A_172 = tpu.memref_slice %arg10[%dma_wait3A_170, %dma_wait3A_171] : memref<128x128xf32, #tpu.memory_space<vmem>> -> memref<128x128xf32, #tpu.memory_space<vmem>>
      %dma_wait3A_173 = arith.constant 0 : i32
      %dma_wait3A_174 = tpu.memref_slice %arg12[%add3A_9, %dma_wait3A_173] : memref<10000x128xf32, #tpu.memory_space<vmem_shared>> -> memref<128x128xf32, #tpu.memory_space<vmem_shared>>
      %dma_wait3A_175 = arith.constant 0 : i32
      %dma_wait3A_176 = tpu.memref_slice %arg12[%add3A_9, %dma_wait3A_175] : memref<10000x128xf32, #tpu.memory_space<vmem_shared>> -> memref<128x128xf32, #tpu.memory_space<vmem_shared>>
      %dma_wait3A_177 = arith.constant 0 : i32
      %dma_wait3A_178 = arith.constant 0 : i32
      %dma_wait3A_179 = tpu.memref_slice %arg10[%dma_wait3A_177, %dma_wait3A_178] : memref<128x128xf32, #tpu.memory_space<vmem>> -> memref<128x128xf32, #tpu.memory_space<vmem>>
      tpu.wait_dma2 semaphore(%run_scoped3A : memref<!tpu.dma_semaphore, #tpu.memory_space<semaphore_mem>>) src(%dma_wait3A_179 : memref<128x128xf32, #tpu.memory_space<vmem>>) dst(%dma_wait3A_176 : memref<128x128xf32, #tpu.memory_space<vmem_shared>>)
      tpu.yield
    }) : () -> ()
    %mul3A_10 = arith.constant 624 : i32
    %mul3A_11 = arith.muli %arg1, %mul3A_10 : i32
    %add3A_12 = arith.constant 128 : i32
    %add3A_13 = arith.addi %mul3A_11, %add3A_12 : i32
    "tpu.region"() ({
      %run_scoped3A = tpu.sem_alloc : memref<!tpu.dma_semaphore, #tpu.memory_space<semaphore_mem>>
      %dma_start3A_160 = arith.constant 0 : i32
      %dma_start3A_161 = arith.constant 0 : i32
      %dma_start3A_162 = tpu.memref_slice %arg10[%dma_start3A_160, %dma_start3A_161] : memref<128x128xf32, #tpu.memory_space<vmem>> -> memref<128x128xf32, #tpu.memory_space<vmem>>
      %dma_start3A_163 = arith.constant 0 : i32
      %dma_start3A_164 = tpu.memref_slice %arg12[%add3A_13, %dma_start3A_163] : memref<10000x128xf32, #tpu.memory_space<vmem_shared>> -> memref<128x128xf32, #tpu.memory_space<vmem_shared>>
      %dma_start3A_165 = arith.constant 0 : i32
      %dma_start3A_166 = tpu.memref_slice %arg12[%add3A_13, %dma_start3A_165] : memref<10000x128xf32, #tpu.memory_space<vmem_shared>> -> memref<128x128xf32, #tpu.memory_space<vmem_shared>>
      %dma_start3A_167 = arith.constant 0 : i32
      %dma_start3A_168 = arith.constant 0 : i32
      %dma_start3A_169 = tpu.memref_slice %arg10[%dma_start3A_167, %dma_start3A_168] : memref<128x128xf32, #tpu.memory_space<vmem>> -> memref<128x128xf32, #tpu.memory_space<vmem>>
      tpu.enqueue_dma source(%dma_start3A_169 : memref<128x128xf32, #tpu.memory_space<vmem>>) target(%dma_start3A_166 : memref<128x128xf32, #tpu.memory_space<vmem_shared>>) target_semaphore(%run_scoped3A : memref<!tpu.dma_semaphore, #tpu.memory_space<semaphore_mem>>)
      %dma_wait3A_170 = arith.constant 0 : i32
      %dma_wait3A_171 = arith.constant 0 : i32
      %dma_wait3A_172 = tpu.memref_slice %arg10[%dma_wait3A_170, %dma_wait3A_171] : memref<128x128xf32, #tpu.memory_space<vmem>> -> memref<128x128xf32, #tpu.memory_space<vmem>>
      %dma_wait3A_173 = arith.constant 0 : i32
      %dma_wait3A_174 = tpu.memref_slice %arg12[%add3A_13, %dma_wait3A_173] : memref<10000x128xf32, #tpu.memory_space<vmem_shared>> -> memref<128x128xf32, #tpu.memory_space<vmem_shared>>
      %dma_wait3A_175 = arith.constant 0 : i32
      %dma_wait3A_176 = tpu.memref_slice %arg12[%add3A_13, %dma_wait3A_175] : memref<10000x128xf32, #tpu.memory_space<vmem_shared>> -> memref<128x128xf32, #tpu.memory_space<vmem_shared>>
      %dma_wait3A_177 = arith.constant 0 : i32
      %dma_wait3A_178 = arith.constant 0 : i32
      %dma_wait3A_179 = tpu.memref_slice %arg10[%dma_wait3A_177, %dma_wait3A_178] : memref<128x128xf32, #tpu.memory_space<vmem>> -> memref<128x128xf32, #tpu.memory_space<vmem>>
      tpu.wait_dma2 semaphore(%run_scoped3A : memref<!tpu.dma_semaphore, #tpu.memory_space<semaphore_mem>>) src(%dma_wait3A_179 : memref<128x128xf32, #tpu.memory_space<vmem>>) dst(%dma_wait3A_176 : memref<128x128xf32, #tpu.memory_space<vmem_shared>>)
      tpu.yield
    }) : () -> ()
    %mul3A_14 = arith.constant 624 : i32
    %mul3A_15 = arith.muli %arg1, %mul3A_14 : i32
    %add3A_16 = arith.constant 256 : i32
    %add3A_17 = arith.addi %mul3A_15, %add3A_16 : i32
    "tpu.region"() ({
      %run_scoped3A = tpu.sem_alloc : memref<!tpu.dma_semaphore, #tpu.memory_space<semaphore_mem>>
      %dma_start3A_160 = arith.constant 0 : i32
      %dma_start3A_161 = arith.constant 0 : i32
      %dma_start3A_162 = tpu.memref_slice %arg10[%dma_start3A_160, %dma_start3A_161] : memref<128x128xf32, #tpu.memory_space<vmem>> -> memref<128x128xf32, #tpu.memory_space<vmem>>
      %dma_start3A_163 = arith.constant 0 : i32
      %dma_start3A_164 = tpu.memref_slice %arg12[%add3A_17, %dma_start3A_163] : memref<10000x128xf32, #tpu.memory_space<vmem_shared>> -> memref<128x128xf32, #tpu.memory_space<vmem_shared>>
      %dma_start3A_165 = arith.constant 0 : i32
      %dma_start3A_166 = tpu.memref_slice %arg12[%add3A_17, %dma_start3A_165] : memref<10000x128xf32, #tpu.memory_space<vmem_shared>> -> memref<128x128xf32, #tpu.memory_space<vmem_shared>>
      %dma_start3A_167 = arith.constant 0 : i32
      %dma_start3A_168 = arith.constant 0 : i32
      %dma_start3A_169 = tpu.memref_slice %arg10[%dma_start3A_167, %dma_start3A_168] : memref<128x128xf32, #tpu.memory_space<vmem>> -> memref<128x128xf32, #tpu.memory_space<vmem>>
      tpu.enqueue_dma source(%dma_start3A_169 : memref<128x128xf32, #tpu.memory_space<vmem>>) target(%dma_start3A_166 : memref<128x128xf32, #tpu.memory_space<vmem_shared>>) target_semaphore(%run_scoped3A : memref<!tpu.dma_semaphore, #tpu.memory_space<semaphore_mem>>)
      %dma_wait3A_170 = arith.constant 0 : i32
      %dma_wait3A_171 = arith.constant 0 : i32
      %dma_wait3A_172 = tpu.memref_slice %arg10[%dma_wait3A_170, %dma_wait3A_171] : memref<128x128xf32, #tpu.memory_space<vmem>> -> memref<128x128xf32, #tpu.memory_space<vmem>>
      %dma_wait3A_173 = arith.constant 0 : i32
      %dma_wait3A_174 = tpu.memref_slice %arg12[%add3A_17, %dma_wait3A_173] : memref<10000x128xf32, #tpu.memory_space<vmem_shared>> -> memref<128x128xf32, #tpu.memory_space<vmem_shared>>
      %dma_wait3A_175 = arith.constant 0 : i32
      %dma_wait3A_176 = tpu.memref_slice %arg12[%add3A_17, %dma_wait3A_175] : memref<10000x128xf32, #tpu.memory_space<vmem_shared>> -> memref<128x128xf32, #tpu.memory_space<vmem_shared>>
      %dma_wait3A_177 = arith.constant 0 : i32
      %dma_wait3A_178 = arith.constant 0 : i32
      %dma_wait3A_179 = tpu.memref_slice %arg10[%dma_wait3A_177, %dma_wait3A_178] : memref<128x128xf32, #tpu.memory_space<vmem>> -> memref<128x128xf32, #tpu.memory_space<vmem>>
      tpu.wait_dma2 semaphore(%run_scoped3A : memref<!tpu.dma_semaphore, #tpu.memory_space<semaphore_mem>>) src(%dma_wait3A_179 : memref<128x128xf32, #tpu.memory_space<vmem>>) dst(%dma_wait3A_176 : memref<128x128xf32, #tpu.memory_space<vmem_shared>>)
      tpu.yield
    }) : () -> ()
    %mul3A_18 = arith.constant 624 : i32
    %mul3A_19 = arith.muli %arg1, %mul3A_18 : i32
    %add3A_20 = arith.constant 384 : i32
    %add3A_21 = arith.addi %mul3A_19, %add3A_20 : i32
    "tpu.region"() ({
      %run_scoped3A = tpu.sem_alloc : memref<!tpu.dma_semaphore, #tpu.memory_space<semaphore_mem>>
      %dma_start3A_160 = arith.constant 0 : i32
      %dma_start3A_161 = arith.constant 0 : i32
      %dma_start3A_162 = tpu.memref_slice %arg10[%dma_start3A_160, %dma_start3A_161] : memref<128x128xf32, #tpu.memory_space<vmem>> -> memref<128x128xf32, #tpu.memory_space<vmem>>
      %dma_start3A_163 = arith.constant 0 : i32
      %dma_start3A_164 = tpu.memref_slice %arg12[%add3A_21, %dma_start3A_163] : memref<10000x128xf32, #tpu.memory_space<vmem_shared>> -> memref<128x128xf32, #tpu.memory_space<vmem_shared>>
      %dma_start3A_165 = arith.constant 0 : i32
      %dma_start3A_166 = tpu.memref_slice %arg12[%add3A_21, %dma_start3A_165] : memref<10000x128xf32, #tpu.memory_space<vmem_shared>> -> memref<128x128xf32, #tpu.memory_space<vmem_shared>>
      %dma_start3A_167 = arith.constant 0 : i32
      %dma_start3A_168 = arith.constant 0 : i32
      %dma_start3A_169 = tpu.memref_slice %arg10[%dma_start3A_167, %dma_start3A_168] : memref<128x128xf32, #tpu.memory_space<vmem>> -> memref<128x128xf32, #tpu.memory_space<vmem>>
      tpu.enqueue_dma source(%dma_start3A_169 : memref<128x128xf32, #tpu.memory_space<vmem>>) target(%dma_start3A_166 : memref<128x128xf32, #tpu.memory_space<vmem_shared>>) target_semaphore(%run_scoped3A : memref<!tpu.dma_semaphore, #tpu.memory_space<semaphore_mem>>)
      %dma_wait3A_170 = arith.constant 0 : i32
      %dma_wait3A_171 = arith.constant 0 : i32
      %dma_wait3A_172 = tpu.memref_slice %arg10[%dma_wait3A_170, %dma_wait3A_171] : memref<128x128xf32, #tpu.memory_space<vmem>> -> memref<128x128xf32, #tpu.memory_space<vmem>>
      %dma_wait3A_173 = arith.constant 0 : i32
      %dma_wait3A_174 = tpu.memref_slice %arg12[%add3A_21, %dma_wait3A_173] : memref<10000x128xf32, #tpu.memory_space<vmem_shared>> -> memref<128x128xf32, #tpu.memory_space<vmem_shared>>
      %dma_wait3A_175 = arith.constant 0 : i32
      %dma_wait3A_176 = tpu.memref_slice %arg12[%add3A_21, %dma_wait3A_175] : memref<10000x128xf32, #tpu.memory_space<vmem_shared>> -> memref<128x128xf32, #tpu.memory_space<vmem_shared>>
      %dma_wait3A_177 = arith.constant 0 : i32
      %dma_wait3A_178 = arith.constant 0 : i32
      %dma_wait3A_179 = tpu.memref_slice %arg10[%dma_wait3A_177, %dma_wait3A_178] : memref<128x128xf32, #tpu.memory_space<vmem>> -> memref<128x128xf32, #tpu.memory_space<vmem>>
      tpu.wait_dma2 semaphore(%run_scoped3A : memref<!tpu.dma_semaphore, #tpu.memory_space<semaphore_mem>>) src(%dma_wait3A_179 : memref<128x128xf32, #tpu.memory_space<vmem>>) dst(%dma_wait3A_176 : memref<128x128xf32, #tpu.memory_space<vmem_shared>>)
      tpu.yield
    }) : () -> ()
    %mul3A_22 = arith.constant 624 : i32
    %mul3A_23 = arith.muli %arg1, %mul3A_22 : i32
    %add3A_24 = arith.constant 512 : i32
    %add3A_25 = arith.addi %mul3A_23, %add3A_24 : i32
    "tpu.region"() ({
      %run_scoped3A = tpu.sem_alloc : memref<!tpu.dma_semaphore, #tpu.memory_space<semaphore_mem>>
      %dma_start3A_160 = arith.constant 0 : i32
      %dma_start3A_161 = arith.constant 0 : i32
      %dma_start3A_162 = tpu.memref_slice %arg10[%dma_start3A_160, %dma_start3A_161] : memref<128x128xf32, #tpu.memory_space<vmem>> -> memref<112x128xf32, #tpu.memory_space<vmem>>
      %dma_start3A_163 = arith.constant 0 : i32
      %dma_start3A_164 = tpu.memref_slice %arg12[%add3A_25, %dma_start3A_163] : memref<10000x128xf32, #tpu.memory_space<vmem_shared>> -> memref<112x128xf32, #tpu.memory_space<vmem_shared>>
      %dma_start3A_165 = arith.constant 0 : i32
      %dma_start3A_166 = tpu.memref_slice %arg12[%add3A_25, %dma_start3A_165] : memref<10000x128xf32, #tpu.memory_space<vmem_shared>> -> memref<112x128xf32, #tpu.memory_space<vmem_shared>>
      %dma_start3A_167 = arith.constant 0 : i32
      %dma_start3A_168 = arith.constant 0 : i32
      %dma_start3A_169 = tpu.memref_slice %arg10[%dma_start3A_167, %dma_start3A_168] : memref<128x128xf32, #tpu.memory_space<vmem>> -> memref<112x128xf32, #tpu.memory_space<vmem>>
      tpu.enqueue_dma source(%dma_start3A_169 : memref<112x128xf32, #tpu.memory_space<vmem>>) target(%dma_start3A_166 : memref<112x128xf32, #tpu.memory_space<vmem_shared>>) target_semaphore(%run_scoped3A : memref<!tpu.dma_semaphore, #tpu.memory_space<semaphore_mem>>)
      %dma_wait3A_170 = arith.constant 0 : i32
      %dma_wait3A_171 = arith.constant 0 : i32
      %dma_wait3A_172 = tpu.memref_slice %arg10[%dma_wait3A_170, %dma_wait3A_171] : memref<128x128xf32, #tpu.memory_space<vmem>> -> memref<112x128xf32, #tpu.memory_space<vmem>>
      %dma_wait3A_173 = arith.constant 0 : i32
      %dma_wait3A_174 = tpu.memref_slice %arg12[%add3A_25, %dma_wait3A_173] : memref<10000x128xf32, #tpu.memory_space<vmem_shared>> -> memref<112x128xf32, #tpu.memory_space<vmem_shared>>
      %dma_wait3A_175 = arith.constant 0 : i32
      %dma_wait3A_176 = tpu.memref_slice %arg12[%add3A_25, %dma_wait3A_175] : memref<10000x128xf32, #tpu.memory_space<vmem_shared>> -> memref<112x128xf32, #tpu.memory_space<vmem_shared>>
      %dma_wait3A_177 = arith.constant 0 : i32
      %dma_wait3A_178 = arith.constant 0 : i32
      %dma_wait3A_179 = tpu.memref_slice %arg10[%dma_wait3A_177, %dma_wait3A_178] : memref<128x128xf32, #tpu.memory_space<vmem>> -> memref<112x128xf32, #tpu.memory_space<vmem>>
      tpu.wait_dma2 semaphore(%run_scoped3A : memref<!tpu.dma_semaphore, #tpu.memory_space<semaphore_mem>>) src(%dma_wait3A_179 : memref<112x128xf32, #tpu.memory_space<vmem>>) dst(%dma_wait3A_176 : memref<112x128xf32, #tpu.memory_space<vmem_shared>>)
      tpu.yield
    }) : () -> ()
    %eq3A = arith.constant 0 : i32
    %eq3A_26 = arith.cmpi eq, %arg1, %eq3A : i32
    %convert_element_type3A = arith.extui %eq3A_26 : i1 to i32
    %cond3A = arith.constant 0 : i32
    %cond3A_27 = arith.cmpi ne, %convert_element_type3A, %cond3A : i32
    scf.if %cond3A_27 {
      "tpu.region"() ({
        %run_scoped3A = tpu.sem_alloc : memref<!tpu.dma_semaphore, #tpu.memory_space<semaphore_mem>>
        %dma_start3A_160 = arith.constant 0 : i32
        %dma_start3A_161 = arith.constant 0 : i32
        %dma_start3A_162 = tpu.memref_slice %arg10[%dma_start3A_160, %dma_start3A_161] : memref<128x128xf32, #tpu.memory_space<vmem>> -> memref<16x128xf32, #tpu.memory_space<vmem>>
        %dma_start3A_163 = arith.constant 9984 : i32
        %dma_start3A_164 = arith.constant 0 : i32
        %dma_start3A_165 = tpu.memref_slice %arg12[%dma_start3A_163, %dma_start3A_164] : memref<10000x128xf32, #tpu.memory_space<vmem_shared>> -> memref<16x128xf32, #tpu.memory_space<vmem_shared>>
        %dma_start3A_166 = arith.constant 9984 : i32
        %dma_start3A_167 = arith.constant 0 : i32
        %dma_start3A_168 = tpu.memref_slice %arg12[%dma_start3A_166, %dma_start3A_167] : memref<10000x128xf32, #tpu.memory_space<vmem_shared>> -> memref<16x128xf32, #tpu.memory_space<vmem_shared>>
        %dma_start3A_169 = arith.constant 0 : i32
        %dma_start3A_170 = arith.constant 0 : i32
        %dma_start3A_171 = tpu.memref_slice %arg10[%dma_start3A_169, %dma_start3A_170] : memref<128x128xf32, #tpu.memory_space<vmem>> -> memref<16x128xf32, #tpu.memory_space<vmem>>
        tpu.enqueue_dma source(%dma_start3A_171 : memref<16x128xf32, #tpu.memory_space<vmem>>) target(%dma_start3A_168 : memref<16x128xf32, #tpu.memory_space<vmem_shared>>) target_semaphore(%run_scoped3A : memref<!tpu.dma_semaphore, #tpu.memory_space<semaphore_mem>>)
        %dma_wait3A_172 = arith.constant 0 : i32
        %dma_wait3A_173 = arith.constant 0 : i32
        %dma_wait3A_174 = tpu.memref_slice %arg10[%dma_wait3A_172, %dma_wait3A_173] : memref<128x128xf32, #tpu.memory_space<vmem>> -> memref<16x128xf32, #tpu.memory_space<vmem>>
        %dma_wait3A_175 = arith.constant 9984 : i32
        %dma_wait3A_176 = arith.constant 0 : i32
        %dma_wait3A_177 = tpu.memref_slice %arg12[%dma_wait3A_175, %dma_wait3A_176] : memref<10000x128xf32, #tpu.memory_space<vmem_shared>> -> memref<16x128xf32, #tpu.memory_space<vmem_shared>>
        %dma_wait3A_178 = arith.constant 9984 : i32
        %dma_wait3A_179 = arith.constant 0 : i32
        %dma_wait3A_180 = tpu.memref_slice %arg12[%dma_wait3A_178, %dma_wait3A_179] : memref<10000x128xf32, #tpu.memory_space<vmem_shared>> -> memref<16x128xf32, #tpu.memory_space<vmem_shared>>
        %dma_wait3A_181 = arith.constant 0 : i32
        %dma_wait3A_182 = arith.constant 0 : i32
        %dma_wait3A_183 = tpu.memref_slice %arg10[%dma_wait3A_181, %dma_wait3A_182] : memref<128x128xf32, #tpu.memory_space<vmem>> -> memref<16x128xf32, #tpu.memory_space<vmem>>
        tpu.wait_dma2 semaphore(%run_scoped3A : memref<!tpu.dma_semaphore, #tpu.memory_space<semaphore_mem>>) src(%dma_wait3A_183 : memref<16x128xf32, #tpu.memory_space<vmem>>) dst(%dma_wait3A_180 : memref<16x128xf32, #tpu.memory_space<vmem_shared>>)
        tpu.yield
      }) : () -> ()
    } else {
    }
    %barrier3A = arith.constant 0 : index
    tpu.barrier barrier_id(%barrier3A)
    %dma_start3A = arith.constant 0 : i32
    %dma_start3A_28 = arith.constant 0 : i32
    %dma_start3A_29 = arith.constant 0 : i32
    %dma_start3A_30 = tpu.memref_slice %arg7[%dma_start3A, %dma_start3A_28, %dma_start3A_29] : memref<2x8x128xi32, #tpu.memory_space<vmem>> -> memref<1x8x128xi32, #tpu.memory_space<vmem>>
    %dma_start3A_31 = tpu.memref_squeeze %dma_start3A_30 : memref<1x8x128xi32, #tpu.memory_space<vmem>> -> memref<8x128xi32, #tpu.memory_space<vmem>>
    %dma_start3A_32 = arith.constant 0 : i32
    %dma_start3A_33 = arith.constant 0 : i32
    %dma_start3A_34 = tpu.memref_slice %arg3[%add3A, %dma_start3A_32, %dma_start3A_33] : memref<32x160x128xi32, #tpu.memory_space<hbm>> -> memref<1x8x128xi32, #tpu.memory_space<hbm>>
    %dma_start3A_35 = tpu.memref_squeeze %dma_start3A_34 : memref<1x8x128xi32, #tpu.memory_space<hbm>> -> memref<8x128xi32, #tpu.memory_space<hbm>>
    %dma_start3A_36 = arith.constant 0 : i32
    %dma_start3A_37 = arith.constant 0 : i32
    %dma_start3A_38 = tpu.memref_slice %arg7[%dma_start3A, %dma_start3A_36, %dma_start3A_37] : memref<2x8x128xi32, #tpu.memory_space<vmem>> -> memref<1x8x128xi32, #tpu.memory_space<vmem>>
    %dma_start3A_39 = tpu.memref_squeeze %dma_start3A_38 : memref<1x8x128xi32, #tpu.memory_space<vmem>> -> memref<8x128xi32, #tpu.memory_space<vmem>>
    %dma_start3A_40 = arith.constant 0 : i32
    %dma_start3A_41 = arith.constant 0 : i32
    %dma_start3A_42 = tpu.memref_slice %arg3[%add3A, %dma_start3A_40, %dma_start3A_41] : memref<32x160x128xi32, #tpu.memory_space<hbm>> -> memref<1x8x128xi32, #tpu.memory_space<hbm>>
    %dma_start3A_43 = tpu.memref_squeeze %dma_start3A_42 : memref<1x8x128xi32, #tpu.memory_space<hbm>> -> memref<8x128xi32, #tpu.memory_space<hbm>>
    tpu.enqueue_dma source(%dma_start3A_43 : memref<8x128xi32, #tpu.memory_space<hbm>>) target(%dma_start3A_39 : memref<8x128xi32, #tpu.memory_space<vmem>>) target_semaphore(%arg17 : memref<!tpu.dma_semaphore, #tpu.memory_space<semaphore_mem>>)
    %dma_start3A_44 = arith.constant 0 : i32
    %dma_start3A_45 = arith.constant 0 : i32
    %dma_start3A_46 = arith.constant 0 : i32
    %dma_start3A_47 = tpu.memref_slice %arg8[%dma_start3A_44, %dma_start3A_45, %dma_start3A_46] : memref<2x8x128xi32, #tpu.memory_space<vmem>> -> memref<1x8x128xi32, #tpu.memory_space<vmem>>
    %dma_start3A_48 = tpu.memref_squeeze %dma_start3A_47 : memref<1x8x128xi32, #tpu.memory_space<vmem>> -> memref<8x128xi32, #tpu.memory_space<vmem>>
    %dma_start3A_49 = arith.constant 0 : i32
    %dma_start3A_50 = arith.constant 0 : i32
    %dma_start3A_51 = tpu.memref_slice %arg4[%add3A, %dma_start3A_49, %dma_start3A_50] : memref<32x160x128xi32, #tpu.memory_space<hbm>> -> memref<1x8x128xi32, #tpu.memory_space<hbm>>
    %dma_start3A_52 = tpu.memref_squeeze %dma_start3A_51 : memref<1x8x128xi32, #tpu.memory_space<hbm>> -> memref<8x128xi32, #tpu.memory_space<hbm>>
    %dma_start3A_53 = arith.constant 0 : i32
    %dma_start3A_54 = arith.constant 0 : i32
    %dma_start3A_55 = tpu.memref_slice %arg8[%dma_start3A_44, %dma_start3A_53, %dma_start3A_54] : memref<2x8x128xi32, #tpu.memory_space<vmem>> -> memref<1x8x128xi32, #tpu.memory_space<vmem>>
    %dma_start3A_56 = tpu.memref_squeeze %dma_start3A_55 : memref<1x8x128xi32, #tpu.memory_space<vmem>> -> memref<8x128xi32, #tpu.memory_space<vmem>>
    %dma_start3A_57 = arith.constant 0 : i32
    %dma_start3A_58 = arith.constant 0 : i32
    %dma_start3A_59 = tpu.memref_slice %arg4[%add3A, %dma_start3A_57, %dma_start3A_58] : memref<32x160x128xi32, #tpu.memory_space<hbm>> -> memref<1x8x128xi32, #tpu.memory_space<hbm>>
    %dma_start3A_60 = tpu.memref_squeeze %dma_start3A_59 : memref<1x8x128xi32, #tpu.memory_space<hbm>> -> memref<8x128xi32, #tpu.memory_space<hbm>>
    tpu.enqueue_dma source(%dma_start3A_60 : memref<8x128xi32, #tpu.memory_space<hbm>>) target(%dma_start3A_56 : memref<8x128xi32, #tpu.memory_space<vmem>>) target_semaphore(%arg17 : memref<!tpu.dma_semaphore, #tpu.memory_space<semaphore_mem>>)
    %dma_start3A_61 = arith.constant 0 : i32
    %dma_start3A_62 = arith.constant 0 : i32
    %dma_start3A_63 = arith.constant 0 : i32
    %dma_start3A_64 = tpu.memref_slice %arg9[%dma_start3A_61, %dma_start3A_62, %dma_start3A_63] : memref<2x8x128xf32, #tpu.memory_space<vmem>> -> memref<1x8x128xf32, #tpu.memory_space<vmem>>
    %dma_start3A_65 = tpu.memref_squeeze %dma_start3A_64 : memref<1x8x128xf32, #tpu.memory_space<vmem>> -> memref<8x128xf32, #tpu.memory_space<vmem>>
    %dma_start3A_66 = arith.constant 0 : i32
    %dma_start3A_67 = arith.constant 0 : i32
    %dma_start3A_68 = tpu.memref_slice %arg5[%add3A, %dma_start3A_66, %dma_start3A_67] : memref<32x160x128xf32, #tpu.memory_space<hbm>> -> memref<1x8x128xf32, #tpu.memory_space<hbm>>
    %dma_start3A_69 = tpu.memref_squeeze %dma_start3A_68 : memref<1x8x128xf32, #tpu.memory_space<hbm>> -> memref<8x128xf32, #tpu.memory_space<hbm>>
    %dma_start3A_70 = arith.constant 0 : i32
    %dma_start3A_71 = arith.constant 0 : i32
    %dma_start3A_72 = tpu.memref_slice %arg9[%dma_start3A_61, %dma_start3A_70, %dma_start3A_71] : memref<2x8x128xf32, #tpu.memory_space<vmem>> -> memref<1x8x128xf32, #tpu.memory_space<vmem>>
    %dma_start3A_73 = tpu.memref_squeeze %dma_start3A_72 : memref<1x8x128xf32, #tpu.memory_space<vmem>> -> memref<8x128xf32, #tpu.memory_space<vmem>>
    %dma_start3A_74 = arith.constant 0 : i32
    %dma_start3A_75 = arith.constant 0 : i32
    %dma_start3A_76 = tpu.memref_slice %arg5[%add3A, %dma_start3A_74, %dma_start3A_75] : memref<32x160x128xf32, #tpu.memory_space<hbm>> -> memref<1x8x128xf32, #tpu.memory_space<hbm>>
    %dma_start3A_77 = tpu.memref_squeeze %dma_start3A_76 : memref<1x8x128xf32, #tpu.memory_space<hbm>> -> memref<8x128xf32, #tpu.memory_space<hbm>>
    tpu.enqueue_dma source(%dma_start3A_77 : memref<8x128xf32, #tpu.memory_space<hbm>>) target(%dma_start3A_73 : memref<8x128xf32, #tpu.memory_space<vmem>>) target_semaphore(%arg17 : memref<!tpu.dma_semaphore, #tpu.memory_space<semaphore_mem>>)
    %dma_wait3A = arith.constant 0 : i32
    %dma_wait3A_78 = arith.constant 0 : i32
    %dma_wait3A_79 = arith.constant 0 : i32
    %dma_wait3A_80 = tpu.memref_slice %arg7[%dma_wait3A, %dma_wait3A_78, %dma_wait3A_79] : memref<2x8x128xi32, #tpu.memory_space<vmem>> -> memref<1x8x128xi32, #tpu.memory_space<vmem>>
    %dma_wait3A_81 = tpu.memref_squeeze %dma_wait3A_80 : memref<1x8x128xi32, #tpu.memory_space<vmem>> -> memref<8x128xi32, #tpu.memory_space<vmem>>
    %dma_wait3A_82 = arith.constant 0 : i32
    %dma_wait3A_83 = arith.constant 0 : i32
    %dma_wait3A_84 = tpu.memref_slice %arg3[%add3A, %dma_wait3A_82, %dma_wait3A_83] : memref<32x160x128xi32, #tpu.memory_space<hbm>> -> memref<1x8x128xi32, #tpu.memory_space<hbm>>
    %dma_wait3A_85 = tpu.memref_squeeze %dma_wait3A_84 : memref<1x8x128xi32, #tpu.memory_space<hbm>> -> memref<8x128xi32, #tpu.memory_space<hbm>>
    %dma_wait3A_86 = arith.constant 0 : i32
    %dma_wait3A_87 = arith.constant 0 : i32
    %dma_wait3A_88 = tpu.memref_slice %arg7[%dma_wait3A, %dma_wait3A_86, %dma_wait3A_87] : memref<2x8x128xi32, #tpu.memory_space<vmem>> -> memref<1x8x128xi32, #tpu.memory_space<vmem>>
    %dma_wait3A_89 = tpu.memref_squeeze %dma_wait3A_88 : memref<1x8x128xi32, #tpu.memory_space<vmem>> -> memref<8x128xi32, #tpu.memory_space<vmem>>
    %dma_wait3A_90 = arith.constant 0 : i32
    %dma_wait3A_91 = arith.constant 0 : i32
    %dma_wait3A_92 = tpu.memref_slice %arg3[%add3A, %dma_wait3A_90, %dma_wait3A_91] : memref<32x160x128xi32, #tpu.memory_space<hbm>> -> memref<1x8x128xi32, #tpu.memory_space<hbm>>
    %dma_wait3A_93 = tpu.memref_squeeze %dma_wait3A_92 : memref<1x8x128xi32, #tpu.memory_space<hbm>> -> memref<8x128xi32, #tpu.memory_space<hbm>>
    tpu.wait_dma2 semaphore(%arg17 : memref<!tpu.dma_semaphore, #tpu.memory_space<semaphore_mem>>) src(%dma_wait3A_93 : memref<8x128xi32, #tpu.memory_space<hbm>>) dst(%dma_wait3A_89 : memref<8x128xi32, #tpu.memory_space<vmem>>)
    %dma_wait3A_94 = arith.constant 0 : i32
    %dma_wait3A_95 = arith.constant 0 : i32
    %dma_wait3A_96 = arith.constant 0 : i32
    %dma_wait3A_97 = tpu.memref_slice %arg8[%dma_wait3A_94, %dma_wait3A_95, %dma_wait3A_96] : memref<2x8x128xi32, #tpu.memory_space<vmem>> -> memref<1x8x128xi32, #tpu.memory_space<vmem>>
    %dma_wait3A_98 = tpu.memref_squeeze %dma_wait3A_97 : memref<1x8x128xi32, #tpu.memory_space<vmem>> -> memref<8x128xi32, #tpu.memory_space<vmem>>
    %dma_wait3A_99 = arith.constant 0 : i32
    %dma_wait3A_100 = arith.constant 0 : i32
    %dma_wait3A_101 = tpu.memref_slice %arg4[%add3A, %dma_wait3A_99, %dma_wait3A_100] : memref<32x160x128xi32, #tpu.memory_space<hbm>> -> memref<1x8x128xi32, #tpu.memory_space<hbm>>
    %dma_wait3A_102 = tpu.memref_squeeze %dma_wait3A_101 : memref<1x8x128xi32, #tpu.memory_space<hbm>> -> memref<8x128xi32, #tpu.memory_space<hbm>>
    %dma_wait3A_103 = arith.constant 0 : i32
    %dma_wait3A_104 = arith.constant 0 : i32
    %dma_wait3A_105 = tpu.memref_slice %arg8[%dma_wait3A_94, %dma_wait3A_103, %dma_wait3A_104] : memref<2x8x128xi32, #tpu.memory_space<vmem>> -> memref<1x8x128xi32, #tpu.memory_space<vmem>>
    %dma_wait3A_106 = tpu.memref_squeeze %dma_wait3A_105 : memref<1x8x128xi32, #tpu.memory_space<vmem>> -> memref<8x128xi32, #tpu.memory_space<vmem>>
    %dma_wait3A_107 = arith.constant 0 : i32
    %dma_wait3A_108 = arith.constant 0 : i32
    %dma_wait3A_109 = tpu.memref_slice %arg4[%add3A, %dma_wait3A_107, %dma_wait3A_108] : memref<32x160x128xi32, #tpu.memory_space<hbm>> -> memref<1x8x128xi32, #tpu.memory_space<hbm>>
    %dma_wait3A_110 = tpu.memref_squeeze %dma_wait3A_109 : memref<1x8x128xi32, #tpu.memory_space<hbm>> -> memref<8x128xi32, #tpu.memory_space<hbm>>
    tpu.wait_dma2 semaphore(%arg17 : memref<!tpu.dma_semaphore, #tpu.memory_space<semaphore_mem>>) src(%dma_wait3A_110 : memref<8x128xi32, #tpu.memory_space<hbm>>) dst(%dma_wait3A_106 : memref<8x128xi32, #tpu.memory_space<vmem>>)
    %dma_wait3A_111 = arith.constant 0 : i32
    %dma_wait3A_112 = arith.constant 0 : i32
    %dma_wait3A_113 = arith.constant 0 : i32
    %dma_wait3A_114 = tpu.memref_slice %arg9[%dma_wait3A_111, %dma_wait3A_112, %dma_wait3A_113] : memref<2x8x128xf32, #tpu.memory_space<vmem>> -> memref<1x8x128xf32, #tpu.memory_space<vmem>>
    %dma_wait3A_115 = tpu.memref_squeeze %dma_wait3A_114 : memref<1x8x128xf32, #tpu.memory_space<vmem>> -> memref<8x128xf32, #tpu.memory_space<vmem>>
    %dma_wait3A_116 = arith.constant 0 : i32
    %dma_wait3A_117 = arith.constant 0 : i32
    %dma_wait3A_118 = tpu.memref_slice %arg5[%add3A, %dma_wait3A_116, %dma_wait3A_117] : memref<32x160x128xf32, #tpu.memory_space<hbm>> -> memref<1x8x128xf32, #tpu.memory_space<hbm>>
    %dma_wait3A_119 = tpu.memref_squeeze %dma_wait3A_118 : memref<1x8x128xf32, #tpu.memory_space<hbm>> -> memref<8x128xf32, #tpu.memory_space<hbm>>
    %dma_wait3A_120 = arith.constant 0 : i32
    %dma_wait3A_121 = arith.constant 0 : i32
    %dma_wait3A_122 = tpu.memref_slice %arg9[%dma_wait3A_111, %dma_wait3A_120, %dma_wait3A_121] : memref<2x8x128xf32, #tpu.memory_space<vmem>> -> memref<1x8x128xf32, #tpu.memory_space<vmem>>
    %dma_wait3A_123 = tpu.memref_squeeze %dma_wait3A_122 : memref<1x8x128xf32, #tpu.memory_space<vmem>> -> memref<8x128xf32, #tpu.memory_space<vmem>>
    %dma_wait3A_124 = arith.constant 0 : i32
    %dma_wait3A_125 = arith.constant 0 : i32
    %dma_wait3A_126 = tpu.memref_slice %arg5[%add3A, %dma_wait3A_124, %dma_wait3A_125] : memref<32x160x128xf32, #tpu.memory_space<hbm>> -> memref<1x8x128xf32, #tpu.memory_space<hbm>>
    %dma_wait3A_127 = tpu.memref_squeeze %dma_wait3A_126 : memref<1x8x128xf32, #tpu.memory_space<hbm>> -> memref<8x128xf32, #tpu.memory_space<hbm>>
    tpu.wait_dma2 semaphore(%arg17 : memref<!tpu.dma_semaphore, #tpu.memory_space<semaphore_mem>>) src(%dma_wait3A_127 : memref<8x128xf32, #tpu.memory_space<hbm>>) dst(%dma_wait3A_123 : memref<8x128xf32, #tpu.memory_space<vmem>>)
    %scan3A_128 = arith.constant 0 : i32
    %scan3A_129 = arith.constant 0 : i32
    %scan3A_130 = arith.constant 20 : i32
    %scan3A_131 = arith.addi %scan3A_129, %scan3A_130 : i32
    %scan3A_132 = arith.constant 1 : i32
    scf.for %scan3A_160 = %scan3A_129 to %scan3A_131 step %scan3A_132  : i32 {
      %and3A = arith.constant 1 : i32
      %and3A_161 = arith.andi %scan3A_160, %and3A : i32
      %lt3A = arith.constant 19 : i32
      %lt3A_162 = arith.cmpi slt, %scan3A_160, %lt3A : i32
      %convert_element_type3A_163 = arith.extui %lt3A_162 : i1 to i32
      %cond3A_164 = arith.constant 0 : i32
      %cond3A_165 = arith.cmpi ne, %convert_element_type3A_163, %cond3A_164 : i32
      scf.if %cond3A_165 {
        %add3A_197 = arith.constant 1 : i32
        %add3A_198 = arith.addi %scan3A_160, %add3A_197 : i32
        %sub3A = arith.constant 1 : i32
        %sub3A_199 = arith.subi %sub3A, %and3A_161 : i32
        %mul3A_200 = arith.constant 8 : i32
        %mul3A_201 = arith.muli %add3A_198, %mul3A_200 : i32
        %dma_start3A_202 = arith.constant 0 : i32
        %dma_start3A_203 = arith.constant 0 : i32
        %dma_start3A_204 = tpu.memref_slice %arg7[%sub3A_199, %dma_start3A_202, %dma_start3A_203] : memref<2x8x128xi32, #tpu.memory_space<vmem>> -> memref<1x8x128xi32, #tpu.memory_space<vmem>>
        %dma_start3A_205 = tpu.memref_squeeze %dma_start3A_204 : memref<1x8x128xi32, #tpu.memory_space<vmem>> -> memref<8x128xi32, #tpu.memory_space<vmem>>
        %dma_start3A_206 = arith.constant 0 : i32
        %dma_start3A_207 = tpu.memref_slice %arg3[%add3A, %mul3A_201, %dma_start3A_206] : memref<32x160x128xi32, #tpu.memory_space<hbm>> -> memref<1x8x128xi32, #tpu.memory_space<hbm>>
        %dma_start3A_208 = tpu.memref_squeeze %dma_start3A_207 : memref<1x8x128xi32, #tpu.memory_space<hbm>> -> memref<8x128xi32, #tpu.memory_space<hbm>>
        %dma_start3A_209 = arith.constant 0 : i32
        %dma_start3A_210 = arith.constant 0 : i32
        %dma_start3A_211 = tpu.memref_slice %arg7[%sub3A_199, %dma_start3A_209, %dma_start3A_210] : memref<2x8x128xi32, #tpu.memory_space<vmem>> -> memref<1x8x128xi32, #tpu.memory_space<vmem>>
        %dma_start3A_212 = tpu.memref_squeeze %dma_start3A_211 : memref<1x8x128xi32, #tpu.memory_space<vmem>> -> memref<8x128xi32, #tpu.memory_space<vmem>>
        %dma_start3A_213 = arith.constant 0 : i32
        %dma_start3A_214 = tpu.memref_slice %arg3[%add3A, %mul3A_201, %dma_start3A_213] : memref<32x160x128xi32, #tpu.memory_space<hbm>> -> memref<1x8x128xi32, #tpu.memory_space<hbm>>
        %dma_start3A_215 = tpu.memref_squeeze %dma_start3A_214 : memref<1x8x128xi32, #tpu.memory_space<hbm>> -> memref<8x128xi32, #tpu.memory_space<hbm>>
        tpu.enqueue_dma source(%dma_start3A_215 : memref<8x128xi32, #tpu.memory_space<hbm>>) target(%dma_start3A_212 : memref<8x128xi32, #tpu.memory_space<vmem>>) target_semaphore(%arg17 : memref<!tpu.dma_semaphore, #tpu.memory_space<semaphore_mem>>)
        %dma_start3A_216 = arith.constant 0 : i32
        %dma_start3A_217 = arith.constant 0 : i32
        %dma_start3A_218 = tpu.memref_slice %arg8[%sub3A_199, %dma_start3A_216, %dma_start3A_217] : memref<2x8x128xi32, #tpu.memory_space<vmem>> -> memref<1x8x128xi32, #tpu.memory_space<vmem>>
        %dma_start3A_219 = tpu.memref_squeeze %dma_start3A_218 : memref<1x8x128xi32, #tpu.memory_space<vmem>> -> memref<8x128xi32, #tpu.memory_space<vmem>>
        %dma_start3A_220 = arith.constant 0 : i32
        %dma_start3A_221 = tpu.memref_slice %arg4[%add3A, %mul3A_201, %dma_start3A_220] : memref<32x160x128xi32, #tpu.memory_space<hbm>> -> memref<1x8x128xi32, #tpu.memory_space<hbm>>
        %dma_start3A_222 = tpu.memref_squeeze %dma_start3A_221 : memref<1x8x128xi32, #tpu.memory_space<hbm>> -> memref<8x128xi32, #tpu.memory_space<hbm>>
        %dma_start3A_223 = arith.constant 0 : i32
        %dma_start3A_224 = arith.constant 0 : i32
        %dma_start3A_225 = tpu.memref_slice %arg8[%sub3A_199, %dma_start3A_223, %dma_start3A_224] : memref<2x8x128xi32, #tpu.memory_space<vmem>> -> memref<1x8x128xi32, #tpu.memory_space<vmem>>
        %dma_start3A_226 = tpu.memref_squeeze %dma_start3A_225 : memref<1x8x128xi32, #tpu.memory_space<vmem>> -> memref<8x128xi32, #tpu.memory_space<vmem>>
        %dma_start3A_227 = arith.constant 0 : i32
        %dma_start3A_228 = tpu.memref_slice %arg4[%add3A, %mul3A_201, %dma_start3A_227] : memref<32x160x128xi32, #tpu.memory_space<hbm>> -> memref<1x8x128xi32, #tpu.memory_space<hbm>>
        %dma_start3A_229 = tpu.memref_squeeze %dma_start3A_228 : memref<1x8x128xi32, #tpu.memory_space<hbm>> -> memref<8x128xi32, #tpu.memory_space<hbm>>
        tpu.enqueue_dma source(%dma_start3A_229 : memref<8x128xi32, #tpu.memory_space<hbm>>) target(%dma_start3A_226 : memref<8x128xi32, #tpu.memory_space<vmem>>) target_semaphore(%arg17 : memref<!tpu.dma_semaphore, #tpu.memory_space<semaphore_mem>>)
        %dma_start3A_230 = arith.constant 0 : i32
        %dma_start3A_231 = arith.constant 0 : i32
        %dma_start3A_232 = tpu.memref_slice %arg9[%sub3A_199, %dma_start3A_230, %dma_start3A_231] : memref<2x8x128xf32, #tpu.memory_space<vmem>> -> memref<1x8x128xf32, #tpu.memory_space<vmem>>
        %dma_start3A_233 = tpu.memref_squeeze %dma_start3A_232 : memref<1x8x128xf32, #tpu.memory_space<vmem>> -> memref<8x128xf32, #tpu.memory_space<vmem>>
        %dma_start3A_234 = arith.constant 0 : i32
        %dma_start3A_235 = tpu.memref_slice %arg5[%add3A, %mul3A_201, %dma_start3A_234] : memref<32x160x128xf32, #tpu.memory_space<hbm>> -> memref<1x8x128xf32, #tpu.memory_space<hbm>>
        %dma_start3A_236 = tpu.memref_squeeze %dma_start3A_235 : memref<1x8x128xf32, #tpu.memory_space<hbm>> -> memref<8x128xf32, #tpu.memory_space<hbm>>
        %dma_start3A_237 = arith.constant 0 : i32
        %dma_start3A_238 = arith.constant 0 : i32
        %dma_start3A_239 = tpu.memref_slice %arg9[%sub3A_199, %dma_start3A_237, %dma_start3A_238] : memref<2x8x128xf32, #tpu.memory_space<vmem>> -> memref<1x8x128xf32, #tpu.memory_space<vmem>>
        %dma_start3A_240 = tpu.memref_squeeze %dma_start3A_239 : memref<1x8x128xf32, #tpu.memory_space<vmem>> -> memref<8x128xf32, #tpu.memory_space<vmem>>
        %dma_start3A_241 = arith.constant 0 : i32
        %dma_start3A_242 = tpu.memref_slice %arg5[%add3A, %mul3A_201, %dma_start3A_241] : memref<32x160x128xf32, #tpu.memory_space<hbm>> -> memref<1x8x128xf32, #tpu.memory_space<hbm>>
        %dma_start3A_243 = tpu.memref_squeeze %dma_start3A_242 : memref<1x8x128xf32, #tpu.memory_space<hbm>> -> memref<8x128xf32, #tpu.memory_space<hbm>>
        tpu.enqueue_dma source(%dma_start3A_243 : memref<8x128xf32, #tpu.memory_space<hbm>>) target(%dma_start3A_240 : memref<8x128xf32, #tpu.memory_space<vmem>>) target_semaphore(%arg17 : memref<!tpu.dma_semaphore, #tpu.memory_space<semaphore_mem>>)
      } else {
      }
      %dma_start3A_166 = arith.constant 0 : i32
      %dma_start3A_167 = arith.constant 0 : i32
      %dma_start3A_168 = arith.constant 0 : i32
      %dma_start3A_169 = tpu.memref_slice %arg10[%dma_start3A_167, %dma_start3A_168] : memref<128x128xf32, #tpu.memory_space<vmem>> -> memref<64x128xf32, #tpu.memory_space<vmem>>
      %dma_start3A_170 = arith.constant 0 : i32
      %dma_start3A_171 = tpu.memref_slice %arg7[%and3A_161, %dma_start3A_166, %dma_start3A_170] : memref<2x8x128xi32, #tpu.memory_space<vmem>> -> memref<1x1x64xi32, #tpu.memory_space<vmem>>
      %dma_start3A_172 = tpu.memref_squeeze %dma_start3A_171 : memref<1x1x64xi32, #tpu.memory_space<vmem>> -> memref<64xi32, #tpu.memory_space<vmem>>
      %dma_start3A_173 = arith.constant 0 : i32
      %dma_start3A_174 = arith.constant 0 : i32
      %dma_start3A_175 = tpu.memref_slice %arg2[%dma_start3A_173, %dma_start3A_174] : memref<20000x128xf32, #tpu.memory_space<hbm>> -> memref<20000x128xf32, #tpu.memory_space<hbm>>
      tpu.enqueue_indirect_dma source(%dma_start3A_175 : memref<20000x128xf32, #tpu.memory_space<hbm>>) target(%dma_start3A_169 : memref<64x128xf32, #tpu.memory_space<vmem>>) offsets(%dma_start3A_172 : memref<64xi32, #tpu.memory_space<vmem>>) semaphore(%arg13 : memref<!tpu.dma_semaphore, #tpu.memory_space<semaphore_mem>>)
      %dma_start3A_176 = arith.constant 0 : i32
      %dma_start3A_177 = arith.constant 64 : i32
      %dma_start3A_178 = arith.constant 0 : i32
      %dma_start3A_179 = tpu.memref_slice %arg10[%dma_start3A_177, %dma_start3A_178] : memref<128x128xf32, #tpu.memory_space<vmem>> -> memref<64x128xf32, #tpu.memory_space<vmem>>
      %dma_start3A_180 = arith.constant 64 : i32
      %dma_start3A_181 = tpu.memref_slice %arg7[%and3A_161, %dma_start3A_176, %dma_start3A_180] : memref<2x8x128xi32, #tpu.memory_space<vmem>> -> memref<1x1x64xi32, #tpu.memory_space<vmem>>
      %dma_start3A_182 = tpu.memref_squeeze %dma_start3A_181 : memref<1x1x64xi32, #tpu.memory_space<vmem>> -> memref<64xi32, #tpu.memory_space<vmem>>
      %dma_start3A_183 = arith.constant 0 : i32
      %dma_start3A_184 = arith.constant 0 : i32
      %dma_start3A_185 = tpu.memref_slice %arg2[%dma_start3A_183, %dma_start3A_184] : memref<20000x128xf32, #tpu.memory_space<hbm>> -> memref<20000x128xf32, #tpu.memory_space<hbm>>
      tpu.enqueue_indirect_dma source(%dma_start3A_185 : memref<20000x128xf32, #tpu.memory_space<hbm>>) target(%dma_start3A_179 : memref<64x128xf32, #tpu.memory_space<vmem>>) offsets(%dma_start3A_182 : memref<64xi32, #tpu.memory_space<vmem>>) semaphore(%arg14 : memref<!tpu.dma_semaphore, #tpu.memory_space<semaphore_mem>>)
      %scan3A_186 = arith.constant 0 : i32
      %scan3A_187 = arith.constant 0 : i32
      %scan3A_188 = arith.constant 4 : i32
      %scan3A_189 = arith.addi %scan3A_187, %scan3A_188 : i32
      %scan3A_190 = arith.constant 1 : i32
      scf.for %scan3A_197 = %scan3A_187 to %scan3A_189 step %scan3A_190  : i32 {
        %mul3A_198 = arith.constant 2 : i32
        %mul3A_199 = arith.muli %mul3A_198, %scan3A_197 : i32
        %add3A_200 = arith.constant 1 : i32
        %add3A_201 = arith.addi %mul3A_199, %add3A_200 : i32
        %dma_wait3A_202 = arith.constant 0 : i32
        %dma_wait3A_203 = arith.constant 0 : i32
        %dma_wait3A_204 = tpu.memref_slice %arg10[%dma_wait3A_202, %dma_wait3A_203] : memref<128x128xf32, #tpu.memory_space<vmem>> -> memref<64x128xf32, #tpu.memory_space<vmem>>
        %dma_wait3A_205 = arith.constant 0 : i32
        %dma_wait3A_206 = tpu.memref_slice %arg7[%and3A_161, %mul3A_199, %dma_wait3A_205] : memref<2x8x128xi32, #tpu.memory_space<vmem>> -> memref<1x1x64xi32, #tpu.memory_space<vmem>>
        %dma_wait3A_207 = tpu.memref_squeeze %dma_wait3A_206 : memref<1x1x64xi32, #tpu.memory_space<vmem>> -> memref<64xi32, #tpu.memory_space<vmem>>
        %dma_wait3A_208 = arith.constant 0 : i32
        %dma_wait3A_209 = arith.constant 0 : i32
        %dma_wait3A_210 = tpu.memref_slice %arg2[%dma_wait3A_208, %dma_wait3A_209] : memref<20000x128xf32, #tpu.memory_space<hbm>> -> memref<20000x128xf32, #tpu.memory_space<hbm>>
        tpu.wait_indirect_dma semaphore(%arg13 : memref<!tpu.dma_semaphore, #tpu.memory_space<semaphore_mem>>) src(%dma_wait3A_210 : memref<20000x128xf32, #tpu.memory_space<hbm>>) dst(%dma_wait3A_204 : memref<64x128xf32, #tpu.memory_space<vmem>>)
        %dma_wait3A_211 = arith.constant 64 : i32
        %dma_wait3A_212 = arith.constant 0 : i32
        %dma_wait3A_213 = tpu.memref_slice %arg10[%dma_wait3A_211, %dma_wait3A_212] : memref<128x128xf32, #tpu.memory_space<vmem>> -> memref<64x128xf32, #tpu.memory_space<vmem>>
        %dma_wait3A_214 = arith.constant 64 : i32
        %dma_wait3A_215 = tpu.memref_slice %arg7[%and3A_161, %mul3A_199, %dma_wait3A_214] : memref<2x8x128xi32, #tpu.memory_space<vmem>> -> memref<1x1x64xi32, #tpu.memory_space<vmem>>
        %dma_wait3A_216 = tpu.memref_squeeze %dma_wait3A_215 : memref<1x1x64xi32, #tpu.memory_space<vmem>> -> memref<64xi32, #tpu.memory_space<vmem>>
        %dma_wait3A_217 = arith.constant 0 : i32
        %dma_wait3A_218 = arith.constant 0 : i32
        %dma_wait3A_219 = tpu.memref_slice %arg2[%dma_wait3A_217, %dma_wait3A_218] : memref<20000x128xf32, #tpu.memory_space<hbm>> -> memref<20000x128xf32, #tpu.memory_space<hbm>>
        tpu.wait_indirect_dma semaphore(%arg14 : memref<!tpu.dma_semaphore, #tpu.memory_space<semaphore_mem>>) src(%dma_wait3A_219 : memref<20000x128xf32, #tpu.memory_space<hbm>>) dst(%dma_wait3A_213 : memref<64x128xf32, #tpu.memory_space<vmem>>)
        %dma_start3A_220 = arith.constant 0 : i32
        %dma_start3A_221 = arith.constant 0 : i32
        %dma_start3A_222 = tpu.memref_slice %arg11[%dma_start3A_220, %dma_start3A_221] : memref<128x128xf32, #tpu.memory_space<vmem>> -> memref<64x128xf32, #tpu.memory_space<vmem>>
        %dma_start3A_223 = arith.constant 0 : i32
        %dma_start3A_224 = tpu.memref_slice %arg7[%and3A_161, %add3A_201, %dma_start3A_223] : memref<2x8x128xi32, #tpu.memory_space<vmem>> -> memref<1x1x64xi32, #tpu.memory_space<vmem>>
        %dma_start3A_225 = tpu.memref_squeeze %dma_start3A_224 : memref<1x1x64xi32, #tpu.memory_space<vmem>> -> memref<64xi32, #tpu.memory_space<vmem>>
        %dma_start3A_226 = arith.constant 0 : i32
        %dma_start3A_227 = arith.constant 0 : i32
        %dma_start3A_228 = tpu.memref_slice %arg2[%dma_start3A_226, %dma_start3A_227] : memref<20000x128xf32, #tpu.memory_space<hbm>> -> memref<20000x128xf32, #tpu.memory_space<hbm>>
        tpu.enqueue_indirect_dma source(%dma_start3A_228 : memref<20000x128xf32, #tpu.memory_space<hbm>>) target(%dma_start3A_222 : memref<64x128xf32, #tpu.memory_space<vmem>>) offsets(%dma_start3A_225 : memref<64xi32, #tpu.memory_space<vmem>>) semaphore(%arg15 : memref<!tpu.dma_semaphore, #tpu.memory_space<semaphore_mem>>)
        %dma_start3A_229 = arith.constant 64 : i32
        %dma_start3A_230 = arith.constant 0 : i32
        %dma_start3A_231 = tpu.memref_slice %arg11[%dma_start3A_229, %dma_start3A_230] : memref<128x128xf32, #tpu.memory_space<vmem>> -> memref<64x128xf32, #tpu.memory_space<vmem>>
        %dma_start3A_232 = arith.constant 64 : i32
        %dma_start3A_233 = tpu.memref_slice %arg7[%and3A_161, %add3A_201, %dma_start3A_232] : memref<2x8x128xi32, #tpu.memory_space<vmem>> -> memref<1x1x64xi32, #tpu.memory_space<vmem>>
        %dma_start3A_234 = tpu.memref_squeeze %dma_start3A_233 : memref<1x1x64xi32, #tpu.memory_space<vmem>> -> memref<64xi32, #tpu.memory_space<vmem>>
        %dma_start3A_235 = arith.constant 0 : i32
        %dma_start3A_236 = arith.constant 0 : i32
        %dma_start3A_237 = tpu.memref_slice %arg2[%dma_start3A_235, %dma_start3A_236] : memref<20000x128xf32, #tpu.memory_space<hbm>> -> memref<20000x128xf32, #tpu.memory_space<hbm>>
        tpu.enqueue_indirect_dma source(%dma_start3A_237 : memref<20000x128xf32, #tpu.memory_space<hbm>>) target(%dma_start3A_231 : memref<64x128xf32, #tpu.memory_space<vmem>>) offsets(%dma_start3A_234 : memref<64xi32, #tpu.memory_space<vmem>>) semaphore(%arg16 : memref<!tpu.dma_semaphore, #tpu.memory_space<semaphore_mem>>)
        %scan3A_238 = arith.constant 0 : i32
        %scan3A_239 = arith.constant 0 : i32
        %scan3A_240 = arith.constant 8 : i32
        %scan3A_241 = arith.addi %scan3A_239, %scan3A_240 : i32
        %scan3A_242 = arith.constant 1 : i32
        scf.for %scan3A_273 = %scan3A_239 to %scan3A_241 step %scan3A_242  : i32 {
          %mul3A_274 = arith.constant 16 : i32
          %mul3A_275 = arith.muli %scan3A_273, %mul3A_274 : i32
          %get3A = arith.index_cast %and3A_161 : i32 to index
          %get3A_276 = arith.index_cast %mul3A_199 : i32 to index
          %get3A_277 = arith.index_cast %mul3A_275 : i32 to index
          %get3A_278 = tpu.vector_load %arg9[%get3A, %get3A_276, %get3A_277] {strides = array<i32>} : memref<2x8x128xf32, #tpu.memory_space<vmem>>, vector<1x1x16xf32>,
          %get3A_279 = vector.shape_cast %get3A_278 : vector<1x1x16xf32> to vector<16xf32>
          %broadcast_in_dim3A = arith.constant 0 : i32
          %broadcast_in_dim3A_280 = vector.broadcast %broadcast_in_dim3A : i32 to vector<16x1xi32>
          %gather3A = vector.shape_cast %broadcast_in_dim3A_280 : vector<16x1xi32> to vector<16xi32>
          %gather3A_281 = tpu.dynamic_gather %get3A_279[%gather3A] in [0] : vector<16xf32>, vector<16xi32> -> vector<16xf32>
          %mul3A_282 = arith.constant 16 : i32
          %mul3A_283 = arith.muli %scan3A_273, %mul3A_282 : i32
          %add3A_284 = arith.constant 0 : i32
          %add3A_285 = arith.addi %mul3A_283, %add3A_284 : i32
          %get3A_286 = arith.index_cast %add3A_285 : i32 to index
          %get3A_287 = arith.constant 0 : index
          %get3A_288 = tpu.vector_load %arg10[%get3A_286, %get3A_287] {strides = array<i32>} : memref<128x128xf32, #tpu.memory_space<vmem>>, vector<1x16xf32>,
          %get3A_289 = vector.shape_cast %get3A_288 : vector<1x16xf32> to vector<16xf32>
          %mul3A_290 = arith.mulf %get3A_289, %gather3A_281 : vector<16xf32>
          %swap3A = arith.index_cast %add3A_285 : i32 to index
          %swap3A_291 = arith.constant 0 : index
          %swap3A_292 = tpu.vector_load %arg10[%swap3A, %swap3A_291] {strides = array<i32>} : memref<128x128xf32, #tpu.memory_space<vmem>>, vector<1x16xf32>,
          %swap3A_293 = vector.shape_cast %swap3A_292 : vector<1x16xf32> to vector<16xf32>
          %swap3A_294 = vector.shape_cast %mul3A_290 : vector<16xf32> to vector<1x16xf32>
          tpu.vector_store %arg10[%swap3A, %swap3A_291], %swap3A_294 {strides = array<i32>} : memref<128x128xf32, #tpu.memory_space<vmem>>, vector<1x16xf32>,
          %get3A_295 = arith.index_cast %add3A_285 : i32 to index
          %get3A_296 = arith.constant 16 : index
          %get3A_297 = tpu.vector_load %arg10[%get3A_295, %get3A_296] {strides = array<i32>} : memref<128x128xf32, #tpu.memory_space<vmem>>, vector<1x16xf32>,
          %get3A_298 = vector.shape_cast %get3A_297 : vector<1x16xf32> to vector<16xf32>
          %mul3A_299 = arith.mulf %get3A_298, %gather3A_281 : vector<16xf32>
          %swap3A_300 = arith.index_cast %add3A_285 : i32 to index
          %swap3A_301 = arith.constant 16 : index
          %swap3A_302 = tpu.vector_load %arg10[%swap3A_300, %swap3A_301] {strides = array<i32>} : memref<128x128xf32, #tpu.memory_space<vmem>>, vector<1x16xf32>,
          %swap3A_303 = vector.shape_cast %swap3A_302 : vector<1x16xf32> to vector<16xf32>
          %swap3A_304 = vector.shape_cast %mul3A_299 : vector<16xf32> to vector<1x16xf32>
          tpu.vector_store %arg10[%swap3A_300, %swap3A_301], %swap3A_304 {strides = array<i32>} : memref<128x128xf32, #tpu.memory_space<vmem>>, vector<1x16xf32>,
          %get3A_305 = arith.index_cast %add3A_285 : i32 to index
          %get3A_306 = arith.constant 32 : index
          %get3A_307 = tpu.vector_load %arg10[%get3A_305, %get3A_306] {strides = array<i32>} : memref<128x128xf32, #tpu.memory_space<vmem>>, vector<1x16xf32>,
          %get3A_308 = vector.shape_cast %get3A_307 : vector<1x16xf32> to vector<16xf32>
          %mul3A_309 = arith.mulf %get3A_308, %gather3A_281 : vector<16xf32>
          %swap3A_310 = arith.index_cast %add3A_285 : i32 to index
          %swap3A_311 = arith.constant 32 : index
          %swap3A_312 = tpu.vector_load %arg10[%swap3A_310, %swap3A_311] {strides = array<i32>} : memref<128x128xf32, #tpu.memory_space<vmem>>, vector<1x16xf32>,
          %swap3A_313 = vector.shape_cast %swap3A_312 : vector<1x16xf32> to vector<16xf32>
          %swap3A_314 = vector.shape_cast %mul3A_309 : vector<16xf32> to vector<1x16xf32>
          tpu.vector_store %arg10[%swap3A_310, %swap3A_311], %swap3A_314 {strides = array<i32>} : memref<128x128xf32, #tpu.memory_space<vmem>>, vector<1x16xf32>,
          %get3A_315 = arith.index_cast %add3A_285 : i32 to index
          %get3A_316 = arith.constant 48 : index
          %get3A_317 = tpu.vector_load %arg10[%get3A_315, %get3A_316] {strides = array<i32>} : memref<128x128xf32, #tpu.memory_space<vmem>>, vector<1x16xf32>,
          %get3A_318 = vector.shape_cast %get3A_317 : vector<1x16xf32> to vector<16xf32>
          %mul3A_319 = arith.mulf %get3A_318, %gather3A_281 : vector<16xf32>
          %swap3A_320 = arith.index_cast %add3A_285 : i32 to index
          %swap3A_321 = arith.constant 48 : index
          %swap3A_322 = tpu.vector_load %arg10[%swap3A_320, %swap3A_321] {strides = array<i32>} : memref<128x128xf32, #tpu.memory_space<vmem>>, vector<1x16xf32>,
          %swap3A_323 = vector.shape_cast %swap3A_322 : vector<1x16xf32> to vector<16xf32>
          %swap3A_324 = vector.shape_cast %mul3A_319 : vector<16xf32> to vector<1x16xf32>
          tpu.vector_store %arg10[%swap3A_320, %swap3A_321], %swap3A_324 {strides = array<i32>} : memref<128x128xf32, #tpu.memory_space<vmem>>, vector<1x16xf32>,
          %get3A_325 = arith.index_cast %add3A_285 : i32 to index
          %get3A_326 = arith.constant 64 : index
          %get3A_327 = tpu.vector_load %arg10[%get3A_325, %get3A_326] {strides = array<i32>} : memref<128x128xf32, #tpu.memory_space<vmem>>, vector<1x16xf32>,
          %get3A_328 = vector.shape_cast %get3A_327 : vector<1x16xf32> to vector<16xf32>
          %mul3A_329 = arith.mulf %get3A_328, %gather3A_281 : vector<16xf32>
          %swap3A_330 = arith.index_cast %add3A_285 : i32 to index
          %swap3A_331 = arith.constant 64 : index
          %swap3A_332 = tpu.vector_load %arg10[%swap3A_330, %swap3A_331] {strides = array<i32>} : memref<128x128xf32, #tpu.memory_space<vmem>>, vector<1x16xf32>,
          %swap3A_333 = vector.shape_cast %swap3A_332 : vector<1x16xf32> to vector<16xf32>
          %swap3A_334 = vector.shape_cast %mul3A_329 : vector<16xf32> to vector<1x16xf32>
          tpu.vector_store %arg10[%swap3A_330, %swap3A_331], %swap3A_334 {strides = array<i32>} : memref<128x128xf32, #tpu.memory_space<vmem>>, vector<1x16xf32>,
          %get3A_335 = arith.index_cast %add3A_285 : i32 to index
          %get3A_336 = arith.constant 80 : index
          %get3A_337 = tpu.vector_load %arg10[%get3A_335, %get3A_336] {strides = array<i32>} : memref<128x128xf32, #tpu.memory_space<vmem>>, vector<1x16xf32>,
          %get3A_338 = vector.shape_cast %get3A_337 : vector<1x16xf32> to vector<16xf32>
          %mul3A_339 = arith.mulf %get3A_338, %gather3A_281 : vector<16xf32>
          %swap3A_340 = arith.index_cast %add3A_285 : i32 to index
          %swap3A_341 = arith.constant 80 : index
          %swap3A_342 = tpu.vector_load %arg10[%swap3A_340, %swap3A_341] {strides = array<i32>} : memref<128x128xf32, #tpu.memory_space<vmem>>, vector<1x16xf32>,
          %swap3A_343 = vector.shape_cast %swap3A_342 : vector<1x16xf32> to vector<16xf32>
          %swap3A_344 = vector.shape_cast %mul3A_339 : vector<16xf32> to vector<1x16xf32>
          tpu.vector_store %arg10[%swap3A_340, %swap3A_341], %swap3A_344 {strides = array<i32>} : memref<128x128xf32, #tpu.memory_space<vmem>>, vector<1x16xf32>,
          %get3A_345 = arith.index_cast %add3A_285 : i32 to index
          %get3A_346 = arith.constant 96 : index
          %get3A_347 = tpu.vector_load %arg10[%get3A_345, %get3A_346] {strides = array<i32>} : memref<128x128xf32, #tpu.memory_space<vmem>>, vector<1x16xf32>,
          %get3A_348 = vector.shape_cast %get3A_347 : vector<1x16xf32> to vector<16xf32>
          %mul3A_349 = arith.mulf %get3A_348, %gather3A_281 : vector<16xf32>
          %swap3A_350 = arith.index_cast %add3A_285 : i32 to index
          %swap3A_351 = arith.constant 96 : index
          %swap3A_352 = tpu.vector_load %arg10[%swap3A_350, %swap3A_351] {strides = array<i32>} : memref<128x128xf32, #tpu.memory_space<vmem>>, vector<1x16xf32>,
          %swap3A_353 = vector.shape_cast %swap3A_352 : vector<1x16xf32> to vector<16xf32>
          %swap3A_354 = vector.shape_cast %mul3A_349 : vector<16xf32> to vector<1x16xf32>
          tpu.vector_store %arg10[%swap3A_350, %swap3A_351], %swap3A_354 {strides = array<i32>} : memref<128x128xf32, #tpu.memory_space<vmem>>, vector<1x16xf32>,
          %get3A_355 = arith.index_cast %add3A_285 : i32 to index
          %get3A_356 = arith.constant 112 : index
          %get3A_357 = tpu.vector_load %arg10[%get3A_355, %get3A_356] {strides = array<i32>} : memref<128x128xf32, #tpu.memory_space<vmem>>, vector<1x16xf32>,
          %get3A_358 = vector.shape_cast %get3A_357 : vector<1x16xf32> to vector<16xf32>
          %mul3A_359 = arith.mulf %get3A_358, %gather3A_281 : vector<16xf32>
          %swap3A_360 = arith.index_cast %add3A_285 : i32 to index
          %swap3A_361 = arith.constant 112 : index
          %swap3A_362 = tpu.vector_load %arg10[%swap3A_360, %swap3A_361] {strides = array<i32>} : memref<128x128xf32, #tpu.memory_space<vmem>>, vector<1x16xf32>,
          %swap3A_363 = vector.shape_cast %swap3A_362 : vector<1x16xf32> to vector<16xf32>
          %swap3A_364 = vector.shape_cast %mul3A_359 : vector<16xf32> to vector<1x16xf32>
          tpu.vector_store %arg10[%swap3A_360, %swap3A_361], %swap3A_364 {strides = array<i32>} : memref<128x128xf32, #tpu.memory_space<vmem>>, vector<1x16xf32>,
          %broadcast_in_dim3A_365 = arith.constant 1 : i32
          %broadcast_in_dim3A_366 = vector.broadcast %broadcast_in_dim3A_365 : i32 to vector<16x1xi32>
          %gather3A_367 = vector.shape_cast %broadcast_in_dim3A_366 : vector<16x1xi32> to vector<16xi32>
          %gather3A_368 = tpu.dynamic_gather %get3A_279[%gather3A_367] in [0] : vector<16xf32>, vector<16xi32> -> vector<16xf32>
          %mul3A_369 = arith.constant 16 : i32
          %mul3A_370 = arith.muli %scan3A_273, %mul3A_369 : i32
          %add3A_371 = arith.constant 1 : i32
          %add3A_372 = arith.addi %mul3A_370, %add3A_371 : i32
          %get3A_373 = arith.index_cast %add3A_372 : i32 to index
          %get3A_374 = arith.constant 0 : index
          %get3A_375 = tpu.vector_load %arg10[%get3A_373, %get3A_374] {strides = array<i32>} : memref<128x128xf32, #tpu.memory_space<vmem>>, vector<1x16xf32>,
          %get3A_376 = vector.shape_cast %get3A_375 : vector<1x16xf32> to vector<16xf32>
          %mul3A_377 = arith.mulf %get3A_376, %gather3A_368 : vector<16xf32>
          %swap3A_378 = arith.index_cast %add3A_372 : i32 to index
          %swap3A_379 = arith.constant 0 : index
          %swap3A_380 = tpu.vector_load %arg10[%swap3A_378, %swap3A_379] {strides = array<i32>} : memref<128x128xf32, #tpu.memory_space<vmem>>, vector<1x16xf32>,
          %swap3A_381 = vector.shape_cast %swap3A_380 : vector<1x16xf32> to vector<16xf32>
          %swap3A_382 = vector.shape_cast %mul3A_377 : vector<16xf32> to vector<1x16xf32>
          tpu.vector_store %arg10[%swap3A_378, %swap3A_379], %swap3A_382 {strides = array<i32>} : memref<128x128xf32, #tpu.memory_space<vmem>>, vector<1x16xf32>,
          %get3A_383 = arith.index_cast %add3A_372 : i32 to index
          %get3A_384 = arith.constant 16 : index
          %get3A_385 = tpu.vector_load %arg10[%get3A_383, %get3A_384] {strides = array<i32>} : memref<128x128xf32, #tpu.memory_space<vmem>>, vector<1x16xf32>,
          %get3A_386 = vector.shape_cast %get3A_385 : vector<1x16xf32> to vector<16xf32>
          %mul3A_387 = arith.mulf %get3A_386, %gather3A_368 : vector<16xf32>
          %swap3A_388 = arith.index_cast %add3A_372 : i32 to index
          %swap3A_389 = arith.constant 16 : index
          %swap3A_390 = tpu.vector_load %arg10[%swap3A_388, %swap3A_389] {strides = array<i32>} : memref<128x128xf32, #tpu.memory_space<vmem>>, vector<1x16xf32>,
          %swap3A_391 = vector.shape_cast %swap3A_390 : vector<1x16xf32> to vector<16xf32>
          %swap3A_392 = vector.shape_cast %mul3A_387 : vector<16xf32> to vector<1x16xf32>
          tpu.vector_store %arg10[%swap3A_388, %swap3A_389], %swap3A_392 {strides = array<i32>} : memref<128x128xf32, #tpu.memory_space<vmem>>, vector<1x16xf32>,
          %get3A_393 = arith.index_cast %add3A_372 : i32 to index
          %get3A_394 = arith.constant 32 : index
          %get3A_395 = tpu.vector_load %arg10[%get3A_393, %get3A_394] {strides = array<i32>} : memref<128x128xf32, #tpu.memory_space<vmem>>, vector<1x16xf32>,
          %get3A_396 = vector.shape_cast %get3A_395 : vector<1x16xf32> to vector<16xf32>
          %mul3A_397 = arith.mulf %get3A_396, %gather3A_368 : vector<16xf32>
          %swap3A_398 = arith.index_cast %add3A_372 : i32 to index
          %swap3A_399 = arith.constant 32 : index
          %swap3A_400 = tpu.vector_load %arg10[%swap3A_398, %swap3A_399] {strides = array<i32>} : memref<128x128xf32, #tpu.memory_space<vmem>>, vector<1x16xf32>,
          %swap3A_401 = vector.shape_cast %swap3A_400 : vector<1x16xf32> to vector<16xf32>
          %swap3A_402 = vector.shape_cast %mul3A_397 : vector<16xf32> to vector<1x16xf32>
          tpu.vector_store %arg10[%swap3A_398, %swap3A_399], %swap3A_402 {strides = array<i32>} : memref<128x128xf32, #tpu.memory_space<vmem>>, vector<1x16xf32>,
          %get3A_403 = arith.index_cast %add3A_372 : i32 to index
          %get3A_404 = arith.constant 48 : index
          %get3A_405 = tpu.vector_load %arg10[%get3A_403, %get3A_404] {strides = array<i32>} : memref<128x128xf32, #tpu.memory_space<vmem>>, vector<1x16xf32>,
          %get3A_406 = vector.shape_cast %get3A_405 : vector<1x16xf32> to vector<16xf32>
          %mul3A_407 = arith.mulf %get3A_406, %gather3A_368 : vector<16xf32>
          %swap3A_408 = arith.index_cast %add3A_372 : i32 to index
          %swap3A_409 = arith.constant 48 : index
          %swap3A_410 = tpu.vector_load %arg10[%swap3A_408, %swap3A_409] {strides = array<i32>} : memref<128x128xf32, #tpu.memory_space<vmem>>, vector<1x16xf32>,
          %swap3A_411 = vector.shape_cast %swap3A_410 : vector<1x16xf32> to vector<16xf32>
          %swap3A_412 = vector.shape_cast %mul3A_407 : vector<16xf32> to vector<1x16xf32>
          tpu.vector_store %arg10[%swap3A_408, %swap3A_409], %swap3A_412 {strides = array<i32>} : memref<128x128xf32, #tpu.memory_space<vmem>>, vector<1x16xf32>,
          %get3A_413 = arith.index_cast %add3A_372 : i32 to index
          %get3A_414 = arith.constant 64 : index
          %get3A_415 = tpu.vector_load %arg10[%get3A_413, %get3A_414] {strides = array<i32>} : memref<128x128xf32, #tpu.memory_space<vmem>>, vector<1x16xf32>,
          %get3A_416 = vector.shape_cast %get3A_415 : vector<1x16xf32> to vector<16xf32>
          %mul3A_417 = arith.mulf %get3A_416, %gather3A_368 : vector<16xf32>
          %swap3A_418 = arith.index_cast %add3A_372 : i32 to index
          %swap3A_419 = arith.constant 64 : index
          %swap3A_420 = tpu.vector_load %arg10[%swap3A_418, %swap3A_419] {strides = array<i32>} : memref<128x128xf32, #tpu.memory_space<vmem>>, vector<1x16xf32>,
          %swap3A_421 = vector.shape_cast %swap3A_420 : vector<1x16xf32> to vector<16xf32>
          %swap3A_422 = vector.shape_cast %mul3A_417 : vector<16xf32> to vector<1x16xf32>
          tpu.vector_store %arg10[%swap3A_418, %swap3A_419], %swap3A_422 {strides = array<i32>} : memref<128x128xf32, #tpu.memory_space<vmem>>, vector<1x16xf32>,
          %get3A_423 = arith.index_cast %add3A_372 : i32 to index
          %get3A_424 = arith.constant 80 : index
          %get3A_425 = tpu.vector_load %arg10[%get3A_423, %get3A_424] {strides = array<i32>} : memref<128x128xf32, #tpu.memory_space<vmem>>, vector<1x16xf32>,
          %get3A_426 = vector.shape_cast %get3A_425 : vector<1x16xf32> to vector<16xf32>
          %mul3A_427 = arith.mulf %get3A_426, %gather3A_368 : vector<16xf32>
          %swap3A_428 = arith.index_cast %add3A_372 : i32 to index
          %swap3A_429 = arith.constant 80 : index
          %swap3A_430 = tpu.vector_load %arg10[%swap3A_428, %swap3A_429] {strides = array<i32>} : memref<128x128xf32, #tpu.memory_space<vmem>>, vector<1x16xf32>,
          %swap3A_431 = vector.shape_cast %swap3A_430 : vector<1x16xf32> to vector<16xf32>
          %swap3A_432 = vector.shape_cast %mul3A_427 : vector<16xf32> to vector<1x16xf32>
          tpu.vector_store %arg10[%swap3A_428, %swap3A_429], %swap3A_432 {strides = array<i32>} : memref<128x128xf32, #tpu.memory_space<vmem>>, vector<1x16xf32>,
          %get3A_433 = arith.index_cast %add3A_372 : i32 to index
          %get3A_434 = arith.constant 96 : index
          %get3A_435 = tpu.vector_load %arg10[%get3A_433, %get3A_434] {strides = array<i32>} : memref<128x128xf32, #tpu.memory_space<vmem>>, vector<1x16xf32>,
          %get3A_436 = vector.shape_cast %get3A_435 : vector<1x16xf32> to vector<16xf32>
          %mul3A_437 = arith.mulf %get3A_436, %gather3A_368 : vector<16xf32>
          %swap3A_438 = arith.index_cast %add3A_372 : i32 to index
          %swap3A_439 = arith.constant 96 : index
          %swap3A_440 = tpu.vector_load %arg10[%swap3A_438, %swap3A_439] {strides = array<i32>} : memref<128x128xf32, #tpu.memory_space<vmem>>, vector<1x16xf32>,
          %swap3A_441 = vector.shape_cast %swap3A_440 : vector<1x16xf32> to vector<16xf32>
          %swap3A_442 = vector.shape_cast %mul3A_437 : vector<16xf32> to vector<1x16xf32>
          tpu.vector_store %arg10[%swap3A_438, %swap3A_439], %swap3A_442 {strides = array<i32>} : memref<128x128xf32, #tpu.memory_space<vmem>>, vector<1x16xf32>,
          %get3A_443 = arith.index_cast %add3A_372 : i32 to index
          %get3A_444 = arith.constant 112 : index
          %get3A_445 = tpu.vector_load %arg10[%get3A_443, %get3A_444] {strides = array<i32>} : memref<128x128xf32, #tpu.memory_space<vmem>>, vector<1x16xf32>,
          %get3A_446 = vector.shape_cast %get3A_445 : vector<1x16xf32> to vector<16xf32>
          %mul3A_447 = arith.mulf %get3A_446, %gather3A_368 : vector<16xf32>
          %swap3A_448 = arith.index_cast %add3A_372 : i32 to index
          %swap3A_449 = arith.constant 112 : index
          %swap3A_450 = tpu.vector_load %arg10[%swap3A_448, %swap3A_449] {strides = array<i32>} : memref<128x128xf32, #tpu.memory_space<vmem>>, vector<1x16xf32>,
          %swap3A_451 = vector.shape_cast %swap3A_450 : vector<1x16xf32> to vector<16xf32>
          %swap3A_452 = vector.shape_cast %mul3A_447 : vector<16xf32> to vector<1x16xf32>
          tpu.vector_store %arg10[%swap3A_448, %swap3A_449], %swap3A_452 {strides = array<i32>} : memref<128x128xf32, #tpu.memory_space<vmem>>, vector<1x16xf32>,
          %broadcast_in_dim3A_453 = arith.constant 2 : i32
          %broadcast_in_dim3A_454 = vector.broadcast %broadcast_in_dim3A_453 : i32 to vector<16x1xi32>
          %gather3A_455 = vector.shape_cast %broadcast_in_dim3A_454 : vector<16x1xi32> to vector<16xi32>
          %gather3A_456 = tpu.dynamic_gather %get3A_279[%gather3A_455] in [0] : vector<16xf32>, vector<16xi32> -> vector<16xf32>
          %mul3A_457 = arith.constant 16 : i32
          %mul3A_458 = arith.muli %scan3A_273, %mul3A_457 : i32
          %add3A_459 = arith.constant 2 : i32
          %add3A_460 = arith.addi %mul3A_458, %add3A_459 : i32
          %get3A_461 = arith.index_cast %add3A_460 : i32 to index
          %get3A_462 = arith.constant 0 : index
          %get3A_463 = tpu.vector_load %arg10[%get3A_461, %get3A_462] {strides = array<i32>} : memref<128x128xf32, #tpu.memory_space<vmem>>, vector<1x16xf32>,
          %get3A_464 = vector.shape_cast %get3A_463 : vector<1x16xf32> to vector<16xf32>
          %mul3A_465 = arith.mulf %get3A_464, %gather3A_456 : vector<16xf32>
          %swap3A_466 = arith.index_cast %add3A_460 : i32 to index
          %swap3A_467 = arith.constant 0 : index
          %swap3A_468 = tpu.vector_load %arg10[%swap3A_466, %swap3A_467] {strides = array<i32>} : memref<128x128xf32, #tpu.memory_space<vmem>>, vector<1x16xf32>,
          %swap3A_469 = vector.shape_cast %swap3A_468 : vector<1x16xf32> to vector<16xf32>
          %swap3A_470 = vector.shape_cast %mul3A_465 : vector<16xf32> to vector<1x16xf32>
          tpu.vector_store %arg10[%swap3A_466, %swap3A_467], %swap3A_470 {strides = array<i32>} : memref<128x128xf32, #tpu.memory_space<vmem>>, vector<1x16xf32>,
          %get3A_471 = arith.index_cast %add3A_460 : i32 to index
          %get3A_472 = arith.constant 16 : index
          %get3A_473 = tpu.vector_load %arg10[%get3A_471, %get3A_472] {strides = array<i32>} : memref<128x128xf32, #tpu.memory_space<vmem>>, vector<1x16xf32>,
          %get3A_474 = vector.shape_cast %get3A_473 : vector<1x16xf32> to vector<16xf32>
          %mul3A_475 = arith.mulf %get3A_474, %gather3A_456 : vector<16xf32>
          %swap3A_476 = arith.index_cast %add3A_460 : i32 to index
          %swap3A_477 = arith.constant 16 : index
          %swap3A_478 = tpu.vector_load %arg10[%swap3A_476, %swap3A_477] {strides = array<i32>} : memref<128x128xf32, #tpu.memory_space<vmem>>, vector<1x16xf32>,
          %swap3A_479 = vector.shape_cast %swap3A_478 : vector<1x16xf32> to vector<16xf32>
          %swap3A_480 = vector.shape_cast %mul3A_475 : vector<16xf32> to vector<1x16xf32>
          tpu.vector_store %arg10[%swap3A_476, %swap3A_477], %swap3A_480 {strides = array<i32>} : memref<128x128xf32, #tpu.memory_space<vmem>>, vector<1x16xf32>,
          %get3A_481 = arith.index_cast %add3A_460 : i32 to index
          %get3A_482 = arith.constant 32 : index
          %get3A_483 = tpu.vector_load %arg10[%get3A_481, %get3A_482] {strides = array<i32>} : memref<128x128xf32, #tpu.memory_space<vmem>>, vector<1x16xf32>,
          %get3A_484 = vector.shape_cast %get3A_483 : vector<1x16xf32> to vector<16xf32>
          %mul3A_485 = arith.mulf %get3A_484, %gather3A_456 : vector<16xf32>
          %swap3A_486 = arith.index_cast %add3A_460 : i32 to index
          %swap3A_487 = arith.constant 32 : index
          %swap3A_488 = tpu.vector_load %arg10[%swap3A_486, %swap3A_487] {strides = array<i32>} : memref<128x128xf32, #tpu.memory_space<vmem>>, vector<1x16xf32>,
          %swap3A_489 = vector.shape_cast %swap3A_488 : vector<1x16xf32> to vector<16xf32>
          %swap3A_490 = vector.shape_cast %mul3A_485 : vector<16xf32> to vector<1x16xf32>
          tpu.vector_store %arg10[%swap3A_486, %swap3A_487], %swap3A_490 {strides = array<i32>} : memref<128x128xf32, #tpu.memory_space<vmem>>, vector<1x16xf32>,
          %get3A_491 = arith.index_cast %add3A_460 : i32 to index
          %get3A_492 = arith.constant 48 : index
          %get3A_493 = tpu.vector_load %arg10[%get3A_491, %get3A_492] {strides = array<i32>} : memref<128x128xf32, #tpu.memory_space<vmem>>, vector<1x16xf32>,
          %get3A_494 = vector.shape_cast %get3A_493 : vector<1x16xf32> to vector<16xf32>
          %mul3A_495 = arith.mulf %get3A_494, %gather3A_456 : vector<16xf32>
          %swap3A_496 = arith.index_cast %add3A_460 : i32 to index
          %swap3A_497 = arith.constant 48 : index
          %swap3A_498 = tpu.vector_load %arg10[%swap3A_496, %swap3A_497] {strides = array<i32>} : memref<128x128xf32, #tpu.memory_space<vmem>>, vector<1x16xf32>,
          %swap3A_499 = vector.shape_cast %swap3A_498 : vector<1x16xf32> to vector<16xf32>
          %swap3A_500 = vector.shape_cast %mul3A_495 : vector<16xf32> to vector<1x16xf32>
          tpu.vector_store %arg10[%swap3A_496, %swap3A_497], %swap3A_500 {strides = array<i32>} : memref<128x128xf32, #tpu.memory_space<vmem>>, vector<1x16xf32>,
          %get3A_501 = arith.index_cast %add3A_460 : i32 to index
          %get3A_502 = arith.constant 64 : index
          %get3A_503 = tpu.vector_load %arg10[%get3A_501, %get3A_502] {strides = array<i32>} : memref<128x128xf32, #tpu.memory_space<vmem>>, vector<1x16xf32>,
          %get3A_504 = vector.shape_cast %get3A_503 : vector<1x16xf32> to vector<16xf32>
          %mul3A_505 = arith.mulf %get3A_504, %gather3A_456 : vector<16xf32>
          %swap3A_506 = arith.index_cast %add3A_460 : i32 to index
          %swap3A_507 = arith.constant 64 : index
          %swap3A_508 = tpu.vector_load %arg10[%swap3A_506, %swap3A_507] {strides = array<i32>} : memref<128x128xf32, #tpu.memory_space<vmem>>, vector<1x16xf32>,
          %swap3A_509 = vector.shape_cast %swap3A_508 : vector<1x16xf32> to vector<16xf32>
          %swap3A_510 = vector.shape_cast %mul3A_505 : vector<16xf32> to vector<1x16xf32>
          tpu.vector_store %arg10[%swap3A_506, %swap3A_507], %swap3A_510 {strides = array<i32>} : memref<128x128xf32, #tpu.memory_space<vmem>>, vector<1x16xf32>,
          %get3A_511 = arith.index_cast %add3A_460 : i32 to index
          %get3A_512 = arith.constant 80 : index
          %get3A_513 = tpu.vector_load %arg10[%get3A_511, %get3A_512] {strides = array<i32>} : memref<128x128xf32, #tpu.memory_space<vmem>>, vector<1x16xf32>,
          %get3A_514 = vector.shape_cast %get3A_513 : vector<1x16xf32> to vector<16xf32>
          %mul3A_515 = arith.mulf %get3A_514, %gather3A_456 : vector<16xf32>
          %swap3A_516 = arith.index_cast %add3A_460 : i32 to index
          %swap3A_517 = arith.constant 80 : index
          %swap3A_518 = tpu.vector_load %arg10[%swap3A_516, %swap3A_517] {strides = array<i32>} : memref<128x128xf32, #tpu.memory_space<vmem>>, vector<1x16xf32>,
          %swap3A_519 = vector.shape_cast %swap3A_518 : vector<1x16xf32> to vector<16xf32>
          %swap3A_520 = vector.shape_cast %mul3A_515 : vector<16xf32> to vector<1x16xf32>
          tpu.vector_store %arg10[%swap3A_516, %swap3A_517], %swap3A_520 {strides = array<i32>} : memref<128x128xf32, #tpu.memory_space<vmem>>, vector<1x16xf32>,
          %get3A_521 = arith.index_cast %add3A_460 : i32 to index
          %get3A_522 = arith.constant 96 : index
          %get3A_523 = tpu.vector_load %arg10[%get3A_521, %get3A_522] {strides = array<i32>} : memref<128x128xf32, #tpu.memory_space<vmem>>, vector<1x16xf32>,
          %get3A_524 = vector.shape_cast %get3A_523 : vector<1x16xf32> to vector<16xf32>
          %mul3A_525 = arith.mulf %get3A_524, %gather3A_456 : vector<16xf32>
          %swap3A_526 = arith.index_cast %add3A_460 : i32 to index
          %swap3A_527 = arith.constant 96 : index
          %swap3A_528 = tpu.vector_load %arg10[%swap3A_526, %swap3A_527] {strides = array<i32>} : memref<128x128xf32, #tpu.memory_space<vmem>>, vector<1x16xf32>,
          %swap3A_529 = vector.shape_cast %swap3A_528 : vector<1x16xf32> to vector<16xf32>
          %swap3A_530 = vector.shape_cast %mul3A_525 : vector<16xf32> to vector<1x16xf32>
          tpu.vector_store %arg10[%swap3A_526, %swap3A_527], %swap3A_530 {strides = array<i32>} : memref<128x128xf32, #tpu.memory_space<vmem>>, vector<1x16xf32>,
          %get3A_531 = arith.index_cast %add3A_460 : i32 to index
          %get3A_532 = arith.constant 112 : index
          %get3A_533 = tpu.vector_load %arg10[%get3A_531, %get3A_532] {strides = array<i32>} : memref<128x128xf32, #tpu.memory_space<vmem>>, vector<1x16xf32>,
          %get3A_534 = vector.shape_cast %get3A_533 : vector<1x16xf32> to vector<16xf32>
          %mul3A_535 = arith.mulf %get3A_534, %gather3A_456 : vector<16xf32>
          %swap3A_536 = arith.index_cast %add3A_460 : i32 to index
          %swap3A_537 = arith.constant 112 : index
          %swap3A_538 = tpu.vector_load %arg10[%swap3A_536, %swap3A_537] {strides = array<i32>} : memref<128x128xf32, #tpu.memory_space<vmem>>, vector<1x16xf32>,
          %swap3A_539 = vector.shape_cast %swap3A_538 : vector<1x16xf32> to vector<16xf32>
          %swap3A_540 = vector.shape_cast %mul3A_535 : vector<16xf32> to vector<1x16xf32>
          tpu.vector_store %arg10[%swap3A_536, %swap3A_537], %swap3A_540 {strides = array<i32>} : memref<128x128xf32, #tpu.memory_space<vmem>>, vector<1x16xf32>,
          %broadcast_in_dim3A_541 = arith.constant 3 : i32
          %broadcast_in_dim3A_542 = vector.broadcast %broadcast_in_dim3A_541 : i32 to vector<16x1xi32>
          %gather3A_543 = vector.shape_cast %broadcast_in_dim3A_542 : vector<16x1xi32> to vector<16xi32>
          %gather3A_544 = tpu.dynamic_gather %get3A_279[%gather3A_543] in [0] : vector<16xf32>, vector<16xi32> -> vector<16xf32>
          %mul3A_545 = arith.constant 16 : i32
          %mul3A_546 = arith.muli %scan3A_273, %mul3A_545 : i32
          %add3A_547 = arith.constant 3 : i32
          %add3A_548 = arith.addi %mul3A_546, %add3A_547 : i32
          %get3A_549 = arith.index_cast %add3A_548 : i32 to index
          %get3A_550 = arith.constant 0 : index
          %get3A_551 = tpu.vector_load %arg10[%get3A_549, %get3A_550] {strides = array<i32>} : memref<128x128xf32, #tpu.memory_space<vmem>>, vector<1x16xf32>,
          %get3A_552 = vector.shape_cast %get3A_551 : vector<1x16xf32> to vector<16xf32>
          %mul3A_553 = arith.mulf %get3A_552, %gather3A_544 : vector<16xf32>
          %swap3A_554 = arith.index_cast %add3A_548 : i32 to index
          %swap3A_555 = arith.constant 0 : index
          %swap3A_556 = tpu.vector_load %arg10[%swap3A_554, %swap3A_555] {strides = array<i32>} : memref<128x128xf32, #tpu.memory_space<vmem>>, vector<1x16xf32>,
          %swap3A_557 = vector.shape_cast %swap3A_556 : vector<1x16xf32> to vector<16xf32>
          %swap3A_558 = vector.shape_cast %mul3A_553 : vector<16xf32> to vector<1x16xf32>
          tpu.vector_store %arg10[%swap3A_554, %swap3A_555], %swap3A_558 {strides = array<i32>} : memref<128x128xf32, #tpu.memory_space<vmem>>, vector<1x16xf32>,
          %get3A_559 = arith.index_cast %add3A_548 : i32 to index
          %get3A_560 = arith.constant 16 : index
          %get3A_561 = tpu.vector_load %arg10[%get3A_559, %get3A_560] {strides = array<i32>} : memref<128x128xf32, #tpu.memory_space<vmem>>, vector<1x16xf32>,
          %get3A_562 = vector.shape_cast %get3A_561 : vector<1x16xf32> to vector<16xf32>
          %mul3A_563 = arith.mulf %get3A_562, %gather3A_544 : vector<16xf32>
          %swap3A_564 = arith.index_cast %add3A_548 : i32 to index
          %swap3A_565 = arith.constant 16 : index
          %swap3A_566 = tpu.vector_load %arg10[%swap3A_564, %swap3A_565] {strides = array<i32>} : memref<128x128xf32, #tpu.memory_space<vmem>>, vector<1x16xf32>,
          %swap3A_567 = vector.shape_cast %swap3A_566 : vector<1x16xf32> to vector<16xf32>
          %swap3A_568 = vector.shape_cast %mul3A_563 : vector<16xf32> to vector<1x16xf32>
          tpu.vector_store %arg10[%swap3A_564, %swap3A_565], %swap3A_568 {strides = array<i32>} : memref<128x128xf32, #tpu.memory_space<vmem>>, vector<1x16xf32>,
          %get3A_569 = arith.index_cast %add3A_548 : i32 to index
          %get3A_570 = arith.constant 32 : index
          %get3A_571 = tpu.vector_load %arg10[%get3A_569, %get3A_570] {strides = array<i32>} : memref<128x128xf32, #tpu.memory_space<vmem>>, vector<1x16xf32>,
          %get3A_572 = vector.shape_cast %get3A_571 : vector<1x16xf32> to vector<16xf32>
          %mul3A_573 = arith.mulf %get3A_572, %gather3A_544 : vector<16xf32>
          %swap3A_574 = arith.index_cast %add3A_548 : i32 to index
          %swap3A_575 = arith.constant 32 : index
          %swap3A_576 = tpu.vector_load %arg10[%swap3A_574, %swap3A_575] {strides = array<i32>} : memref<128x128xf32, #tpu.memory_space<vmem>>, vector<1x16xf32>,
          %swap3A_577 = vector.shape_cast %swap3A_576 : vector<1x16xf32> to vector<16xf32>
          %swap3A_578 = vector.shape_cast %mul3A_573 : vector<16xf32> to vector<1x16xf32>
          tpu.vector_store %arg10[%swap3A_574, %swap3A_575], %swap3A_578 {strides = array<i32>} : memref<128x128xf32, #tpu.memory_space<vmem>>, vector<1x16xf32>,
          %get3A_579 = arith.index_cast %add3A_548 : i32 to index
          %get3A_580 = arith.constant 48 : index
          %get3A_581 = tpu.vector_load %arg10[%get3A_579, %get3A_580] {strides = array<i32>} : memref<128x128xf32, #tpu.memory_space<vmem>>, vector<1x16xf32>,
          %get3A_582 = vector.shape_cast %get3A_581 : vector<1x16xf32> to vector<16xf32>
          %mul3A_583 = arith.mulf %get3A_582, %gather3A_544 : vector<16xf32>
          %swap3A_584 = arith.index_cast %add3A_548 : i32 to index
          %swap3A_585 = arith.constant 48 : index
          %swap3A_586 = tpu.vector_load %arg10[%swap3A_584, %swap3A_585] {strides = array<i32>} : memref<128x128xf32, #tpu.memory_space<vmem>>, vector<1x16xf32>,
          %swap3A_587 = vector.shape_cast %swap3A_586 : vector<1x16xf32> to vector<16xf32>
          %swap3A_588 = vector.shape_cast %mul3A_583 : vector<16xf32> to vector<1x16xf32>
          tpu.vector_store %arg10[%swap3A_584, %swap3A_585], %swap3A_588 {strides = array<i32>} : memref<128x128xf32, #tpu.memory_space<vmem>>, vector<1x16xf32>,
          %get3A_589 = arith.index_cast %add3A_548 : i32 to index
          %get3A_590 = arith.constant 64 : index
          %get3A_591 = tpu.vector_load %arg10[%get3A_589, %get3A_590] {strides = array<i32>} : memref<128x128xf32, #tpu.memory_space<vmem>>, vector<1x16xf32>,
          %get3A_592 = vector.shape_cast %get3A_591 : vector<1x16xf32> to vector<16xf32>
          %mul3A_593 = arith.mulf %get3A_592, %gather3A_544 : vector<16xf32>
          %swap3A_594 = arith.index_cast %add3A_548 : i32 to index
          %swap3A_595 = arith.constant 64 : index
          %swap3A_596 = tpu.vector_load %arg10[%swap3A_594, %swap3A_595] {strides = array<i32>} : memref<128x128xf32, #tpu.memory_space<vmem>>, vector<1x16xf32>,
          %swap3A_597 = vector.shape_cast %swap3A_596 : vector<1x16xf32> to vector<16xf32>
          %swap3A_598 = vector.shape_cast %mul3A_593 : vector<16xf32> to vector<1x16xf32>
          tpu.vector_store %arg10[%swap3A_594, %swap3A_595], %swap3A_598 {strides = array<i32>} : memref<128x128xf32, #tpu.memory_space<vmem>>, vector<1x16xf32>,
          %get3A_599 = arith.index_cast %add3A_548 : i32 to index
          %get3A_600 = arith.constant 80 : index
          %get3A_601 = tpu.vector_load %arg10[%get3A_599, %get3A_600] {strides = array<i32>} : memref<128x128xf32, #tpu.memory_space<vmem>>, vector<1x16xf32>,
          %get3A_602 = vector.shape_cast %get3A_601 : vector<1x16xf32> to vector<16xf32>
          %mul3A_603 = arith.mulf %get3A_602, %gather3A_544 : vector<16xf32>
          %swap3A_604 = arith.index_cast %add3A_548 : i32 to index
          %swap3A_605 = arith.constant 80 : index
          %swap3A_606 = tpu.vector_load %arg10[%swap3A_604, %swap3A_605] {strides = array<i32>} : memref<128x128xf32, #tpu.memory_space<vmem>>, vector<1x16xf32>,
          %swap3A_607 = vector.shape_cast %swap3A_606 : vector<1x16xf32> to vector<16xf32>
          %swap3A_608 = vector.shape_cast %mul3A_603 : vector<16xf32> to vector<1x16xf32>
          tpu.vector_store %arg10[%swap3A_604, %swap3A_605], %swap3A_608 {strides = array<i32>} : memref<128x128xf32, #tpu.memory_space<vmem>>, vector<1x16xf32>,
          %get3A_609 = arith.index_cast %add3A_548 : i32 to index
          %get3A_610 = arith.constant 96 : index
          %get3A_611 = tpu.vector_load %arg10[%get3A_609, %get3A_610] {strides = array<i32>} : memref<128x128xf32, #tpu.memory_space<vmem>>, vector<1x16xf32>,
          %get3A_612 = vector.shape_cast %get3A_611 : vector<1x16xf32> to vector<16xf32>
          %mul3A_613 = arith.mulf %get3A_612, %gather3A_544 : vector<16xf32>
          %swap3A_614 = arith.index_cast %add3A_548 : i32 to index
          %swap3A_615 = arith.constant 96 : index
          %swap3A_616 = tpu.vector_load %arg10[%swap3A_614, %swap3A_615] {strides = array<i32>} : memref<128x128xf32, #tpu.memory_space<vmem>>, vector<1x16xf32>,
          %swap3A_617 = vector.shape_cast %swap3A_616 : vector<1x16xf32> to vector<16xf32>
          %swap3A_618 = vector.shape_cast %mul3A_613 : vector<16xf32> to vector<1x16xf32>
          tpu.vector_store %arg10[%swap3A_614, %swap3A_615], %swap3A_618 {strides = array<i32>} : memref<128x128xf32, #tpu.memory_space<vmem>>, vector<1x16xf32>,
          %get3A_619 = arith.index_cast %add3A_548 : i32 to index
          %get3A_620 = arith.constant 112 : index
          %get3A_621 = tpu.vector_load %arg10[%get3A_619, %get3A_620] {strides = array<i32>} : memref<128x128xf32, #tpu.memory_space<vmem>>, vector<1x16xf32>,
          %get3A_622 = vector.shape_cast %get3A_621 : vector<1x16xf32> to vector<16xf32>
          %mul3A_623 = arith.mulf %get3A_622, %gather3A_544 : vector<16xf32>
          %swap3A_624 = arith.index_cast %add3A_548 : i32 to index
          %swap3A_625 = arith.constant 112 : index
          %swap3A_626 = tpu.vector_load %arg10[%swap3A_624, %swap3A_625] {strides = array<i32>} : memref<128x128xf32, #tpu.memory_space<vmem>>, vector<1x16xf32>,
          %swap3A_627 = vector.shape_cast %swap3A_626 : vector<1x16xf32> to vector<16xf32>
          %swap3A_628 = vector.shape_cast %mul3A_623 : vector<16xf32> to vector<1x16xf32>
          tpu.vector_store %arg10[%swap3A_624, %swap3A_625], %swap3A_628 {strides = array<i32>} : memref<128x128xf32, #tpu.memory_space<vmem>>, vector<1x16xf32>,
          %broadcast_in_dim3A_629 = arith.constant 4 : i32
          %broadcast_in_dim3A_630 = vector.broadcast %broadcast_in_dim3A_629 : i32 to vector<16x1xi32>
          %gather3A_631 = vector.shape_cast %broadcast_in_dim3A_630 : vector<16x1xi32> to vector<16xi32>
          %gather3A_632 = tpu.dynamic_gather %get3A_279[%gather3A_631] in [0] : vector<16xf32>, vector<16xi32> -> vector<16xf32>
          %mul3A_633 = arith.constant 16 : i32
          %mul3A_634 = arith.muli %scan3A_273, %mul3A_633 : i32
          %add3A_635 = arith.constant 4 : i32
          %add3A_636 = arith.addi %mul3A_634, %add3A_635 : i32
          %get3A_637 = arith.index_cast %add3A_636 : i32 to index
          %get3A_638 = arith.constant 0 : index
          %get3A_639 = tpu.vector_load %arg10[%get3A_637, %get3A_638] {strides = array<i32>} : memref<128x128xf32, #tpu.memory_space<vmem>>, vector<1x16xf32>,
          %get3A_640 = vector.shape_cast %get3A_639 : vector<1x16xf32> to vector<16xf32>
          %mul3A_641 = arith.mulf %get3A_640, %gather3A_632 : vector<16xf32>
          %swap3A_642 = arith.index_cast %add3A_636 : i32 to index
          %swap3A_643 = arith.constant 0 : index
          %swap3A_644 = tpu.vector_load %arg10[%swap3A_642, %swap3A_643] {strides = array<i32>} : memref<128x128xf32, #tpu.memory_space<vmem>>, vector<1x16xf32>,
          %swap3A_645 = vector.shape_cast %swap3A_644 : vector<1x16xf32> to vector<16xf32>
          %swap3A_646 = vector.shape_cast %mul3A_641 : vector<16xf32> to vector<1x16xf32>
          tpu.vector_store %arg10[%swap3A_642, %swap3A_643], %swap3A_646 {strides = array<i32>} : memref<128x128xf32, #tpu.memory_space<vmem>>, vector<1x16xf32>,
          %get3A_647 = arith.index_cast %add3A_636 : i32 to index
          %get3A_648 = arith.constant 16 : index
          %get3A_649 = tpu.vector_load %arg10[%get3A_647, %get3A_648] {strides = array<i32>} : memref<128x128xf32, #tpu.memory_space<vmem>>, vector<1x16xf32>,
          %get3A_650 = vector.shape_cast %get3A_649 : vector<1x16xf32> to vector<16xf32>
          %mul3A_651 = arith.mulf %get3A_650, %gather3A_632 : vector<16xf32>
          %swap3A_652 = arith.index_cast %add3A_636 : i32 to index
          %swap3A_653 = arith.constant 16 : index
          %swap3A_654 = tpu.vector_load %arg10[%swap3A_652, %swap3A_653] {strides = array<i32>} : memref<128x128xf32, #tpu.memory_space<vmem>>, vector<1x16xf32>,
          %swap3A_655 = vector.shape_cast %swap3A_654 : vector<1x16xf32> to vector<16xf32>
          %swap3A_656 = vector.shape_cast %mul3A_651 : vector<16xf32> to vector<1x16xf32>
          tpu.vector_store %arg10[%swap3A_652, %swap3A_653], %swap3A_656 {strides = array<i32>} : memref<128x128xf32, #tpu.memory_space<vmem>>, vector<1x16xf32>,
          %get3A_657 = arith.index_cast %add3A_636 : i32 to index
          %get3A_658 = arith.constant 32 : index
          %get3A_659 = tpu.vector_load %arg10[%get3A_657, %get3A_658] {strides = array<i32>} : memref<128x128xf32, #tpu.memory_space<vmem>>, vector<1x16xf32>,
          %get3A_660 = vector.shape_cast %get3A_659 : vector<1x16xf32> to vector<16xf32>
          %mul3A_661 = arith.mulf %get3A_660, %gather3A_632 : vector<16xf32>
          %swap3A_662 = arith.index_cast %add3A_636 : i32 to index
          %swap3A_663 = arith.constant 32 : index
          %swap3A_664 = tpu.vector_load %arg10[%swap3A_662, %swap3A_663] {strides = array<i32>} : memref<128x128xf32, #tpu.memory_space<vmem>>, vector<1x16xf32>,
          %swap3A_665 = vector.shape_cast %swap3A_664 : vector<1x16xf32> to vector<16xf32>
          %swap3A_666 = vector.shape_cast %mul3A_661 : vector<16xf32> to vector<1x16xf32>
          tpu.vector_store %arg10[%swap3A_662, %swap3A_663], %swap3A_666 {strides = array<i32>} : memref<128x128xf32, #tpu.memory_space<vmem>>, vector<1x16xf32>,
          %get3A_667 = arith.index_cast %add3A_636 : i32 to index
          %get3A_668 = arith.constant 48 : index
          %get3A_669 = tpu.vector_load %arg10[%get3A_667, %get3A_668] {strides = array<i32>} : memref<128x128xf32, #tpu.memory_space<vmem>>, vector<1x16xf32>,
          %get3A_670 = vector.shape_cast %get3A_669 : vector<1x16xf32> to vector<16xf32>
          %mul3A_671 = arith.mulf %get3A_670, %gather3A_632 : vector<16xf32>
          %swap3A_672 = arith.index_cast %add3A_636 : i32 to index
          %swap3A_673 = arith.constant 48 : index
          %swap3A_674 = tpu.vector_load %arg10[%swap3A_672, %swap3A_673] {strides = array<i32>} : memref<128x128xf32, #tpu.memory_space<vmem>>, vector<1x16xf32>,
          %swap3A_675 = vector.shape_cast %swap3A_674 : vector<1x16xf32> to vector<16xf32>
          %swap3A_676 = vector.shape_cast %mul3A_671 : vector<16xf32> to vector<1x16xf32>
          tpu.vector_store %arg10[%swap3A_672, %swap3A_673], %swap3A_676 {strides = array<i32>} : memref<128x128xf32, #tpu.memory_space<vmem>>, vector<1x16xf32>,
          %get3A_677 = arith.index_cast %add3A_636 : i32 to index
          %get3A_678 = arith.constant 64 : index
          %get3A_679 = tpu.vector_load %arg10[%get3A_677, %get3A_678] {strides = array<i32>} : memref<128x128xf32, #tpu.memory_space<vmem>>, vector<1x16xf32>,
          %get3A_680 = vector.shape_cast %get3A_679 : vector<1x16xf32> to vector<16xf32>
          %mul3A_681 = arith.mulf %get3A_680, %gather3A_632 : vector<16xf32>
          %swap3A_682 = arith.index_cast %add3A_636 : i32 to index
          %swap3A_683 = arith.constant 64 : index
          %swap3A_684 = tpu.vector_load %arg10[%swap3A_682, %swap3A_683] {strides = array<i32>} : memref<128x128xf32, #tpu.memory_space<vmem>>, vector<1x16xf32>,
          %swap3A_685 = vector.shape_cast %swap3A_684 : vector<1x16xf32> to vector<16xf32>
          %swap3A_686 = vector.shape_cast %mul3A_681 : vector<16xf32> to vector<1x16xf32>
          tpu.vector_store %arg10[%swap3A_682, %swap3A_683], %swap3A_686 {strides = array<i32>} : memref<128x128xf32, #tpu.memory_space<vmem>>, vector<1x16xf32>,
          %get3A_687 = arith.index_cast %add3A_636 : i32 to index
          %get3A_688 = arith.constant 80 : index
          %get3A_689 = tpu.vector_load %arg10[%get3A_687, %get3A_688] {strides = array<i32>} : memref<128x128xf32, #tpu.memory_space<vmem>>, vector<1x16xf32>,
          %get3A_690 = vector.shape_cast %get3A_689 : vector<1x16xf32> to vector<16xf32>
          %mul3A_691 = arith.mulf %get3A_690, %gather3A_632 : vector<16xf32>
          %swap3A_692 = arith.index_cast %add3A_636 : i32 to index
          %swap3A_693 = arith.constant 80 : index
          %swap3A_694 = tpu.vector_load %arg10[%swap3A_692, %swap3A_693] {strides = array<i32>} : memref<128x128xf32, #tpu.memory_space<vmem>>, vector<1x16xf32>,
          %swap3A_695 = vector.shape_cast %swap3A_694 : vector<1x16xf32> to vector<16xf32>
          %swap3A_696 = vector.shape_cast %mul3A_691 : vector<16xf32> to vector<1x16xf32>
          tpu.vector_store %arg10[%swap3A_692, %swap3A_693], %swap3A_696 {strides = array<i32>} : memref<128x128xf32, #tpu.memory_space<vmem>>, vector<1x16xf32>,
          %get3A_697 = arith.index_cast %add3A_636 : i32 to index
          %get3A_698 = arith.constant 96 : index
          %get3A_699 = tpu.vector_load %arg10[%get3A_697, %get3A_698] {strides = array<i32>} : memref<128x128xf32, #tpu.memory_space<vmem>>, vector<1x16xf32>,
          %get3A_700 = vector.shape_cast %get3A_699 : vector<1x16xf32> to vector<16xf32>
          %mul3A_701 = arith.mulf %get3A_700, %gather3A_632 : vector<16xf32>
          %swap3A_702 = arith.index_cast %add3A_636 : i32 to index
          %swap3A_703 = arith.constant 96 : index
          %swap3A_704 = tpu.vector_load %arg10[%swap3A_702, %swap3A_703] {strides = array<i32>} : memref<128x128xf32, #tpu.memory_space<vmem>>, vector<1x16xf32>,
          %swap3A_705 = vector.shape_cast %swap3A_704 : vector<1x16xf32> to vector<16xf32>
          %swap3A_706 = vector.shape_cast %mul3A_701 : vector<16xf32> to vector<1x16xf32>
          tpu.vector_store %arg10[%swap3A_702, %swap3A_703], %swap3A_706 {strides = array<i32>} : memref<128x128xf32, #tpu.memory_space<vmem>>, vector<1x16xf32>,
          %get3A_707 = arith.index_cast %add3A_636 : i32 to index
          %get3A_708 = arith.constant 112 : index
          %get3A_709 = tpu.vector_load %arg10[%get3A_707, %get3A_708] {strides = array<i32>} : memref<128x128xf32, #tpu.memory_space<vmem>>, vector<1x16xf32>,
          %get3A_710 = vector.shape_cast %get3A_709 : vector<1x16xf32> to vector<16xf32>
          %mul3A_711 = arith.mulf %get3A_710, %gather3A_632 : vector<16xf32>
          %swap3A_712 = arith.index_cast %add3A_636 : i32 to index
          %swap3A_713 = arith.constant 112 : index
          %swap3A_714 = tpu.vector_load %arg10[%swap3A_712, %swap3A_713] {strides = array<i32>} : memref<128x128xf32, #tpu.memory_space<vmem>>, vector<1x16xf32>,
          %swap3A_715 = vector.shape_cast %swap3A_714 : vector<1x16xf32> to vector<16xf32>
          %swap3A_716 = vector.shape_cast %mul3A_711 : vector<16xf32> to vector<1x16xf32>
          tpu.vector_store %arg10[%swap3A_712, %swap3A_713], %swap3A_716 {strides = array<i32>} : memref<128x128xf32, #tpu.memory_space<vmem>>, vector<1x16xf32>,
          %broadcast_in_dim3A_717 = arith.constant 5 : i32
          %broadcast_in_dim3A_718 = vector.broadcast %broadcast_in_dim3A_717 : i32 to vector<16x1xi32>
          %gather3A_719 = vector.shape_cast %broadcast_in_dim3A_718 : vector<16x1xi32> to vector<16xi32>
          %gather3A_720 = tpu.dynamic_gather %get3A_279[%gather3A_719] in [0] : vector<16xf32>, vector<16xi32> -> vector<16xf32>
          %mul3A_721 = arith.constant 16 : i32
          %mul3A_722 = arith.muli %scan3A_273, %mul3A_721 : i32
          %add3A_723 = arith.constant 5 : i32
          %add3A_724 = arith.addi %mul3A_722, %add3A_723 : i32
          %get3A_725 = arith.index_cast %add3A_724 : i32 to index
          %get3A_726 = arith.constant 0 : index
          %get3A_727 = tpu.vector_load %arg10[%get3A_725, %get3A_726] {strides = array<i32>} : memref<128x128xf32, #tpu.memory_space<vmem>>, vector<1x16xf32>,
          %get3A_728 = vector.shape_cast %get3A_727 : vector<1x16xf32> to vector<16xf32>
          %mul3A_729 = arith.mulf %get3A_728, %gather3A_720 : vector<16xf32>
          %swap3A_730 = arith.index_cast %add3A_724 : i32 to index
          %swap3A_731 = arith.constant 0 : index
          %swap3A_732 = tpu.vector_load %arg10[%swap3A_730, %swap3A_731] {strides = array<i32>} : memref<128x128xf32, #tpu.memory_space<vmem>>, vector<1x16xf32>,
          %swap3A_733 = vector.shape_cast %swap3A_732 : vector<1x16xf32> to vector<16xf32>
          %swap3A_734 = vector.shape_cast %mul3A_729 : vector<16xf32> to vector<1x16xf32>
          tpu.vector_store %arg10[%swap3A_730, %swap3A_731], %swap3A_734 {strides = array<i32>} : memref<128x128xf32, #tpu.memory_space<vmem>>, vector<1x16xf32>,
          %get3A_735 = arith.index_cast %add3A_724 : i32 to index
          %get3A_736 = arith.constant 16 : index
          %get3A_737 = tpu.vector_load %arg10[%get3A_735, %get3A_736] {strides = array<i32>} : memref<128x128xf32, #tpu.memory_space<vmem>>, vector<1x16xf32>,
          %get3A_738 = vector.shape_cast %get3A_737 : vector<1x16xf32> to vector<16xf32>
          %mul3A_739 = arith.mulf %get3A_738, %gather3A_720 : vector<16xf32>
          %swap3A_740 = arith.index_cast %add3A_724 : i32 to index
          %swap3A_741 = arith.constant 16 : index
          %swap3A_742 = tpu.vector_load %arg10[%swap3A_740, %swap3A_741] {strides = array<i32>} : memref<128x128xf32, #tpu.memory_space<vmem>>, vector<1x16xf32>,
          %swap3A_743 = vector.shape_cast %swap3A_742 : vector<1x16xf32> to vector<16xf32>
          %swap3A_744 = vector.shape_cast %mul3A_739 : vector<16xf32> to vector<1x16xf32>
          tpu.vector_store %arg10[%swap3A_740, %swap3A_741], %swap3A_744 {strides = array<i32>} : memref<128x128xf32, #tpu.memory_space<vmem>>, vector<1x16xf32>,
          %get3A_745 = arith.index_cast %add3A_724 : i32 to index
          %get3A_746 = arith.constant 32 : index
          %get3A_747 = tpu.vector_load %arg10[%get3A_745, %get3A_746] {strides = array<i32>} : memref<128x128xf32, #tpu.memory_space<vmem>>, vector<1x16xf32>,
          %get3A_748 = vector.shape_cast %get3A_747 : vector<1x16xf32> to vector<16xf32>
          %mul3A_749 = arith.mulf %get3A_748, %gather3A_720 : vector<16xf32>
          %swap3A_750 = arith.index_cast %add3A_724 : i32 to index
          %swap3A_751 = arith.constant 32 : index
          %swap3A_752 = tpu.vector_load %arg10[%swap3A_750, %swap3A_751] {strides = array<i32>} : memref<128x128xf32, #tpu.memory_space<vmem>>, vector<1x16xf32>,
          %swap3A_753 = vector.shape_cast %swap3A_752 : vector<1x16xf32> to vector<16xf32>
          %swap3A_754 = vector.shape_cast %mul3A_749 : vector<16xf32> to vector<1x16xf32>
          tpu.vector_store %arg10[%swap3A_750, %swap3A_751], %swap3A_754 {strides = array<i32>} : memref<128x128xf32, #tpu.memory_space<vmem>>, vector<1x16xf32>,
          %get3A_755 = arith.index_cast %add3A_724 : i32 to index
          %get3A_756 = arith.constant 48 : index
          %get3A_757 = tpu.vector_load %arg10[%get3A_755, %get3A_756] {strides = array<i32>} : memref<128x128xf32, #tpu.memory_space<vmem>>, vector<1x16xf32>,
          %get3A_758 = vector.shape_cast %get3A_757 : vector<1x16xf32> to vector<16xf32>
          %mul3A_759 = arith.mulf %get3A_758, %gather3A_720 : vector<16xf32>
          %swap3A_760 = arith.index_cast %add3A_724 : i32 to index
          %swap3A_761 = arith.constant 48 : index
          %swap3A_762 = tpu.vector_load %arg10[%swap3A_760, %swap3A_761] {strides = array<i32>} : memref<128x128xf32, #tpu.memory_space<vmem>>, vector<1x16xf32>,
          %swap3A_763 = vector.shape_cast %swap3A_762 : vector<1x16xf32> to vector<16xf32>
          %swap3A_764 = vector.shape_cast %mul3A_759 : vector<16xf32> to vector<1x16xf32>
          tpu.vector_store %arg10[%swap3A_760, %swap3A_761], %swap3A_764 {strides = array<i32>} : memref<128x128xf32, #tpu.memory_space<vmem>>, vector<1x16xf32>,
          %get3A_765 = arith.index_cast %add3A_724 : i32 to index
          %get3A_766 = arith.constant 64 : index
          %get3A_767 = tpu.vector_load %arg10[%get3A_765, %get3A_766] {strides = array<i32>} : memref<128x128xf32, #tpu.memory_space<vmem>>, vector<1x16xf32>,
          %get3A_768 = vector.shape_cast %get3A_767 : vector<1x16xf32> to vector<16xf32>
          %mul3A_769 = arith.mulf %get3A_768, %gather3A_720 : vector<16xf32>
          %swap3A_770 = arith.index_cast %add3A_724 : i32 to index
          %swap3A_771 = arith.constant 64 : index
          %swap3A_772 = tpu.vector_load %arg10[%swap3A_770, %swap3A_771] {strides = array<i32>} : memref<128x128xf32, #tpu.memory_space<vmem>>, vector<1x16xf32>,
          %swap3A_773 = vector.shape_cast %swap3A_772 : vector<1x16xf32> to vector<16xf32>
          %swap3A_774 = vector.shape_cast %mul3A_769 : vector<16xf32> to vector<1x16xf32>
          tpu.vector_store %arg10[%swap3A_770, %swap3A_771], %swap3A_774 {strides = array<i32>} : memref<128x128xf32, #tpu.memory_space<vmem>>, vector<1x16xf32>,
          %get3A_775 = arith.index_cast %add3A_724 : i32 to index
          %get3A_776 = arith.constant 80 : index
          %get3A_777 = tpu.vector_load %arg10[%get3A_775, %get3A_776] {strides = array<i32>} : memref<128x128xf32, #tpu.memory_space<vmem>>, vector<1x16xf32>,
          %get3A_778 = vector.shape_cast %get3A_777 : vector<1x16xf32> to vector<16xf32>
          %mul3A_779 = arith.mulf %get3A_778, %gather3A_720 : vector<16xf32>
          %swap3A_780 = arith.index_cast %add3A_724 : i32 to index
          %swap3A_781 = arith.constant 80 : index
          %swap3A_782 = tpu.vector_load %arg10[%swap3A_780, %swap3A_781] {strides = array<i32>} : memref<128x128xf32, #tpu.memory_space<vmem>>, vector<1x16xf32>,
          %swap3A_783 = vector.shape_cast %swap3A_782 : vector<1x16xf32> to vector<16xf32>
          %swap3A_784 = vector.shape_cast %mul3A_779 : vector<16xf32> to vector<1x16xf32>
          tpu.vector_store %arg10[%swap3A_780, %swap3A_781], %swap3A_784 {strides = array<i32>} : memref<128x128xf32, #tpu.memory_space<vmem>>, vector<1x16xf32>,
          %get3A_785 = arith.index_cast %add3A_724 : i32 to index
          %get3A_786 = arith.constant 96 : index
          %get3A_787 = tpu.vector_load %arg10[%get3A_785, %get3A_786] {strides = array<i32>} : memref<128x128xf32, #tpu.memory_space<vmem>>, vector<1x16xf32>,
          %get3A_788 = vector.shape_cast %get3A_787 : vector<1x16xf32> to vector<16xf32>
          %mul3A_789 = arith.mulf %get3A_788, %gather3A_720 : vector<16xf32>
          %swap3A_790 = arith.index_cast %add3A_724 : i32 to index
          %swap3A_791 = arith.constant 96 : index
          %swap3A_792 = tpu.vector_load %arg10[%swap3A_790, %swap3A_791] {strides = array<i32>} : memref<128x128xf32, #tpu.memory_space<vmem>>, vector<1x16xf32>,
          %swap3A_793 = vector.shape_cast %swap3A_792 : vector<1x16xf32> to vector<16xf32>
          %swap3A_794 = vector.shape_cast %mul3A_789 : vector<16xf32> to vector<1x16xf32>
          tpu.vector_store %arg10[%swap3A_790, %swap3A_791], %swap3A_794 {strides = array<i32>} : memref<128x128xf32, #tpu.memory_space<vmem>>, vector<1x16xf32>,
          %get3A_795 = arith.index_cast %add3A_724 : i32 to index
          %get3A_796 = arith.constant 112 : index
          %get3A_797 = tpu.vector_load %arg10[%get3A_795, %get3A_796] {strides = array<i32>} : memref<128x128xf32, #tpu.memory_space<vmem>>, vector<1x16xf32>,
          %get3A_798 = vector.shape_cast %get3A_797 : vector<1x16xf32> to vector<16xf32>
          %mul3A_799 = arith.mulf %get3A_798, %gather3A_720 : vector<16xf32>
          %swap3A_800 = arith.index_cast %add3A_724 : i32 to index
          %swap3A_801 = arith.constant 112 : index
          %swap3A_802 = tpu.vector_load %arg10[%swap3A_800, %swap3A_801] {strides = array<i32>} : memref<128x128xf32, #tpu.memory_space<vmem>>, vector<1x16xf32>,
          %swap3A_803 = vector.shape_cast %swap3A_802 : vector<1x16xf32> to vector<16xf32>
          %swap3A_804 = vector.shape_cast %mul3A_799 : vector<16xf32> to vector<1x16xf32>
          tpu.vector_store %arg10[%swap3A_800, %swap3A_801], %swap3A_804 {strides = array<i32>} : memref<128x128xf32, #tpu.memory_space<vmem>>, vector<1x16xf32>,
          %broadcast_in_dim3A_805 = arith.constant 6 : i32
          %broadcast_in_dim3A_806 = vector.broadcast %broadcast_in_dim3A_805 : i32 to vector<16x1xi32>
          %gather3A_807 = vector.shape_cast %broadcast_in_dim3A_806 : vector<16x1xi32> to vector<16xi32>
          %gather3A_808 = tpu.dynamic_gather %get3A_279[%gather3A_807] in [0] : vector<16xf32>, vector<16xi32> -> vector<16xf32>
          %mul3A_809 = arith.constant 16 : i32
          %mul3A_810 = arith.muli %scan3A_273, %mul3A_809 : i32
          %add3A_811 = arith.constant 6 : i32
          %add3A_812 = arith.addi %mul3A_810, %add3A_811 : i32
          %get3A_813 = arith.index_cast %add3A_812 : i32 to index
          %get3A_814 = arith.constant 0 : index
          %get3A_815 = tpu.vector_load %arg10[%get3A_813, %get3A_814] {strides = array<i32>} : memref<128x128xf32, #tpu.memory_space<vmem>>, vector<1x16xf32>,
          %get3A_816 = vector.shape_cast %get3A_815 : vector<1x16xf32> to vector<16xf32>
          %mul3A_817 = arith.mulf %get3A_816, %gather3A_808 : vector<16xf32>
          %swap3A_818 = arith.index_cast %add3A_812 : i32 to index
          %swap3A_819 = arith.constant 0 : index
          %swap3A_820 = tpu.vector_load %arg10[%swap3A_818, %swap3A_819] {strides = array<i32>} : memref<128x128xf32, #tpu.memory_space<vmem>>, vector<1x16xf32>,
          %swap3A_821 = vector.shape_cast %swap3A_820 : vector<1x16xf32> to vector<16xf32>
          %swap3A_822 = vector.shape_cast %mul3A_817 : vector<16xf32> to vector<1x16xf32>
          tpu.vector_store %arg10[%swap3A_818, %swap3A_819], %swap3A_822 {strides = array<i32>} : memref<128x128xf32, #tpu.memory_space<vmem>>, vector<1x16xf32>,
          %get3A_823 = arith.index_cast %add3A_812 : i32 to index
          %get3A_824 = arith.constant 16 : index
          %get3A_825 = tpu.vector_load %arg10[%get3A_823, %get3A_824] {strides = array<i32>} : memref<128x128xf32, #tpu.memory_space<vmem>>, vector<1x16xf32>,
          %get3A_826 = vector.shape_cast %get3A_825 : vector<1x16xf32> to vector<16xf32>
          %mul3A_827 = arith.mulf %get3A_826, %gather3A_808 : vector<16xf32>
          %swap3A_828 = arith.index_cast %add3A_812 : i32 to index
          %swap3A_829 = arith.constant 16 : index
          %swap3A_830 = tpu.vector_load %arg10[%swap3A_828, %swap3A_829] {strides = array<i32>} : memref<128x128xf32, #tpu.memory_space<vmem>>, vector<1x16xf32>,
          %swap3A_831 = vector.shape_cast %swap3A_830 : vector<1x16xf32> to vector<16xf32>
          %swap3A_832 = vector.shape_cast %mul3A_827 : vector<16xf32> to vector<1x16xf32>
          tpu.vector_store %arg10[%swap3A_828, %swap3A_829], %swap3A_832 {strides = array<i32>} : memref<128x128xf32, #tpu.memory_space<vmem>>, vector<1x16xf32>,
          %get3A_833 = arith.index_cast %add3A_812 : i32 to index
          %get3A_834 = arith.constant 32 : index
          %get3A_835 = tpu.vector_load %arg10[%get3A_833, %get3A_834] {strides = array<i32>} : memref<128x128xf32, #tpu.memory_space<vmem>>, vector<1x16xf32>,
          %get3A_836 = vector.shape_cast %get3A_835 : vector<1x16xf32> to vector<16xf32>
          %mul3A_837 = arith.mulf %get3A_836, %gather3A_808 : vector<16xf32>
          %swap3A_838 = arith.index_cast %add3A_812 : i32 to index
          %swap3A_839 = arith.constant 32 : index
          %swap3A_840 = tpu.vector_load %arg10[%swap3A_838, %swap3A_839] {strides = array<i32>} : memref<128x128xf32, #tpu.memory_space<vmem>>, vector<1x16xf32>,
          %swap3A_841 = vector.shape_cast %swap3A_840 : vector<1x16xf32> to vector<16xf32>
          %swap3A_842 = vector.shape_cast %mul3A_837 : vector<16xf32> to vector<1x16xf32>
          tpu.vector_store %arg10[%swap3A_838, %swap3A_839], %swap3A_842 {strides = array<i32>} : memref<128x128xf32, #tpu.memory_space<vmem>>, vector<1x16xf32>,
          %get3A_843 = arith.index_cast %add3A_812 : i32 to index
          %get3A_844 = arith.constant 48 : index
          %get3A_845 = tpu.vector_load %arg10[%get3A_843, %get3A_844] {strides = array<i32>} : memref<128x128xf32, #tpu.memory_space<vmem>>, vector<1x16xf32>,
          %get3A_846 = vector.shape_cast %get3A_845 : vector<1x16xf32> to vector<16xf32>
          %mul3A_847 = arith.mulf %get3A_846, %gather3A_808 : vector<16xf32>
          %swap3A_848 = arith.index_cast %add3A_812 : i32 to index
          %swap3A_849 = arith.constant 48 : index
          %swap3A_850 = tpu.vector_load %arg10[%swap3A_848, %swap3A_849] {strides = array<i32>} : memref<128x128xf32, #tpu.memory_space<vmem>>, vector<1x16xf32>,
          %swap3A_851 = vector.shape_cast %swap3A_850 : vector<1x16xf32> to vector<16xf32>
          %swap3A_852 = vector.shape_cast %mul3A_847 : vector<16xf32> to vector<1x16xf32>
          tpu.vector_store %arg10[%swap3A_848, %swap3A_849], %swap3A_852 {strides = array<i32>} : memref<128x128xf32, #tpu.memory_space<vmem>>, vector<1x16xf32>,
          %get3A_853 = arith.index_cast %add3A_812 : i32 to index
          %get3A_854 = arith.constant 64 : index
          %get3A_855 = tpu.vector_load %arg10[%get3A_853, %get3A_854] {strides = array<i32>} : memref<128x128xf32, #tpu.memory_space<vmem>>, vector<1x16xf32>,
          %get3A_856 = vector.shape_cast %get3A_855 : vector<1x16xf32> to vector<16xf32>
          %mul3A_857 = arith.mulf %get3A_856, %gather3A_808 : vector<16xf32>
          %swap3A_858 = arith.index_cast %add3A_812 : i32 to index
          %swap3A_859 = arith.constant 64 : index
          %swap3A_860 = tpu.vector_load %arg10[%swap3A_858, %swap3A_859] {strides = array<i32>} : memref<128x128xf32, #tpu.memory_space<vmem>>, vector<1x16xf32>,
          %swap3A_861 = vector.shape_cast %swap3A_860 : vector<1x16xf32> to vector<16xf32>
          %swap3A_862 = vector.shape_cast %mul3A_857 : vector<16xf32> to vector<1x16xf32>
          tpu.vector_store %arg10[%swap3A_858, %swap3A_859], %swap3A_862 {strides = array<i32>} : memref<128x128xf32, #tpu.memory_space<vmem>>, vector<1x16xf32>,
          %get3A_863 = arith.index_cast %add3A_812 : i32 to index
          %get3A_864 = arith.constant 80 : index
          %get3A_865 = tpu.vector_load %arg10[%get3A_863, %get3A_864] {strides = array<i32>} : memref<128x128xf32, #tpu.memory_space<vmem>>, vector<1x16xf32>,
          %get3A_866 = vector.shape_cast %get3A_865 : vector<1x16xf32> to vector<16xf32>
          %mul3A_867 = arith.mulf %get3A_866, %gather3A_808 : vector<16xf32>
          %swap3A_868 = arith.index_cast %add3A_812 : i32 to index
          %swap3A_869 = arith.constant 80 : index
          %swap3A_870 = tpu.vector_load %arg10[%swap3A_868, %swap3A_869] {strides = array<i32>} : memref<128x128xf32, #tpu.memory_space<vmem>>, vector<1x16xf32>,
          %swap3A_871 = vector.shape_cast %swap3A_870 : vector<1x16xf32> to vector<16xf32>
          %swap3A_872 = vector.shape_cast %mul3A_867 : vector<16xf32> to vector<1x16xf32>
          tpu.vector_store %arg10[%swap3A_868, %swap3A_869], %swap3A_872 {strides = array<i32>} : memref<128x128xf32, #tpu.memory_space<vmem>>, vector<1x16xf32>,
          %get3A_873 = arith.index_cast %add3A_812 : i32 to index
          %get3A_874 = arith.constant 96 : index
          %get3A_875 = tpu.vector_load %arg10[%get3A_873, %get3A_874] {strides = array<i32>} : memref<128x128xf32, #tpu.memory_space<vmem>>, vector<1x16xf32>,
          %get3A_876 = vector.shape_cast %get3A_875 : vector<1x16xf32> to vector<16xf32>
          %mul3A_877 = arith.mulf %get3A_876, %gather3A_808 : vector<16xf32>
          %swap3A_878 = arith.index_cast %add3A_812 : i32 to index
          %swap3A_879 = arith.constant 96 : index
          %swap3A_880 = tpu.vector_load %arg10[%swap3A_878, %swap3A_879] {strides = array<i32>} : memref<128x128xf32, #tpu.memory_space<vmem>>, vector<1x16xf32>,
          %swap3A_881 = vector.shape_cast %swap3A_880 : vector<1x16xf32> to vector<16xf32>
          %swap3A_882 = vector.shape_cast %mul3A_877 : vector<16xf32> to vector<1x16xf32>
          tpu.vector_store %arg10[%swap3A_878, %swap3A_879], %swap3A_882 {strides = array<i32>} : memref<128x128xf32, #tpu.memory_space<vmem>>, vector<1x16xf32>,
          %get3A_883 = arith.index_cast %add3A_812 : i32 to index
          %get3A_884 = arith.constant 112 : index
          %get3A_885 = tpu.vector_load %arg10[%get3A_883, %get3A_884] {strides = array<i32>} : memref<128x128xf32, #tpu.memory_space<vmem>>, vector<1x16xf32>,
          %get3A_886 = vector.shape_cast %get3A_885 : vector<1x16xf32> to vector<16xf32>
          %mul3A_887 = arith.mulf %get3A_886, %gather3A_808 : vector<16xf32>
          %swap3A_888 = arith.index_cast %add3A_812 : i32 to index
          %swap3A_889 = arith.constant 112 : index
          %swap3A_890 = tpu.vector_load %arg10[%swap3A_888, %swap3A_889] {strides = array<i32>} : memref<128x128xf32, #tpu.memory_space<vmem>>, vector<1x16xf32>,
          %swap3A_891 = vector.shape_cast %swap3A_890 : vector<1x16xf32> to vector<16xf32>
          %swap3A_892 = vector.shape_cast %mul3A_887 : vector<16xf32> to vector<1x16xf32>
          tpu.vector_store %arg10[%swap3A_888, %swap3A_889], %swap3A_892 {strides = array<i32>} : memref<128x128xf32, #tpu.memory_space<vmem>>, vector<1x16xf32>,
          %broadcast_in_dim3A_893 = arith.constant 7 : i32
          %broadcast_in_dim3A_894 = vector.broadcast %broadcast_in_dim3A_893 : i32 to vector<16x1xi32>
          %gather3A_895 = vector.shape_cast %broadcast_in_dim3A_894 : vector<16x1xi32> to vector<16xi32>
          %gather3A_896 = tpu.dynamic_gather %get3A_279[%gather3A_895] in [0] : vector<16xf32>, vector<16xi32> -> vector<16xf32>
          %mul3A_897 = arith.constant 16 : i32
          %mul3A_898 = arith.muli %scan3A_273, %mul3A_897 : i32
          %add3A_899 = arith.constant 7 : i32
          %add3A_900 = arith.addi %mul3A_898, %add3A_899 : i32
          %get3A_901 = arith.index_cast %add3A_900 : i32 to index
          %get3A_902 = arith.constant 0 : index
          %get3A_903 = tpu.vector_load %arg10[%get3A_901, %get3A_902] {strides = array<i32>} : memref<128x128xf32, #tpu.memory_space<vmem>>, vector<1x16xf32>,
          %get3A_904 = vector.shape_cast %get3A_903 : vector<1x16xf32> to vector<16xf32>
          %mul3A_905 = arith.mulf %get3A_904, %gather3A_896 : vector<16xf32>
          %swap3A_906 = arith.index_cast %add3A_900 : i32 to index
          %swap3A_907 = arith.constant 0 : index
          %swap3A_908 = tpu.vector_load %arg10[%swap3A_906, %swap3A_907] {strides = array<i32>} : memref<128x128xf32, #tpu.memory_space<vmem>>, vector<1x16xf32>,
          %swap3A_909 = vector.shape_cast %swap3A_908 : vector<1x16xf32> to vector<16xf32>
          %swap3A_910 = vector.shape_cast %mul3A_905 : vector<16xf32> to vector<1x16xf32>
          tpu.vector_store %arg10[%swap3A_906, %swap3A_907], %swap3A_910 {strides = array<i32>} : memref<128x128xf32, #tpu.memory_space<vmem>>, vector<1x16xf32>,
          %get3A_911 = arith.index_cast %add3A_900 : i32 to index
          %get3A_912 = arith.constant 16 : index
          %get3A_913 = tpu.vector_load %arg10[%get3A_911, %get3A_912] {strides = array<i32>} : memref<128x128xf32, #tpu.memory_space<vmem>>, vector<1x16xf32>,
          %get3A_914 = vector.shape_cast %get3A_913 : vector<1x16xf32> to vector<16xf32>
          %mul3A_915 = arith.mulf %get3A_914, %gather3A_896 : vector<16xf32>
          %swap3A_916 = arith.index_cast %add3A_900 : i32 to index
          %swap3A_917 = arith.constant 16 : index
          %swap3A_918 = tpu.vector_load %arg10[%swap3A_916, %swap3A_917] {strides = array<i32>} : memref<128x128xf32, #tpu.memory_space<vmem>>, vector<1x16xf32>,
          %swap3A_919 = vector.shape_cast %swap3A_918 : vector<1x16xf32> to vector<16xf32>
          %swap3A_920 = vector.shape_cast %mul3A_915 : vector<16xf32> to vector<1x16xf32>
          tpu.vector_store %arg10[%swap3A_916, %swap3A_917], %swap3A_920 {strides = array<i32>} : memref<128x128xf32, #tpu.memory_space<vmem>>, vector<1x16xf32>,
          %get3A_921 = arith.index_cast %add3A_900 : i32 to index
          %get3A_922 = arith.constant 32 : index
          %get3A_923 = tpu.vector_load %arg10[%get3A_921, %get3A_922] {strides = array<i32>} : memref<128x128xf32, #tpu.memory_space<vmem>>, vector<1x16xf32>,
          %get3A_924 = vector.shape_cast %get3A_923 : vector<1x16xf32> to vector<16xf32>
          %mul3A_925 = arith.mulf %get3A_924, %gather3A_896 : vector<16xf32>
          %swap3A_926 = arith.index_cast %add3A_900 : i32 to index
          %swap3A_927 = arith.constant 32 : index
          %swap3A_928 = tpu.vector_load %arg10[%swap3A_926, %swap3A_927] {strides = array<i32>} : memref<128x128xf32, #tpu.memory_space<vmem>>, vector<1x16xf32>,
          %swap3A_929 = vector.shape_cast %swap3A_928 : vector<1x16xf32> to vector<16xf32>
          %swap3A_930 = vector.shape_cast %mul3A_925 : vector<16xf32> to vector<1x16xf32>
          tpu.vector_store %arg10[%swap3A_926, %swap3A_927], %swap3A_930 {strides = array<i32>} : memref<128x128xf32, #tpu.memory_space<vmem>>, vector<1x16xf32>,
          %get3A_931 = arith.index_cast %add3A_900 : i32 to index
          %get3A_932 = arith.constant 48 : index
          %get3A_933 = tpu.vector_load %arg10[%get3A_931, %get3A_932] {strides = array<i32>} : memref<128x128xf32, #tpu.memory_space<vmem>>, vector<1x16xf32>,
          %get3A_934 = vector.shape_cast %get3A_933 : vector<1x16xf32> to vector<16xf32>
          %mul3A_935 = arith.mulf %get3A_934, %gather3A_896 : vector<16xf32>
          %swap3A_936 = arith.index_cast %add3A_900 : i32 to index
          %swap3A_937 = arith.constant 48 : index
          %swap3A_938 = tpu.vector_load %arg10[%swap3A_936, %swap3A_937] {strides = array<i32>} : memref<128x128xf32, #tpu.memory_space<vmem>>, vector<1x16xf32>,
          %swap3A_939 = vector.shape_cast %swap3A_938 : vector<1x16xf32> to vector<16xf32>
          %swap3A_940 = vector.shape_cast %mul3A_935 : vector<16xf32> to vector<1x16xf32>
          tpu.vector_store %arg10[%swap3A_936, %swap3A_937], %swap3A_940 {strides = array<i32>} : memref<128x128xf32, #tpu.memory_space<vmem>>, vector<1x16xf32>,
          %get3A_941 = arith.index_cast %add3A_900 : i32 to index
          %get3A_942 = arith.constant 64 : index
          %get3A_943 = tpu.vector_load %arg10[%get3A_941, %get3A_942] {strides = array<i32>} : memref<128x128xf32, #tpu.memory_space<vmem>>, vector<1x16xf32>,
          %get3A_944 = vector.shape_cast %get3A_943 : vector<1x16xf32> to vector<16xf32>
          %mul3A_945 = arith.mulf %get3A_944, %gather3A_896 : vector<16xf32>
          %swap3A_946 = arith.index_cast %add3A_900 : i32 to index
          %swap3A_947 = arith.constant 64 : index
          %swap3A_948 = tpu.vector_load %arg10[%swap3A_946, %swap3A_947] {strides = array<i32>} : memref<128x128xf32, #tpu.memory_space<vmem>>, vector<1x16xf32>,
          %swap3A_949 = vector.shape_cast %swap3A_948 : vector<1x16xf32> to vector<16xf32>
          %swap3A_950 = vector.shape_cast %mul3A_945 : vector<16xf32> to vector<1x16xf32>
          tpu.vector_store %arg10[%swap3A_946, %swap3A_947], %swap3A_950 {strides = array<i32>} : memref<128x128xf32, #tpu.memory_space<vmem>>, vector<1x16xf32>,
          %get3A_951 = arith.index_cast %add3A_900 : i32 to index
          %get3A_952 = arith.constant 80 : index
          %get3A_953 = tpu.vector_load %arg10[%get3A_951, %get3A_952] {strides = array<i32>} : memref<128x128xf32, #tpu.memory_space<vmem>>, vector<1x16xf32>,
          %get3A_954 = vector.shape_cast %get3A_953 : vector<1x16xf32> to vector<16xf32>
          %mul3A_955 = arith.mulf %get3A_954, %gather3A_896 : vector<16xf32>
          %swap3A_956 = arith.index_cast %add3A_900 : i32 to index
          %swap3A_957 = arith.constant 80 : index
          %swap3A_958 = tpu.vector_load %arg10[%swap3A_956, %swap3A_957] {strides = array<i32>} : memref<128x128xf32, #tpu.memory_space<vmem>>, vector<1x16xf32>,
          %swap3A_959 = vector.shape_cast %swap3A_958 : vector<1x16xf32> to vector<16xf32>
          %swap3A_960 = vector.shape_cast %mul3A_955 : vector<16xf32> to vector<1x16xf32>
          tpu.vector_store %arg10[%swap3A_956, %swap3A_957], %swap3A_960 {strides = array<i32>} : memref<128x128xf32, #tpu.memory_space<vmem>>, vector<1x16xf32>,
          %get3A_961 = arith.index_cast %add3A_900 : i32 to index
          %get3A_962 = arith.constant 96 : index
          %get3A_963 = tpu.vector_load %arg10[%get3A_961, %get3A_962] {strides = array<i32>} : memref<128x128xf32, #tpu.memory_space<vmem>>, vector<1x16xf32>,
          %get3A_964 = vector.shape_cast %get3A_963 : vector<1x16xf32> to vector<16xf32>
          %mul3A_965 = arith.mulf %get3A_964, %gather3A_896 : vector<16xf32>
          %swap3A_966 = arith.index_cast %add3A_900 : i32 to index
          %swap3A_967 = arith.constant 96 : index
          %swap3A_968 = tpu.vector_load %arg10[%swap3A_966, %swap3A_967] {strides = array<i32>} : memref<128x128xf32, #tpu.memory_space<vmem>>, vector<1x16xf32>,
          %swap3A_969 = vector.shape_cast %swap3A_968 : vector<1x16xf32> to vector<16xf32>
          %swap3A_970 = vector.shape_cast %mul3A_965 : vector<16xf32> to vector<1x16xf32>
          tpu.vector_store %arg10[%swap3A_966, %swap3A_967], %swap3A_970 {strides = array<i32>} : memref<128x128xf32, #tpu.memory_space<vmem>>, vector<1x16xf32>,
          %get3A_971 = arith.index_cast %add3A_900 : i32 to index
          %get3A_972 = arith.constant 112 : index
          %get3A_973 = tpu.vector_load %arg10[%get3A_971, %get3A_972] {strides = array<i32>} : memref<128x128xf32, #tpu.memory_space<vmem>>, vector<1x16xf32>,
          %get3A_974 = vector.shape_cast %get3A_973 : vector<1x16xf32> to vector<16xf32>
          %mul3A_975 = arith.mulf %get3A_974, %gather3A_896 : vector<16xf32>
          %swap3A_976 = arith.index_cast %add3A_900 : i32 to index
          %swap3A_977 = arith.constant 112 : index
          %swap3A_978 = tpu.vector_load %arg10[%swap3A_976, %swap3A_977] {strides = array<i32>} : memref<128x128xf32, #tpu.memory_space<vmem>>, vector<1x16xf32>,
          %swap3A_979 = vector.shape_cast %swap3A_978 : vector<1x16xf32> to vector<16xf32>
          %swap3A_980 = vector.shape_cast %mul3A_975 : vector<16xf32> to vector<1x16xf32>
          tpu.vector_store %arg10[%swap3A_976, %swap3A_977], %swap3A_980 {strides = array<i32>} : memref<128x128xf32, #tpu.memory_space<vmem>>, vector<1x16xf32>,
          %broadcast_in_dim3A_981 = arith.constant 8 : i32
          %broadcast_in_dim3A_982 = vector.broadcast %broadcast_in_dim3A_981 : i32 to vector<16x1xi32>
          %gather3A_983 = vector.shape_cast %broadcast_in_dim3A_982 : vector<16x1xi32> to vector<16xi32>
          %gather3A_984 = tpu.dynamic_gather %get3A_279[%gather3A_983] in [0] : vector<16xf32>, vector<16xi32> -> vector<16xf32>
          %mul3A_985 = arith.constant 16 : i32
          %mul3A_986 = arith.muli %scan3A_273, %mul3A_985 : i32
          %add3A_987 = arith.constant 8 : i32
          %add3A_988 = arith.addi %mul3A_986, %add3A_987 : i32
          %get3A_989 = arith.index_cast %add3A_988 : i32 to index
          %get3A_990 = arith.constant 0 : index
          %get3A_991 = tpu.vector_load %arg10[%get3A_989, %get3A_990] {strides = array<i32>} : memref<128x128xf32, #tpu.memory_space<vmem>>, vector<1x16xf32>,
          %get3A_992 = vector.shape_cast %get3A_991 : vector<1x16xf32> to vector<16xf32>
          %mul3A_993 = arith.mulf %get3A_992, %gather3A_984 : vector<16xf32>
          %swap3A_994 = arith.index_cast %add3A_988 : i32 to index
          %swap3A_995 = arith.constant 0 : index
          %swap3A_996 = tpu.vector_load %arg10[%swap3A_994, %swap3A_995] {strides = array<i32>} : memref<128x128xf32, #tpu.memory_space<vmem>>, vector<1x16xf32>,
          %swap3A_997 = vector.shape_cast %swap3A_996 : vector<1x16xf32> to vector<16xf32>
          %swap3A_998 = vector.shape_cast %mul3A_993 : vector<16xf32> to vector<1x16xf32>
          tpu.vector_store %arg10[%swap3A_994, %swap3A_995], %swap3A_998 {strides = array<i32>} : memref<128x128xf32, #tpu.memory_space<vmem>>, vector<1x16xf32>,
          %get3A_999 = arith.index_cast %add3A_988 : i32 to index
          %get3A_1000 = arith.constant 16 : index
          %get3A_1001 = tpu.vector_load %arg10[%get3A_999, %get3A_1000] {strides = array<i32>} : memref<128x128xf32, #tpu.memory_space<vmem>>, vector<1x16xf32>,
          %get3A_1002 = vector.shape_cast %get3A_1001 : vector<1x16xf32> to vector<16xf32>
          %mul3A_1003 = arith.mulf %get3A_1002, %gather3A_984 : vector<16xf32>
          %swap3A_1004 = arith.index_cast %add3A_988 : i32 to index
          %swap3A_1005 = arith.constant 16 : index
          %swap3A_1006 = tpu.vector_load %arg10[%swap3A_1004, %swap3A_1005] {strides = array<i32>} : memref<128x128xf32, #tpu.memory_space<vmem>>, vector<1x16xf32>,
          %swap3A_1007 = vector.shape_cast %swap3A_1006 : vector<1x16xf32> to vector<16xf32>
          %swap3A_1008 = vector.shape_cast %mul3A_1003 : vector<16xf32> to vector<1x16xf32>
          tpu.vector_store %arg10[%swap3A_1004, %swap3A_1005], %swap3A_1008 {strides = array<i32>} : memref<128x128xf32, #tpu.memory_space<vmem>>, vector<1x16xf32>,
          %get3A_1009 = arith.index_cast %add3A_988 : i32 to index
          %get3A_1010 = arith.constant 32 : index
          %get3A_1011 = tpu.vector_load %arg10[%get3A_1009, %get3A_1010] {strides = array<i32>} : memref<128x128xf32, #tpu.memory_space<vmem>>, vector<1x16xf32>,
          %get3A_1012 = vector.shape_cast %get3A_1011 : vector<1x16xf32> to vector<16xf32>
          %mul3A_1013 = arith.mulf %get3A_1012, %gather3A_984 : vector<16xf32>
          %swap3A_1014 = arith.index_cast %add3A_988 : i32 to index
          %swap3A_1015 = arith.constant 32 : index
          %swap3A_1016 = tpu.vector_load %arg10[%swap3A_1014, %swap3A_1015] {strides = array<i32>} : memref<128x128xf32, #tpu.memory_space<vmem>>, vector<1x16xf32>,
          %swap3A_1017 = vector.shape_cast %swap3A_1016 : vector<1x16xf32> to vector<16xf32>
          %swap3A_1018 = vector.shape_cast %mul3A_1013 : vector<16xf32> to vector<1x16xf32>
          tpu.vector_store %arg10[%swap3A_1014, %swap3A_1015], %swap3A_1018 {strides = array<i32>} : memref<128x128xf32, #tpu.memory_space<vmem>>, vector<1x16xf32>,
          %get3A_1019 = arith.index_cast %add3A_988 : i32 to index
          %get3A_1020 = arith.constant 48 : index
          %get3A_1021 = tpu.vector_load %arg10[%get3A_1019, %get3A_1020] {strides = array<i32>} : memref<128x128xf32, #tpu.memory_space<vmem>>, vector<1x16xf32>,
          %get3A_1022 = vector.shape_cast %get3A_1021 : vector<1x16xf32> to vector<16xf32>
          %mul3A_1023 = arith.mulf %get3A_1022, %gather3A_984 : vector<16xf32>
          %swap3A_1024 = arith.index_cast %add3A_988 : i32 to index
          %swap3A_1025 = arith.constant 48 : index
          %swap3A_1026 = tpu.vector_load %arg10[%swap3A_1024, %swap3A_1025] {strides = array<i32>} : memref<128x128xf32, #tpu.memory_space<vmem>>, vector<1x16xf32>,
          %swap3A_1027 = vector.shape_cast %swap3A_1026 : vector<1x16xf32> to vector<16xf32>
          %swap3A_1028 = vector.shape_cast %mul3A_1023 : vector<16xf32> to vector<1x16xf32>
          tpu.vector_store %arg10[%swap3A_1024, %swap3A_1025], %swap3A_1028 {strides = array<i32>} : memref<128x128xf32, #tpu.memory_space<vmem>>, vector<1x16xf32>,
          %get3A_1029 = arith.index_cast %add3A_988 : i32 to index
          %get3A_1030 = arith.constant 64 : index
          %get3A_1031 = tpu.vector_load %arg10[%get3A_1029, %get3A_1030] {strides = array<i32>} : memref<128x128xf32, #tpu.memory_space<vmem>>, vector<1x16xf32>,
          %get3A_1032 = vector.shape_cast %get3A_1031 : vector<1x16xf32> to vector<16xf32>
          %mul3A_1033 = arith.mulf %get3A_1032, %gather3A_984 : vector<16xf32>
          %swap3A_1034 = arith.index_cast %add3A_988 : i32 to index
          %swap3A_1035 = arith.constant 64 : index
          %swap3A_1036 = tpu.vector_load %arg10[%swap3A_1034, %swap3A_1035] {strides = array<i32>} : memref<128x128xf32, #tpu.memory_space<vmem>>, vector<1x16xf32>,
          %swap3A_1037 = vector.shape_cast %swap3A_1036 : vector<1x16xf32> to vector<16xf32>
          %swap3A_1038 = vector.shape_cast %mul3A_1033 : vector<16xf32> to vector<1x16xf32>
          tpu.vector_store %arg10[%swap3A_1034, %swap3A_1035], %swap3A_1038 {strides = array<i32>} : memref<128x128xf32, #tpu.memory_space<vmem>>, vector<1x16xf32>,
          %get3A_1039 = arith.index_cast %add3A_988 : i32 to index
          %get3A_1040 = arith.constant 80 : index
          %get3A_1041 = tpu.vector_load %arg10[%get3A_1039, %get3A_1040] {strides = array<i32>} : memref<128x128xf32, #tpu.memory_space<vmem>>, vector<1x16xf32>,
          %get3A_1042 = vector.shape_cast %get3A_1041 : vector<1x16xf32> to vector<16xf32>
          %mul3A_1043 = arith.mulf %get3A_1042, %gather3A_984 : vector<16xf32>
          %swap3A_1044 = arith.index_cast %add3A_988 : i32 to index
          %swap3A_1045 = arith.constant 80 : index
          %swap3A_1046 = tpu.vector_load %arg10[%swap3A_1044, %swap3A_1045] {strides = array<i32>} : memref<128x128xf32, #tpu.memory_space<vmem>>, vector<1x16xf32>,
          %swap3A_1047 = vector.shape_cast %swap3A_1046 : vector<1x16xf32> to vector<16xf32>
          %swap3A_1048 = vector.shape_cast %mul3A_1043 : vector<16xf32> to vector<1x16xf32>
          tpu.vector_store %arg10[%swap3A_1044, %swap3A_1045], %swap3A_1048 {strides = array<i32>} : memref<128x128xf32, #tpu.memory_space<vmem>>, vector<1x16xf32>,
          %get3A_1049 = arith.index_cast %add3A_988 : i32 to index
          %get3A_1050 = arith.constant 96 : index
          %get3A_1051 = tpu.vector_load %arg10[%get3A_1049, %get3A_1050] {strides = array<i32>} : memref<128x128xf32, #tpu.memory_space<vmem>>, vector<1x16xf32>,
          %get3A_1052 = vector.shape_cast %get3A_1051 : vector<1x16xf32> to vector<16xf32>
          %mul3A_1053 = arith.mulf %get3A_1052, %gather3A_984 : vector<16xf32>
          %swap3A_1054 = arith.index_cast %add3A_988 : i32 to index
          %swap3A_1055 = arith.constant 96 : index
          %swap3A_1056 = tpu.vector_load %arg10[%swap3A_1054, %swap3A_1055] {strides = array<i32>} : memref<128x128xf32, #tpu.memory_space<vmem>>, vector<1x16xf32>,
          %swap3A_1057 = vector.shape_cast %swap3A_1056 : vector<1x16xf32> to vector<16xf32>
          %swap3A_1058 = vector.shape_cast %mul3A_1053 : vector<16xf32> to vector<1x16xf32>
          tpu.vector_store %arg10[%swap3A_1054, %swap3A_1055], %swap3A_1058 {strides = array<i32>} : memref<128x128xf32, #tpu.memory_space<vmem>>, vector<1x16xf32>,
          %get3A_1059 = arith.index_cast %add3A_988 : i32 to index
          %get3A_1060 = arith.constant 112 : index
          %get3A_1061 = tpu.vector_load %arg10[%get3A_1059, %get3A_1060] {strides = array<i32>} : memref<128x128xf32, #tpu.memory_space<vmem>>, vector<1x16xf32>,
          %get3A_1062 = vector.shape_cast %get3A_1061 : vector<1x16xf32> to vector<16xf32>
          %mul3A_1063 = arith.mulf %get3A_1062, %gather3A_984 : vector<16xf32>
          %swap3A_1064 = arith.index_cast %add3A_988 : i32 to index
          %swap3A_1065 = arith.constant 112 : index
          %swap3A_1066 = tpu.vector_load %arg10[%swap3A_1064, %swap3A_1065] {strides = array<i32>} : memref<128x128xf32, #tpu.memory_space<vmem>>, vector<1x16xf32>,
          %swap3A_1067 = vector.shape_cast %swap3A_1066 : vector<1x16xf32> to vector<16xf32>
          %swap3A_1068 = vector.shape_cast %mul3A_1063 : vector<16xf32> to vector<1x16xf32>
          tpu.vector_store %arg10[%swap3A_1064, %swap3A_1065], %swap3A_1068 {strides = array<i32>} : memref<128x128xf32, #tpu.memory_space<vmem>>, vector<1x16xf32>,
          %broadcast_in_dim3A_1069 = arith.constant 9 : i32
          %broadcast_in_dim3A_1070 = vector.broadcast %broadcast_in_dim3A_1069 : i32 to vector<16x1xi32>
          %gather3A_1071 = vector.shape_cast %broadcast_in_dim3A_1070 : vector<16x1xi32> to vector<16xi32>
          %gather3A_1072 = tpu.dynamic_gather %get3A_279[%gather3A_1071] in [0] : vector<16xf32>, vector<16xi32> -> vector<16xf32>
          %mul3A_1073 = arith.constant 16 : i32
          %mul3A_1074 = arith.muli %scan3A_273, %mul3A_1073 : i32
          %add3A_1075 = arith.constant 9 : i32
          %add3A_1076 = arith.addi %mul3A_1074, %add3A_1075 : i32
          %get3A_1077 = arith.index_cast %add3A_1076 : i32 to index
          %get3A_1078 = arith.constant 0 : index
          %get3A_1079 = tpu.vector_load %arg10[%get3A_1077, %get3A_1078] {strides = array<i32>} : memref<128x128xf32, #tpu.memory_space<vmem>>, vector<1x16xf32>,
          %get3A_1080 = vector.shape_cast %get3A_1079 : vector<1x16xf32> to vector<16xf32>
          %mul3A_1081 = arith.mulf %get3A_1080, %gather3A_1072 : vector<16xf32>
          %swap3A_1082 = arith.index_cast %add3A_1076 : i32 to index
          %swap3A_1083 = arith.constant 0 : index
          %swap3A_1084 = tpu.vector_load %arg10[%swap3A_1082, %swap3A_1083] {strides = array<i32>} : memref<128x128xf32, #tpu.memory_space<vmem>>, vector<1x16xf32>,
          %swap3A_1085 = vector.shape_cast %swap3A_1084 : vector<1x16xf32> to vector<16xf32>
          %swap3A_1086 = vector.shape_cast %mul3A_1081 : vector<16xf32> to vector<1x16xf32>
          tpu.vector_store %arg10[%swap3A_1082, %swap3A_1083], %swap3A_1086 {strides = array<i32>} : memref<128x128xf32, #tpu.memory_space<vmem>>, vector<1x16xf32>,
          %get3A_1087 = arith.index_cast %add3A_1076 : i32 to index
          %get3A_1088 = arith.constant 16 : index
          %get3A_1089 = tpu.vector_load %arg10[%get3A_1087, %get3A_1088] {strides = array<i32>} : memref<128x128xf32, #tpu.memory_space<vmem>>, vector<1x16xf32>,
          %get3A_1090 = vector.shape_cast %get3A_1089 : vector<1x16xf32> to vector<16xf32>
          %mul3A_1091 = arith.mulf %get3A_1090, %gather3A_1072 : vector<16xf32>
          %swap3A_1092 = arith.index_cast %add3A_1076 : i32 to index
          %swap3A_1093 = arith.constant 16 : index
          %swap3A_1094 = tpu.vector_load %arg10[%swap3A_1092, %swap3A_1093] {strides = array<i32>} : memref<128x128xf32, #tpu.memory_space<vmem>>, vector<1x16xf32>,
          %swap3A_1095 = vector.shape_cast %swap3A_1094 : vector<1x16xf32> to vector<16xf32>
          %swap3A_1096 = vector.shape_cast %mul3A_1091 : vector<16xf32> to vector<1x16xf32>
          tpu.vector_store %arg10[%swap3A_1092, %swap3A_1093], %swap3A_1096 {strides = array<i32>} : memref<128x128xf32, #tpu.memory_space<vmem>>, vector<1x16xf32>,
          %get3A_1097 = arith.index_cast %add3A_1076 : i32 to index
          %get3A_1098 = arith.constant 32 : index
          %get3A_1099 = tpu.vector_load %arg10[%get3A_1097, %get3A_1098] {strides = array<i32>} : memref<128x128xf32, #tpu.memory_space<vmem>>, vector<1x16xf32>,
          %get3A_1100 = vector.shape_cast %get3A_1099 : vector<1x16xf32> to vector<16xf32>
          %mul3A_1101 = arith.mulf %get3A_1100, %gather3A_1072 : vector<16xf32>
          %swap3A_1102 = arith.index_cast %add3A_1076 : i32 to index
          %swap3A_1103 = arith.constant 32 : index
          %swap3A_1104 = tpu.vector_load %arg10[%swap3A_1102, %swap3A_1103] {strides = array<i32>} : memref<128x128xf32, #tpu.memory_space<vmem>>, vector<1x16xf32>,
          %swap3A_1105 = vector.shape_cast %swap3A_1104 : vector<1x16xf32> to vector<16xf32>
          %swap3A_1106 = vector.shape_cast %mul3A_1101 : vector<16xf32> to vector<1x16xf32>
          tpu.vector_store %arg10[%swap3A_1102, %swap3A_1103], %swap3A_1106 {strides = array<i32>} : memref<128x128xf32, #tpu.memory_space<vmem>>, vector<1x16xf32>,
          %get3A_1107 = arith.index_cast %add3A_1076 : i32 to index
          %get3A_1108 = arith.constant 48 : index
          %get3A_1109 = tpu.vector_load %arg10[%get3A_1107, %get3A_1108] {strides = array<i32>} : memref<128x128xf32, #tpu.memory_space<vmem>>, vector<1x16xf32>,
          %get3A_1110 = vector.shape_cast %get3A_1109 : vector<1x16xf32> to vector<16xf32>
          %mul3A_1111 = arith.mulf %get3A_1110, %gather3A_1072 : vector<16xf32>
          %swap3A_1112 = arith.index_cast %add3A_1076 : i32 to index
          %swap3A_1113 = arith.constant 48 : index
          %swap3A_1114 = tpu.vector_load %arg10[%swap3A_1112, %swap3A_1113] {strides = array<i32>} : memref<128x128xf32, #tpu.memory_space<vmem>>, vector<1x16xf32>,
          %swap3A_1115 = vector.shape_cast %swap3A_1114 : vector<1x16xf32> to vector<16xf32>
          %swap3A_1116 = vector.shape_cast %mul3A_1111 : vector<16xf32> to vector<1x16xf32>
          tpu.vector_store %arg10[%swap3A_1112, %swap3A_1113], %swap3A_1116 {strides = array<i32>} : memref<128x128xf32, #tpu.memory_space<vmem>>, vector<1x16xf32>,
          %get3A_1117 = arith.index_cast %add3A_1076 : i32 to index
          %get3A_1118 = arith.constant 64 : index
          %get3A_1119 = tpu.vector_load %arg10[%get3A_1117, %get3A_1118] {strides = array<i32>} : memref<128x128xf32, #tpu.memory_space<vmem>>, vector<1x16xf32>,
          %get3A_1120 = vector.shape_cast %get3A_1119 : vector<1x16xf32> to vector<16xf32>
          %mul3A_1121 = arith.mulf %get3A_1120, %gather3A_1072 : vector<16xf32>
          %swap3A_1122 = arith.index_cast %add3A_1076 : i32 to index
          %swap3A_1123 = arith.constant 64 : index
          %swap3A_1124 = tpu.vector_load %arg10[%swap3A_1122, %swap3A_1123] {strides = array<i32>} : memref<128x128xf32, #tpu.memory_space<vmem>>, vector<1x16xf32>,
          %swap3A_1125 = vector.shape_cast %swap3A_1124 : vector<1x16xf32> to vector<16xf32>
          %swap3A_1126 = vector.shape_cast %mul3A_1121 : vector<16xf32> to vector<1x16xf32>
          tpu.vector_store %arg10[%swap3A_1122, %swap3A_1123], %swap3A_1126 {strides = array<i32>} : memref<128x128xf32, #tpu.memory_space<vmem>>, vector<1x16xf32>,
          %get3A_1127 = arith.index_cast %add3A_1076 : i32 to index
          %get3A_1128 = arith.constant 80 : index
          %get3A_1129 = tpu.vector_load %arg10[%get3A_1127, %get3A_1128] {strides = array<i32>} : memref<128x128xf32, #tpu.memory_space<vmem>>, vector<1x16xf32>,
          %get3A_1130 = vector.shape_cast %get3A_1129 : vector<1x16xf32> to vector<16xf32>
          %mul3A_1131 = arith.mulf %get3A_1130, %gather3A_1072 : vector<16xf32>
          %swap3A_1132 = arith.index_cast %add3A_1076 : i32 to index
          %swap3A_1133 = arith.constant 80 : index
          %swap3A_1134 = tpu.vector_load %arg10[%swap3A_1132, %swap3A_1133] {strides = array<i32>} : memref<128x128xf32, #tpu.memory_space<vmem>>, vector<1x16xf32>,
          %swap3A_1135 = vector.shape_cast %swap3A_1134 : vector<1x16xf32> to vector<16xf32>
          %swap3A_1136 = vector.shape_cast %mul3A_1131 : vector<16xf32> to vector<1x16xf32>
          tpu.vector_store %arg10[%swap3A_1132, %swap3A_1133], %swap3A_1136 {strides = array<i32>} : memref<128x128xf32, #tpu.memory_space<vmem>>, vector<1x16xf32>,
          %get3A_1137 = arith.index_cast %add3A_1076 : i32 to index
          %get3A_1138 = arith.constant 96 : index
          %get3A_1139 = tpu.vector_load %arg10[%get3A_1137, %get3A_1138] {strides = array<i32>} : memref<128x128xf32, #tpu.memory_space<vmem>>, vector<1x16xf32>,
          %get3A_1140 = vector.shape_cast %get3A_1139 : vector<1x16xf32> to vector<16xf32>
          %mul3A_1141 = arith.mulf %get3A_1140, %gather3A_1072 : vector<16xf32>
          %swap3A_1142 = arith.index_cast %add3A_1076 : i32 to index
          %swap3A_1143 = arith.constant 96 : index
          %swap3A_1144 = tpu.vector_load %arg10[%swap3A_1142, %swap3A_1143] {strides = array<i32>} : memref<128x128xf32, #tpu.memory_space<vmem>>, vector<1x16xf32>,
          %swap3A_1145 = vector.shape_cast %swap3A_1144 : vector<1x16xf32> to vector<16xf32>
          %swap3A_1146 = vector.shape_cast %mul3A_1141 : vector<16xf32> to vector<1x16xf32>
          tpu.vector_store %arg10[%swap3A_1142, %swap3A_1143], %swap3A_1146 {strides = array<i32>} : memref<128x128xf32, #tpu.memory_space<vmem>>, vector<1x16xf32>,
          %get3A_1147 = arith.index_cast %add3A_1076 : i32 to index
          %get3A_1148 = arith.constant 112 : index
          %get3A_1149 = tpu.vector_load %arg10[%get3A_1147, %get3A_1148] {strides = array<i32>} : memref<128x128xf32, #tpu.memory_space<vmem>>, vector<1x16xf32>,
          %get3A_1150 = vector.shape_cast %get3A_1149 : vector<1x16xf32> to vector<16xf32>
          %mul3A_1151 = arith.mulf %get3A_1150, %gather3A_1072 : vector<16xf32>
          %swap3A_1152 = arith.index_cast %add3A_1076 : i32 to index
          %swap3A_1153 = arith.constant 112 : index
          %swap3A_1154 = tpu.vector_load %arg10[%swap3A_1152, %swap3A_1153] {strides = array<i32>} : memref<128x128xf32, #tpu.memory_space<vmem>>, vector<1x16xf32>,
          %swap3A_1155 = vector.shape_cast %swap3A_1154 : vector<1x16xf32> to vector<16xf32>
          %swap3A_1156 = vector.shape_cast %mul3A_1151 : vector<16xf32> to vector<1x16xf32>
          tpu.vector_store %arg10[%swap3A_1152, %swap3A_1153], %swap3A_1156 {strides = array<i32>} : memref<128x128xf32, #tpu.memory_space<vmem>>, vector<1x16xf32>,
          %broadcast_in_dim3A_1157 = arith.constant 10 : i32
          %broadcast_in_dim3A_1158 = vector.broadcast %broadcast_in_dim3A_1157 : i32 to vector<16x1xi32>
          %gather3A_1159 = vector.shape_cast %broadcast_in_dim3A_1158 : vector<16x1xi32> to vector<16xi32>
          %gather3A_1160 = tpu.dynamic_gather %get3A_279[%gather3A_1159] in [0] : vector<16xf32>, vector<16xi32> -> vector<16xf32>
          %mul3A_1161 = arith.constant 16 : i32
          %mul3A_1162 = arith.muli %scan3A_273, %mul3A_1161 : i32
          %add3A_1163 = arith.constant 10 : i32
          %add3A_1164 = arith.addi %mul3A_1162, %add3A_1163 : i32
          %get3A_1165 = arith.index_cast %add3A_1164 : i32 to index
          %get3A_1166 = arith.constant 0 : index
          %get3A_1167 = tpu.vector_load %arg10[%get3A_1165, %get3A_1166] {strides = array<i32>} : memref<128x128xf32, #tpu.memory_space<vmem>>, vector<1x16xf32>,
          %get3A_1168 = vector.shape_cast %get3A_1167 : vector<1x16xf32> to vector<16xf32>
          %mul3A_1169 = arith.mulf %get3A_1168, %gather3A_1160 : vector<16xf32>
          %swap3A_1170 = arith.index_cast %add3A_1164 : i32 to index
          %swap3A_1171 = arith.constant 0 : index
          %swap3A_1172 = tpu.vector_load %arg10[%swap3A_1170, %swap3A_1171] {strides = array<i32>} : memref<128x128xf32, #tpu.memory_space<vmem>>, vector<1x16xf32>,
          %swap3A_1173 = vector.shape_cast %swap3A_1172 : vector<1x16xf32> to vector<16xf32>
          %swap3A_1174 = vector.shape_cast %mul3A_1169 : vector<16xf32> to vector<1x16xf32>
          tpu.vector_store %arg10[%swap3A_1170, %swap3A_1171], %swap3A_1174 {strides = array<i32>} : memref<128x128xf32, #tpu.memory_space<vmem>>, vector<1x16xf32>,
          %get3A_1175 = arith.index_cast %add3A_1164 : i32 to index
          %get3A_1176 = arith.constant 16 : index
          %get3A_1177 = tpu.vector_load %arg10[%get3A_1175, %get3A_1176] {strides = array<i32>} : memref<128x128xf32, #tpu.memory_space<vmem>>, vector<1x16xf32>,
          %get3A_1178 = vector.shape_cast %get3A_1177 : vector<1x16xf32> to vector<16xf32>
          %mul3A_1179 = arith.mulf %get3A_1178, %gather3A_1160 : vector<16xf32>
          %swap3A_1180 = arith.index_cast %add3A_1164 : i32 to index
          %swap3A_1181 = arith.constant 16 : index
          %swap3A_1182 = tpu.vector_load %arg10[%swap3A_1180, %swap3A_1181] {strides = array<i32>} : memref<128x128xf32, #tpu.memory_space<vmem>>, vector<1x16xf32>,
          %swap3A_1183 = vector.shape_cast %swap3A_1182 : vector<1x16xf32> to vector<16xf32>
          %swap3A_1184 = vector.shape_cast %mul3A_1179 : vector<16xf32> to vector<1x16xf32>
          tpu.vector_store %arg10[%swap3A_1180, %swap3A_1181], %swap3A_1184 {strides = array<i32>} : memref<128x128xf32, #tpu.memory_space<vmem>>, vector<1x16xf32>,
          %get3A_1185 = arith.index_cast %add3A_1164 : i32 to index
          %get3A_1186 = arith.constant 32 : index
          %get3A_1187 = tpu.vector_load %arg10[%get3A_1185, %get3A_1186] {strides = array<i32>} : memref<128x128xf32, #tpu.memory_space<vmem>>, vector<1x16xf32>,
          %get3A_1188 = vector.shape_cast %get3A_1187 : vector<1x16xf32> to vector<16xf32>
          %mul3A_1189 = arith.mulf %get3A_1188, %gather3A_1160 : vector<16xf32>
          %swap3A_1190 = arith.index_cast %add3A_1164 : i32 to index
          %swap3A_1191 = arith.constant 32 : index
          %swap3A_1192 = tpu.vector_load %arg10[%swap3A_1190, %swap3A_1191] {strides = array<i32>} : memref<128x128xf32, #tpu.memory_space<vmem>>, vector<1x16xf32>,
          %swap3A_1193 = vector.shape_cast %swap3A_1192 : vector<1x16xf32> to vector<16xf32>
          %swap3A_1194 = vector.shape_cast %mul3A_1189 : vector<16xf32> to vector<1x16xf32>
          tpu.vector_store %arg10[%swap3A_1190, %swap3A_1191], %swap3A_1194 {strides = array<i32>} : memref<128x128xf32, #tpu.memory_space<vmem>>, vector<1x16xf32>,
          %get3A_1195 = arith.index_cast %add3A_1164 : i32 to index
          %get3A_1196 = arith.constant 48 : index
          %get3A_1197 = tpu.vector_load %arg10[%get3A_1195, %get3A_1196] {strides = array<i32>} : memref<128x128xf32, #tpu.memory_space<vmem>>, vector<1x16xf32>,
          %get3A_1198 = vector.shape_cast %get3A_1197 : vector<1x16xf32> to vector<16xf32>
          %mul3A_1199 = arith.mulf %get3A_1198, %gather3A_1160 : vector<16xf32>
          %swap3A_1200 = arith.index_cast %add3A_1164 : i32 to index
          %swap3A_1201 = arith.constant 48 : index
          %swap3A_1202 = tpu.vector_load %arg10[%swap3A_1200, %swap3A_1201] {strides = array<i32>} : memref<128x128xf32, #tpu.memory_space<vmem>>, vector<1x16xf32>,
          %swap3A_1203 = vector.shape_cast %swap3A_1202 : vector<1x16xf32> to vector<16xf32>
          %swap3A_1204 = vector.shape_cast %mul3A_1199 : vector<16xf32> to vector<1x16xf32>
          tpu.vector_store %arg10[%swap3A_1200, %swap3A_1201], %swap3A_1204 {strides = array<i32>} : memref<128x128xf32, #tpu.memory_space<vmem>>, vector<1x16xf32>,
          %get3A_1205 = arith.index_cast %add3A_1164 : i32 to index
          %get3A_1206 = arith.constant 64 : index
          %get3A_1207 = tpu.vector_load %arg10[%get3A_1205, %get3A_1206] {strides = array<i32>} : memref<128x128xf32, #tpu.memory_space<vmem>>, vector<1x16xf32>,
          %get3A_1208 = vector.shape_cast %get3A_1207 : vector<1x16xf32> to vector<16xf32>
          %mul3A_1209 = arith.mulf %get3A_1208, %gather3A_1160 : vector<16xf32>
          %swap3A_1210 = arith.index_cast %add3A_1164 : i32 to index
          %swap3A_1211 = arith.constant 64 : index
          %swap3A_1212 = tpu.vector_load %arg10[%swap3A_1210, %swap3A_1211] {strides = array<i32>} : memref<128x128xf32, #tpu.memory_space<vmem>>, vector<1x16xf32>,
          %swap3A_1213 = vector.shape_cast %swap3A_1212 : vector<1x16xf32> to vector<16xf32>
          %swap3A_1214 = vector.shape_cast %mul3A_1209 : vector<16xf32> to vector<1x16xf32>
          tpu.vector_store %arg10[%swap3A_1210, %swap3A_1211], %swap3A_1214 {strides = array<i32>} : memref<128x128xf32, #tpu.memory_space<vmem>>, vector<1x16xf32>,
          %get3A_1215 = arith.index_cast %add3A_1164 : i32 to index
          %get3A_1216 = arith.constant 80 : index
          %get3A_1217 = tpu.vector_load %arg10[%get3A_1215, %get3A_1216] {strides = array<i32>} : memref<128x128xf32, #tpu.memory_space<vmem>>, vector<1x16xf32>,
          %get3A_1218 = vector.shape_cast %get3A_1217 : vector<1x16xf32> to vector<16xf32>
          %mul3A_1219 = arith.mulf %get3A_1218, %gather3A_1160 : vector<16xf32>
          %swap3A_1220 = arith.index_cast %add3A_1164 : i32 to index
          %swap3A_1221 = arith.constant 80 : index
          %swap3A_1222 = tpu.vector_load %arg10[%swap3A_1220, %swap3A_1221] {strides = array<i32>} : memref<128x128xf32, #tpu.memory_space<vmem>>, vector<1x16xf32>,
          %swap3A_1223 = vector.shape_cast %swap3A_1222 : vector<1x16xf32> to vector<16xf32>
          %swap3A_1224 = vector.shape_cast %mul3A_1219 : vector<16xf32> to vector<1x16xf32>
          tpu.vector_store %arg10[%swap3A_1220, %swap3A_1221], %swap3A_1224 {strides = array<i32>} : memref<128x128xf32, #tpu.memory_space<vmem>>, vector<1x16xf32>,
          %get3A_1225 = arith.index_cast %add3A_1164 : i32 to index
          %get3A_1226 = arith.constant 96 : index
          %get3A_1227 = tpu.vector_load %arg10[%get3A_1225, %get3A_1226] {strides = array<i32>} : memref<128x128xf32, #tpu.memory_space<vmem>>, vector<1x16xf32>,
          %get3A_1228 = vector.shape_cast %get3A_1227 : vector<1x16xf32> to vector<16xf32>
          %mul3A_1229 = arith.mulf %get3A_1228, %gather3A_1160 : vector<16xf32>
          %swap3A_1230 = arith.index_cast %add3A_1164 : i32 to index
          %swap3A_1231 = arith.constant 96 : index
          %swap3A_1232 = tpu.vector_load %arg10[%swap3A_1230, %swap3A_1231] {strides = array<i32>} : memref<128x128xf32, #tpu.memory_space<vmem>>, vector<1x16xf32>,
          %swap3A_1233 = vector.shape_cast %swap3A_1232 : vector<1x16xf32> to vector<16xf32>
          %swap3A_1234 = vector.shape_cast %mul3A_1229 : vector<16xf32> to vector<1x16xf32>
          tpu.vector_store %arg10[%swap3A_1230, %swap3A_1231], %swap3A_1234 {strides = array<i32>} : memref<128x128xf32, #tpu.memory_space<vmem>>, vector<1x16xf32>,
          %get3A_1235 = arith.index_cast %add3A_1164 : i32 to index
          %get3A_1236 = arith.constant 112 : index
          %get3A_1237 = tpu.vector_load %arg10[%get3A_1235, %get3A_1236] {strides = array<i32>} : memref<128x128xf32, #tpu.memory_space<vmem>>, vector<1x16xf32>,
          %get3A_1238 = vector.shape_cast %get3A_1237 : vector<1x16xf32> to vector<16xf32>
          %mul3A_1239 = arith.mulf %get3A_1238, %gather3A_1160 : vector<16xf32>
          %swap3A_1240 = arith.index_cast %add3A_1164 : i32 to index
          %swap3A_1241 = arith.constant 112 : index
          %swap3A_1242 = tpu.vector_load %arg10[%swap3A_1240, %swap3A_1241] {strides = array<i32>} : memref<128x128xf32, #tpu.memory_space<vmem>>, vector<1x16xf32>,
          %swap3A_1243 = vector.shape_cast %swap3A_1242 : vector<1x16xf32> to vector<16xf32>
          %swap3A_1244 = vector.shape_cast %mul3A_1239 : vector<16xf32> to vector<1x16xf32>
          tpu.vector_store %arg10[%swap3A_1240, %swap3A_1241], %swap3A_1244 {strides = array<i32>} : memref<128x128xf32, #tpu.memory_space<vmem>>, vector<1x16xf32>,
          %broadcast_in_dim3A_1245 = arith.constant 11 : i32
          %broadcast_in_dim3A_1246 = vector.broadcast %broadcast_in_dim3A_1245 : i32 to vector<16x1xi32>
          %gather3A_1247 = vector.shape_cast %broadcast_in_dim3A_1246 : vector<16x1xi32> to vector<16xi32>
          %gather3A_1248 = tpu.dynamic_gather %get3A_279[%gather3A_1247] in [0] : vector<16xf32>, vector<16xi32> -> vector<16xf32>
          %mul3A_1249 = arith.constant 16 : i32
          %mul3A_1250 = arith.muli %scan3A_273, %mul3A_1249 : i32
          %add3A_1251 = arith.constant 11 : i32
          %add3A_1252 = arith.addi %mul3A_1250, %add3A_1251 : i32
          %get3A_1253 = arith.index_cast %add3A_1252 : i32 to index
          %get3A_1254 = arith.constant 0 : index
          %get3A_1255 = tpu.vector_load %arg10[%get3A_1253, %get3A_1254] {strides = array<i32>} : memref<128x128xf32, #tpu.memory_space<vmem>>, vector<1x16xf32>,
          %get3A_1256 = vector.shape_cast %get3A_1255 : vector<1x16xf32> to vector<16xf32>
          %mul3A_1257 = arith.mulf %get3A_1256, %gather3A_1248 : vector<16xf32>
          %swap3A_1258 = arith.index_cast %add3A_1252 : i32 to index
          %swap3A_1259 = arith.constant 0 : index
          %swap3A_1260 = tpu.vector_load %arg10[%swap3A_1258, %swap3A_1259] {strides = array<i32>} : memref<128x128xf32, #tpu.memory_space<vmem>>, vector<1x16xf32>,
          %swap3A_1261 = vector.shape_cast %swap3A_1260 : vector<1x16xf32> to vector<16xf32>
          %swap3A_1262 = vector.shape_cast %mul3A_1257 : vector<16xf32> to vector<1x16xf32>
          tpu.vector_store %arg10[%swap3A_1258, %swap3A_1259], %swap3A_1262 {strides = array<i32>} : memref<128x128xf32, #tpu.memory_space<vmem>>, vector<1x16xf32>,
          %get3A_1263 = arith.index_cast %add3A_1252 : i32 to index
          %get3A_1264 = arith.constant 16 : index
          %get3A_1265 = tpu.vector_load %arg10[%get3A_1263, %get3A_1264] {strides = array<i32>} : memref<128x128xf32, #tpu.memory_space<vmem>>, vector<1x16xf32>,
          %get3A_1266 = vector.shape_cast %get3A_1265 : vector<1x16xf32> to vector<16xf32>
          %mul3A_1267 = arith.mulf %get3A_1266, %gather3A_1248 : vector<16xf32>
          %swap3A_1268 = arith.index_cast %add3A_1252 : i32 to index
          %swap3A_1269 = arith.constant 16 : index
          %swap3A_1270 = tpu.vector_load %arg10[%swap3A_1268, %swap3A_1269] {strides = array<i32>} : memref<128x128xf32, #tpu.memory_space<vmem>>, vector<1x16xf32>,
          %swap3A_1271 = vector.shape_cast %swap3A_1270 : vector<1x16xf32> to vector<16xf32>
          %swap3A_1272 = vector.shape_cast %mul3A_1267 : vector<16xf32> to vector<1x16xf32>
          tpu.vector_store %arg10[%swap3A_1268, %swap3A_1269], %swap3A_1272 {strides = array<i32>} : memref<128x128xf32, #tpu.memory_space<vmem>>, vector<1x16xf32>,
          %get3A_1273 = arith.index_cast %add3A_1252 : i32 to index
          %get3A_1274 = arith.constant 32 : index
          %get3A_1275 = tpu.vector_load %arg10[%get3A_1273, %get3A_1274] {strides = array<i32>} : memref<128x128xf32, #tpu.memory_space<vmem>>, vector<1x16xf32>,
          %get3A_1276 = vector.shape_cast %get3A_1275 : vector<1x16xf32> to vector<16xf32>
          %mul3A_1277 = arith.mulf %get3A_1276, %gather3A_1248 : vector<16xf32>
          %swap3A_1278 = arith.index_cast %add3A_1252 : i32 to index
          %swap3A_1279 = arith.constant 32 : index
          %swap3A_1280 = tpu.vector_load %arg10[%swap3A_1278, %swap3A_1279] {strides = array<i32>} : memref<128x128xf32, #tpu.memory_space<vmem>>, vector<1x16xf32>,
          %swap3A_1281 = vector.shape_cast %swap3A_1280 : vector<1x16xf32> to vector<16xf32>
          %swap3A_1282 = vector.shape_cast %mul3A_1277 : vector<16xf32> to vector<1x16xf32>
          tpu.vector_store %arg10[%swap3A_1278, %swap3A_1279], %swap3A_1282 {strides = array<i32>} : memref<128x128xf32, #tpu.memory_space<vmem>>, vector<1x16xf32>,
          %get3A_1283 = arith.index_cast %add3A_1252 : i32 to index
          %get3A_1284 = arith.constant 48 : index
          %get3A_1285 = tpu.vector_load %arg10[%get3A_1283, %get3A_1284] {strides = array<i32>} : memref<128x128xf32, #tpu.memory_space<vmem>>, vector<1x16xf32>,
          %get3A_1286 = vector.shape_cast %get3A_1285 : vector<1x16xf32> to vector<16xf32>
          %mul3A_1287 = arith.mulf %get3A_1286, %gather3A_1248 : vector<16xf32>
          %swap3A_1288 = arith.index_cast %add3A_1252 : i32 to index
          %swap3A_1289 = arith.constant 48 : index
          %swap3A_1290 = tpu.vector_load %arg10[%swap3A_1288, %swap3A_1289] {strides = array<i32>} : memref<128x128xf32, #tpu.memory_space<vmem>>, vector<1x16xf32>,
          %swap3A_1291 = vector.shape_cast %swap3A_1290 : vector<1x16xf32> to vector<16xf32>
          %swap3A_1292 = vector.shape_cast %mul3A_1287 : vector<16xf32> to vector<1x16xf32>
          tpu.vector_store %arg10[%swap3A_1288, %swap3A_1289], %swap3A_1292 {strides = array<i32>} : memref<128x128xf32, #tpu.memory_space<vmem>>, vector<1x16xf32>,
          %get3A_1293 = arith.index_cast %add3A_1252 : i32 to index
          %get3A_1294 = arith.constant 64 : index
          %get3A_1295 = tpu.vector_load %arg10[%get3A_1293, %get3A_1294] {strides = array<i32>} : memref<128x128xf32, #tpu.memory_space<vmem>>, vector<1x16xf32>,
          %get3A_1296 = vector.shape_cast %get3A_1295 : vector<1x16xf32> to vector<16xf32>
          %mul3A_1297 = arith.mulf %get3A_1296, %gather3A_1248 : vector<16xf32>
          %swap3A_1298 = arith.index_cast %add3A_1252 : i32 to index
          %swap3A_1299 = arith.constant 64 : index
          %swap3A_1300 = tpu.vector_load %arg10[%swap3A_1298, %swap3A_1299] {strides = array<i32>} : memref<128x128xf32, #tpu.memory_space<vmem>>, vector<1x16xf32>,
          %swap3A_1301 = vector.shape_cast %swap3A_1300 : vector<1x16xf32> to vector<16xf32>
          %swap3A_1302 = vector.shape_cast %mul3A_1297 : vector<16xf32> to vector<1x16xf32>
          tpu.vector_store %arg10[%swap3A_1298, %swap3A_1299], %swap3A_1302 {strides = array<i32>} : memref<128x128xf32, #tpu.memory_space<vmem>>, vector<1x16xf32>,
          %get3A_1303 = arith.index_cast %add3A_1252 : i32 to index
          %get3A_1304 = arith.constant 80 : index
          %get3A_1305 = tpu.vector_load %arg10[%get3A_1303, %get3A_1304] {strides = array<i32>} : memref<128x128xf32, #tpu.memory_space<vmem>>, vector<1x16xf32>,
          %get3A_1306 = vector.shape_cast %get3A_1305 : vector<1x16xf32> to vector<16xf32>
          %mul3A_1307 = arith.mulf %get3A_1306, %gather3A_1248 : vector<16xf32>
          %swap3A_1308 = arith.index_cast %add3A_1252 : i32 to index
          %swap3A_1309 = arith.constant 80 : index
          %swap3A_1310 = tpu.vector_load %arg10[%swap3A_1308, %swap3A_1309] {strides = array<i32>} : memref<128x128xf32, #tpu.memory_space<vmem>>, vector<1x16xf32>,
          %swap3A_1311 = vector.shape_cast %swap3A_1310 : vector<1x16xf32> to vector<16xf32>
          %swap3A_1312 = vector.shape_cast %mul3A_1307 : vector<16xf32> to vector<1x16xf32>
          tpu.vector_store %arg10[%swap3A_1308, %swap3A_1309], %swap3A_1312 {strides = array<i32>} : memref<128x128xf32, #tpu.memory_space<vmem>>, vector<1x16xf32>,
          %get3A_1313 = arith.index_cast %add3A_1252 : i32 to index
          %get3A_1314 = arith.constant 96 : index
          %get3A_1315 = tpu.vector_load %arg10[%get3A_1313, %get3A_1314] {strides = array<i32>} : memref<128x128xf32, #tpu.memory_space<vmem>>, vector<1x16xf32>,
          %get3A_1316 = vector.shape_cast %get3A_1315 : vector<1x16xf32> to vector<16xf32>
          %mul3A_1317 = arith.mulf %get3A_1316, %gather3A_1248 : vector<16xf32>
          %swap3A_1318 = arith.index_cast %add3A_1252 : i32 to index
          %swap3A_1319 = arith.constant 96 : index
          %swap3A_1320 = tpu.vector_load %arg10[%swap3A_1318, %swap3A_1319] {strides = array<i32>} : memref<128x128xf32, #tpu.memory_space<vmem>>, vector<1x16xf32>,
          %swap3A_1321 = vector.shape_cast %swap3A_1320 : vector<1x16xf32> to vector<16xf32>
          %swap3A_1322 = vector.shape_cast %mul3A_1317 : vector<16xf32> to vector<1x16xf32>
          tpu.vector_store %arg10[%swap3A_1318, %swap3A_1319], %swap3A_1322 {strides = array<i32>} : memref<128x128xf32, #tpu.memory_space<vmem>>, vector<1x16xf32>,
          %get3A_1323 = arith.index_cast %add3A_1252 : i32 to index
          %get3A_1324 = arith.constant 112 : index
          %get3A_1325 = tpu.vector_load %arg10[%get3A_1323, %get3A_1324] {strides = array<i32>} : memref<128x128xf32, #tpu.memory_space<vmem>>, vector<1x16xf32>,
          %get3A_1326 = vector.shape_cast %get3A_1325 : vector<1x16xf32> to vector<16xf32>
          %mul3A_1327 = arith.mulf %get3A_1326, %gather3A_1248 : vector<16xf32>
          %swap3A_1328 = arith.index_cast %add3A_1252 : i32 to index
          %swap3A_1329 = arith.constant 112 : index
          %swap3A_1330 = tpu.vector_load %arg10[%swap3A_1328, %swap3A_1329] {strides = array<i32>} : memref<128x128xf32, #tpu.memory_space<vmem>>, vector<1x16xf32>,
          %swap3A_1331 = vector.shape_cast %swap3A_1330 : vector<1x16xf32> to vector<16xf32>
          %swap3A_1332 = vector.shape_cast %mul3A_1327 : vector<16xf32> to vector<1x16xf32>
          tpu.vector_store %arg10[%swap3A_1328, %swap3A_1329], %swap3A_1332 {strides = array<i32>} : memref<128x128xf32, #tpu.memory_space<vmem>>, vector<1x16xf32>,
          %broadcast_in_dim3A_1333 = arith.constant 12 : i32
          %broadcast_in_dim3A_1334 = vector.broadcast %broadcast_in_dim3A_1333 : i32 to vector<16x1xi32>
          %gather3A_1335 = vector.shape_cast %broadcast_in_dim3A_1334 : vector<16x1xi32> to vector<16xi32>
          %gather3A_1336 = tpu.dynamic_gather %get3A_279[%gather3A_1335] in [0] : vector<16xf32>, vector<16xi32> -> vector<16xf32>
          %mul3A_1337 = arith.constant 16 : i32
          %mul3A_1338 = arith.muli %scan3A_273, %mul3A_1337 : i32
          %add3A_1339 = arith.constant 12 : i32
          %add3A_1340 = arith.addi %mul3A_1338, %add3A_1339 : i32
          %get3A_1341 = arith.index_cast %add3A_1340 : i32 to index
          %get3A_1342 = arith.constant 0 : index
          %get3A_1343 = tpu.vector_load %arg10[%get3A_1341, %get3A_1342] {strides = array<i32>} : memref<128x128xf32, #tpu.memory_space<vmem>>, vector<1x16xf32>,
          %get3A_1344 = vector.shape_cast %get3A_1343 : vector<1x16xf32> to vector<16xf32>
          %mul3A_1345 = arith.mulf %get3A_1344, %gather3A_1336 : vector<16xf32>
          %swap3A_1346 = arith.index_cast %add3A_1340 : i32 to index
          %swap3A_1347 = arith.constant 0 : index
          %swap3A_1348 = tpu.vector_load %arg10[%swap3A_1346, %swap3A_1347] {strides = array<i32>} : memref<128x128xf32, #tpu.memory_space<vmem>>, vector<1x16xf32>,
          %swap3A_1349 = vector.shape_cast %swap3A_1348 : vector<1x16xf32> to vector<16xf32>
          %swap3A_1350 = vector.shape_cast %mul3A_1345 : vector<16xf32> to vector<1x16xf32>
          tpu.vector_store %arg10[%swap3A_1346, %swap3A_1347], %swap3A_1350 {strides = array<i32>} : memref<128x128xf32, #tpu.memory_space<vmem>>, vector<1x16xf32>,
          %get3A_1351 = arith.index_cast %add3A_1340 : i32 to index
          %get3A_1352 = arith.constant 16 : index
          %get3A_1353 = tpu.vector_load %arg10[%get3A_1351, %get3A_1352] {strides = array<i32>} : memref<128x128xf32, #tpu.memory_space<vmem>>, vector<1x16xf32>,
          %get3A_1354 = vector.shape_cast %get3A_1353 : vector<1x16xf32> to vector<16xf32>
          %mul3A_1355 = arith.mulf %get3A_1354, %gather3A_1336 : vector<16xf32>
          %swap3A_1356 = arith.index_cast %add3A_1340 : i32 to index
          %swap3A_1357 = arith.constant 16 : index
          %swap3A_1358 = tpu.vector_load %arg10[%swap3A_1356, %swap3A_1357] {strides = array<i32>} : memref<128x128xf32, #tpu.memory_space<vmem>>, vector<1x16xf32>,
          %swap3A_1359 = vector.shape_cast %swap3A_1358 : vector<1x16xf32> to vector<16xf32>
          %swap3A_1360 = vector.shape_cast %mul3A_1355 : vector<16xf32> to vector<1x16xf32>
          tpu.vector_store %arg10[%swap3A_1356, %swap3A_1357], %swap3A_1360 {strides = array<i32>} : memref<128x128xf32, #tpu.memory_space<vmem>>, vector<1x16xf32>,
          %get3A_1361 = arith.index_cast %add3A_1340 : i32 to index
          %get3A_1362 = arith.constant 32 : index
          %get3A_1363 = tpu.vector_load %arg10[%get3A_1361, %get3A_1362] {strides = array<i32>} : memref<128x128xf32, #tpu.memory_space<vmem>>, vector<1x16xf32>,
          %get3A_1364 = vector.shape_cast %get3A_1363 : vector<1x16xf32> to vector<16xf32>
          %mul3A_1365 = arith.mulf %get3A_1364, %gather3A_1336 : vector<16xf32>
          %swap3A_1366 = arith.index_cast %add3A_1340 : i32 to index
          %swap3A_1367 = arith.constant 32 : index
          %swap3A_1368 = tpu.vector_load %arg10[%swap3A_1366, %swap3A_1367] {strides = array<i32>} : memref<128x128xf32, #tpu.memory_space<vmem>>, vector<1x16xf32>,
          %swap3A_1369 = vector.shape_cast %swap3A_1368 : vector<1x16xf32> to vector<16xf32>
          %swap3A_1370 = vector.shape_cast %mul3A_1365 : vector<16xf32> to vector<1x16xf32>
          tpu.vector_store %arg10[%swap3A_1366, %swap3A_1367], %swap3A_1370 {strides = array<i32>} : memref<128x128xf32, #tpu.memory_space<vmem>>, vector<1x16xf32>,
          %get3A_1371 = arith.index_cast %add3A_1340 : i32 to index
          %get3A_1372 = arith.constant 48 : index
          %get3A_1373 = tpu.vector_load %arg10[%get3A_1371, %get3A_1372] {strides = array<i32>} : memref<128x128xf32, #tpu.memory_space<vmem>>, vector<1x16xf32>,
          %get3A_1374 = vector.shape_cast %get3A_1373 : vector<1x16xf32> to vector<16xf32>
          %mul3A_1375 = arith.mulf %get3A_1374, %gather3A_1336 : vector<16xf32>
          %swap3A_1376 = arith.index_cast %add3A_1340 : i32 to index
          %swap3A_1377 = arith.constant 48 : index
          %swap3A_1378 = tpu.vector_load %arg10[%swap3A_1376, %swap3A_1377] {strides = array<i32>} : memref<128x128xf32, #tpu.memory_space<vmem>>, vector<1x16xf32>,
          %swap3A_1379 = vector.shape_cast %swap3A_1378 : vector<1x16xf32> to vector<16xf32>
          %swap3A_1380 = vector.shape_cast %mul3A_1375 : vector<16xf32> to vector<1x16xf32>
          tpu.vector_store %arg10[%swap3A_1376, %swap3A_1377], %swap3A_1380 {strides = array<i32>} : memref<128x128xf32, #tpu.memory_space<vmem>>, vector<1x16xf32>,
          %get3A_1381 = arith.index_cast %add3A_1340 : i32 to index
          %get3A_1382 = arith.constant 64 : index
          %get3A_1383 = tpu.vector_load %arg10[%get3A_1381, %get3A_1382] {strides = array<i32>} : memref<128x128xf32, #tpu.memory_space<vmem>>, vector<1x16xf32>,
          %get3A_1384 = vector.shape_cast %get3A_1383 : vector<1x16xf32> to vector<16xf32>
          %mul3A_1385 = arith.mulf %get3A_1384, %gather3A_1336 : vector<16xf32>
          %swap3A_1386 = arith.index_cast %add3A_1340 : i32 to index
          %swap3A_1387 = arith.constant 64 : index
          %swap3A_1388 = tpu.vector_load %arg10[%swap3A_1386, %swap3A_1387] {strides = array<i32>} : memref<128x128xf32, #tpu.memory_space<vmem>>, vector<1x16xf32>,
          %swap3A_1389 = vector.shape_cast %swap3A_1388 : vector<1x16xf32> to vector<16xf32>
          %swap3A_1390 = vector.shape_cast %mul3A_1385 : vector<16xf32> to vector<1x16xf32>
          tpu.vector_store %arg10[%swap3A_1386, %swap3A_1387], %swap3A_1390 {strides = array<i32>} : memref<128x128xf32, #tpu.memory_space<vmem>>, vector<1x16xf32>,
          %get3A_1391 = arith.index_cast %add3A_1340 : i32 to index
          %get3A_1392 = arith.constant 80 : index
          %get3A_1393 = tpu.vector_load %arg10[%get3A_1391, %get3A_1392] {strides = array<i32>} : memref<128x128xf32, #tpu.memory_space<vmem>>, vector<1x16xf32>,
          %get3A_1394 = vector.shape_cast %get3A_1393 : vector<1x16xf32> to vector<16xf32>
          %mul3A_1395 = arith.mulf %get3A_1394, %gather3A_1336 : vector<16xf32>
          %swap3A_1396 = arith.index_cast %add3A_1340 : i32 to index
          %swap3A_1397 = arith.constant 80 : index
          %swap3A_1398 = tpu.vector_load %arg10[%swap3A_1396, %swap3A_1397] {strides = array<i32>} : memref<128x128xf32, #tpu.memory_space<vmem>>, vector<1x16xf32>,
          %swap3A_1399 = vector.shape_cast %swap3A_1398 : vector<1x16xf32> to vector<16xf32>
          %swap3A_1400 = vector.shape_cast %mul3A_1395 : vector<16xf32> to vector<1x16xf32>
          tpu.vector_store %arg10[%swap3A_1396, %swap3A_1397], %swap3A_1400 {strides = array<i32>} : memref<128x128xf32, #tpu.memory_space<vmem>>, vector<1x16xf32>,
          %get3A_1401 = arith.index_cast %add3A_1340 : i32 to index
          %get3A_1402 = arith.constant 96 : index
          %get3A_1403 = tpu.vector_load %arg10[%get3A_1401, %get3A_1402] {strides = array<i32>} : memref<128x128xf32, #tpu.memory_space<vmem>>, vector<1x16xf32>,
          %get3A_1404 = vector.shape_cast %get3A_1403 : vector<1x16xf32> to vector<16xf32>
          %mul3A_1405 = arith.mulf %get3A_1404, %gather3A_1336 : vector<16xf32>
          %swap3A_1406 = arith.index_cast %add3A_1340 : i32 to index
          %swap3A_1407 = arith.constant 96 : index
          %swap3A_1408 = tpu.vector_load %arg10[%swap3A_1406, %swap3A_1407] {strides = array<i32>} : memref<128x128xf32, #tpu.memory_space<vmem>>, vector<1x16xf32>,
          %swap3A_1409 = vector.shape_cast %swap3A_1408 : vector<1x16xf32> to vector<16xf32>
          %swap3A_1410 = vector.shape_cast %mul3A_1405 : vector<16xf32> to vector<1x16xf32>
          tpu.vector_store %arg10[%swap3A_1406, %swap3A_1407], %swap3A_1410 {strides = array<i32>} : memref<128x128xf32, #tpu.memory_space<vmem>>, vector<1x16xf32>,
          %get3A_1411 = arith.index_cast %add3A_1340 : i32 to index
          %get3A_1412 = arith.constant 112 : index
          %get3A_1413 = tpu.vector_load %arg10[%get3A_1411, %get3A_1412] {strides = array<i32>} : memref<128x128xf32, #tpu.memory_space<vmem>>, vector<1x16xf32>,
          %get3A_1414 = vector.shape_cast %get3A_1413 : vector<1x16xf32> to vector<16xf32>
          %mul3A_1415 = arith.mulf %get3A_1414, %gather3A_1336 : vector<16xf32>
          %swap3A_1416 = arith.index_cast %add3A_1340 : i32 to index
          %swap3A_1417 = arith.constant 112 : index
          %swap3A_1418 = tpu.vector_load %arg10[%swap3A_1416, %swap3A_1417] {strides = array<i32>} : memref<128x128xf32, #tpu.memory_space<vmem>>, vector<1x16xf32>,
          %swap3A_1419 = vector.shape_cast %swap3A_1418 : vector<1x16xf32> to vector<16xf32>
          %swap3A_1420 = vector.shape_cast %mul3A_1415 : vector<16xf32> to vector<1x16xf32>
          tpu.vector_store %arg10[%swap3A_1416, %swap3A_1417], %swap3A_1420 {strides = array<i32>} : memref<128x128xf32, #tpu.memory_space<vmem>>, vector<1x16xf32>,
          %broadcast_in_dim3A_1421 = arith.constant 13 : i32
          %broadcast_in_dim3A_1422 = vector.broadcast %broadcast_in_dim3A_1421 : i32 to vector<16x1xi32>
          %gather3A_1423 = vector.shape_cast %broadcast_in_dim3A_1422 : vector<16x1xi32> to vector<16xi32>
          %gather3A_1424 = tpu.dynamic_gather %get3A_279[%gather3A_1423] in [0] : vector<16xf32>, vector<16xi32> -> vector<16xf32>
          %mul3A_1425 = arith.constant 16 : i32
          %mul3A_1426 = arith.muli %scan3A_273, %mul3A_1425 : i32
          %add3A_1427 = arith.constant 13 : i32
          %add3A_1428 = arith.addi %mul3A_1426, %add3A_1427 : i32
          %get3A_1429 = arith.index_cast %add3A_1428 : i32 to index
          %get3A_1430 = arith.constant 0 : index
          %get3A_1431 = tpu.vector_load %arg10[%get3A_1429, %get3A_1430] {strides = array<i32>} : memref<128x128xf32, #tpu.memory_space<vmem>>, vector<1x16xf32>,
          %get3A_1432 = vector.shape_cast %get3A_1431 : vector<1x16xf32> to vector<16xf32>
          %mul3A_1433 = arith.mulf %get3A_1432, %gather3A_1424 : vector<16xf32>
          %swap3A_1434 = arith.index_cast %add3A_1428 : i32 to index
          %swap3A_1435 = arith.constant 0 : index
          %swap3A_1436 = tpu.vector_load %arg10[%swap3A_1434, %swap3A_1435] {strides = array<i32>} : memref<128x128xf32, #tpu.memory_space<vmem>>, vector<1x16xf32>,
          %swap3A_1437 = vector.shape_cast %swap3A_1436 : vector<1x16xf32> to vector<16xf32>
          %swap3A_1438 = vector.shape_cast %mul3A_1433 : vector<16xf32> to vector<1x16xf32>
          tpu.vector_store %arg10[%swap3A_1434, %swap3A_1435], %swap3A_1438 {strides = array<i32>} : memref<128x128xf32, #tpu.memory_space<vmem>>, vector<1x16xf32>,
          %get3A_1439 = arith.index_cast %add3A_1428 : i32 to index
          %get3A_1440 = arith.constant 16 : index
          %get3A_1441 = tpu.vector_load %arg10[%get3A_1439, %get3A_1440] {strides = array<i32>} : memref<128x128xf32, #tpu.memory_space<vmem>>, vector<1x16xf32>,
          %get3A_1442 = vector.shape_cast %get3A_1441 : vector<1x16xf32> to vector<16xf32>
          %mul3A_1443 = arith.mulf %get3A_1442, %gather3A_1424 : vector<16xf32>
          %swap3A_1444 = arith.index_cast %add3A_1428 : i32 to index
          %swap3A_1445 = arith.constant 16 : index
          %swap3A_1446 = tpu.vector_load %arg10[%swap3A_1444, %swap3A_1445] {strides = array<i32>} : memref<128x128xf32, #tpu.memory_space<vmem>>, vector<1x16xf32>,
          %swap3A_1447 = vector.shape_cast %swap3A_1446 : vector<1x16xf32> to vector<16xf32>
          %swap3A_1448 = vector.shape_cast %mul3A_1443 : vector<16xf32> to vector<1x16xf32>
          tpu.vector_store %arg10[%swap3A_1444, %swap3A_1445], %swap3A_1448 {strides = array<i32>} : memref<128x128xf32, #tpu.memory_space<vmem>>, vector<1x16xf32>,
          %get3A_1449 = arith.index_cast %add3A_1428 : i32 to index
          %get3A_1450 = arith.constant 32 : index
          %get3A_1451 = tpu.vector_load %arg10[%get3A_1449, %get3A_1450] {strides = array<i32>} : memref<128x128xf32, #tpu.memory_space<vmem>>, vector<1x16xf32>,
          %get3A_1452 = vector.shape_cast %get3A_1451 : vector<1x16xf32> to vector<16xf32>
          %mul3A_1453 = arith.mulf %get3A_1452, %gather3A_1424 : vector<16xf32>
          %swap3A_1454 = arith.index_cast %add3A_1428 : i32 to index
          %swap3A_1455 = arith.constant 32 : index
          %swap3A_1456 = tpu.vector_load %arg10[%swap3A_1454, %swap3A_1455] {strides = array<i32>} : memref<128x128xf32, #tpu.memory_space<vmem>>, vector<1x16xf32>,
          %swap3A_1457 = vector.shape_cast %swap3A_1456 : vector<1x16xf32> to vector<16xf32>
          %swap3A_1458 = vector.shape_cast %mul3A_1453 : vector<16xf32> to vector<1x16xf32>
          tpu.vector_store %arg10[%swap3A_1454, %swap3A_1455], %swap3A_1458 {strides = array<i32>} : memref<128x128xf32, #tpu.memory_space<vmem>>, vector<1x16xf32>,
          %get3A_1459 = arith.index_cast %add3A_1428 : i32 to index
          %get3A_1460 = arith.constant 48 : index
          %get3A_1461 = tpu.vector_load %arg10[%get3A_1459, %get3A_1460] {strides = array<i32>} : memref<128x128xf32, #tpu.memory_space<vmem>>, vector<1x16xf32>,
          %get3A_1462 = vector.shape_cast %get3A_1461 : vector<1x16xf32> to vector<16xf32>
          %mul3A_1463 = arith.mulf %get3A_1462, %gather3A_1424 : vector<16xf32>
          %swap3A_1464 = arith.index_cast %add3A_1428 : i32 to index
          %swap3A_1465 = arith.constant 48 : index
          %swap3A_1466 = tpu.vector_load %arg10[%swap3A_1464, %swap3A_1465] {strides = array<i32>} : memref<128x128xf32, #tpu.memory_space<vmem>>, vector<1x16xf32>,
          %swap3A_1467 = vector.shape_cast %swap3A_1466 : vector<1x16xf32> to vector<16xf32>
          %swap3A_1468 = vector.shape_cast %mul3A_1463 : vector<16xf32> to vector<1x16xf32>
          tpu.vector_store %arg10[%swap3A_1464, %swap3A_1465], %swap3A_1468 {strides = array<i32>} : memref<128x128xf32, #tpu.memory_space<vmem>>, vector<1x16xf32>,
          %get3A_1469 = arith.index_cast %add3A_1428 : i32 to index
          %get3A_1470 = arith.constant 64 : index
          %get3A_1471 = tpu.vector_load %arg10[%get3A_1469, %get3A_1470] {strides = array<i32>} : memref<128x128xf32, #tpu.memory_space<vmem>>, vector<1x16xf32>,
          %get3A_1472 = vector.shape_cast %get3A_1471 : vector<1x16xf32> to vector<16xf32>
          %mul3A_1473 = arith.mulf %get3A_1472, %gather3A_1424 : vector<16xf32>
          %swap3A_1474 = arith.index_cast %add3A_1428 : i32 to index
          %swap3A_1475 = arith.constant 64 : index
          %swap3A_1476 = tpu.vector_load %arg10[%swap3A_1474, %swap3A_1475] {strides = array<i32>} : memref<128x128xf32, #tpu.memory_space<vmem>>, vector<1x16xf32>,
          %swap3A_1477 = vector.shape_cast %swap3A_1476 : vector<1x16xf32> to vector<16xf32>
          %swap3A_1478 = vector.shape_cast %mul3A_1473 : vector<16xf32> to vector<1x16xf32>
          tpu.vector_store %arg10[%swap3A_1474, %swap3A_1475], %swap3A_1478 {strides = array<i32>} : memref<128x128xf32, #tpu.memory_space<vmem>>, vector<1x16xf32>,
          %get3A_1479 = arith.index_cast %add3A_1428 : i32 to index
          %get3A_1480 = arith.constant 80 : index
          %get3A_1481 = tpu.vector_load %arg10[%get3A_1479, %get3A_1480] {strides = array<i32>} : memref<128x128xf32, #tpu.memory_space<vmem>>, vector<1x16xf32>,
          %get3A_1482 = vector.shape_cast %get3A_1481 : vector<1x16xf32> to vector<16xf32>
          %mul3A_1483 = arith.mulf %get3A_1482, %gather3A_1424 : vector<16xf32>
          %swap3A_1484 = arith.index_cast %add3A_1428 : i32 to index
          %swap3A_1485 = arith.constant 80 : index
          %swap3A_1486 = tpu.vector_load %arg10[%swap3A_1484, %swap3A_1485] {strides = array<i32>} : memref<128x128xf32, #tpu.memory_space<vmem>>, vector<1x16xf32>,
          %swap3A_1487 = vector.shape_cast %swap3A_1486 : vector<1x16xf32> to vector<16xf32>
          %swap3A_1488 = vector.shape_cast %mul3A_1483 : vector<16xf32> to vector<1x16xf32>
          tpu.vector_store %arg10[%swap3A_1484, %swap3A_1485], %swap3A_1488 {strides = array<i32>} : memref<128x128xf32, #tpu.memory_space<vmem>>, vector<1x16xf32>,
          %get3A_1489 = arith.index_cast %add3A_1428 : i32 to index
          %get3A_1490 = arith.constant 96 : index
          %get3A_1491 = tpu.vector_load %arg10[%get3A_1489, %get3A_1490] {strides = array<i32>} : memref<128x128xf32, #tpu.memory_space<vmem>>, vector<1x16xf32>,
          %get3A_1492 = vector.shape_cast %get3A_1491 : vector<1x16xf32> to vector<16xf32>
          %mul3A_1493 = arith.mulf %get3A_1492, %gather3A_1424 : vector<16xf32>
          %swap3A_1494 = arith.index_cast %add3A_1428 : i32 to index
          %swap3A_1495 = arith.constant 96 : index
          %swap3A_1496 = tpu.vector_load %arg10[%swap3A_1494, %swap3A_1495] {strides = array<i32>} : memref<128x128xf32, #tpu.memory_space<vmem>>, vector<1x16xf32>,
          %swap3A_1497 = vector.shape_cast %swap3A_1496 : vector<1x16xf32> to vector<16xf32>
          %swap3A_1498 = vector.shape_cast %mul3A_1493 : vector<16xf32> to vector<1x16xf32>
          tpu.vector_store %arg10[%swap3A_1494, %swap3A_1495], %swap3A_1498 {strides = array<i32>} : memref<128x128xf32, #tpu.memory_space<vmem>>, vector<1x16xf32>,
          %get3A_1499 = arith.index_cast %add3A_1428 : i32 to index
          %get3A_1500 = arith.constant 112 : index
          %get3A_1501 = tpu.vector_load %arg10[%get3A_1499, %get3A_1500] {strides = array<i32>} : memref<128x128xf32, #tpu.memory_space<vmem>>, vector<1x16xf32>,
          %get3A_1502 = vector.shape_cast %get3A_1501 : vector<1x16xf32> to vector<16xf32>
          %mul3A_1503 = arith.mulf %get3A_1502, %gather3A_1424 : vector<16xf32>
          %swap3A_1504 = arith.index_cast %add3A_1428 : i32 to index
          %swap3A_1505 = arith.constant 112 : index
          %swap3A_1506 = tpu.vector_load %arg10[%swap3A_1504, %swap3A_1505] {strides = array<i32>} : memref<128x128xf32, #tpu.memory_space<vmem>>, vector<1x16xf32>,
          %swap3A_1507 = vector.shape_cast %swap3A_1506 : vector<1x16xf32> to vector<16xf32>
          %swap3A_1508 = vector.shape_cast %mul3A_1503 : vector<16xf32> to vector<1x16xf32>
          tpu.vector_store %arg10[%swap3A_1504, %swap3A_1505], %swap3A_1508 {strides = array<i32>} : memref<128x128xf32, #tpu.memory_space<vmem>>, vector<1x16xf32>,
          %broadcast_in_dim3A_1509 = arith.constant 14 : i32
          %broadcast_in_dim3A_1510 = vector.broadcast %broadcast_in_dim3A_1509 : i32 to vector<16x1xi32>
          %gather3A_1511 = vector.shape_cast %broadcast_in_dim3A_1510 : vector<16x1xi32> to vector<16xi32>
          %gather3A_1512 = tpu.dynamic_gather %get3A_279[%gather3A_1511] in [0] : vector<16xf32>, vector<16xi32> -> vector<16xf32>
          %mul3A_1513 = arith.constant 16 : i32
          %mul3A_1514 = arith.muli %scan3A_273, %mul3A_1513 : i32
          %add3A_1515 = arith.constant 14 : i32
          %add3A_1516 = arith.addi %mul3A_1514, %add3A_1515 : i32
          %get3A_1517 = arith.index_cast %add3A_1516 : i32 to index
          %get3A_1518 = arith.constant 0 : index
          %get3A_1519 = tpu.vector_load %arg10[%get3A_1517, %get3A_1518] {strides = array<i32>} : memref<128x128xf32, #tpu.memory_space<vmem>>, vector<1x16xf32>,
          %get3A_1520 = vector.shape_cast %get3A_1519 : vector<1x16xf32> to vector<16xf32>
          %mul3A_1521 = arith.mulf %get3A_1520, %gather3A_1512 : vector<16xf32>
          %swap3A_1522 = arith.index_cast %add3A_1516 : i32 to index
          %swap3A_1523 = arith.constant 0 : index
          %swap3A_1524 = tpu.vector_load %arg10[%swap3A_1522, %swap3A_1523] {strides = array<i32>} : memref<128x128xf32, #tpu.memory_space<vmem>>, vector<1x16xf32>,
          %swap3A_1525 = vector.shape_cast %swap3A_1524 : vector<1x16xf32> to vector<16xf32>
          %swap3A_1526 = vector.shape_cast %mul3A_1521 : vector<16xf32> to vector<1x16xf32>
          tpu.vector_store %arg10[%swap3A_1522, %swap3A_1523], %swap3A_1526 {strides = array<i32>} : memref<128x128xf32, #tpu.memory_space<vmem>>, vector<1x16xf32>,
          %get3A_1527 = arith.index_cast %add3A_1516 : i32 to index
          %get3A_1528 = arith.constant 16 : index
          %get3A_1529 = tpu.vector_load %arg10[%get3A_1527, %get3A_1528] {strides = array<i32>} : memref<128x128xf32, #tpu.memory_space<vmem>>, vector<1x16xf32>,
          %get3A_1530 = vector.shape_cast %get3A_1529 : vector<1x16xf32> to vector<16xf32>
          %mul3A_1531 = arith.mulf %get3A_1530, %gather3A_1512 : vector<16xf32>
          %swap3A_1532 = arith.index_cast %add3A_1516 : i32 to index
          %swap3A_1533 = arith.constant 16 : index
          %swap3A_1534 = tpu.vector_load %arg10[%swap3A_1532, %swap3A_1533] {strides = array<i32>} : memref<128x128xf32, #tpu.memory_space<vmem>>, vector<1x16xf32>,
          %swap3A_1535 = vector.shape_cast %swap3A_1534 : vector<1x16xf32> to vector<16xf32>
          %swap3A_1536 = vector.shape_cast %mul3A_1531 : vector<16xf32> to vector<1x16xf32>
          tpu.vector_store %arg10[%swap3A_1532, %swap3A_1533], %swap3A_1536 {strides = array<i32>} : memref<128x128xf32, #tpu.memory_space<vmem>>, vector<1x16xf32>,
          %get3A_1537 = arith.index_cast %add3A_1516 : i32 to index
          %get3A_1538 = arith.constant 32 : index
          %get3A_1539 = tpu.vector_load %arg10[%get3A_1537, %get3A_1538] {strides = array<i32>} : memref<128x128xf32, #tpu.memory_space<vmem>>, vector<1x16xf32>,
          %get3A_1540 = vector.shape_cast %get3A_1539 : vector<1x16xf32> to vector<16xf32>
          %mul3A_1541 = arith.mulf %get3A_1540, %gather3A_1512 : vector<16xf32>
          %swap3A_1542 = arith.index_cast %add3A_1516 : i32 to index
          %swap3A_1543 = arith.constant 32 : index
          %swap3A_1544 = tpu.vector_load %arg10[%swap3A_1542, %swap3A_1543] {strides = array<i32>} : memref<128x128xf32, #tpu.memory_space<vmem>>, vector<1x16xf32>,
          %swap3A_1545 = vector.shape_cast %swap3A_1544 : vector<1x16xf32> to vector<16xf32>
          %swap3A_1546 = vector.shape_cast %mul3A_1541 : vector<16xf32> to vector<1x16xf32>
          tpu.vector_store %arg10[%swap3A_1542, %swap3A_1543], %swap3A_1546 {strides = array<i32>} : memref<128x128xf32, #tpu.memory_space<vmem>>, vector<1x16xf32>,
          %get3A_1547 = arith.index_cast %add3A_1516 : i32 to index
          %get3A_1548 = arith.constant 48 : index
          %get3A_1549 = tpu.vector_load %arg10[%get3A_1547, %get3A_1548] {strides = array<i32>} : memref<128x128xf32, #tpu.memory_space<vmem>>, vector<1x16xf32>,
          %get3A_1550 = vector.shape_cast %get3A_1549 : vector<1x16xf32> to vector<16xf32>
          %mul3A_1551 = arith.mulf %get3A_1550, %gather3A_1512 : vector<16xf32>
          %swap3A_1552 = arith.index_cast %add3A_1516 : i32 to index
          %swap3A_1553 = arith.constant 48 : index
          %swap3A_1554 = tpu.vector_load %arg10[%swap3A_1552, %swap3A_1553] {strides = array<i32>} : memref<128x128xf32, #tpu.memory_space<vmem>>, vector<1x16xf32>,
          %swap3A_1555 = vector.shape_cast %swap3A_1554 : vector<1x16xf32> to vector<16xf32>
          %swap3A_1556 = vector.shape_cast %mul3A_1551 : vector<16xf32> to vector<1x16xf32>
          tpu.vector_store %arg10[%swap3A_1552, %swap3A_1553], %swap3A_1556 {strides = array<i32>} : memref<128x128xf32, #tpu.memory_space<vmem>>, vector<1x16xf32>,
          %get3A_1557 = arith.index_cast %add3A_1516 : i32 to index
          %get3A_1558 = arith.constant 64 : index
          %get3A_1559 = tpu.vector_load %arg10[%get3A_1557, %get3A_1558] {strides = array<i32>} : memref<128x128xf32, #tpu.memory_space<vmem>>, vector<1x16xf32>,
          %get3A_1560 = vector.shape_cast %get3A_1559 : vector<1x16xf32> to vector<16xf32>
          %mul3A_1561 = arith.mulf %get3A_1560, %gather3A_1512 : vector<16xf32>
          %swap3A_1562 = arith.index_cast %add3A_1516 : i32 to index
          %swap3A_1563 = arith.constant 64 : index
          %swap3A_1564 = tpu.vector_load %arg10[%swap3A_1562, %swap3A_1563] {strides = array<i32>} : memref<128x128xf32, #tpu.memory_space<vmem>>, vector<1x16xf32>,
          %swap3A_1565 = vector.shape_cast %swap3A_1564 : vector<1x16xf32> to vector<16xf32>
          %swap3A_1566 = vector.shape_cast %mul3A_1561 : vector<16xf32> to vector<1x16xf32>
          tpu.vector_store %arg10[%swap3A_1562, %swap3A_1563], %swap3A_1566 {strides = array<i32>} : memref<128x128xf32, #tpu.memory_space<vmem>>, vector<1x16xf32>,
          %get3A_1567 = arith.index_cast %add3A_1516 : i32 to index
          %get3A_1568 = arith.constant 80 : index
          %get3A_1569 = tpu.vector_load %arg10[%get3A_1567, %get3A_1568] {strides = array<i32>} : memref<128x128xf32, #tpu.memory_space<vmem>>, vector<1x16xf32>,
          %get3A_1570 = vector.shape_cast %get3A_1569 : vector<1x16xf32> to vector<16xf32>
          %mul3A_1571 = arith.mulf %get3A_1570, %gather3A_1512 : vector<16xf32>
          %swap3A_1572 = arith.index_cast %add3A_1516 : i32 to index
          %swap3A_1573 = arith.constant 80 : index
          %swap3A_1574 = tpu.vector_load %arg10[%swap3A_1572, %swap3A_1573] {strides = array<i32>} : memref<128x128xf32, #tpu.memory_space<vmem>>, vector<1x16xf32>,
          %swap3A_1575 = vector.shape_cast %swap3A_1574 : vector<1x16xf32> to vector<16xf32>
          %swap3A_1576 = vector.shape_cast %mul3A_1571 : vector<16xf32> to vector<1x16xf32>
          tpu.vector_store %arg10[%swap3A_1572, %swap3A_1573], %swap3A_1576 {strides = array<i32>} : memref<128x128xf32, #tpu.memory_space<vmem>>, vector<1x16xf32>,
          %get3A_1577 = arith.index_cast %add3A_1516 : i32 to index
          %get3A_1578 = arith.constant 96 : index
          %get3A_1579 = tpu.vector_load %arg10[%get3A_1577, %get3A_1578] {strides = array<i32>} : memref<128x128xf32, #tpu.memory_space<vmem>>, vector<1x16xf32>,
          %get3A_1580 = vector.shape_cast %get3A_1579 : vector<1x16xf32> to vector<16xf32>
          %mul3A_1581 = arith.mulf %get3A_1580, %gather3A_1512 : vector<16xf32>
          %swap3A_1582 = arith.index_cast %add3A_1516 : i32 to index
          %swap3A_1583 = arith.constant 96 : index
          %swap3A_1584 = tpu.vector_load %arg10[%swap3A_1582, %swap3A_1583] {strides = array<i32>} : memref<128x128xf32, #tpu.memory_space<vmem>>, vector<1x16xf32>,
          %swap3A_1585 = vector.shape_cast %swap3A_1584 : vector<1x16xf32> to vector<16xf32>
          %swap3A_1586 = vector.shape_cast %mul3A_1581 : vector<16xf32> to vector<1x16xf32>
          tpu.vector_store %arg10[%swap3A_1582, %swap3A_1583], %swap3A_1586 {strides = array<i32>} : memref<128x128xf32, #tpu.memory_space<vmem>>, vector<1x16xf32>,
          %get3A_1587 = arith.index_cast %add3A_1516 : i32 to index
          %get3A_1588 = arith.constant 112 : index
          %get3A_1589 = tpu.vector_load %arg10[%get3A_1587, %get3A_1588] {strides = array<i32>} : memref<128x128xf32, #tpu.memory_space<vmem>>, vector<1x16xf32>,
          %get3A_1590 = vector.shape_cast %get3A_1589 : vector<1x16xf32> to vector<16xf32>
          %mul3A_1591 = arith.mulf %get3A_1590, %gather3A_1512 : vector<16xf32>
          %swap3A_1592 = arith.index_cast %add3A_1516 : i32 to index
          %swap3A_1593 = arith.constant 112 : index
          %swap3A_1594 = tpu.vector_load %arg10[%swap3A_1592, %swap3A_1593] {strides = array<i32>} : memref<128x128xf32, #tpu.memory_space<vmem>>, vector<1x16xf32>,
          %swap3A_1595 = vector.shape_cast %swap3A_1594 : vector<1x16xf32> to vector<16xf32>
          %swap3A_1596 = vector.shape_cast %mul3A_1591 : vector<16xf32> to vector<1x16xf32>
          tpu.vector_store %arg10[%swap3A_1592, %swap3A_1593], %swap3A_1596 {strides = array<i32>} : memref<128x128xf32, #tpu.memory_space<vmem>>, vector<1x16xf32>,
          %broadcast_in_dim3A_1597 = arith.constant 15 : i32
          %broadcast_in_dim3A_1598 = vector.broadcast %broadcast_in_dim3A_1597 : i32 to vector<16x1xi32>
          %gather3A_1599 = vector.shape_cast %broadcast_in_dim3A_1598 : vector<16x1xi32> to vector<16xi32>
          %gather3A_1600 = tpu.dynamic_gather %get3A_279[%gather3A_1599] in [0] : vector<16xf32>, vector<16xi32> -> vector<16xf32>
          %mul3A_1601 = arith.constant 16 : i32
          %mul3A_1602 = arith.muli %scan3A_273, %mul3A_1601 : i32
          %add3A_1603 = arith.constant 15 : i32
          %add3A_1604 = arith.addi %mul3A_1602, %add3A_1603 : i32
          %get3A_1605 = arith.index_cast %add3A_1604 : i32 to index
          %get3A_1606 = arith.constant 0 : index
          %get3A_1607 = tpu.vector_load %arg10[%get3A_1605, %get3A_1606] {strides = array<i32>} : memref<128x128xf32, #tpu.memory_space<vmem>>, vector<1x16xf32>,
          %get3A_1608 = vector.shape_cast %get3A_1607 : vector<1x16xf32> to vector<16xf32>
          %mul3A_1609 = arith.mulf %get3A_1608, %gather3A_1600 : vector<16xf32>
          %swap3A_1610 = arith.index_cast %add3A_1604 : i32 to index
          %swap3A_1611 = arith.constant 0 : index
          %swap3A_1612 = tpu.vector_load %arg10[%swap3A_1610, %swap3A_1611] {strides = array<i32>} : memref<128x128xf32, #tpu.memory_space<vmem>>, vector<1x16xf32>,
          %swap3A_1613 = vector.shape_cast %swap3A_1612 : vector<1x16xf32> to vector<16xf32>
          %swap3A_1614 = vector.shape_cast %mul3A_1609 : vector<16xf32> to vector<1x16xf32>
          tpu.vector_store %arg10[%swap3A_1610, %swap3A_1611], %swap3A_1614 {strides = array<i32>} : memref<128x128xf32, #tpu.memory_space<vmem>>, vector<1x16xf32>,
          %get3A_1615 = arith.index_cast %add3A_1604 : i32 to index
          %get3A_1616 = arith.constant 16 : index
          %get3A_1617 = tpu.vector_load %arg10[%get3A_1615, %get3A_1616] {strides = array<i32>} : memref<128x128xf32, #tpu.memory_space<vmem>>, vector<1x16xf32>,
          %get3A_1618 = vector.shape_cast %get3A_1617 : vector<1x16xf32> to vector<16xf32>
          %mul3A_1619 = arith.mulf %get3A_1618, %gather3A_1600 : vector<16xf32>
          %swap3A_1620 = arith.index_cast %add3A_1604 : i32 to index
          %swap3A_1621 = arith.constant 16 : index
          %swap3A_1622 = tpu.vector_load %arg10[%swap3A_1620, %swap3A_1621] {strides = array<i32>} : memref<128x128xf32, #tpu.memory_space<vmem>>, vector<1x16xf32>,
          %swap3A_1623 = vector.shape_cast %swap3A_1622 : vector<1x16xf32> to vector<16xf32>
          %swap3A_1624 = vector.shape_cast %mul3A_1619 : vector<16xf32> to vector<1x16xf32>
          tpu.vector_store %arg10[%swap3A_1620, %swap3A_1621], %swap3A_1624 {strides = array<i32>} : memref<128x128xf32, #tpu.memory_space<vmem>>, vector<1x16xf32>,
          %get3A_1625 = arith.index_cast %add3A_1604 : i32 to index
          %get3A_1626 = arith.constant 32 : index
          %get3A_1627 = tpu.vector_load %arg10[%get3A_1625, %get3A_1626] {strides = array<i32>} : memref<128x128xf32, #tpu.memory_space<vmem>>, vector<1x16xf32>,
          %get3A_1628 = vector.shape_cast %get3A_1627 : vector<1x16xf32> to vector<16xf32>
          %mul3A_1629 = arith.mulf %get3A_1628, %gather3A_1600 : vector<16xf32>
          %swap3A_1630 = arith.index_cast %add3A_1604 : i32 to index
          %swap3A_1631 = arith.constant 32 : index
          %swap3A_1632 = tpu.vector_load %arg10[%swap3A_1630, %swap3A_1631] {strides = array<i32>} : memref<128x128xf32, #tpu.memory_space<vmem>>, vector<1x16xf32>,
          %swap3A_1633 = vector.shape_cast %swap3A_1632 : vector<1x16xf32> to vector<16xf32>
          %swap3A_1634 = vector.shape_cast %mul3A_1629 : vector<16xf32> to vector<1x16xf32>
          tpu.vector_store %arg10[%swap3A_1630, %swap3A_1631], %swap3A_1634 {strides = array<i32>} : memref<128x128xf32, #tpu.memory_space<vmem>>, vector<1x16xf32>,
          %get3A_1635 = arith.index_cast %add3A_1604 : i32 to index
          %get3A_1636 = arith.constant 48 : index
          %get3A_1637 = tpu.vector_load %arg10[%get3A_1635, %get3A_1636] {strides = array<i32>} : memref<128x128xf32, #tpu.memory_space<vmem>>, vector<1x16xf32>,
          %get3A_1638 = vector.shape_cast %get3A_1637 : vector<1x16xf32> to vector<16xf32>
          %mul3A_1639 = arith.mulf %get3A_1638, %gather3A_1600 : vector<16xf32>
          %swap3A_1640 = arith.index_cast %add3A_1604 : i32 to index
          %swap3A_1641 = arith.constant 48 : index
          %swap3A_1642 = tpu.vector_load %arg10[%swap3A_1640, %swap3A_1641] {strides = array<i32>} : memref<128x128xf32, #tpu.memory_space<vmem>>, vector<1x16xf32>,
          %swap3A_1643 = vector.shape_cast %swap3A_1642 : vector<1x16xf32> to vector<16xf32>
          %swap3A_1644 = vector.shape_cast %mul3A_1639 : vector<16xf32> to vector<1x16xf32>
          tpu.vector_store %arg10[%swap3A_1640, %swap3A_1641], %swap3A_1644 {strides = array<i32>} : memref<128x128xf32, #tpu.memory_space<vmem>>, vector<1x16xf32>,
          %get3A_1645 = arith.index_cast %add3A_1604 : i32 to index
          %get3A_1646 = arith.constant 64 : index
          %get3A_1647 = tpu.vector_load %arg10[%get3A_1645, %get3A_1646] {strides = array<i32>} : memref<128x128xf32, #tpu.memory_space<vmem>>, vector<1x16xf32>,
          %get3A_1648 = vector.shape_cast %get3A_1647 : vector<1x16xf32> to vector<16xf32>
          %mul3A_1649 = arith.mulf %get3A_1648, %gather3A_1600 : vector<16xf32>
          %swap3A_1650 = arith.index_cast %add3A_1604 : i32 to index
          %swap3A_1651 = arith.constant 64 : index
          %swap3A_1652 = tpu.vector_load %arg10[%swap3A_1650, %swap3A_1651] {strides = array<i32>} : memref<128x128xf32, #tpu.memory_space<vmem>>, vector<1x16xf32>,
          %swap3A_1653 = vector.shape_cast %swap3A_1652 : vector<1x16xf32> to vector<16xf32>
          %swap3A_1654 = vector.shape_cast %mul3A_1649 : vector<16xf32> to vector<1x16xf32>
          tpu.vector_store %arg10[%swap3A_1650, %swap3A_1651], %swap3A_1654 {strides = array<i32>} : memref<128x128xf32, #tpu.memory_space<vmem>>, vector<1x16xf32>,
          %get3A_1655 = arith.index_cast %add3A_1604 : i32 to index
          %get3A_1656 = arith.constant 80 : index
          %get3A_1657 = tpu.vector_load %arg10[%get3A_1655, %get3A_1656] {strides = array<i32>} : memref<128x128xf32, #tpu.memory_space<vmem>>, vector<1x16xf32>,
          %get3A_1658 = vector.shape_cast %get3A_1657 : vector<1x16xf32> to vector<16xf32>
          %mul3A_1659 = arith.mulf %get3A_1658, %gather3A_1600 : vector<16xf32>
          %swap3A_1660 = arith.index_cast %add3A_1604 : i32 to index
          %swap3A_1661 = arith.constant 80 : index
          %swap3A_1662 = tpu.vector_load %arg10[%swap3A_1660, %swap3A_1661] {strides = array<i32>} : memref<128x128xf32, #tpu.memory_space<vmem>>, vector<1x16xf32>,
          %swap3A_1663 = vector.shape_cast %swap3A_1662 : vector<1x16xf32> to vector<16xf32>
          %swap3A_1664 = vector.shape_cast %mul3A_1659 : vector<16xf32> to vector<1x16xf32>
          tpu.vector_store %arg10[%swap3A_1660, %swap3A_1661], %swap3A_1664 {strides = array<i32>} : memref<128x128xf32, #tpu.memory_space<vmem>>, vector<1x16xf32>,
          %get3A_1665 = arith.index_cast %add3A_1604 : i32 to index
          %get3A_1666 = arith.constant 96 : index
          %get3A_1667 = tpu.vector_load %arg10[%get3A_1665, %get3A_1666] {strides = array<i32>} : memref<128x128xf32, #tpu.memory_space<vmem>>, vector<1x16xf32>,
          %get3A_1668 = vector.shape_cast %get3A_1667 : vector<1x16xf32> to vector<16xf32>
          %mul3A_1669 = arith.mulf %get3A_1668, %gather3A_1600 : vector<16xf32>
          %swap3A_1670 = arith.index_cast %add3A_1604 : i32 to index
          %swap3A_1671 = arith.constant 96 : index
          %swap3A_1672 = tpu.vector_load %arg10[%swap3A_1670, %swap3A_1671] {strides = array<i32>} : memref<128x128xf32, #tpu.memory_space<vmem>>, vector<1x16xf32>,
          %swap3A_1673 = vector.shape_cast %swap3A_1672 : vector<1x16xf32> to vector<16xf32>
          %swap3A_1674 = vector.shape_cast %mul3A_1669 : vector<16xf32> to vector<1x16xf32>
          tpu.vector_store %arg10[%swap3A_1670, %swap3A_1671], %swap3A_1674 {strides = array<i32>} : memref<128x128xf32, #tpu.memory_space<vmem>>, vector<1x16xf32>,
          %get3A_1675 = arith.index_cast %add3A_1604 : i32 to index
          %get3A_1676 = arith.constant 112 : index
          %get3A_1677 = tpu.vector_load %arg10[%get3A_1675, %get3A_1676] {strides = array<i32>} : memref<128x128xf32, #tpu.memory_space<vmem>>, vector<1x16xf32>,
          %get3A_1678 = vector.shape_cast %get3A_1677 : vector<1x16xf32> to vector<16xf32>
          %mul3A_1679 = arith.mulf %get3A_1678, %gather3A_1600 : vector<16xf32>
          %swap3A_1680 = arith.index_cast %add3A_1604 : i32 to index
          %swap3A_1681 = arith.constant 112 : index
          %swap3A_1682 = tpu.vector_load %arg10[%swap3A_1680, %swap3A_1681] {strides = array<i32>} : memref<128x128xf32, #tpu.memory_space<vmem>>, vector<1x16xf32>,
          %swap3A_1683 = vector.shape_cast %swap3A_1682 : vector<1x16xf32> to vector<16xf32>
          %swap3A_1684 = vector.shape_cast %mul3A_1679 : vector<16xf32> to vector<1x16xf32>
          tpu.vector_store %arg10[%swap3A_1680, %swap3A_1681], %swap3A_1684 {strides = array<i32>} : memref<128x128xf32, #tpu.memory_space<vmem>>, vector<1x16xf32>,
        }
        %scan3A_243 = arith.constant 8 : i32
        "tpu.region"() ({
          %run_scoped3A = tpu.sem_alloc : memref<!tpu.dma_semaphore, #tpu.memory_space<semaphore_mem>>
          %dma_start3A_273 = arith.constant 0 : i32
          %dma_start3A_274 = tpu.memref_slice %arg8[%and3A_161, %mul3A_199, %dma_start3A_273] : memref<2x8x128xi32, #tpu.memory_space<vmem>> -> memref<1x1x128xi32, #tpu.memory_space<vmem>>
          %dma_start3A_275 = tpu.memref_squeeze %dma_start3A_274 : memref<1x1x128xi32, #tpu.memory_space<vmem>> -> memref<128xi32, #tpu.memory_space<vmem>>
          %dma_start3A_276 = arith.constant 0 : i32
          %dma_start3A_277 = arith.constant 0 : i32
          %dma_start3A_278 = tpu.memref_slice %arg12[%dma_start3A_276, %dma_start3A_277] : memref<10000x128xf32, #tpu.memory_space<vmem_shared>> -> memref<10000x128xf32, #tpu.memory_space<vmem_shared>>
          tpu.enqueue_indirect_dma source(%arg10 : memref<128x128xf32, #tpu.memory_space<vmem>>) target(%dma_start3A_278 : memref<10000x128xf32, #tpu.memory_space<vmem_shared>>) offsets(%dma_start3A_275 : memref<128xi32, #tpu.memory_space<vmem>>) semaphore(%run_scoped3A : memref<!tpu.dma_semaphore, #tpu.memory_space<semaphore_mem>>) {add = true}
          %dma_wait3A_279 = arith.constant 0 : i32
          %dma_wait3A_280 = tpu.memref_slice %arg8[%and3A_161, %mul3A_199, %dma_wait3A_279] : memref<2x8x128xi32, #tpu.memory_space<vmem>> -> memref<1x1x128xi32, #tpu.memory_space<vmem>>
          %dma_wait3A_281 = tpu.memref_squeeze %dma_wait3A_280 : memref<1x1x128xi32, #tpu.memory_space<vmem>> -> memref<128xi32, #tpu.memory_space<vmem>>
          %dma_wait3A_282 = arith.constant 0 : i32
          %dma_wait3A_283 = arith.constant 0 : i32
          %dma_wait3A_284 = tpu.memref_slice %arg12[%dma_wait3A_282, %dma_wait3A_283] : memref<10000x128xf32, #tpu.memory_space<vmem_shared>> -> memref<10000x128xf32, #tpu.memory_space<vmem_shared>>
          tpu.wait_indirect_dma semaphore(%run_scoped3A : memref<!tpu.dma_semaphore, #tpu.memory_space<semaphore_mem>>) src(%arg10 : memref<128x128xf32, #tpu.memory_space<vmem>>) dst(%dma_wait3A_284 : memref<10000x128xf32, #tpu.memory_space<vmem_shared>>)
          tpu.yield
        }) : () -> ()
        %dma_wait3A_244 = arith.constant 0 : i32
        %dma_wait3A_245 = arith.constant 0 : i32
        %dma_wait3A_246 = tpu.memref_slice %arg11[%dma_wait3A_244, %dma_wait3A_245] : memref<128x128xf32, #tpu.memory_space<vmem>> -> memref<64x128xf32, #tpu.memory_space<vmem>>
        %dma_wait3A_247 = arith.constant 0 : i32
        %dma_wait3A_248 = tpu.memref_slice %arg7[%and3A_161, %add3A_201, %dma_wait3A_247] : memref<2x8x128xi32, #tpu.memory_space<vmem>> -> memref<1x1x64xi32, #tpu.memory_space<vmem>>
        %dma_wait3A_249 = tpu.memref_squeeze %dma_wait3A_248 : memref<1x1x64xi32, #tpu.memory_space<vmem>> -> memref<64xi32, #tpu.memory_space<vmem>>
        %dma_wait3A_250 = arith.constant 0 : i32
        %dma_wait3A_251 = arith.constant 0 : i32
        %dma_wait3A_252 = tpu.memref_slice %arg2[%dma_wait3A_250, %dma_wait3A_251] : memref<20000x128xf32, #tpu.memory_space<hbm>> -> memref<20000x128xf32, #tpu.memory_space<hbm>>
        tpu.wait_indirect_dma semaphore(%arg15 : memref<!tpu.dma_semaphore, #tpu.memory_space<semaphore_mem>>) src(%dma_wait3A_252 : memref<20000x128xf32, #tpu.memory_space<hbm>>) dst(%dma_wait3A_246 : memref<64x128xf32, #tpu.memory_space<vmem>>)
        %dma_wait3A_253 = arith.constant 64 : i32
        %dma_wait3A_254 = arith.constant 0 : i32
        %dma_wait3A_255 = tpu.memref_slice %arg11[%dma_wait3A_253, %dma_wait3A_254] : memref<128x128xf32, #tpu.memory_space<vmem>> -> memref<64x128xf32, #tpu.memory_space<vmem>>
        %dma_wait3A_256 = arith.constant 64 : i32
        %dma_wait3A_257 = tpu.memref_slice %arg7[%and3A_161, %add3A_201, %dma_wait3A_256] : memref<2x8x128xi32, #tpu.memory_space<vmem>> -> memref<1x1x64xi32, #tpu.memory_space<vmem>>
        %dma_wait3A_258 = tpu.memref_squeeze %dma_wait3A_257 : memref<1x1x64xi32, #tpu.memory_space<vmem>> -> memref<64xi32, #tpu.memory_space<vmem>>
        %dma_wait3A_259 = arith.constant 0 : i32
        %dma_wait3A_260 = arith.constant 0 : i32
        %dma_wait3A_261 = tpu.memref_slice %arg2[%dma_wait3A_259, %dma_wait3A_260] : memref<20000x128xf32, #tpu.memory_space<hbm>> -> memref<20000x128xf32, #tpu.memory_space<hbm>>
        tpu.wait_indirect_dma semaphore(%arg16 : memref<!tpu.dma_semaphore, #tpu.memory_space<semaphore_mem>>) src(%dma_wait3A_261 : memref<20000x128xf32, #tpu.memory_space<hbm>>) dst(%dma_wait3A_255 : memref<64x128xf32, #tpu.memory_space<vmem>>)
        %lt3A_262 = arith.constant 3 : i32
        %lt3A_263 = arith.cmpi slt, %scan3A_197, %lt3A_262 : i32
        %convert_element_type3A_264 = arith.extui %lt3A_263 : i1 to i32
        %cond3A_265 = arith.constant 0 : i32
        %cond3A_266 = arith.cmpi ne, %convert_element_type3A_264, %cond3A_265 : i32
        scf.if %cond3A_266 {
          %add3A_273 = arith.constant 2 : i32
          %add3A_274 = arith.addi %mul3A_199, %add3A_273 : i32
          %dma_start3A_275 = arith.constant 0 : i32
          %dma_start3A_276 = arith.constant 0 : i32
          %dma_start3A_277 = tpu.memref_slice %arg10[%dma_start3A_275, %dma_start3A_276] : memref<128x128xf32, #tpu.memory_space<vmem>> -> memref<64x128xf32, #tpu.memory_space<vmem>>
          %dma_start3A_278 = arith.constant 0 : i32
          %dma_start3A_279 = tpu.memref_slice %arg7[%and3A_161, %add3A_274, %dma_start3A_278] : memref<2x8x128xi32, #tpu.memory_space<vmem>> -> memref<1x1x64xi32, #tpu.memory_space<vmem>>
          %dma_start3A_280 = tpu.memref_squeeze %dma_start3A_279 : memref<1x1x64xi32, #tpu.memory_space<vmem>> -> memref<64xi32, #tpu.memory_space<vmem>>
          %dma_start3A_281 = arith.constant 0 : i32
          %dma_start3A_282 = arith.constant 0 : i32
          %dma_start3A_283 = tpu.memref_slice %arg2[%dma_start3A_281, %dma_start3A_282] : memref<20000x128xf32, #tpu.memory_space<hbm>> -> memref<20000x128xf32, #tpu.memory_space<hbm>>
          tpu.enqueue_indirect_dma source(%dma_start3A_283 : memref<20000x128xf32, #tpu.memory_space<hbm>>) target(%dma_start3A_277 : memref<64x128xf32, #tpu.memory_space<vmem>>) offsets(%dma_start3A_280 : memref<64xi32, #tpu.memory_space<vmem>>) semaphore(%arg13 : memref<!tpu.dma_semaphore, #tpu.memory_space<semaphore_mem>>)
          %dma_start3A_284 = arith.constant 64 : i32
          %dma_start3A_285 = arith.constant 0 : i32
          %dma_start3A_286 = tpu.memref_slice %arg10[%dma_start3A_284, %dma_start3A_285] : memref<128x128xf32, #tpu.memory_space<vmem>> -> memref<64x128xf32, #tpu.memory_space<vmem>>
          %dma_start3A_287 = arith.constant 64 : i32
          %dma_start3A_288 = tpu.memref_slice %arg7[%and3A_161, %add3A_274, %dma_start3A_287] : memref<2x8x128xi32, #tpu.memory_space<vmem>> -> memref<1x1x64xi32, #tpu.memory_space<vmem>>
          %dma_start3A_289 = tpu.memref_squeeze %dma_start3A_288 : memref<1x1x64xi32, #tpu.memory_space<vmem>> -> memref<64xi32, #tpu.memory_space<vmem>>
          %dma_start3A_290 = arith.constant 0 : i32
          %dma_start3A_291 = arith.constant 0 : i32
          %dma_start3A_292 = tpu.memref_slice %arg2[%dma_start3A_290, %dma_start3A_291] : memref<20000x128xf32, #tpu.memory_space<hbm>> -> memref<20000x128xf32, #tpu.memory_space<hbm>>
          tpu.enqueue_indirect_dma source(%dma_start3A_292 : memref<20000x128xf32, #tpu.memory_space<hbm>>) target(%dma_start3A_286 : memref<64x128xf32, #tpu.memory_space<vmem>>) offsets(%dma_start3A_289 : memref<64xi32, #tpu.memory_space<vmem>>) semaphore(%arg14 : memref<!tpu.dma_semaphore, #tpu.memory_space<semaphore_mem>>)
        } else {
        }
        %scan3A_267 = arith.constant 0 : i32
        %scan3A_268 = arith.constant 0 : i32
        %scan3A_269 = arith.constant 8 : i32
        %scan3A_270 = arith.addi %scan3A_268, %scan3A_269 : i32
        %scan3A_271 = arith.constant 1 : i32
        scf.for %scan3A_273 = %scan3A_268 to %scan3A_270 step %scan3A_271  : i32 {
          %mul3A_274 = arith.constant 16 : i32
          %mul3A_275 = arith.muli %scan3A_273, %mul3A_274 : i32
          %get3A = arith.index_cast %and3A_161 : i32 to index
          %get3A_276 = arith.index_cast %add3A_201 : i32 to index
          %get3A_277 = arith.index_cast %mul3A_275 : i32 to index
          %get3A_278 = tpu.vector_load %arg9[%get3A, %get3A_276, %get3A_277] {strides = array<i32>} : memref<2x8x128xf32, #tpu.memory_space<vmem>>, vector<1x1x16xf32>,
          %get3A_279 = vector.shape_cast %get3A_278 : vector<1x1x16xf32> to vector<16xf32>
          %broadcast_in_dim3A = arith.constant 0 : i32
          %broadcast_in_dim3A_280 = vector.broadcast %broadcast_in_dim3A : i32 to vector<16x1xi32>
          %gather3A = vector.shape_cast %broadcast_in_dim3A_280 : vector<16x1xi32> to vector<16xi32>
          %gather3A_281 = tpu.dynamic_gather %get3A_279[%gather3A] in [0] : vector<16xf32>, vector<16xi32> -> vector<16xf32>
          %mul3A_282 = arith.constant 16 : i32
          %mul3A_283 = arith.muli %scan3A_273, %mul3A_282 : i32
          %add3A_284 = arith.constant 0 : i32
          %add3A_285 = arith.addi %mul3A_283, %add3A_284 : i32
          %get3A_286 = arith.index_cast %add3A_285 : i32 to index
          %get3A_287 = arith.constant 0 : index
          %get3A_288 = tpu.vector_load %arg11[%get3A_286, %get3A_287] {strides = array<i32>} : memref<128x128xf32, #tpu.memory_space<vmem>>, vector<1x16xf32>,
          %get3A_289 = vector.shape_cast %get3A_288 : vector<1x16xf32> to vector<16xf32>
          %mul3A_290 = arith.mulf %get3A_289, %gather3A_281 : vector<16xf32>
          %swap3A = arith.index_cast %add3A_285 : i32 to index
          %swap3A_291 = arith.constant 0 : index
          %swap3A_292 = tpu.vector_load %arg11[%swap3A, %swap3A_291] {strides = array<i32>} : memref<128x128xf32, #tpu.memory_space<vmem>>, vector<1x16xf32>,
          %swap3A_293 = vector.shape_cast %swap3A_292 : vector<1x16xf32> to vector<16xf32>
          %swap3A_294 = vector.shape_cast %mul3A_290 : vector<16xf32> to vector<1x16xf32>
          tpu.vector_store %arg11[%swap3A, %swap3A_291], %swap3A_294 {strides = array<i32>} : memref<128x128xf32, #tpu.memory_space<vmem>>, vector<1x16xf32>,
          %get3A_295 = arith.index_cast %add3A_285 : i32 to index
          %get3A_296 = arith.constant 16 : index
          %get3A_297 = tpu.vector_load %arg11[%get3A_295, %get3A_296] {strides = array<i32>} : memref<128x128xf32, #tpu.memory_space<vmem>>, vector<1x16xf32>,
          %get3A_298 = vector.shape_cast %get3A_297 : vector<1x16xf32> to vector<16xf32>
          %mul3A_299 = arith.mulf %get3A_298, %gather3A_281 : vector<16xf32>
          %swap3A_300 = arith.index_cast %add3A_285 : i32 to index
          %swap3A_301 = arith.constant 16 : index
          %swap3A_302 = tpu.vector_load %arg11[%swap3A_300, %swap3A_301] {strides = array<i32>} : memref<128x128xf32, #tpu.memory_space<vmem>>, vector<1x16xf32>,
          %swap3A_303 = vector.shape_cast %swap3A_302 : vector<1x16xf32> to vector<16xf32>
          %swap3A_304 = vector.shape_cast %mul3A_299 : vector<16xf32> to vector<1x16xf32>
          tpu.vector_store %arg11[%swap3A_300, %swap3A_301], %swap3A_304 {strides = array<i32>} : memref<128x128xf32, #tpu.memory_space<vmem>>, vector<1x16xf32>,
          %get3A_305 = arith.index_cast %add3A_285 : i32 to index
          %get3A_306 = arith.constant 32 : index
          %get3A_307 = tpu.vector_load %arg11[%get3A_305, %get3A_306] {strides = array<i32>} : memref<128x128xf32, #tpu.memory_space<vmem>>, vector<1x16xf32>,
          %get3A_308 = vector.shape_cast %get3A_307 : vector<1x16xf32> to vector<16xf32>
          %mul3A_309 = arith.mulf %get3A_308, %gather3A_281 : vector<16xf32>
          %swap3A_310 = arith.index_cast %add3A_285 : i32 to index
          %swap3A_311 = arith.constant 32 : index
          %swap3A_312 = tpu.vector_load %arg11[%swap3A_310, %swap3A_311] {strides = array<i32>} : memref<128x128xf32, #tpu.memory_space<vmem>>, vector<1x16xf32>,
          %swap3A_313 = vector.shape_cast %swap3A_312 : vector<1x16xf32> to vector<16xf32>
          %swap3A_314 = vector.shape_cast %mul3A_309 : vector<16xf32> to vector<1x16xf32>
          tpu.vector_store %arg11[%swap3A_310, %swap3A_311], %swap3A_314 {strides = array<i32>} : memref<128x128xf32, #tpu.memory_space<vmem>>, vector<1x16xf32>,
          %get3A_315 = arith.index_cast %add3A_285 : i32 to index
          %get3A_316 = arith.constant 48 : index
          %get3A_317 = tpu.vector_load %arg11[%get3A_315, %get3A_316] {strides = array<i32>} : memref<128x128xf32, #tpu.memory_space<vmem>>, vector<1x16xf32>,
          %get3A_318 = vector.shape_cast %get3A_317 : vector<1x16xf32> to vector<16xf32>
          %mul3A_319 = arith.mulf %get3A_318, %gather3A_281 : vector<16xf32>
          %swap3A_320 = arith.index_cast %add3A_285 : i32 to index
          %swap3A_321 = arith.constant 48 : index
          %swap3A_322 = tpu.vector_load %arg11[%swap3A_320, %swap3A_321] {strides = array<i32>} : memref<128x128xf32, #tpu.memory_space<vmem>>, vector<1x16xf32>,
          %swap3A_323 = vector.shape_cast %swap3A_322 : vector<1x16xf32> to vector<16xf32>
          %swap3A_324 = vector.shape_cast %mul3A_319 : vector<16xf32> to vector<1x16xf32>
          tpu.vector_store %arg11[%swap3A_320, %swap3A_321], %swap3A_324 {strides = array<i32>} : memref<128x128xf32, #tpu.memory_space<vmem>>, vector<1x16xf32>,
          %get3A_325 = arith.index_cast %add3A_285 : i32 to index
          %get3A_326 = arith.constant 64 : index
          %get3A_327 = tpu.vector_load %arg11[%get3A_325, %get3A_326] {strides = array<i32>} : memref<128x128xf32, #tpu.memory_space<vmem>>, vector<1x16xf32>,
          %get3A_328 = vector.shape_cast %get3A_327 : vector<1x16xf32> to vector<16xf32>
          %mul3A_329 = arith.mulf %get3A_328, %gather3A_281 : vector<16xf32>
          %swap3A_330 = arith.index_cast %add3A_285 : i32 to index
          %swap3A_331 = arith.constant 64 : index
          %swap3A_332 = tpu.vector_load %arg11[%swap3A_330, %swap3A_331] {strides = array<i32>} : memref<128x128xf32, #tpu.memory_space<vmem>>, vector<1x16xf32>,
          %swap3A_333 = vector.shape_cast %swap3A_332 : vector<1x16xf32> to vector<16xf32>
          %swap3A_334 = vector.shape_cast %mul3A_329 : vector<16xf32> to vector<1x16xf32>
          tpu.vector_store %arg11[%swap3A_330, %swap3A_331], %swap3A_334 {strides = array<i32>} : memref<128x128xf32, #tpu.memory_space<vmem>>, vector<1x16xf32>,
          %get3A_335 = arith.index_cast %add3A_285 : i32 to index
          %get3A_336 = arith.constant 80 : index
          %get3A_337 = tpu.vector_load %arg11[%get3A_335, %get3A_336] {strides = array<i32>} : memref<128x128xf32, #tpu.memory_space<vmem>>, vector<1x16xf32>,
          %get3A_338 = vector.shape_cast %get3A_337 : vector<1x16xf32> to vector<16xf32>
          %mul3A_339 = arith.mulf %get3A_338, %gather3A_281 : vector<16xf32>
          %swap3A_340 = arith.index_cast %add3A_285 : i32 to index
          %swap3A_341 = arith.constant 80 : index
          %swap3A_342 = tpu.vector_load %arg11[%swap3A_340, %swap3A_341] {strides = array<i32>} : memref<128x128xf32, #tpu.memory_space<vmem>>, vector<1x16xf32>,
          %swap3A_343 = vector.shape_cast %swap3A_342 : vector<1x16xf32> to vector<16xf32>
          %swap3A_344 = vector.shape_cast %mul3A_339 : vector<16xf32> to vector<1x16xf32>
          tpu.vector_store %arg11[%swap3A_340, %swap3A_341], %swap3A_344 {strides = array<i32>} : memref<128x128xf32, #tpu.memory_space<vmem>>, vector<1x16xf32>,
          %get3A_345 = arith.index_cast %add3A_285 : i32 to index
          %get3A_346 = arith.constant 96 : index
          %get3A_347 = tpu.vector_load %arg11[%get3A_345, %get3A_346] {strides = array<i32>} : memref<128x128xf32, #tpu.memory_space<vmem>>, vector<1x16xf32>,
          %get3A_348 = vector.shape_cast %get3A_347 : vector<1x16xf32> to vector<16xf32>
          %mul3A_349 = arith.mulf %get3A_348, %gather3A_281 : vector<16xf32>
          %swap3A_350 = arith.index_cast %add3A_285 : i32 to index
          %swap3A_351 = arith.constant 96 : index
          %swap3A_352 = tpu.vector_load %arg11[%swap3A_350, %swap3A_351] {strides = array<i32>} : memref<128x128xf32, #tpu.memory_space<vmem>>, vector<1x16xf32>,
          %swap3A_353 = vector.shape_cast %swap3A_352 : vector<1x16xf32> to vector<16xf32>
          %swap3A_354 = vector.shape_cast %mul3A_349 : vector<16xf32> to vector<1x16xf32>
          tpu.vector_store %arg11[%swap3A_350, %swap3A_351], %swap3A_354 {strides = array<i32>} : memref<128x128xf32, #tpu.memory_space<vmem>>, vector<1x16xf32>,
          %get3A_355 = arith.index_cast %add3A_285 : i32 to index
          %get3A_356 = arith.constant 112 : index
          %get3A_357 = tpu.vector_load %arg11[%get3A_355, %get3A_356] {strides = array<i32>} : memref<128x128xf32, #tpu.memory_space<vmem>>, vector<1x16xf32>,
          %get3A_358 = vector.shape_cast %get3A_357 : vector<1x16xf32> to vector<16xf32>
          %mul3A_359 = arith.mulf %get3A_358, %gather3A_281 : vector<16xf32>
          %swap3A_360 = arith.index_cast %add3A_285 : i32 to index
          %swap3A_361 = arith.constant 112 : index
          %swap3A_362 = tpu.vector_load %arg11[%swap3A_360, %swap3A_361] {strides = array<i32>} : memref<128x128xf32, #tpu.memory_space<vmem>>, vector<1x16xf32>,
          %swap3A_363 = vector.shape_cast %swap3A_362 : vector<1x16xf32> to vector<16xf32>
          %swap3A_364 = vector.shape_cast %mul3A_359 : vector<16xf32> to vector<1x16xf32>
          tpu.vector_store %arg11[%swap3A_360, %swap3A_361], %swap3A_364 {strides = array<i32>} : memref<128x128xf32, #tpu.memory_space<vmem>>, vector<1x16xf32>,
          %broadcast_in_dim3A_365 = arith.constant 1 : i32
          %broadcast_in_dim3A_366 = vector.broadcast %broadcast_in_dim3A_365 : i32 to vector<16x1xi32>
          %gather3A_367 = vector.shape_cast %broadcast_in_dim3A_366 : vector<16x1xi32> to vector<16xi32>
          %gather3A_368 = tpu.dynamic_gather %get3A_279[%gather3A_367] in [0] : vector<16xf32>, vector<16xi32> -> vector<16xf32>
          %mul3A_369 = arith.constant 16 : i32
          %mul3A_370 = arith.muli %scan3A_273, %mul3A_369 : i32
          %add3A_371 = arith.constant 1 : i32
          %add3A_372 = arith.addi %mul3A_370, %add3A_371 : i32
          %get3A_373 = arith.index_cast %add3A_372 : i32 to index
          %get3A_374 = arith.constant 0 : index
          %get3A_375 = tpu.vector_load %arg11[%get3A_373, %get3A_374] {strides = array<i32>} : memref<128x128xf32, #tpu.memory_space<vmem>>, vector<1x16xf32>,
          %get3A_376 = vector.shape_cast %get3A_375 : vector<1x16xf32> to vector<16xf32>
          %mul3A_377 = arith.mulf %get3A_376, %gather3A_368 : vector<16xf32>
          %swap3A_378 = arith.index_cast %add3A_372 : i32 to index
          %swap3A_379 = arith.constant 0 : index
          %swap3A_380 = tpu.vector_load %arg11[%swap3A_378, %swap3A_379] {strides = array<i32>} : memref<128x128xf32, #tpu.memory_space<vmem>>, vector<1x16xf32>,
          %swap3A_381 = vector.shape_cast %swap3A_380 : vector<1x16xf32> to vector<16xf32>
          %swap3A_382 = vector.shape_cast %mul3A_377 : vector<16xf32> to vector<1x16xf32>
          tpu.vector_store %arg11[%swap3A_378, %swap3A_379], %swap3A_382 {strides = array<i32>} : memref<128x128xf32, #tpu.memory_space<vmem>>, vector<1x16xf32>,
          %get3A_383 = arith.index_cast %add3A_372 : i32 to index
          %get3A_384 = arith.constant 16 : index
          %get3A_385 = tpu.vector_load %arg11[%get3A_383, %get3A_384] {strides = array<i32>} : memref<128x128xf32, #tpu.memory_space<vmem>>, vector<1x16xf32>,
          %get3A_386 = vector.shape_cast %get3A_385 : vector<1x16xf32> to vector<16xf32>
          %mul3A_387 = arith.mulf %get3A_386, %gather3A_368 : vector<16xf32>
          %swap3A_388 = arith.index_cast %add3A_372 : i32 to index
          %swap3A_389 = arith.constant 16 : index
          %swap3A_390 = tpu.vector_load %arg11[%swap3A_388, %swap3A_389] {strides = array<i32>} : memref<128x128xf32, #tpu.memory_space<vmem>>, vector<1x16xf32>,
          %swap3A_391 = vector.shape_cast %swap3A_390 : vector<1x16xf32> to vector<16xf32>
          %swap3A_392 = vector.shape_cast %mul3A_387 : vector<16xf32> to vector<1x16xf32>
          tpu.vector_store %arg11[%swap3A_388, %swap3A_389], %swap3A_392 {strides = array<i32>} : memref<128x128xf32, #tpu.memory_space<vmem>>, vector<1x16xf32>,
          %get3A_393 = arith.index_cast %add3A_372 : i32 to index
          %get3A_394 = arith.constant 32 : index
          %get3A_395 = tpu.vector_load %arg11[%get3A_393, %get3A_394] {strides = array<i32>} : memref<128x128xf32, #tpu.memory_space<vmem>>, vector<1x16xf32>,
          %get3A_396 = vector.shape_cast %get3A_395 : vector<1x16xf32> to vector<16xf32>
          %mul3A_397 = arith.mulf %get3A_396, %gather3A_368 : vector<16xf32>
          %swap3A_398 = arith.index_cast %add3A_372 : i32 to index
          %swap3A_399 = arith.constant 32 : index
          %swap3A_400 = tpu.vector_load %arg11[%swap3A_398, %swap3A_399] {strides = array<i32>} : memref<128x128xf32, #tpu.memory_space<vmem>>, vector<1x16xf32>,
          %swap3A_401 = vector.shape_cast %swap3A_400 : vector<1x16xf32> to vector<16xf32>
          %swap3A_402 = vector.shape_cast %mul3A_397 : vector<16xf32> to vector<1x16xf32>
          tpu.vector_store %arg11[%swap3A_398, %swap3A_399], %swap3A_402 {strides = array<i32>} : memref<128x128xf32, #tpu.memory_space<vmem>>, vector<1x16xf32>,
          %get3A_403 = arith.index_cast %add3A_372 : i32 to index
          %get3A_404 = arith.constant 48 : index
          %get3A_405 = tpu.vector_load %arg11[%get3A_403, %get3A_404] {strides = array<i32>} : memref<128x128xf32, #tpu.memory_space<vmem>>, vector<1x16xf32>,
          %get3A_406 = vector.shape_cast %get3A_405 : vector<1x16xf32> to vector<16xf32>
          %mul3A_407 = arith.mulf %get3A_406, %gather3A_368 : vector<16xf32>
          %swap3A_408 = arith.index_cast %add3A_372 : i32 to index
          %swap3A_409 = arith.constant 48 : index
          %swap3A_410 = tpu.vector_load %arg11[%swap3A_408, %swap3A_409] {strides = array<i32>} : memref<128x128xf32, #tpu.memory_space<vmem>>, vector<1x16xf32>,
          %swap3A_411 = vector.shape_cast %swap3A_410 : vector<1x16xf32> to vector<16xf32>
          %swap3A_412 = vector.shape_cast %mul3A_407 : vector<16xf32> to vector<1x16xf32>
          tpu.vector_store %arg11[%swap3A_408, %swap3A_409], %swap3A_412 {strides = array<i32>} : memref<128x128xf32, #tpu.memory_space<vmem>>, vector<1x16xf32>,
          %get3A_413 = arith.index_cast %add3A_372 : i32 to index
          %get3A_414 = arith.constant 64 : index
          %get3A_415 = tpu.vector_load %arg11[%get3A_413, %get3A_414] {strides = array<i32>} : memref<128x128xf32, #tpu.memory_space<vmem>>, vector<1x16xf32>,
          %get3A_416 = vector.shape_cast %get3A_415 : vector<1x16xf32> to vector<16xf32>
          %mul3A_417 = arith.mulf %get3A_416, %gather3A_368 : vector<16xf32>
          %swap3A_418 = arith.index_cast %add3A_372 : i32 to index
          %swap3A_419 = arith.constant 64 : index
          %swap3A_420 = tpu.vector_load %arg11[%swap3A_418, %swap3A_419] {strides = array<i32>} : memref<128x128xf32, #tpu.memory_space<vmem>>, vector<1x16xf32>,
          %swap3A_421 = vector.shape_cast %swap3A_420 : vector<1x16xf32> to vector<16xf32>
          %swap3A_422 = vector.shape_cast %mul3A_417 : vector<16xf32> to vector<1x16xf32>
          tpu.vector_store %arg11[%swap3A_418, %swap3A_419], %swap3A_422 {strides = array<i32>} : memref<128x128xf32, #tpu.memory_space<vmem>>, vector<1x16xf32>,
          %get3A_423 = arith.index_cast %add3A_372 : i32 to index
          %get3A_424 = arith.constant 80 : index
          %get3A_425 = tpu.vector_load %arg11[%get3A_423, %get3A_424] {strides = array<i32>} : memref<128x128xf32, #tpu.memory_space<vmem>>, vector<1x16xf32>,
          %get3A_426 = vector.shape_cast %get3A_425 : vector<1x16xf32> to vector<16xf32>
          %mul3A_427 = arith.mulf %get3A_426, %gather3A_368 : vector<16xf32>
          %swap3A_428 = arith.index_cast %add3A_372 : i32 to index
          %swap3A_429 = arith.constant 80 : index
          %swap3A_430 = tpu.vector_load %arg11[%swap3A_428, %swap3A_429] {strides = array<i32>} : memref<128x128xf32, #tpu.memory_space<vmem>>, vector<1x16xf32>,
          %swap3A_431 = vector.shape_cast %swap3A_430 : vector<1x16xf32> to vector<16xf32>
          %swap3A_432 = vector.shape_cast %mul3A_427 : vector<16xf32> to vector<1x16xf32>
          tpu.vector_store %arg11[%swap3A_428, %swap3A_429], %swap3A_432 {strides = array<i32>} : memref<128x128xf32, #tpu.memory_space<vmem>>, vector<1x16xf32>,
          %get3A_433 = arith.index_cast %add3A_372 : i32 to index
          %get3A_434 = arith.constant 96 : index
          %get3A_435 = tpu.vector_load %arg11[%get3A_433, %get3A_434] {strides = array<i32>} : memref<128x128xf32, #tpu.memory_space<vmem>>, vector<1x16xf32>,
          %get3A_436 = vector.shape_cast %get3A_435 : vector<1x16xf32> to vector<16xf32>
          %mul3A_437 = arith.mulf %get3A_436, %gather3A_368 : vector<16xf32>
          %swap3A_438 = arith.index_cast %add3A_372 : i32 to index
          %swap3A_439 = arith.constant 96 : index
          %swap3A_440 = tpu.vector_load %arg11[%swap3A_438, %swap3A_439] {strides = array<i32>} : memref<128x128xf32, #tpu.memory_space<vmem>>, vector<1x16xf32>,
          %swap3A_441 = vector.shape_cast %swap3A_440 : vector<1x16xf32> to vector<16xf32>
          %swap3A_442 = vector.shape_cast %mul3A_437 : vector<16xf32> to vector<1x16xf32>
          tpu.vector_store %arg11[%swap3A_438, %swap3A_439], %swap3A_442 {strides = array<i32>} : memref<128x128xf32, #tpu.memory_space<vmem>>, vector<1x16xf32>,
          %get3A_443 = arith.index_cast %add3A_372 : i32 to index
          %get3A_444 = arith.constant 112 : index
          %get3A_445 = tpu.vector_load %arg11[%get3A_443, %get3A_444] {strides = array<i32>} : memref<128x128xf32, #tpu.memory_space<vmem>>, vector<1x16xf32>,
          %get3A_446 = vector.shape_cast %get3A_445 : vector<1x16xf32> to vector<16xf32>
          %mul3A_447 = arith.mulf %get3A_446, %gather3A_368 : vector<16xf32>
          %swap3A_448 = arith.index_cast %add3A_372 : i32 to index
          %swap3A_449 = arith.constant 112 : index
          %swap3A_450 = tpu.vector_load %arg11[%swap3A_448, %swap3A_449] {strides = array<i32>} : memref<128x128xf32, #tpu.memory_space<vmem>>, vector<1x16xf32>,
          %swap3A_451 = vector.shape_cast %swap3A_450 : vector<1x16xf32> to vector<16xf32>
          %swap3A_452 = vector.shape_cast %mul3A_447 : vector<16xf32> to vector<1x16xf32>
          tpu.vector_store %arg11[%swap3A_448, %swap3A_449], %swap3A_452 {strides = array<i32>} : memref<128x128xf32, #tpu.memory_space<vmem>>, vector<1x16xf32>,
          %broadcast_in_dim3A_453 = arith.constant 2 : i32
          %broadcast_in_dim3A_454 = vector.broadcast %broadcast_in_dim3A_453 : i32 to vector<16x1xi32>
          %gather3A_455 = vector.shape_cast %broadcast_in_dim3A_454 : vector<16x1xi32> to vector<16xi32>
          %gather3A_456 = tpu.dynamic_gather %get3A_279[%gather3A_455] in [0] : vector<16xf32>, vector<16xi32> -> vector<16xf32>
          %mul3A_457 = arith.constant 16 : i32
          %mul3A_458 = arith.muli %scan3A_273, %mul3A_457 : i32
          %add3A_459 = arith.constant 2 : i32
          %add3A_460 = arith.addi %mul3A_458, %add3A_459 : i32
          %get3A_461 = arith.index_cast %add3A_460 : i32 to index
          %get3A_462 = arith.constant 0 : index
          %get3A_463 = tpu.vector_load %arg11[%get3A_461, %get3A_462] {strides = array<i32>} : memref<128x128xf32, #tpu.memory_space<vmem>>, vector<1x16xf32>,
          %get3A_464 = vector.shape_cast %get3A_463 : vector<1x16xf32> to vector<16xf32>
          %mul3A_465 = arith.mulf %get3A_464, %gather3A_456 : vector<16xf32>
          %swap3A_466 = arith.index_cast %add3A_460 : i32 to index
          %swap3A_467 = arith.constant 0 : index
          %swap3A_468 = tpu.vector_load %arg11[%swap3A_466, %swap3A_467] {strides = array<i32>} : memref<128x128xf32, #tpu.memory_space<vmem>>, vector<1x16xf32>,
          %swap3A_469 = vector.shape_cast %swap3A_468 : vector<1x16xf32> to vector<16xf32>
          %swap3A_470 = vector.shape_cast %mul3A_465 : vector<16xf32> to vector<1x16xf32>
          tpu.vector_store %arg11[%swap3A_466, %swap3A_467], %swap3A_470 {strides = array<i32>} : memref<128x128xf32, #tpu.memory_space<vmem>>, vector<1x16xf32>,
          %get3A_471 = arith.index_cast %add3A_460 : i32 to index
          %get3A_472 = arith.constant 16 : index
          %get3A_473 = tpu.vector_load %arg11[%get3A_471, %get3A_472] {strides = array<i32>} : memref<128x128xf32, #tpu.memory_space<vmem>>, vector<1x16xf32>,
          %get3A_474 = vector.shape_cast %get3A_473 : vector<1x16xf32> to vector<16xf32>
          %mul3A_475 = arith.mulf %get3A_474, %gather3A_456 : vector<16xf32>
          %swap3A_476 = arith.index_cast %add3A_460 : i32 to index
          %swap3A_477 = arith.constant 16 : index
          %swap3A_478 = tpu.vector_load %arg11[%swap3A_476, %swap3A_477] {strides = array<i32>} : memref<128x128xf32, #tpu.memory_space<vmem>>, vector<1x16xf32>,
          %swap3A_479 = vector.shape_cast %swap3A_478 : vector<1x16xf32> to vector<16xf32>
          %swap3A_480 = vector.shape_cast %mul3A_475 : vector<16xf32> to vector<1x16xf32>
          tpu.vector_store %arg11[%swap3A_476, %swap3A_477], %swap3A_480 {strides = array<i32>} : memref<128x128xf32, #tpu.memory_space<vmem>>, vector<1x16xf32>,
          %get3A_481 = arith.index_cast %add3A_460 : i32 to index
          %get3A_482 = arith.constant 32 : index
          %get3A_483 = tpu.vector_load %arg11[%get3A_481, %get3A_482] {strides = array<i32>} : memref<128x128xf32, #tpu.memory_space<vmem>>, vector<1x16xf32>,
          %get3A_484 = vector.shape_cast %get3A_483 : vector<1x16xf32> to vector<16xf32>
          %mul3A_485 = arith.mulf %get3A_484, %gather3A_456 : vector<16xf32>
          %swap3A_486 = arith.index_cast %add3A_460 : i32 to index
          %swap3A_487 = arith.constant 32 : index
          %swap3A_488 = tpu.vector_load %arg11[%swap3A_486, %swap3A_487] {strides = array<i32>} : memref<128x128xf32, #tpu.memory_space<vmem>>, vector<1x16xf32>,
          %swap3A_489 = vector.shape_cast %swap3A_488 : vector<1x16xf32> to vector<16xf32>
          %swap3A_490 = vector.shape_cast %mul3A_485 : vector<16xf32> to vector<1x16xf32>
          tpu.vector_store %arg11[%swap3A_486, %swap3A_487], %swap3A_490 {strides = array<i32>} : memref<128x128xf32, #tpu.memory_space<vmem>>, vector<1x16xf32>,
          %get3A_491 = arith.index_cast %add3A_460 : i32 to index
          %get3A_492 = arith.constant 48 : index
          %get3A_493 = tpu.vector_load %arg11[%get3A_491, %get3A_492] {strides = array<i32>} : memref<128x128xf32, #tpu.memory_space<vmem>>, vector<1x16xf32>,
          %get3A_494 = vector.shape_cast %get3A_493 : vector<1x16xf32> to vector<16xf32>
          %mul3A_495 = arith.mulf %get3A_494, %gather3A_456 : vector<16xf32>
          %swap3A_496 = arith.index_cast %add3A_460 : i32 to index
          %swap3A_497 = arith.constant 48 : index
          %swap3A_498 = tpu.vector_load %arg11[%swap3A_496, %swap3A_497] {strides = array<i32>} : memref<128x128xf32, #tpu.memory_space<vmem>>, vector<1x16xf32>,
          %swap3A_499 = vector.shape_cast %swap3A_498 : vector<1x16xf32> to vector<16xf32>
          %swap3A_500 = vector.shape_cast %mul3A_495 : vector<16xf32> to vector<1x16xf32>
          tpu.vector_store %arg11[%swap3A_496, %swap3A_497], %swap3A_500 {strides = array<i32>} : memref<128x128xf32, #tpu.memory_space<vmem>>, vector<1x16xf32>,
          %get3A_501 = arith.index_cast %add3A_460 : i32 to index
          %get3A_502 = arith.constant 64 : index
          %get3A_503 = tpu.vector_load %arg11[%get3A_501, %get3A_502] {strides = array<i32>} : memref<128x128xf32, #tpu.memory_space<vmem>>, vector<1x16xf32>,
          %get3A_504 = vector.shape_cast %get3A_503 : vector<1x16xf32> to vector<16xf32>
          %mul3A_505 = arith.mulf %get3A_504, %gather3A_456 : vector<16xf32>
          %swap3A_506 = arith.index_cast %add3A_460 : i32 to index
          %swap3A_507 = arith.constant 64 : index
          %swap3A_508 = tpu.vector_load %arg11[%swap3A_506, %swap3A_507] {strides = array<i32>} : memref<128x128xf32, #tpu.memory_space<vmem>>, vector<1x16xf32>,
          %swap3A_509 = vector.shape_cast %swap3A_508 : vector<1x16xf32> to vector<16xf32>
          %swap3A_510 = vector.shape_cast %mul3A_505 : vector<16xf32> to vector<1x16xf32>
          tpu.vector_store %arg11[%swap3A_506, %swap3A_507], %swap3A_510 {strides = array<i32>} : memref<128x128xf32, #tpu.memory_space<vmem>>, vector<1x16xf32>,
          %get3A_511 = arith.index_cast %add3A_460 : i32 to index
          %get3A_512 = arith.constant 80 : index
          %get3A_513 = tpu.vector_load %arg11[%get3A_511, %get3A_512] {strides = array<i32>} : memref<128x128xf32, #tpu.memory_space<vmem>>, vector<1x16xf32>,
          %get3A_514 = vector.shape_cast %get3A_513 : vector<1x16xf32> to vector<16xf32>
          %mul3A_515 = arith.mulf %get3A_514, %gather3A_456 : vector<16xf32>
          %swap3A_516 = arith.index_cast %add3A_460 : i32 to index
          %swap3A_517 = arith.constant 80 : index
          %swap3A_518 = tpu.vector_load %arg11[%swap3A_516, %swap3A_517] {strides = array<i32>} : memref<128x128xf32, #tpu.memory_space<vmem>>, vector<1x16xf32>,
          %swap3A_519 = vector.shape_cast %swap3A_518 : vector<1x16xf32> to vector<16xf32>
          %swap3A_520 = vector.shape_cast %mul3A_515 : vector<16xf32> to vector<1x16xf32>
          tpu.vector_store %arg11[%swap3A_516, %swap3A_517], %swap3A_520 {strides = array<i32>} : memref<128x128xf32, #tpu.memory_space<vmem>>, vector<1x16xf32>,
          %get3A_521 = arith.index_cast %add3A_460 : i32 to index
          %get3A_522 = arith.constant 96 : index
          %get3A_523 = tpu.vector_load %arg11[%get3A_521, %get3A_522] {strides = array<i32>} : memref<128x128xf32, #tpu.memory_space<vmem>>, vector<1x16xf32>,
          %get3A_524 = vector.shape_cast %get3A_523 : vector<1x16xf32> to vector<16xf32>
          %mul3A_525 = arith.mulf %get3A_524, %gather3A_456 : vector<16xf32>
          %swap3A_526 = arith.index_cast %add3A_460 : i32 to index
          %swap3A_527 = arith.constant 96 : index
          %swap3A_528 = tpu.vector_load %arg11[%swap3A_526, %swap3A_527] {strides = array<i32>} : memref<128x128xf32, #tpu.memory_space<vmem>>, vector<1x16xf32>,
          %swap3A_529 = vector.shape_cast %swap3A_528 : vector<1x16xf32> to vector<16xf32>
          %swap3A_530 = vector.shape_cast %mul3A_525 : vector<16xf32> to vector<1x16xf32>
          tpu.vector_store %arg11[%swap3A_526, %swap3A_527], %swap3A_530 {strides = array<i32>} : memref<128x128xf32, #tpu.memory_space<vmem>>, vector<1x16xf32>,
          %get3A_531 = arith.index_cast %add3A_460 : i32 to index
          %get3A_532 = arith.constant 112 : index
          %get3A_533 = tpu.vector_load %arg11[%get3A_531, %get3A_532] {strides = array<i32>} : memref<128x128xf32, #tpu.memory_space<vmem>>, vector<1x16xf32>,
          %get3A_534 = vector.shape_cast %get3A_533 : vector<1x16xf32> to vector<16xf32>
          %mul3A_535 = arith.mulf %get3A_534, %gather3A_456 : vector<16xf32>
          %swap3A_536 = arith.index_cast %add3A_460 : i32 to index
          %swap3A_537 = arith.constant 112 : index
          %swap3A_538 = tpu.vector_load %arg11[%swap3A_536, %swap3A_537] {strides = array<i32>} : memref<128x128xf32, #tpu.memory_space<vmem>>, vector<1x16xf32>,
          %swap3A_539 = vector.shape_cast %swap3A_538 : vector<1x16xf32> to vector<16xf32>
          %swap3A_540 = vector.shape_cast %mul3A_535 : vector<16xf32> to vector<1x16xf32>
          tpu.vector_store %arg11[%swap3A_536, %swap3A_537], %swap3A_540 {strides = array<i32>} : memref<128x128xf32, #tpu.memory_space<vmem>>, vector<1x16xf32>,
          %broadcast_in_dim3A_541 = arith.constant 3 : i32
          %broadcast_in_dim3A_542 = vector.broadcast %broadcast_in_dim3A_541 : i32 to vector<16x1xi32>
          %gather3A_543 = vector.shape_cast %broadcast_in_dim3A_542 : vector<16x1xi32> to vector<16xi32>
          %gather3A_544 = tpu.dynamic_gather %get3A_279[%gather3A_543] in [0] : vector<16xf32>, vector<16xi32> -> vector<16xf32>
          %mul3A_545 = arith.constant 16 : i32
          %mul3A_546 = arith.muli %scan3A_273, %mul3A_545 : i32
          %add3A_547 = arith.constant 3 : i32
          %add3A_548 = arith.addi %mul3A_546, %add3A_547 : i32
          %get3A_549 = arith.index_cast %add3A_548 : i32 to index
          %get3A_550 = arith.constant 0 : index
          %get3A_551 = tpu.vector_load %arg11[%get3A_549, %get3A_550] {strides = array<i32>} : memref<128x128xf32, #tpu.memory_space<vmem>>, vector<1x16xf32>,
          %get3A_552 = vector.shape_cast %get3A_551 : vector<1x16xf32> to vector<16xf32>
          %mul3A_553 = arith.mulf %get3A_552, %gather3A_544 : vector<16xf32>
          %swap3A_554 = arith.index_cast %add3A_548 : i32 to index
          %swap3A_555 = arith.constant 0 : index
          %swap3A_556 = tpu.vector_load %arg11[%swap3A_554, %swap3A_555] {strides = array<i32>} : memref<128x128xf32, #tpu.memory_space<vmem>>, vector<1x16xf32>,
          %swap3A_557 = vector.shape_cast %swap3A_556 : vector<1x16xf32> to vector<16xf32>
          %swap3A_558 = vector.shape_cast %mul3A_553 : vector<16xf32> to vector<1x16xf32>
          tpu.vector_store %arg11[%swap3A_554, %swap3A_555], %swap3A_558 {strides = array<i32>} : memref<128x128xf32, #tpu.memory_space<vmem>>, vector<1x16xf32>,
          %get3A_559 = arith.index_cast %add3A_548 : i32 to index
          %get3A_560 = arith.constant 16 : index
          %get3A_561 = tpu.vector_load %arg11[%get3A_559, %get3A_560] {strides = array<i32>} : memref<128x128xf32, #tpu.memory_space<vmem>>, vector<1x16xf32>,
          %get3A_562 = vector.shape_cast %get3A_561 : vector<1x16xf32> to vector<16xf32>
          %mul3A_563 = arith.mulf %get3A_562, %gather3A_544 : vector<16xf32>
          %swap3A_564 = arith.index_cast %add3A_548 : i32 to index
          %swap3A_565 = arith.constant 16 : index
          %swap3A_566 = tpu.vector_load %arg11[%swap3A_564, %swap3A_565] {strides = array<i32>} : memref<128x128xf32, #tpu.memory_space<vmem>>, vector<1x16xf32>,
          %swap3A_567 = vector.shape_cast %swap3A_566 : vector<1x16xf32> to vector<16xf32>
          %swap3A_568 = vector.shape_cast %mul3A_563 : vector<16xf32> to vector<1x16xf32>
          tpu.vector_store %arg11[%swap3A_564, %swap3A_565], %swap3A_568 {strides = array<i32>} : memref<128x128xf32, #tpu.memory_space<vmem>>, vector<1x16xf32>,
          %get3A_569 = arith.index_cast %add3A_548 : i32 to index
          %get3A_570 = arith.constant 32 : index
          %get3A_571 = tpu.vector_load %arg11[%get3A_569, %get3A_570] {strides = array<i32>} : memref<128x128xf32, #tpu.memory_space<vmem>>, vector<1x16xf32>,
          %get3A_572 = vector.shape_cast %get3A_571 : vector<1x16xf32> to vector<16xf32>
          %mul3A_573 = arith.mulf %get3A_572, %gather3A_544 : vector<16xf32>
          %swap3A_574 = arith.index_cast %add3A_548 : i32 to index
          %swap3A_575 = arith.constant 32 : index
          %swap3A_576 = tpu.vector_load %arg11[%swap3A_574, %swap3A_575] {strides = array<i32>} : memref<128x128xf32, #tpu.memory_space<vmem>>, vector<1x16xf32>,
          %swap3A_577 = vector.shape_cast %swap3A_576 : vector<1x16xf32> to vector<16xf32>
          %swap3A_578 = vector.shape_cast %mul3A_573 : vector<16xf32> to vector<1x16xf32>
          tpu.vector_store %arg11[%swap3A_574, %swap3A_575], %swap3A_578 {strides = array<i32>} : memref<128x128xf32, #tpu.memory_space<vmem>>, vector<1x16xf32>,
          %get3A_579 = arith.index_cast %add3A_548 : i32 to index
          %get3A_580 = arith.constant 48 : index
          %get3A_581 = tpu.vector_load %arg11[%get3A_579, %get3A_580] {strides = array<i32>} : memref<128x128xf32, #tpu.memory_space<vmem>>, vector<1x16xf32>,
          %get3A_582 = vector.shape_cast %get3A_581 : vector<1x16xf32> to vector<16xf32>
          %mul3A_583 = arith.mulf %get3A_582, %gather3A_544 : vector<16xf32>
          %swap3A_584 = arith.index_cast %add3A_548 : i32 to index
          %swap3A_585 = arith.constant 48 : index
          %swap3A_586 = tpu.vector_load %arg11[%swap3A_584, %swap3A_585] {strides = array<i32>} : memref<128x128xf32, #tpu.memory_space<vmem>>, vector<1x16xf32>,
          %swap3A_587 = vector.shape_cast %swap3A_586 : vector<1x16xf32> to vector<16xf32>
          %swap3A_588 = vector.shape_cast %mul3A_583 : vector<16xf32> to vector<1x16xf32>
          tpu.vector_store %arg11[%swap3A_584, %swap3A_585], %swap3A_588 {strides = array<i32>} : memref<128x128xf32, #tpu.memory_space<vmem>>, vector<1x16xf32>,
          %get3A_589 = arith.index_cast %add3A_548 : i32 to index
          %get3A_590 = arith.constant 64 : index
          %get3A_591 = tpu.vector_load %arg11[%get3A_589, %get3A_590] {strides = array<i32>} : memref<128x128xf32, #tpu.memory_space<vmem>>, vector<1x16xf32>,
          %get3A_592 = vector.shape_cast %get3A_591 : vector<1x16xf32> to vector<16xf32>
          %mul3A_593 = arith.mulf %get3A_592, %gather3A_544 : vector<16xf32>
          %swap3A_594 = arith.index_cast %add3A_548 : i32 to index
          %swap3A_595 = arith.constant 64 : index
          %swap3A_596 = tpu.vector_load %arg11[%swap3A_594, %swap3A_595] {strides = array<i32>} : memref<128x128xf32, #tpu.memory_space<vmem>>, vector<1x16xf32>,
          %swap3A_597 = vector.shape_cast %swap3A_596 : vector<1x16xf32> to vector<16xf32>
          %swap3A_598 = vector.shape_cast %mul3A_593 : vector<16xf32> to vector<1x16xf32>
          tpu.vector_store %arg11[%swap3A_594, %swap3A_595], %swap3A_598 {strides = array<i32>} : memref<128x128xf32, #tpu.memory_space<vmem>>, vector<1x16xf32>,
          %get3A_599 = arith.index_cast %add3A_548 : i32 to index
          %get3A_600 = arith.constant 80 : index
          %get3A_601 = tpu.vector_load %arg11[%get3A_599, %get3A_600] {strides = array<i32>} : memref<128x128xf32, #tpu.memory_space<vmem>>, vector<1x16xf32>,
          %get3A_602 = vector.shape_cast %get3A_601 : vector<1x16xf32> to vector<16xf32>
          %mul3A_603 = arith.mulf %get3A_602, %gather3A_544 : vector<16xf32>
          %swap3A_604 = arith.index_cast %add3A_548 : i32 to index
          %swap3A_605 = arith.constant 80 : index
          %swap3A_606 = tpu.vector_load %arg11[%swap3A_604, %swap3A_605] {strides = array<i32>} : memref<128x128xf32, #tpu.memory_space<vmem>>, vector<1x16xf32>,
          %swap3A_607 = vector.shape_cast %swap3A_606 : vector<1x16xf32> to vector<16xf32>
          %swap3A_608 = vector.shape_cast %mul3A_603 : vector<16xf32> to vector<1x16xf32>
          tpu.vector_store %arg11[%swap3A_604, %swap3A_605], %swap3A_608 {strides = array<i32>} : memref<128x128xf32, #tpu.memory_space<vmem>>, vector<1x16xf32>,
          %get3A_609 = arith.index_cast %add3A_548 : i32 to index
          %get3A_610 = arith.constant 96 : index
          %get3A_611 = tpu.vector_load %arg11[%get3A_609, %get3A_610] {strides = array<i32>} : memref<128x128xf32, #tpu.memory_space<vmem>>, vector<1x16xf32>,
          %get3A_612 = vector.shape_cast %get3A_611 : vector<1x16xf32> to vector<16xf32>
          %mul3A_613 = arith.mulf %get3A_612, %gather3A_544 : vector<16xf32>
          %swap3A_614 = arith.index_cast %add3A_548 : i32 to index
          %swap3A_615 = arith.constant 96 : index
          %swap3A_616 = tpu.vector_load %arg11[%swap3A_614, %swap3A_615] {strides = array<i32>} : memref<128x128xf32, #tpu.memory_space<vmem>>, vector<1x16xf32>,
          %swap3A_617 = vector.shape_cast %swap3A_616 : vector<1x16xf32> to vector<16xf32>
          %swap3A_618 = vector.shape_cast %mul3A_613 : vector<16xf32> to vector<1x16xf32>
          tpu.vector_store %arg11[%swap3A_614, %swap3A_615], %swap3A_618 {strides = array<i32>} : memref<128x128xf32, #tpu.memory_space<vmem>>, vector<1x16xf32>,
          %get3A_619 = arith.index_cast %add3A_548 : i32 to index
          %get3A_620 = arith.constant 112 : index
          %get3A_621 = tpu.vector_load %arg11[%get3A_619, %get3A_620] {strides = array<i32>} : memref<128x128xf32, #tpu.memory_space<vmem>>, vector<1x16xf32>,
          %get3A_622 = vector.shape_cast %get3A_621 : vector<1x16xf32> to vector<16xf32>
          %mul3A_623 = arith.mulf %get3A_622, %gather3A_544 : vector<16xf32>
          %swap3A_624 = arith.index_cast %add3A_548 : i32 to index
          %swap3A_625 = arith.constant 112 : index
          %swap3A_626 = tpu.vector_load %arg11[%swap3A_624, %swap3A_625] {strides = array<i32>} : memref<128x128xf32, #tpu.memory_space<vmem>>, vector<1x16xf32>,
          %swap3A_627 = vector.shape_cast %swap3A_626 : vector<1x16xf32> to vector<16xf32>
          %swap3A_628 = vector.shape_cast %mul3A_623 : vector<16xf32> to vector<1x16xf32>
          tpu.vector_store %arg11[%swap3A_624, %swap3A_625], %swap3A_628 {strides = array<i32>} : memref<128x128xf32, #tpu.memory_space<vmem>>, vector<1x16xf32>,
          %broadcast_in_dim3A_629 = arith.constant 4 : i32
          %broadcast_in_dim3A_630 = vector.broadcast %broadcast_in_dim3A_629 : i32 to vector<16x1xi32>
          %gather3A_631 = vector.shape_cast %broadcast_in_dim3A_630 : vector<16x1xi32> to vector<16xi32>
          %gather3A_632 = tpu.dynamic_gather %get3A_279[%gather3A_631] in [0] : vector<16xf32>, vector<16xi32> -> vector<16xf32>
          %mul3A_633 = arith.constant 16 : i32
          %mul3A_634 = arith.muli %scan3A_273, %mul3A_633 : i32
          %add3A_635 = arith.constant 4 : i32
          %add3A_636 = arith.addi %mul3A_634, %add3A_635 : i32
          %get3A_637 = arith.index_cast %add3A_636 : i32 to index
          %get3A_638 = arith.constant 0 : index
          %get3A_639 = tpu.vector_load %arg11[%get3A_637, %get3A_638] {strides = array<i32>} : memref<128x128xf32, #tpu.memory_space<vmem>>, vector<1x16xf32>,
          %get3A_640 = vector.shape_cast %get3A_639 : vector<1x16xf32> to vector<16xf32>
          %mul3A_641 = arith.mulf %get3A_640, %gather3A_632 : vector<16xf32>
          %swap3A_642 = arith.index_cast %add3A_636 : i32 to index
          %swap3A_643 = arith.constant 0 : index
          %swap3A_644 = tpu.vector_load %arg11[%swap3A_642, %swap3A_643] {strides = array<i32>} : memref<128x128xf32, #tpu.memory_space<vmem>>, vector<1x16xf32>,
          %swap3A_645 = vector.shape_cast %swap3A_644 : vector<1x16xf32> to vector<16xf32>
          %swap3A_646 = vector.shape_cast %mul3A_641 : vector<16xf32> to vector<1x16xf32>
          tpu.vector_store %arg11[%swap3A_642, %swap3A_643], %swap3A_646 {strides = array<i32>} : memref<128x128xf32, #tpu.memory_space<vmem>>, vector<1x16xf32>,
          %get3A_647 = arith.index_cast %add3A_636 : i32 to index
          %get3A_648 = arith.constant 16 : index
          %get3A_649 = tpu.vector_load %arg11[%get3A_647, %get3A_648] {strides = array<i32>} : memref<128x128xf32, #tpu.memory_space<vmem>>, vector<1x16xf32>,
          %get3A_650 = vector.shape_cast %get3A_649 : vector<1x16xf32> to vector<16xf32>
          %mul3A_651 = arith.mulf %get3A_650, %gather3A_632 : vector<16xf32>
          %swap3A_652 = arith.index_cast %add3A_636 : i32 to index
          %swap3A_653 = arith.constant 16 : index
          %swap3A_654 = tpu.vector_load %arg11[%swap3A_652, %swap3A_653] {strides = array<i32>} : memref<128x128xf32, #tpu.memory_space<vmem>>, vector<1x16xf32>,
          %swap3A_655 = vector.shape_cast %swap3A_654 : vector<1x16xf32> to vector<16xf32>
          %swap3A_656 = vector.shape_cast %mul3A_651 : vector<16xf32> to vector<1x16xf32>
          tpu.vector_store %arg11[%swap3A_652, %swap3A_653], %swap3A_656 {strides = array<i32>} : memref<128x128xf32, #tpu.memory_space<vmem>>, vector<1x16xf32>,
          %get3A_657 = arith.index_cast %add3A_636 : i32 to index
          %get3A_658 = arith.constant 32 : index
          %get3A_659 = tpu.vector_load %arg11[%get3A_657, %get3A_658] {strides = array<i32>} : memref<128x128xf32, #tpu.memory_space<vmem>>, vector<1x16xf32>,
          %get3A_660 = vector.shape_cast %get3A_659 : vector<1x16xf32> to vector<16xf32>
          %mul3A_661 = arith.mulf %get3A_660, %gather3A_632 : vector<16xf32>
          %swap3A_662 = arith.index_cast %add3A_636 : i32 to index
          %swap3A_663 = arith.constant 32 : index
          %swap3A_664 = tpu.vector_load %arg11[%swap3A_662, %swap3A_663] {strides = array<i32>} : memref<128x128xf32, #tpu.memory_space<vmem>>, vector<1x16xf32>,
          %swap3A_665 = vector.shape_cast %swap3A_664 : vector<1x16xf32> to vector<16xf32>
          %swap3A_666 = vector.shape_cast %mul3A_661 : vector<16xf32> to vector<1x16xf32>
          tpu.vector_store %arg11[%swap3A_662, %swap3A_663], %swap3A_666 {strides = array<i32>} : memref<128x128xf32, #tpu.memory_space<vmem>>, vector<1x16xf32>,
          %get3A_667 = arith.index_cast %add3A_636 : i32 to index
          %get3A_668 = arith.constant 48 : index
          %get3A_669 = tpu.vector_load %arg11[%get3A_667, %get3A_668] {strides = array<i32>} : memref<128x128xf32, #tpu.memory_space<vmem>>, vector<1x16xf32>,
          %get3A_670 = vector.shape_cast %get3A_669 : vector<1x16xf32> to vector<16xf32>
          %mul3A_671 = arith.mulf %get3A_670, %gather3A_632 : vector<16xf32>
          %swap3A_672 = arith.index_cast %add3A_636 : i32 to index
          %swap3A_673 = arith.constant 48 : index
          %swap3A_674 = tpu.vector_load %arg11[%swap3A_672, %swap3A_673] {strides = array<i32>} : memref<128x128xf32, #tpu.memory_space<vmem>>, vector<1x16xf32>,
          %swap3A_675 = vector.shape_cast %swap3A_674 : vector<1x16xf32> to vector<16xf32>
          %swap3A_676 = vector.shape_cast %mul3A_671 : vector<16xf32> to vector<1x16xf32>
          tpu.vector_store %arg11[%swap3A_672, %swap3A_673], %swap3A_676 {strides = array<i32>} : memref<128x128xf32, #tpu.memory_space<vmem>>, vector<1x16xf32>,
          %get3A_677 = arith.index_cast %add3A_636 : i32 to index
          %get3A_678 = arith.constant 64 : index
          %get3A_679 = tpu.vector_load %arg11[%get3A_677, %get3A_678] {strides = array<i32>} : memref<128x128xf32, #tpu.memory_space<vmem>>, vector<1x16xf32>,
          %get3A_680 = vector.shape_cast %get3A_679 : vector<1x16xf32> to vector<16xf32>
          %mul3A_681 = arith.mulf %get3A_680, %gather3A_632 : vector<16xf32>
          %swap3A_682 = arith.index_cast %add3A_636 : i32 to index
          %swap3A_683 = arith.constant 64 : index
          %swap3A_684 = tpu.vector_load %arg11[%swap3A_682, %swap3A_683] {strides = array<i32>} : memref<128x128xf32, #tpu.memory_space<vmem>>, vector<1x16xf32>,
          %swap3A_685 = vector.shape_cast %swap3A_684 : vector<1x16xf32> to vector<16xf32>
          %swap3A_686 = vector.shape_cast %mul3A_681 : vector<16xf32> to vector<1x16xf32>
          tpu.vector_store %arg11[%swap3A_682, %swap3A_683], %swap3A_686 {strides = array<i32>} : memref<128x128xf32, #tpu.memory_space<vmem>>, vector<1x16xf32>,
          %get3A_687 = arith.index_cast %add3A_636 : i32 to index
          %get3A_688 = arith.constant 80 : index
          %get3A_689 = tpu.vector_load %arg11[%get3A_687, %get3A_688] {strides = array<i32>} : memref<128x128xf32, #tpu.memory_space<vmem>>, vector<1x16xf32>,
          %get3A_690 = vector.shape_cast %get3A_689 : vector<1x16xf32> to vector<16xf32>
          %mul3A_691 = arith.mulf %get3A_690, %gather3A_632 : vector<16xf32>
          %swap3A_692 = arith.index_cast %add3A_636 : i32 to index
          %swap3A_693 = arith.constant 80 : index
          %swap3A_694 = tpu.vector_load %arg11[%swap3A_692, %swap3A_693] {strides = array<i32>} : memref<128x128xf32, #tpu.memory_space<vmem>>, vector<1x16xf32>,
          %swap3A_695 = vector.shape_cast %swap3A_694 : vector<1x16xf32> to vector<16xf32>
          %swap3A_696 = vector.shape_cast %mul3A_691 : vector<16xf32> to vector<1x16xf32>
          tpu.vector_store %arg11[%swap3A_692, %swap3A_693], %swap3A_696 {strides = array<i32>} : memref<128x128xf32, #tpu.memory_space<vmem>>, vector<1x16xf32>,
          %get3A_697 = arith.index_cast %add3A_636 : i32 to index
          %get3A_698 = arith.constant 96 : index
          %get3A_699 = tpu.vector_load %arg11[%get3A_697, %get3A_698] {strides = array<i32>} : memref<128x128xf32, #tpu.memory_space<vmem>>, vector<1x16xf32>,
          %get3A_700 = vector.shape_cast %get3A_699 : vector<1x16xf32> to vector<16xf32>
          %mul3A_701 = arith.mulf %get3A_700, %gather3A_632 : vector<16xf32>
          %swap3A_702 = arith.index_cast %add3A_636 : i32 to index
          %swap3A_703 = arith.constant 96 : index
          %swap3A_704 = tpu.vector_load %arg11[%swap3A_702, %swap3A_703] {strides = array<i32>} : memref<128x128xf32, #tpu.memory_space<vmem>>, vector<1x16xf32>,
          %swap3A_705 = vector.shape_cast %swap3A_704 : vector<1x16xf32> to vector<16xf32>
          %swap3A_706 = vector.shape_cast %mul3A_701 : vector<16xf32> to vector<1x16xf32>
          tpu.vector_store %arg11[%swap3A_702, %swap3A_703], %swap3A_706 {strides = array<i32>} : memref<128x128xf32, #tpu.memory_space<vmem>>, vector<1x16xf32>,
          %get3A_707 = arith.index_cast %add3A_636 : i32 to index
          %get3A_708 = arith.constant 112 : index
          %get3A_709 = tpu.vector_load %arg11[%get3A_707, %get3A_708] {strides = array<i32>} : memref<128x128xf32, #tpu.memory_space<vmem>>, vector<1x16xf32>,
          %get3A_710 = vector.shape_cast %get3A_709 : vector<1x16xf32> to vector<16xf32>
          %mul3A_711 = arith.mulf %get3A_710, %gather3A_632 : vector<16xf32>
          %swap3A_712 = arith.index_cast %add3A_636 : i32 to index
          %swap3A_713 = arith.constant 112 : index
          %swap3A_714 = tpu.vector_load %arg11[%swap3A_712, %swap3A_713] {strides = array<i32>} : memref<128x128xf32, #tpu.memory_space<vmem>>, vector<1x16xf32>,
          %swap3A_715 = vector.shape_cast %swap3A_714 : vector<1x16xf32> to vector<16xf32>
          %swap3A_716 = vector.shape_cast %mul3A_711 : vector<16xf32> to vector<1x16xf32>
          tpu.vector_store %arg11[%swap3A_712, %swap3A_713], %swap3A_716 {strides = array<i32>} : memref<128x128xf32, #tpu.memory_space<vmem>>, vector<1x16xf32>,
          %broadcast_in_dim3A_717 = arith.constant 5 : i32
          %broadcast_in_dim3A_718 = vector.broadcast %broadcast_in_dim3A_717 : i32 to vector<16x1xi32>
          %gather3A_719 = vector.shape_cast %broadcast_in_dim3A_718 : vector<16x1xi32> to vector<16xi32>
          %gather3A_720 = tpu.dynamic_gather %get3A_279[%gather3A_719] in [0] : vector<16xf32>, vector<16xi32> -> vector<16xf32>
          %mul3A_721 = arith.constant 16 : i32
          %mul3A_722 = arith.muli %scan3A_273, %mul3A_721 : i32
          %add3A_723 = arith.constant 5 : i32
          %add3A_724 = arith.addi %mul3A_722, %add3A_723 : i32
          %get3A_725 = arith.index_cast %add3A_724 : i32 to index
          %get3A_726 = arith.constant 0 : index
          %get3A_727 = tpu.vector_load %arg11[%get3A_725, %get3A_726] {strides = array<i32>} : memref<128x128xf32, #tpu.memory_space<vmem>>, vector<1x16xf32>,
          %get3A_728 = vector.shape_cast %get3A_727 : vector<1x16xf32> to vector<16xf32>
          %mul3A_729 = arith.mulf %get3A_728, %gather3A_720 : vector<16xf32>
          %swap3A_730 = arith.index_cast %add3A_724 : i32 to index
          %swap3A_731 = arith.constant 0 : index
          %swap3A_732 = tpu.vector_load %arg11[%swap3A_730, %swap3A_731] {strides = array<i32>} : memref<128x128xf32, #tpu.memory_space<vmem>>, vector<1x16xf32>,
          %swap3A_733 = vector.shape_cast %swap3A_732 : vector<1x16xf32> to vector<16xf32>
          %swap3A_734 = vector.shape_cast %mul3A_729 : vector<16xf32> to vector<1x16xf32>
          tpu.vector_store %arg11[%swap3A_730, %swap3A_731], %swap3A_734 {strides = array<i32>} : memref<128x128xf32, #tpu.memory_space<vmem>>, vector<1x16xf32>,
          %get3A_735 = arith.index_cast %add3A_724 : i32 to index
          %get3A_736 = arith.constant 16 : index
          %get3A_737 = tpu.vector_load %arg11[%get3A_735, %get3A_736] {strides = array<i32>} : memref<128x128xf32, #tpu.memory_space<vmem>>, vector<1x16xf32>,
          %get3A_738 = vector.shape_cast %get3A_737 : vector<1x16xf32> to vector<16xf32>
          %mul3A_739 = arith.mulf %get3A_738, %gather3A_720 : vector<16xf32>
          %swap3A_740 = arith.index_cast %add3A_724 : i32 to index
          %swap3A_741 = arith.constant 16 : index
          %swap3A_742 = tpu.vector_load %arg11[%swap3A_740, %swap3A_741] {strides = array<i32>} : memref<128x128xf32, #tpu.memory_space<vmem>>, vector<1x16xf32>,
          %swap3A_743 = vector.shape_cast %swap3A_742 : vector<1x16xf32> to vector<16xf32>
          %swap3A_744 = vector.shape_cast %mul3A_739 : vector<16xf32> to vector<1x16xf32>
          tpu.vector_store %arg11[%swap3A_740, %swap3A_741], %swap3A_744 {strides = array<i32>} : memref<128x128xf32, #tpu.memory_space<vmem>>, vector<1x16xf32>,
          %get3A_745 = arith.index_cast %add3A_724 : i32 to index
          %get3A_746 = arith.constant 32 : index
          %get3A_747 = tpu.vector_load %arg11[%get3A_745, %get3A_746] {strides = array<i32>} : memref<128x128xf32, #tpu.memory_space<vmem>>, vector<1x16xf32>,
          %get3A_748 = vector.shape_cast %get3A_747 : vector<1x16xf32> to vector<16xf32>
          %mul3A_749 = arith.mulf %get3A_748, %gather3A_720 : vector<16xf32>
          %swap3A_750 = arith.index_cast %add3A_724 : i32 to index
          %swap3A_751 = arith.constant 32 : index
          %swap3A_752 = tpu.vector_load %arg11[%swap3A_750, %swap3A_751] {strides = array<i32>} : memref<128x128xf32, #tpu.memory_space<vmem>>, vector<1x16xf32>,
          %swap3A_753 = vector.shape_cast %swap3A_752 : vector<1x16xf32> to vector<16xf32>
          %swap3A_754 = vector.shape_cast %mul3A_749 : vector<16xf32> to vector<1x16xf32>
          tpu.vector_store %arg11[%swap3A_750, %swap3A_751], %swap3A_754 {strides = array<i32>} : memref<128x128xf32, #tpu.memory_space<vmem>>, vector<1x16xf32>,
          %get3A_755 = arith.index_cast %add3A_724 : i32 to index
          %get3A_756 = arith.constant 48 : index
          %get3A_757 = tpu.vector_load %arg11[%get3A_755, %get3A_756] {strides = array<i32>} : memref<128x128xf32, #tpu.memory_space<vmem>>, vector<1x16xf32>,
          %get3A_758 = vector.shape_cast %get3A_757 : vector<1x16xf32> to vector<16xf32>
          %mul3A_759 = arith.mulf %get3A_758, %gather3A_720 : vector<16xf32>
          %swap3A_760 = arith.index_cast %add3A_724 : i32 to index
          %swap3A_761 = arith.constant 48 : index
          %swap3A_762 = tpu.vector_load %arg11[%swap3A_760, %swap3A_761] {strides = array<i32>} : memref<128x128xf32, #tpu.memory_space<vmem>>, vector<1x16xf32>,
          %swap3A_763 = vector.shape_cast %swap3A_762 : vector<1x16xf32> to vector<16xf32>
          %swap3A_764 = vector.shape_cast %mul3A_759 : vector<16xf32> to vector<1x16xf32>
          tpu.vector_store %arg11[%swap3A_760, %swap3A_761], %swap3A_764 {strides = array<i32>} : memref<128x128xf32, #tpu.memory_space<vmem>>, vector<1x16xf32>,
          %get3A_765 = arith.index_cast %add3A_724 : i32 to index
          %get3A_766 = arith.constant 64 : index
          %get3A_767 = tpu.vector_load %arg11[%get3A_765, %get3A_766] {strides = array<i32>} : memref<128x128xf32, #tpu.memory_space<vmem>>, vector<1x16xf32>,
          %get3A_768 = vector.shape_cast %get3A_767 : vector<1x16xf32> to vector<16xf32>
          %mul3A_769 = arith.mulf %get3A_768, %gather3A_720 : vector<16xf32>
          %swap3A_770 = arith.index_cast %add3A_724 : i32 to index
          %swap3A_771 = arith.constant 64 : index
          %swap3A_772 = tpu.vector_load %arg11[%swap3A_770, %swap3A_771] {strides = array<i32>} : memref<128x128xf32, #tpu.memory_space<vmem>>, vector<1x16xf32>,
          %swap3A_773 = vector.shape_cast %swap3A_772 : vector<1x16xf32> to vector<16xf32>
          %swap3A_774 = vector.shape_cast %mul3A_769 : vector<16xf32> to vector<1x16xf32>
          tpu.vector_store %arg11[%swap3A_770, %swap3A_771], %swap3A_774 {strides = array<i32>} : memref<128x128xf32, #tpu.memory_space<vmem>>, vector<1x16xf32>,
          %get3A_775 = arith.index_cast %add3A_724 : i32 to index
          %get3A_776 = arith.constant 80 : index
          %get3A_777 = tpu.vector_load %arg11[%get3A_775, %get3A_776] {strides = array<i32>} : memref<128x128xf32, #tpu.memory_space<vmem>>, vector<1x16xf32>,
          %get3A_778 = vector.shape_cast %get3A_777 : vector<1x16xf32> to vector<16xf32>
          %mul3A_779 = arith.mulf %get3A_778, %gather3A_720 : vector<16xf32>
          %swap3A_780 = arith.index_cast %add3A_724 : i32 to index
          %swap3A_781 = arith.constant 80 : index
          %swap3A_782 = tpu.vector_load %arg11[%swap3A_780, %swap3A_781] {strides = array<i32>} : memref<128x128xf32, #tpu.memory_space<vmem>>, vector<1x16xf32>,
          %swap3A_783 = vector.shape_cast %swap3A_782 : vector<1x16xf32> to vector<16xf32>
          %swap3A_784 = vector.shape_cast %mul3A_779 : vector<16xf32> to vector<1x16xf32>
          tpu.vector_store %arg11[%swap3A_780, %swap3A_781], %swap3A_784 {strides = array<i32>} : memref<128x128xf32, #tpu.memory_space<vmem>>, vector<1x16xf32>,
          %get3A_785 = arith.index_cast %add3A_724 : i32 to index
          %get3A_786 = arith.constant 96 : index
          %get3A_787 = tpu.vector_load %arg11[%get3A_785, %get3A_786] {strides = array<i32>} : memref<128x128xf32, #tpu.memory_space<vmem>>, vector<1x16xf32>,
          %get3A_788 = vector.shape_cast %get3A_787 : vector<1x16xf32> to vector<16xf32>
          %mul3A_789 = arith.mulf %get3A_788, %gather3A_720 : vector<16xf32>
          %swap3A_790 = arith.index_cast %add3A_724 : i32 to index
          %swap3A_791 = arith.constant 96 : index
          %swap3A_792 = tpu.vector_load %arg11[%swap3A_790, %swap3A_791] {strides = array<i32>} : memref<128x128xf32, #tpu.memory_space<vmem>>, vector<1x16xf32>,
          %swap3A_793 = vector.shape_cast %swap3A_792 : vector<1x16xf32> to vector<16xf32>
          %swap3A_794 = vector.shape_cast %mul3A_789 : vector<16xf32> to vector<1x16xf32>
          tpu.vector_store %arg11[%swap3A_790, %swap3A_791], %swap3A_794 {strides = array<i32>} : memref<128x128xf32, #tpu.memory_space<vmem>>, vector<1x16xf32>,
          %get3A_795 = arith.index_cast %add3A_724 : i32 to index
          %get3A_796 = arith.constant 112 : index
          %get3A_797 = tpu.vector_load %arg11[%get3A_795, %get3A_796] {strides = array<i32>} : memref<128x128xf32, #tpu.memory_space<vmem>>, vector<1x16xf32>,
          %get3A_798 = vector.shape_cast %get3A_797 : vector<1x16xf32> to vector<16xf32>
          %mul3A_799 = arith.mulf %get3A_798, %gather3A_720 : vector<16xf32>
          %swap3A_800 = arith.index_cast %add3A_724 : i32 to index
          %swap3A_801 = arith.constant 112 : index
          %swap3A_802 = tpu.vector_load %arg11[%swap3A_800, %swap3A_801] {strides = array<i32>} : memref<128x128xf32, #tpu.memory_space<vmem>>, vector<1x16xf32>,
          %swap3A_803 = vector.shape_cast %swap3A_802 : vector<1x16xf32> to vector<16xf32>
          %swap3A_804 = vector.shape_cast %mul3A_799 : vector<16xf32> to vector<1x16xf32>
          tpu.vector_store %arg11[%swap3A_800, %swap3A_801], %swap3A_804 {strides = array<i32>} : memref<128x128xf32, #tpu.memory_space<vmem>>, vector<1x16xf32>,
          %broadcast_in_dim3A_805 = arith.constant 6 : i32
          %broadcast_in_dim3A_806 = vector.broadcast %broadcast_in_dim3A_805 : i32 to vector<16x1xi32>
          %gather3A_807 = vector.shape_cast %broadcast_in_dim3A_806 : vector<16x1xi32> to vector<16xi32>
          %gather3A_808 = tpu.dynamic_gather %get3A_279[%gather3A_807] in [0] : vector<16xf32>, vector<16xi32> -> vector<16xf32>
          %mul3A_809 = arith.constant 16 : i32
          %mul3A_810 = arith.muli %scan3A_273, %mul3A_809 : i32
          %add3A_811 = arith.constant 6 : i32
          %add3A_812 = arith.addi %mul3A_810, %add3A_811 : i32
          %get3A_813 = arith.index_cast %add3A_812 : i32 to index
          %get3A_814 = arith.constant 0 : index
          %get3A_815 = tpu.vector_load %arg11[%get3A_813, %get3A_814] {strides = array<i32>} : memref<128x128xf32, #tpu.memory_space<vmem>>, vector<1x16xf32>,
          %get3A_816 = vector.shape_cast %get3A_815 : vector<1x16xf32> to vector<16xf32>
          %mul3A_817 = arith.mulf %get3A_816, %gather3A_808 : vector<16xf32>
          %swap3A_818 = arith.index_cast %add3A_812 : i32 to index
          %swap3A_819 = arith.constant 0 : index
          %swap3A_820 = tpu.vector_load %arg11[%swap3A_818, %swap3A_819] {strides = array<i32>} : memref<128x128xf32, #tpu.memory_space<vmem>>, vector<1x16xf32>,
          %swap3A_821 = vector.shape_cast %swap3A_820 : vector<1x16xf32> to vector<16xf32>
          %swap3A_822 = vector.shape_cast %mul3A_817 : vector<16xf32> to vector<1x16xf32>
          tpu.vector_store %arg11[%swap3A_818, %swap3A_819], %swap3A_822 {strides = array<i32>} : memref<128x128xf32, #tpu.memory_space<vmem>>, vector<1x16xf32>,
          %get3A_823 = arith.index_cast %add3A_812 : i32 to index
          %get3A_824 = arith.constant 16 : index
          %get3A_825 = tpu.vector_load %arg11[%get3A_823, %get3A_824] {strides = array<i32>} : memref<128x128xf32, #tpu.memory_space<vmem>>, vector<1x16xf32>,
          %get3A_826 = vector.shape_cast %get3A_825 : vector<1x16xf32> to vector<16xf32>
          %mul3A_827 = arith.mulf %get3A_826, %gather3A_808 : vector<16xf32>
          %swap3A_828 = arith.index_cast %add3A_812 : i32 to index
          %swap3A_829 = arith.constant 16 : index
          %swap3A_830 = tpu.vector_load %arg11[%swap3A_828, %swap3A_829] {strides = array<i32>} : memref<128x128xf32, #tpu.memory_space<vmem>>, vector<1x16xf32>,
          %swap3A_831 = vector.shape_cast %swap3A_830 : vector<1x16xf32> to vector<16xf32>
          %swap3A_832 = vector.shape_cast %mul3A_827 : vector<16xf32> to vector<1x16xf32>
          tpu.vector_store %arg11[%swap3A_828, %swap3A_829], %swap3A_832 {strides = array<i32>} : memref<128x128xf32, #tpu.memory_space<vmem>>, vector<1x16xf32>,
          %get3A_833 = arith.index_cast %add3A_812 : i32 to index
          %get3A_834 = arith.constant 32 : index
          %get3A_835 = tpu.vector_load %arg11[%get3A_833, %get3A_834] {strides = array<i32>} : memref<128x128xf32, #tpu.memory_space<vmem>>, vector<1x16xf32>,
          %get3A_836 = vector.shape_cast %get3A_835 : vector<1x16xf32> to vector<16xf32>
          %mul3A_837 = arith.mulf %get3A_836, %gather3A_808 : vector<16xf32>
          %swap3A_838 = arith.index_cast %add3A_812 : i32 to index
          %swap3A_839 = arith.constant 32 : index
          %swap3A_840 = tpu.vector_load %arg11[%swap3A_838, %swap3A_839] {strides = array<i32>} : memref<128x128xf32, #tpu.memory_space<vmem>>, vector<1x16xf32>,
          %swap3A_841 = vector.shape_cast %swap3A_840 : vector<1x16xf32> to vector<16xf32>
          %swap3A_842 = vector.shape_cast %mul3A_837 : vector<16xf32> to vector<1x16xf32>
          tpu.vector_store %arg11[%swap3A_838, %swap3A_839], %swap3A_842 {strides = array<i32>} : memref<128x128xf32, #tpu.memory_space<vmem>>, vector<1x16xf32>,
          %get3A_843 = arith.index_cast %add3A_812 : i32 to index
          %get3A_844 = arith.constant 48 : index
          %get3A_845 = tpu.vector_load %arg11[%get3A_843, %get3A_844] {strides = array<i32>} : memref<128x128xf32, #tpu.memory_space<vmem>>, vector<1x16xf32>,
          %get3A_846 = vector.shape_cast %get3A_845 : vector<1x16xf32> to vector<16xf32>
          %mul3A_847 = arith.mulf %get3A_846, %gather3A_808 : vector<16xf32>
          %swap3A_848 = arith.index_cast %add3A_812 : i32 to index
          %swap3A_849 = arith.constant 48 : index
          %swap3A_850 = tpu.vector_load %arg11[%swap3A_848, %swap3A_849] {strides = array<i32>} : memref<128x128xf32, #tpu.memory_space<vmem>>, vector<1x16xf32>,
          %swap3A_851 = vector.shape_cast %swap3A_850 : vector<1x16xf32> to vector<16xf32>
          %swap3A_852 = vector.shape_cast %mul3A_847 : vector<16xf32> to vector<1x16xf32>
          tpu.vector_store %arg11[%swap3A_848, %swap3A_849], %swap3A_852 {strides = array<i32>} : memref<128x128xf32, #tpu.memory_space<vmem>>, vector<1x16xf32>,
          %get3A_853 = arith.index_cast %add3A_812 : i32 to index
          %get3A_854 = arith.constant 64 : index
          %get3A_855 = tpu.vector_load %arg11[%get3A_853, %get3A_854] {strides = array<i32>} : memref<128x128xf32, #tpu.memory_space<vmem>>, vector<1x16xf32>,
          %get3A_856 = vector.shape_cast %get3A_855 : vector<1x16xf32> to vector<16xf32>
          %mul3A_857 = arith.mulf %get3A_856, %gather3A_808 : vector<16xf32>
          %swap3A_858 = arith.index_cast %add3A_812 : i32 to index
          %swap3A_859 = arith.constant 64 : index
          %swap3A_860 = tpu.vector_load %arg11[%swap3A_858, %swap3A_859] {strides = array<i32>} : memref<128x128xf32, #tpu.memory_space<vmem>>, vector<1x16xf32>,
          %swap3A_861 = vector.shape_cast %swap3A_860 : vector<1x16xf32> to vector<16xf32>
          %swap3A_862 = vector.shape_cast %mul3A_857 : vector<16xf32> to vector<1x16xf32>
          tpu.vector_store %arg11[%swap3A_858, %swap3A_859], %swap3A_862 {strides = array<i32>} : memref<128x128xf32, #tpu.memory_space<vmem>>, vector<1x16xf32>,
          %get3A_863 = arith.index_cast %add3A_812 : i32 to index
          %get3A_864 = arith.constant 80 : index
          %get3A_865 = tpu.vector_load %arg11[%get3A_863, %get3A_864] {strides = array<i32>} : memref<128x128xf32, #tpu.memory_space<vmem>>, vector<1x16xf32>,
          %get3A_866 = vector.shape_cast %get3A_865 : vector<1x16xf32> to vector<16xf32>
          %mul3A_867 = arith.mulf %get3A_866, %gather3A_808 : vector<16xf32>
          %swap3A_868 = arith.index_cast %add3A_812 : i32 to index
          %swap3A_869 = arith.constant 80 : index
          %swap3A_870 = tpu.vector_load %arg11[%swap3A_868, %swap3A_869] {strides = array<i32>} : memref<128x128xf32, #tpu.memory_space<vmem>>, vector<1x16xf32>,
          %swap3A_871 = vector.shape_cast %swap3A_870 : vector<1x16xf32> to vector<16xf32>
          %swap3A_872 = vector.shape_cast %mul3A_867 : vector<16xf32> to vector<1x16xf32>
          tpu.vector_store %arg11[%swap3A_868, %swap3A_869], %swap3A_872 {strides = array<i32>} : memref<128x128xf32, #tpu.memory_space<vmem>>, vector<1x16xf32>,
          %get3A_873 = arith.index_cast %add3A_812 : i32 to index
          %get3A_874 = arith.constant 96 : index
          %get3A_875 = tpu.vector_load %arg11[%get3A_873, %get3A_874] {strides = array<i32>} : memref<128x128xf32, #tpu.memory_space<vmem>>, vector<1x16xf32>,
          %get3A_876 = vector.shape_cast %get3A_875 : vector<1x16xf32> to vector<16xf32>
          %mul3A_877 = arith.mulf %get3A_876, %gather3A_808 : vector<16xf32>
          %swap3A_878 = arith.index_cast %add3A_812 : i32 to index
          %swap3A_879 = arith.constant 96 : index
          %swap3A_880 = tpu.vector_load %arg11[%swap3A_878, %swap3A_879] {strides = array<i32>} : memref<128x128xf32, #tpu.memory_space<vmem>>, vector<1x16xf32>,
          %swap3A_881 = vector.shape_cast %swap3A_880 : vector<1x16xf32> to vector<16xf32>
          %swap3A_882 = vector.shape_cast %mul3A_877 : vector<16xf32> to vector<1x16xf32>
          tpu.vector_store %arg11[%swap3A_878, %swap3A_879], %swap3A_882 {strides = array<i32>} : memref<128x128xf32, #tpu.memory_space<vmem>>, vector<1x16xf32>,
          %get3A_883 = arith.index_cast %add3A_812 : i32 to index
          %get3A_884 = arith.constant 112 : index
          %get3A_885 = tpu.vector_load %arg11[%get3A_883, %get3A_884] {strides = array<i32>} : memref<128x128xf32, #tpu.memory_space<vmem>>, vector<1x16xf32>,
          %get3A_886 = vector.shape_cast %get3A_885 : vector<1x16xf32> to vector<16xf32>
          %mul3A_887 = arith.mulf %get3A_886, %gather3A_808 : vector<16xf32>
          %swap3A_888 = arith.index_cast %add3A_812 : i32 to index
          %swap3A_889 = arith.constant 112 : index
          %swap3A_890 = tpu.vector_load %arg11[%swap3A_888, %swap3A_889] {strides = array<i32>} : memref<128x128xf32, #tpu.memory_space<vmem>>, vector<1x16xf32>,
          %swap3A_891 = vector.shape_cast %swap3A_890 : vector<1x16xf32> to vector<16xf32>
          %swap3A_892 = vector.shape_cast %mul3A_887 : vector<16xf32> to vector<1x16xf32>
          tpu.vector_store %arg11[%swap3A_888, %swap3A_889], %swap3A_892 {strides = array<i32>} : memref<128x128xf32, #tpu.memory_space<vmem>>, vector<1x16xf32>,
          %broadcast_in_dim3A_893 = arith.constant 7 : i32
          %broadcast_in_dim3A_894 = vector.broadcast %broadcast_in_dim3A_893 : i32 to vector<16x1xi32>
          %gather3A_895 = vector.shape_cast %broadcast_in_dim3A_894 : vector<16x1xi32> to vector<16xi32>
          %gather3A_896 = tpu.dynamic_gather %get3A_279[%gather3A_895] in [0] : vector<16xf32>, vector<16xi32> -> vector<16xf32>
          %mul3A_897 = arith.constant 16 : i32
          %mul3A_898 = arith.muli %scan3A_273, %mul3A_897 : i32
          %add3A_899 = arith.constant 7 : i32
          %add3A_900 = arith.addi %mul3A_898, %add3A_899 : i32
          %get3A_901 = arith.index_cast %add3A_900 : i32 to index
          %get3A_902 = arith.constant 0 : index
          %get3A_903 = tpu.vector_load %arg11[%get3A_901, %get3A_902] {strides = array<i32>} : memref<128x128xf32, #tpu.memory_space<vmem>>, vector<1x16xf32>,
          %get3A_904 = vector.shape_cast %get3A_903 : vector<1x16xf32> to vector<16xf32>
          %mul3A_905 = arith.mulf %get3A_904, %gather3A_896 : vector<16xf32>
          %swap3A_906 = arith.index_cast %add3A_900 : i32 to index
          %swap3A_907 = arith.constant 0 : index
          %swap3A_908 = tpu.vector_load %arg11[%swap3A_906, %swap3A_907] {strides = array<i32>} : memref<128x128xf32, #tpu.memory_space<vmem>>, vector<1x16xf32>,
          %swap3A_909 = vector.shape_cast %swap3A_908 : vector<1x16xf32> to vector<16xf32>
          %swap3A_910 = vector.shape_cast %mul3A_905 : vector<16xf32> to vector<1x16xf32>
          tpu.vector_store %arg11[%swap3A_906, %swap3A_907], %swap3A_910 {strides = array<i32>} : memref<128x128xf32, #tpu.memory_space<vmem>>, vector<1x16xf32>,
          %get3A_911 = arith.index_cast %add3A_900 : i32 to index
          %get3A_912 = arith.constant 16 : index
          %get3A_913 = tpu.vector_load %arg11[%get3A_911, %get3A_912] {strides = array<i32>} : memref<128x128xf32, #tpu.memory_space<vmem>>, vector<1x16xf32>,
          %get3A_914 = vector.shape_cast %get3A_913 : vector<1x16xf32> to vector<16xf32>
          %mul3A_915 = arith.mulf %get3A_914, %gather3A_896 : vector<16xf32>
          %swap3A_916 = arith.index_cast %add3A_900 : i32 to index
          %swap3A_917 = arith.constant 16 : index
          %swap3A_918 = tpu.vector_load %arg11[%swap3A_916, %swap3A_917] {strides = array<i32>} : memref<128x128xf32, #tpu.memory_space<vmem>>, vector<1x16xf32>,
          %swap3A_919 = vector.shape_cast %swap3A_918 : vector<1x16xf32> to vector<16xf32>
          %swap3A_920 = vector.shape_cast %mul3A_915 : vector<16xf32> to vector<1x16xf32>
          tpu.vector_store %arg11[%swap3A_916, %swap3A_917], %swap3A_920 {strides = array<i32>} : memref<128x128xf32, #tpu.memory_space<vmem>>, vector<1x16xf32>,
          %get3A_921 = arith.index_cast %add3A_900 : i32 to index
          %get3A_922 = arith.constant 32 : index
          %get3A_923 = tpu.vector_load %arg11[%get3A_921, %get3A_922] {strides = array<i32>} : memref<128x128xf32, #tpu.memory_space<vmem>>, vector<1x16xf32>,
          %get3A_924 = vector.shape_cast %get3A_923 : vector<1x16xf32> to vector<16xf32>
          %mul3A_925 = arith.mulf %get3A_924, %gather3A_896 : vector<16xf32>
          %swap3A_926 = arith.index_cast %add3A_900 : i32 to index
          %swap3A_927 = arith.constant 32 : index
          %swap3A_928 = tpu.vector_load %arg11[%swap3A_926, %swap3A_927] {strides = array<i32>} : memref<128x128xf32, #tpu.memory_space<vmem>>, vector<1x16xf32>,
          %swap3A_929 = vector.shape_cast %swap3A_928 : vector<1x16xf32> to vector<16xf32>
          %swap3A_930 = vector.shape_cast %mul3A_925 : vector<16xf32> to vector<1x16xf32>
          tpu.vector_store %arg11[%swap3A_926, %swap3A_927], %swap3A_930 {strides = array<i32>} : memref<128x128xf32, #tpu.memory_space<vmem>>, vector<1x16xf32>,
          %get3A_931 = arith.index_cast %add3A_900 : i32 to index
          %get3A_932 = arith.constant 48 : index
          %get3A_933 = tpu.vector_load %arg11[%get3A_931, %get3A_932] {strides = array<i32>} : memref<128x128xf32, #tpu.memory_space<vmem>>, vector<1x16xf32>,
          %get3A_934 = vector.shape_cast %get3A_933 : vector<1x16xf32> to vector<16xf32>
          %mul3A_935 = arith.mulf %get3A_934, %gather3A_896 : vector<16xf32>
          %swap3A_936 = arith.index_cast %add3A_900 : i32 to index
          %swap3A_937 = arith.constant 48 : index
          %swap3A_938 = tpu.vector_load %arg11[%swap3A_936, %swap3A_937] {strides = array<i32>} : memref<128x128xf32, #tpu.memory_space<vmem>>, vector<1x16xf32>,
          %swap3A_939 = vector.shape_cast %swap3A_938 : vector<1x16xf32> to vector<16xf32>
          %swap3A_940 = vector.shape_cast %mul3A_935 : vector<16xf32> to vector<1x16xf32>
          tpu.vector_store %arg11[%swap3A_936, %swap3A_937], %swap3A_940 {strides = array<i32>} : memref<128x128xf32, #tpu.memory_space<vmem>>, vector<1x16xf32>,
          %get3A_941 = arith.index_cast %add3A_900 : i32 to index
          %get3A_942 = arith.constant 64 : index
          %get3A_943 = tpu.vector_load %arg11[%get3A_941, %get3A_942] {strides = array<i32>} : memref<128x128xf32, #tpu.memory_space<vmem>>, vector<1x16xf32>,
          %get3A_944 = vector.shape_cast %get3A_943 : vector<1x16xf32> to vector<16xf32>
          %mul3A_945 = arith.mulf %get3A_944, %gather3A_896 : vector<16xf32>
          %swap3A_946 = arith.index_cast %add3A_900 : i32 to index
          %swap3A_947 = arith.constant 64 : index
          %swap3A_948 = tpu.vector_load %arg11[%swap3A_946, %swap3A_947] {strides = array<i32>} : memref<128x128xf32, #tpu.memory_space<vmem>>, vector<1x16xf32>,
          %swap3A_949 = vector.shape_cast %swap3A_948 : vector<1x16xf32> to vector<16xf32>
          %swap3A_950 = vector.shape_cast %mul3A_945 : vector<16xf32> to vector<1x16xf32>
          tpu.vector_store %arg11[%swap3A_946, %swap3A_947], %swap3A_950 {strides = array<i32>} : memref<128x128xf32, #tpu.memory_space<vmem>>, vector<1x16xf32>,
          %get3A_951 = arith.index_cast %add3A_900 : i32 to index
          %get3A_952 = arith.constant 80 : index
          %get3A_953 = tpu.vector_load %arg11[%get3A_951, %get3A_952] {strides = array<i32>} : memref<128x128xf32, #tpu.memory_space<vmem>>, vector<1x16xf32>,
          %get3A_954 = vector.shape_cast %get3A_953 : vector<1x16xf32> to vector<16xf32>
          %mul3A_955 = arith.mulf %get3A_954, %gather3A_896 : vector<16xf32>
          %swap3A_956 = arith.index_cast %add3A_900 : i32 to index
          %swap3A_957 = arith.constant 80 : index
          %swap3A_958 = tpu.vector_load %arg11[%swap3A_956, %swap3A_957] {strides = array<i32>} : memref<128x128xf32, #tpu.memory_space<vmem>>, vector<1x16xf32>,
          %swap3A_959 = vector.shape_cast %swap3A_958 : vector<1x16xf32> to vector<16xf32>
          %swap3A_960 = vector.shape_cast %mul3A_955 : vector<16xf32> to vector<1x16xf32>
          tpu.vector_store %arg11[%swap3A_956, %swap3A_957], %swap3A_960 {strides = array<i32>} : memref<128x128xf32, #tpu.memory_space<vmem>>, vector<1x16xf32>,
          %get3A_961 = arith.index_cast %add3A_900 : i32 to index
          %get3A_962 = arith.constant 96 : index
          %get3A_963 = tpu.vector_load %arg11[%get3A_961, %get3A_962] {strides = array<i32>} : memref<128x128xf32, #tpu.memory_space<vmem>>, vector<1x16xf32>,
          %get3A_964 = vector.shape_cast %get3A_963 : vector<1x16xf32> to vector<16xf32>
          %mul3A_965 = arith.mulf %get3A_964, %gather3A_896 : vector<16xf32>
          %swap3A_966 = arith.index_cast %add3A_900 : i32 to index
          %swap3A_967 = arith.constant 96 : index
          %swap3A_968 = tpu.vector_load %arg11[%swap3A_966, %swap3A_967] {strides = array<i32>} : memref<128x128xf32, #tpu.memory_space<vmem>>, vector<1x16xf32>,
          %swap3A_969 = vector.shape_cast %swap3A_968 : vector<1x16xf32> to vector<16xf32>
          %swap3A_970 = vector.shape_cast %mul3A_965 : vector<16xf32> to vector<1x16xf32>
          tpu.vector_store %arg11[%swap3A_966, %swap3A_967], %swap3A_970 {strides = array<i32>} : memref<128x128xf32, #tpu.memory_space<vmem>>, vector<1x16xf32>,
          %get3A_971 = arith.index_cast %add3A_900 : i32 to index
          %get3A_972 = arith.constant 112 : index
          %get3A_973 = tpu.vector_load %arg11[%get3A_971, %get3A_972] {strides = array<i32>} : memref<128x128xf32, #tpu.memory_space<vmem>>, vector<1x16xf32>,
          %get3A_974 = vector.shape_cast %get3A_973 : vector<1x16xf32> to vector<16xf32>
          %mul3A_975 = arith.mulf %get3A_974, %gather3A_896 : vector<16xf32>
          %swap3A_976 = arith.index_cast %add3A_900 : i32 to index
          %swap3A_977 = arith.constant 112 : index
          %swap3A_978 = tpu.vector_load %arg11[%swap3A_976, %swap3A_977] {strides = array<i32>} : memref<128x128xf32, #tpu.memory_space<vmem>>, vector<1x16xf32>,
          %swap3A_979 = vector.shape_cast %swap3A_978 : vector<1x16xf32> to vector<16xf32>
          %swap3A_980 = vector.shape_cast %mul3A_975 : vector<16xf32> to vector<1x16xf32>
          tpu.vector_store %arg11[%swap3A_976, %swap3A_977], %swap3A_980 {strides = array<i32>} : memref<128x128xf32, #tpu.memory_space<vmem>>, vector<1x16xf32>,
          %broadcast_in_dim3A_981 = arith.constant 8 : i32
          %broadcast_in_dim3A_982 = vector.broadcast %broadcast_in_dim3A_981 : i32 to vector<16x1xi32>
          %gather3A_983 = vector.shape_cast %broadcast_in_dim3A_982 : vector<16x1xi32> to vector<16xi32>
          %gather3A_984 = tpu.dynamic_gather %get3A_279[%gather3A_983] in [0] : vector<16xf32>, vector<16xi32> -> vector<16xf32>
          %mul3A_985 = arith.constant 16 : i32
          %mul3A_986 = arith.muli %scan3A_273, %mul3A_985 : i32
          %add3A_987 = arith.constant 8 : i32
          %add3A_988 = arith.addi %mul3A_986, %add3A_987 : i32
          %get3A_989 = arith.index_cast %add3A_988 : i32 to index
          %get3A_990 = arith.constant 0 : index
          %get3A_991 = tpu.vector_load %arg11[%get3A_989, %get3A_990] {strides = array<i32>} : memref<128x128xf32, #tpu.memory_space<vmem>>, vector<1x16xf32>,
          %get3A_992 = vector.shape_cast %get3A_991 : vector<1x16xf32> to vector<16xf32>
          %mul3A_993 = arith.mulf %get3A_992, %gather3A_984 : vector<16xf32>
          %swap3A_994 = arith.index_cast %add3A_988 : i32 to index
          %swap3A_995 = arith.constant 0 : index
          %swap3A_996 = tpu.vector_load %arg11[%swap3A_994, %swap3A_995] {strides = array<i32>} : memref<128x128xf32, #tpu.memory_space<vmem>>, vector<1x16xf32>,
          %swap3A_997 = vector.shape_cast %swap3A_996 : vector<1x16xf32> to vector<16xf32>
          %swap3A_998 = vector.shape_cast %mul3A_993 : vector<16xf32> to vector<1x16xf32>
          tpu.vector_store %arg11[%swap3A_994, %swap3A_995], %swap3A_998 {strides = array<i32>} : memref<128x128xf32, #tpu.memory_space<vmem>>, vector<1x16xf32>,
          %get3A_999 = arith.index_cast %add3A_988 : i32 to index
          %get3A_1000 = arith.constant 16 : index
          %get3A_1001 = tpu.vector_load %arg11[%get3A_999, %get3A_1000] {strides = array<i32>} : memref<128x128xf32, #tpu.memory_space<vmem>>, vector<1x16xf32>,
          %get3A_1002 = vector.shape_cast %get3A_1001 : vector<1x16xf32> to vector<16xf32>
          %mul3A_1003 = arith.mulf %get3A_1002, %gather3A_984 : vector<16xf32>
          %swap3A_1004 = arith.index_cast %add3A_988 : i32 to index
          %swap3A_1005 = arith.constant 16 : index
          %swap3A_1006 = tpu.vector_load %arg11[%swap3A_1004, %swap3A_1005] {strides = array<i32>} : memref<128x128xf32, #tpu.memory_space<vmem>>, vector<1x16xf32>,
          %swap3A_1007 = vector.shape_cast %swap3A_1006 : vector<1x16xf32> to vector<16xf32>
          %swap3A_1008 = vector.shape_cast %mul3A_1003 : vector<16xf32> to vector<1x16xf32>
          tpu.vector_store %arg11[%swap3A_1004, %swap3A_1005], %swap3A_1008 {strides = array<i32>} : memref<128x128xf32, #tpu.memory_space<vmem>>, vector<1x16xf32>,
          %get3A_1009 = arith.index_cast %add3A_988 : i32 to index
          %get3A_1010 = arith.constant 32 : index
          %get3A_1011 = tpu.vector_load %arg11[%get3A_1009, %get3A_1010] {strides = array<i32>} : memref<128x128xf32, #tpu.memory_space<vmem>>, vector<1x16xf32>,
          %get3A_1012 = vector.shape_cast %get3A_1011 : vector<1x16xf32> to vector<16xf32>
          %mul3A_1013 = arith.mulf %get3A_1012, %gather3A_984 : vector<16xf32>
          %swap3A_1014 = arith.index_cast %add3A_988 : i32 to index
          %swap3A_1015 = arith.constant 32 : index
          %swap3A_1016 = tpu.vector_load %arg11[%swap3A_1014, %swap3A_1015] {strides = array<i32>} : memref<128x128xf32, #tpu.memory_space<vmem>>, vector<1x16xf32>,
          %swap3A_1017 = vector.shape_cast %swap3A_1016 : vector<1x16xf32> to vector<16xf32>
          %swap3A_1018 = vector.shape_cast %mul3A_1013 : vector<16xf32> to vector<1x16xf32>
          tpu.vector_store %arg11[%swap3A_1014, %swap3A_1015], %swap3A_1018 {strides = array<i32>} : memref<128x128xf32, #tpu.memory_space<vmem>>, vector<1x16xf32>,
          %get3A_1019 = arith.index_cast %add3A_988 : i32 to index
          %get3A_1020 = arith.constant 48 : index
          %get3A_1021 = tpu.vector_load %arg11[%get3A_1019, %get3A_1020] {strides = array<i32>} : memref<128x128xf32, #tpu.memory_space<vmem>>, vector<1x16xf32>,
          %get3A_1022 = vector.shape_cast %get3A_1021 : vector<1x16xf32> to vector<16xf32>
          %mul3A_1023 = arith.mulf %get3A_1022, %gather3A_984 : vector<16xf32>
          %swap3A_1024 = arith.index_cast %add3A_988 : i32 to index
          %swap3A_1025 = arith.constant 48 : index
          %swap3A_1026 = tpu.vector_load %arg11[%swap3A_1024, %swap3A_1025] {strides = array<i32>} : memref<128x128xf32, #tpu.memory_space<vmem>>, vector<1x16xf32>,
          %swap3A_1027 = vector.shape_cast %swap3A_1026 : vector<1x16xf32> to vector<16xf32>
          %swap3A_1028 = vector.shape_cast %mul3A_1023 : vector<16xf32> to vector<1x16xf32>
          tpu.vector_store %arg11[%swap3A_1024, %swap3A_1025], %swap3A_1028 {strides = array<i32>} : memref<128x128xf32, #tpu.memory_space<vmem>>, vector<1x16xf32>,
          %get3A_1029 = arith.index_cast %add3A_988 : i32 to index
          %get3A_1030 = arith.constant 64 : index
          %get3A_1031 = tpu.vector_load %arg11[%get3A_1029, %get3A_1030] {strides = array<i32>} : memref<128x128xf32, #tpu.memory_space<vmem>>, vector<1x16xf32>,
          %get3A_1032 = vector.shape_cast %get3A_1031 : vector<1x16xf32> to vector<16xf32>
          %mul3A_1033 = arith.mulf %get3A_1032, %gather3A_984 : vector<16xf32>
          %swap3A_1034 = arith.index_cast %add3A_988 : i32 to index
          %swap3A_1035 = arith.constant 64 : index
          %swap3A_1036 = tpu.vector_load %arg11[%swap3A_1034, %swap3A_1035] {strides = array<i32>} : memref<128x128xf32, #tpu.memory_space<vmem>>, vector<1x16xf32>,
          %swap3A_1037 = vector.shape_cast %swap3A_1036 : vector<1x16xf32> to vector<16xf32>
          %swap3A_1038 = vector.shape_cast %mul3A_1033 : vector<16xf32> to vector<1x16xf32>
          tpu.vector_store %arg11[%swap3A_1034, %swap3A_1035], %swap3A_1038 {strides = array<i32>} : memref<128x128xf32, #tpu.memory_space<vmem>>, vector<1x16xf32>,
          %get3A_1039 = arith.index_cast %add3A_988 : i32 to index
          %get3A_1040 = arith.constant 80 : index
          %get3A_1041 = tpu.vector_load %arg11[%get3A_1039, %get3A_1040] {strides = array<i32>} : memref<128x128xf32, #tpu.memory_space<vmem>>, vector<1x16xf32>,
          %get3A_1042 = vector.shape_cast %get3A_1041 : vector<1x16xf32> to vector<16xf32>
          %mul3A_1043 = arith.mulf %get3A_1042, %gather3A_984 : vector<16xf32>
          %swap3A_1044 = arith.index_cast %add3A_988 : i32 to index
          %swap3A_1045 = arith.constant 80 : index
          %swap3A_1046 = tpu.vector_load %arg11[%swap3A_1044, %swap3A_1045] {strides = array<i32>} : memref<128x128xf32, #tpu.memory_space<vmem>>, vector<1x16xf32>,
          %swap3A_1047 = vector.shape_cast %swap3A_1046 : vector<1x16xf32> to vector<16xf32>
          %swap3A_1048 = vector.shape_cast %mul3A_1043 : vector<16xf32> to vector<1x16xf32>
          tpu.vector_store %arg11[%swap3A_1044, %swap3A_1045], %swap3A_1048 {strides = array<i32>} : memref<128x128xf32, #tpu.memory_space<vmem>>, vector<1x16xf32>,
          %get3A_1049 = arith.index_cast %add3A_988 : i32 to index
          %get3A_1050 = arith.constant 96 : index
          %get3A_1051 = tpu.vector_load %arg11[%get3A_1049, %get3A_1050] {strides = array<i32>} : memref<128x128xf32, #tpu.memory_space<vmem>>, vector<1x16xf32>,
          %get3A_1052 = vector.shape_cast %get3A_1051 : vector<1x16xf32> to vector<16xf32>
          %mul3A_1053 = arith.mulf %get3A_1052, %gather3A_984 : vector<16xf32>
          %swap3A_1054 = arith.index_cast %add3A_988 : i32 to index
          %swap3A_1055 = arith.constant 96 : index
          %swap3A_1056 = tpu.vector_load %arg11[%swap3A_1054, %swap3A_1055] {strides = array<i32>} : memref<128x128xf32, #tpu.memory_space<vmem>>, vector<1x16xf32>,
          %swap3A_1057 = vector.shape_cast %swap3A_1056 : vector<1x16xf32> to vector<16xf32>
          %swap3A_1058 = vector.shape_cast %mul3A_1053 : vector<16xf32> to vector<1x16xf32>
          tpu.vector_store %arg11[%swap3A_1054, %swap3A_1055], %swap3A_1058 {strides = array<i32>} : memref<128x128xf32, #tpu.memory_space<vmem>>, vector<1x16xf32>,
          %get3A_1059 = arith.index_cast %add3A_988 : i32 to index
          %get3A_1060 = arith.constant 112 : index
          %get3A_1061 = tpu.vector_load %arg11[%get3A_1059, %get3A_1060] {strides = array<i32>} : memref<128x128xf32, #tpu.memory_space<vmem>>, vector<1x16xf32>,
          %get3A_1062 = vector.shape_cast %get3A_1061 : vector<1x16xf32> to vector<16xf32>
          %mul3A_1063 = arith.mulf %get3A_1062, %gather3A_984 : vector<16xf32>
          %swap3A_1064 = arith.index_cast %add3A_988 : i32 to index
          %swap3A_1065 = arith.constant 112 : index
          %swap3A_1066 = tpu.vector_load %arg11[%swap3A_1064, %swap3A_1065] {strides = array<i32>} : memref<128x128xf32, #tpu.memory_space<vmem>>, vector<1x16xf32>,
          %swap3A_1067 = vector.shape_cast %swap3A_1066 : vector<1x16xf32> to vector<16xf32>
          %swap3A_1068 = vector.shape_cast %mul3A_1063 : vector<16xf32> to vector<1x16xf32>
          tpu.vector_store %arg11[%swap3A_1064, %swap3A_1065], %swap3A_1068 {strides = array<i32>} : memref<128x128xf32, #tpu.memory_space<vmem>>, vector<1x16xf32>,
          %broadcast_in_dim3A_1069 = arith.constant 9 : i32
          %broadcast_in_dim3A_1070 = vector.broadcast %broadcast_in_dim3A_1069 : i32 to vector<16x1xi32>
          %gather3A_1071 = vector.shape_cast %broadcast_in_dim3A_1070 : vector<16x1xi32> to vector<16xi32>
          %gather3A_1072 = tpu.dynamic_gather %get3A_279[%gather3A_1071] in [0] : vector<16xf32>, vector<16xi32> -> vector<16xf32>
          %mul3A_1073 = arith.constant 16 : i32
          %mul3A_1074 = arith.muli %scan3A_273, %mul3A_1073 : i32
          %add3A_1075 = arith.constant 9 : i32
          %add3A_1076 = arith.addi %mul3A_1074, %add3A_1075 : i32
          %get3A_1077 = arith.index_cast %add3A_1076 : i32 to index
          %get3A_1078 = arith.constant 0 : index
          %get3A_1079 = tpu.vector_load %arg11[%get3A_1077, %get3A_1078] {strides = array<i32>} : memref<128x128xf32, #tpu.memory_space<vmem>>, vector<1x16xf32>,
          %get3A_1080 = vector.shape_cast %get3A_1079 : vector<1x16xf32> to vector<16xf32>
          %mul3A_1081 = arith.mulf %get3A_1080, %gather3A_1072 : vector<16xf32>
          %swap3A_1082 = arith.index_cast %add3A_1076 : i32 to index
          %swap3A_1083 = arith.constant 0 : index
          %swap3A_1084 = tpu.vector_load %arg11[%swap3A_1082, %swap3A_1083] {strides = array<i32>} : memref<128x128xf32, #tpu.memory_space<vmem>>, vector<1x16xf32>,
          %swap3A_1085 = vector.shape_cast %swap3A_1084 : vector<1x16xf32> to vector<16xf32>
          %swap3A_1086 = vector.shape_cast %mul3A_1081 : vector<16xf32> to vector<1x16xf32>
          tpu.vector_store %arg11[%swap3A_1082, %swap3A_1083], %swap3A_1086 {strides = array<i32>} : memref<128x128xf32, #tpu.memory_space<vmem>>, vector<1x16xf32>,
          %get3A_1087 = arith.index_cast %add3A_1076 : i32 to index
          %get3A_1088 = arith.constant 16 : index
          %get3A_1089 = tpu.vector_load %arg11[%get3A_1087, %get3A_1088] {strides = array<i32>} : memref<128x128xf32, #tpu.memory_space<vmem>>, vector<1x16xf32>,
          %get3A_1090 = vector.shape_cast %get3A_1089 : vector<1x16xf32> to vector<16xf32>
          %mul3A_1091 = arith.mulf %get3A_1090, %gather3A_1072 : vector<16xf32>
          %swap3A_1092 = arith.index_cast %add3A_1076 : i32 to index
          %swap3A_1093 = arith.constant 16 : index
          %swap3A_1094 = tpu.vector_load %arg11[%swap3A_1092, %swap3A_1093] {strides = array<i32>} : memref<128x128xf32, #tpu.memory_space<vmem>>, vector<1x16xf32>,
          %swap3A_1095 = vector.shape_cast %swap3A_1094 : vector<1x16xf32> to vector<16xf32>
          %swap3A_1096 = vector.shape_cast %mul3A_1091 : vector<16xf32> to vector<1x16xf32>
          tpu.vector_store %arg11[%swap3A_1092, %swap3A_1093], %swap3A_1096 {strides = array<i32>} : memref<128x128xf32, #tpu.memory_space<vmem>>, vector<1x16xf32>,
          %get3A_1097 = arith.index_cast %add3A_1076 : i32 to index
          %get3A_1098 = arith.constant 32 : index
          %get3A_1099 = tpu.vector_load %arg11[%get3A_1097, %get3A_1098] {strides = array<i32>} : memref<128x128xf32, #tpu.memory_space<vmem>>, vector<1x16xf32>,
          %get3A_1100 = vector.shape_cast %get3A_1099 : vector<1x16xf32> to vector<16xf32>
          %mul3A_1101 = arith.mulf %get3A_1100, %gather3A_1072 : vector<16xf32>
          %swap3A_1102 = arith.index_cast %add3A_1076 : i32 to index
          %swap3A_1103 = arith.constant 32 : index
          %swap3A_1104 = tpu.vector_load %arg11[%swap3A_1102, %swap3A_1103] {strides = array<i32>} : memref<128x128xf32, #tpu.memory_space<vmem>>, vector<1x16xf32>,
          %swap3A_1105 = vector.shape_cast %swap3A_1104 : vector<1x16xf32> to vector<16xf32>
          %swap3A_1106 = vector.shape_cast %mul3A_1101 : vector<16xf32> to vector<1x16xf32>
          tpu.vector_store %arg11[%swap3A_1102, %swap3A_1103], %swap3A_1106 {strides = array<i32>} : memref<128x128xf32, #tpu.memory_space<vmem>>, vector<1x16xf32>,
          %get3A_1107 = arith.index_cast %add3A_1076 : i32 to index
          %get3A_1108 = arith.constant 48 : index
          %get3A_1109 = tpu.vector_load %arg11[%get3A_1107, %get3A_1108] {strides = array<i32>} : memref<128x128xf32, #tpu.memory_space<vmem>>, vector<1x16xf32>,
          %get3A_1110 = vector.shape_cast %get3A_1109 : vector<1x16xf32> to vector<16xf32>
          %mul3A_1111 = arith.mulf %get3A_1110, %gather3A_1072 : vector<16xf32>
          %swap3A_1112 = arith.index_cast %add3A_1076 : i32 to index
          %swap3A_1113 = arith.constant 48 : index
          %swap3A_1114 = tpu.vector_load %arg11[%swap3A_1112, %swap3A_1113] {strides = array<i32>} : memref<128x128xf32, #tpu.memory_space<vmem>>, vector<1x16xf32>,
          %swap3A_1115 = vector.shape_cast %swap3A_1114 : vector<1x16xf32> to vector<16xf32>
          %swap3A_1116 = vector.shape_cast %mul3A_1111 : vector<16xf32> to vector<1x16xf32>
          tpu.vector_store %arg11[%swap3A_1112, %swap3A_1113], %swap3A_1116 {strides = array<i32>} : memref<128x128xf32, #tpu.memory_space<vmem>>, vector<1x16xf32>,
          %get3A_1117 = arith.index_cast %add3A_1076 : i32 to index
          %get3A_1118 = arith.constant 64 : index
          %get3A_1119 = tpu.vector_load %arg11[%get3A_1117, %get3A_1118] {strides = array<i32>} : memref<128x128xf32, #tpu.memory_space<vmem>>, vector<1x16xf32>,
          %get3A_1120 = vector.shape_cast %get3A_1119 : vector<1x16xf32> to vector<16xf32>
          %mul3A_1121 = arith.mulf %get3A_1120, %gather3A_1072 : vector<16xf32>
          %swap3A_1122 = arith.index_cast %add3A_1076 : i32 to index
          %swap3A_1123 = arith.constant 64 : index
          %swap3A_1124 = tpu.vector_load %arg11[%swap3A_1122, %swap3A_1123] {strides = array<i32>} : memref<128x128xf32, #tpu.memory_space<vmem>>, vector<1x16xf32>,
          %swap3A_1125 = vector.shape_cast %swap3A_1124 : vector<1x16xf32> to vector<16xf32>
          %swap3A_1126 = vector.shape_cast %mul3A_1121 : vector<16xf32> to vector<1x16xf32>
          tpu.vector_store %arg11[%swap3A_1122, %swap3A_1123], %swap3A_1126 {strides = array<i32>} : memref<128x128xf32, #tpu.memory_space<vmem>>, vector<1x16xf32>,
          %get3A_1127 = arith.index_cast %add3A_1076 : i32 to index
          %get3A_1128 = arith.constant 80 : index
          %get3A_1129 = tpu.vector_load %arg11[%get3A_1127, %get3A_1128] {strides = array<i32>} : memref<128x128xf32, #tpu.memory_space<vmem>>, vector<1x16xf32>,
          %get3A_1130 = vector.shape_cast %get3A_1129 : vector<1x16xf32> to vector<16xf32>
          %mul3A_1131 = arith.mulf %get3A_1130, %gather3A_1072 : vector<16xf32>
          %swap3A_1132 = arith.index_cast %add3A_1076 : i32 to index
          %swap3A_1133 = arith.constant 80 : index
          %swap3A_1134 = tpu.vector_load %arg11[%swap3A_1132, %swap3A_1133] {strides = array<i32>} : memref<128x128xf32, #tpu.memory_space<vmem>>, vector<1x16xf32>,
          %swap3A_1135 = vector.shape_cast %swap3A_1134 : vector<1x16xf32> to vector<16xf32>
          %swap3A_1136 = vector.shape_cast %mul3A_1131 : vector<16xf32> to vector<1x16xf32>
          tpu.vector_store %arg11[%swap3A_1132, %swap3A_1133], %swap3A_1136 {strides = array<i32>} : memref<128x128xf32, #tpu.memory_space<vmem>>, vector<1x16xf32>,
          %get3A_1137 = arith.index_cast %add3A_1076 : i32 to index
          %get3A_1138 = arith.constant 96 : index
          %get3A_1139 = tpu.vector_load %arg11[%get3A_1137, %get3A_1138] {strides = array<i32>} : memref<128x128xf32, #tpu.memory_space<vmem>>, vector<1x16xf32>,
          %get3A_1140 = vector.shape_cast %get3A_1139 : vector<1x16xf32> to vector<16xf32>
          %mul3A_1141 = arith.mulf %get3A_1140, %gather3A_1072 : vector<16xf32>
          %swap3A_1142 = arith.index_cast %add3A_1076 : i32 to index
          %swap3A_1143 = arith.constant 96 : index
          %swap3A_1144 = tpu.vector_load %arg11[%swap3A_1142, %swap3A_1143] {strides = array<i32>} : memref<128x128xf32, #tpu.memory_space<vmem>>, vector<1x16xf32>,
          %swap3A_1145 = vector.shape_cast %swap3A_1144 : vector<1x16xf32> to vector<16xf32>
          %swap3A_1146 = vector.shape_cast %mul3A_1141 : vector<16xf32> to vector<1x16xf32>
          tpu.vector_store %arg11[%swap3A_1142, %swap3A_1143], %swap3A_1146 {strides = array<i32>} : memref<128x128xf32, #tpu.memory_space<vmem>>, vector<1x16xf32>,
          %get3A_1147 = arith.index_cast %add3A_1076 : i32 to index
          %get3A_1148 = arith.constant 112 : index
          %get3A_1149 = tpu.vector_load %arg11[%get3A_1147, %get3A_1148] {strides = array<i32>} : memref<128x128xf32, #tpu.memory_space<vmem>>, vector<1x16xf32>,
          %get3A_1150 = vector.shape_cast %get3A_1149 : vector<1x16xf32> to vector<16xf32>
          %mul3A_1151 = arith.mulf %get3A_1150, %gather3A_1072 : vector<16xf32>
          %swap3A_1152 = arith.index_cast %add3A_1076 : i32 to index
          %swap3A_1153 = arith.constant 112 : index
          %swap3A_1154 = tpu.vector_load %arg11[%swap3A_1152, %swap3A_1153] {strides = array<i32>} : memref<128x128xf32, #tpu.memory_space<vmem>>, vector<1x16xf32>,
          %swap3A_1155 = vector.shape_cast %swap3A_1154 : vector<1x16xf32> to vector<16xf32>
          %swap3A_1156 = vector.shape_cast %mul3A_1151 : vector<16xf32> to vector<1x16xf32>
          tpu.vector_store %arg11[%swap3A_1152, %swap3A_1153], %swap3A_1156 {strides = array<i32>} : memref<128x128xf32, #tpu.memory_space<vmem>>, vector<1x16xf32>,
          %broadcast_in_dim3A_1157 = arith.constant 10 : i32
          %broadcast_in_dim3A_1158 = vector.broadcast %broadcast_in_dim3A_1157 : i32 to vector<16x1xi32>
          %gather3A_1159 = vector.shape_cast %broadcast_in_dim3A_1158 : vector<16x1xi32> to vector<16xi32>
          %gather3A_1160 = tpu.dynamic_gather %get3A_279[%gather3A_1159] in [0] : vector<16xf32>, vector<16xi32> -> vector<16xf32>
          %mul3A_1161 = arith.constant 16 : i32
          %mul3A_1162 = arith.muli %scan3A_273, %mul3A_1161 : i32
          %add3A_1163 = arith.constant 10 : i32
          %add3A_1164 = arith.addi %mul3A_1162, %add3A_1163 : i32
          %get3A_1165 = arith.index_cast %add3A_1164 : i32 to index
          %get3A_1166 = arith.constant 0 : index
          %get3A_1167 = tpu.vector_load %arg11[%get3A_1165, %get3A_1166] {strides = array<i32>} : memref<128x128xf32, #tpu.memory_space<vmem>>, vector<1x16xf32>,
          %get3A_1168 = vector.shape_cast %get3A_1167 : vector<1x16xf32> to vector<16xf32>
          %mul3A_1169 = arith.mulf %get3A_1168, %gather3A_1160 : vector<16xf32>
          %swap3A_1170 = arith.index_cast %add3A_1164 : i32 to index
          %swap3A_1171 = arith.constant 0 : index
          %swap3A_1172 = tpu.vector_load %arg11[%swap3A_1170, %swap3A_1171] {strides = array<i32>} : memref<128x128xf32, #tpu.memory_space<vmem>>, vector<1x16xf32>,
          %swap3A_1173 = vector.shape_cast %swap3A_1172 : vector<1x16xf32> to vector<16xf32>
          %swap3A_1174 = vector.shape_cast %mul3A_1169 : vector<16xf32> to vector<1x16xf32>
          tpu.vector_store %arg11[%swap3A_1170, %swap3A_1171], %swap3A_1174 {strides = array<i32>} : memref<128x128xf32, #tpu.memory_space<vmem>>, vector<1x16xf32>,
          %get3A_1175 = arith.index_cast %add3A_1164 : i32 to index
          %get3A_1176 = arith.constant 16 : index
          %get3A_1177 = tpu.vector_load %arg11[%get3A_1175, %get3A_1176] {strides = array<i32>} : memref<128x128xf32, #tpu.memory_space<vmem>>, vector<1x16xf32>,
          %get3A_1178 = vector.shape_cast %get3A_1177 : vector<1x16xf32> to vector<16xf32>
          %mul3A_1179 = arith.mulf %get3A_1178, %gather3A_1160 : vector<16xf32>
          %swap3A_1180 = arith.index_cast %add3A_1164 : i32 to index
          %swap3A_1181 = arith.constant 16 : index
          %swap3A_1182 = tpu.vector_load %arg11[%swap3A_1180, %swap3A_1181] {strides = array<i32>} : memref<128x128xf32, #tpu.memory_space<vmem>>, vector<1x16xf32>,
          %swap3A_1183 = vector.shape_cast %swap3A_1182 : vector<1x16xf32> to vector<16xf32>
          %swap3A_1184 = vector.shape_cast %mul3A_1179 : vector<16xf32> to vector<1x16xf32>
          tpu.vector_store %arg11[%swap3A_1180, %swap3A_1181], %swap3A_1184 {strides = array<i32>} : memref<128x128xf32, #tpu.memory_space<vmem>>, vector<1x16xf32>,
          %get3A_1185 = arith.index_cast %add3A_1164 : i32 to index
          %get3A_1186 = arith.constant 32 : index
          %get3A_1187 = tpu.vector_load %arg11[%get3A_1185, %get3A_1186] {strides = array<i32>} : memref<128x128xf32, #tpu.memory_space<vmem>>, vector<1x16xf32>,
          %get3A_1188 = vector.shape_cast %get3A_1187 : vector<1x16xf32> to vector<16xf32>
          %mul3A_1189 = arith.mulf %get3A_1188, %gather3A_1160 : vector<16xf32>
          %swap3A_1190 = arith.index_cast %add3A_1164 : i32 to index
          %swap3A_1191 = arith.constant 32 : index
          %swap3A_1192 = tpu.vector_load %arg11[%swap3A_1190, %swap3A_1191] {strides = array<i32>} : memref<128x128xf32, #tpu.memory_space<vmem>>, vector<1x16xf32>,
          %swap3A_1193 = vector.shape_cast %swap3A_1192 : vector<1x16xf32> to vector<16xf32>
          %swap3A_1194 = vector.shape_cast %mul3A_1189 : vector<16xf32> to vector<1x16xf32>
          tpu.vector_store %arg11[%swap3A_1190, %swap3A_1191], %swap3A_1194 {strides = array<i32>} : memref<128x128xf32, #tpu.memory_space<vmem>>, vector<1x16xf32>,
          %get3A_1195 = arith.index_cast %add3A_1164 : i32 to index
          %get3A_1196 = arith.constant 48 : index
          %get3A_1197 = tpu.vector_load %arg11[%get3A_1195, %get3A_1196] {strides = array<i32>} : memref<128x128xf32, #tpu.memory_space<vmem>>, vector<1x16xf32>,
          %get3A_1198 = vector.shape_cast %get3A_1197 : vector<1x16xf32> to vector<16xf32>
          %mul3A_1199 = arith.mulf %get3A_1198, %gather3A_1160 : vector<16xf32>
          %swap3A_1200 = arith.index_cast %add3A_1164 : i32 to index
          %swap3A_1201 = arith.constant 48 : index
          %swap3A_1202 = tpu.vector_load %arg11[%swap3A_1200, %swap3A_1201] {strides = array<i32>} : memref<128x128xf32, #tpu.memory_space<vmem>>, vector<1x16xf32>,
          %swap3A_1203 = vector.shape_cast %swap3A_1202 : vector<1x16xf32> to vector<16xf32>
          %swap3A_1204 = vector.shape_cast %mul3A_1199 : vector<16xf32> to vector<1x16xf32>
          tpu.vector_store %arg11[%swap3A_1200, %swap3A_1201], %swap3A_1204 {strides = array<i32>} : memref<128x128xf32, #tpu.memory_space<vmem>>, vector<1x16xf32>,
          %get3A_1205 = arith.index_cast %add3A_1164 : i32 to index
          %get3A_1206 = arith.constant 64 : index
          %get3A_1207 = tpu.vector_load %arg11[%get3A_1205, %get3A_1206] {strides = array<i32>} : memref<128x128xf32, #tpu.memory_space<vmem>>, vector<1x16xf32>,
          %get3A_1208 = vector.shape_cast %get3A_1207 : vector<1x16xf32> to vector<16xf32>
          %mul3A_1209 = arith.mulf %get3A_1208, %gather3A_1160 : vector<16xf32>
          %swap3A_1210 = arith.index_cast %add3A_1164 : i32 to index
          %swap3A_1211 = arith.constant 64 : index
          %swap3A_1212 = tpu.vector_load %arg11[%swap3A_1210, %swap3A_1211] {strides = array<i32>} : memref<128x128xf32, #tpu.memory_space<vmem>>, vector<1x16xf32>,
          %swap3A_1213 = vector.shape_cast %swap3A_1212 : vector<1x16xf32> to vector<16xf32>
          %swap3A_1214 = vector.shape_cast %mul3A_1209 : vector<16xf32> to vector<1x16xf32>
          tpu.vector_store %arg11[%swap3A_1210, %swap3A_1211], %swap3A_1214 {strides = array<i32>} : memref<128x128xf32, #tpu.memory_space<vmem>>, vector<1x16xf32>,
          %get3A_1215 = arith.index_cast %add3A_1164 : i32 to index
          %get3A_1216 = arith.constant 80 : index
          %get3A_1217 = tpu.vector_load %arg11[%get3A_1215, %get3A_1216] {strides = array<i32>} : memref<128x128xf32, #tpu.memory_space<vmem>>, vector<1x16xf32>,
          %get3A_1218 = vector.shape_cast %get3A_1217 : vector<1x16xf32> to vector<16xf32>
          %mul3A_1219 = arith.mulf %get3A_1218, %gather3A_1160 : vector<16xf32>
          %swap3A_1220 = arith.index_cast %add3A_1164 : i32 to index
          %swap3A_1221 = arith.constant 80 : index
          %swap3A_1222 = tpu.vector_load %arg11[%swap3A_1220, %swap3A_1221] {strides = array<i32>} : memref<128x128xf32, #tpu.memory_space<vmem>>, vector<1x16xf32>,
          %swap3A_1223 = vector.shape_cast %swap3A_1222 : vector<1x16xf32> to vector<16xf32>
          %swap3A_1224 = vector.shape_cast %mul3A_1219 : vector<16xf32> to vector<1x16xf32>
          tpu.vector_store %arg11[%swap3A_1220, %swap3A_1221], %swap3A_1224 {strides = array<i32>} : memref<128x128xf32, #tpu.memory_space<vmem>>, vector<1x16xf32>,
          %get3A_1225 = arith.index_cast %add3A_1164 : i32 to index
          %get3A_1226 = arith.constant 96 : index
          %get3A_1227 = tpu.vector_load %arg11[%get3A_1225, %get3A_1226] {strides = array<i32>} : memref<128x128xf32, #tpu.memory_space<vmem>>, vector<1x16xf32>,
          %get3A_1228 = vector.shape_cast %get3A_1227 : vector<1x16xf32> to vector<16xf32>
          %mul3A_1229 = arith.mulf %get3A_1228, %gather3A_1160 : vector<16xf32>
          %swap3A_1230 = arith.index_cast %add3A_1164 : i32 to index
          %swap3A_1231 = arith.constant 96 : index
          %swap3A_1232 = tpu.vector_load %arg11[%swap3A_1230, %swap3A_1231] {strides = array<i32>} : memref<128x128xf32, #tpu.memory_space<vmem>>, vector<1x16xf32>,
          %swap3A_1233 = vector.shape_cast %swap3A_1232 : vector<1x16xf32> to vector<16xf32>
          %swap3A_1234 = vector.shape_cast %mul3A_1229 : vector<16xf32> to vector<1x16xf32>
          tpu.vector_store %arg11[%swap3A_1230, %swap3A_1231], %swap3A_1234 {strides = array<i32>} : memref<128x128xf32, #tpu.memory_space<vmem>>, vector<1x16xf32>,
          %get3A_1235 = arith.index_cast %add3A_1164 : i32 to index
          %get3A_1236 = arith.constant 112 : index
          %get3A_1237 = tpu.vector_load %arg11[%get3A_1235, %get3A_1236] {strides = array<i32>} : memref<128x128xf32, #tpu.memory_space<vmem>>, vector<1x16xf32>,
          %get3A_1238 = vector.shape_cast %get3A_1237 : vector<1x16xf32> to vector<16xf32>
          %mul3A_1239 = arith.mulf %get3A_1238, %gather3A_1160 : vector<16xf32>
          %swap3A_1240 = arith.index_cast %add3A_1164 : i32 to index
          %swap3A_1241 = arith.constant 112 : index
          %swap3A_1242 = tpu.vector_load %arg11[%swap3A_1240, %swap3A_1241] {strides = array<i32>} : memref<128x128xf32, #tpu.memory_space<vmem>>, vector<1x16xf32>,
          %swap3A_1243 = vector.shape_cast %swap3A_1242 : vector<1x16xf32> to vector<16xf32>
          %swap3A_1244 = vector.shape_cast %mul3A_1239 : vector<16xf32> to vector<1x16xf32>
          tpu.vector_store %arg11[%swap3A_1240, %swap3A_1241], %swap3A_1244 {strides = array<i32>} : memref<128x128xf32, #tpu.memory_space<vmem>>, vector<1x16xf32>,
          %broadcast_in_dim3A_1245 = arith.constant 11 : i32
          %broadcast_in_dim3A_1246 = vector.broadcast %broadcast_in_dim3A_1245 : i32 to vector<16x1xi32>
          %gather3A_1247 = vector.shape_cast %broadcast_in_dim3A_1246 : vector<16x1xi32> to vector<16xi32>
          %gather3A_1248 = tpu.dynamic_gather %get3A_279[%gather3A_1247] in [0] : vector<16xf32>, vector<16xi32> -> vector<16xf32>
          %mul3A_1249 = arith.constant 16 : i32
          %mul3A_1250 = arith.muli %scan3A_273, %mul3A_1249 : i32
          %add3A_1251 = arith.constant 11 : i32
          %add3A_1252 = arith.addi %mul3A_1250, %add3A_1251 : i32
          %get3A_1253 = arith.index_cast %add3A_1252 : i32 to index
          %get3A_1254 = arith.constant 0 : index
          %get3A_1255 = tpu.vector_load %arg11[%get3A_1253, %get3A_1254] {strides = array<i32>} : memref<128x128xf32, #tpu.memory_space<vmem>>, vector<1x16xf32>,
          %get3A_1256 = vector.shape_cast %get3A_1255 : vector<1x16xf32> to vector<16xf32>
          %mul3A_1257 = arith.mulf %get3A_1256, %gather3A_1248 : vector<16xf32>
          %swap3A_1258 = arith.index_cast %add3A_1252 : i32 to index
          %swap3A_1259 = arith.constant 0 : index
          %swap3A_1260 = tpu.vector_load %arg11[%swap3A_1258, %swap3A_1259] {strides = array<i32>} : memref<128x128xf32, #tpu.memory_space<vmem>>, vector<1x16xf32>,
          %swap3A_1261 = vector.shape_cast %swap3A_1260 : vector<1x16xf32> to vector<16xf32>
          %swap3A_1262 = vector.shape_cast %mul3A_1257 : vector<16xf32> to vector<1x16xf32>
          tpu.vector_store %arg11[%swap3A_1258, %swap3A_1259], %swap3A_1262 {strides = array<i32>} : memref<128x128xf32, #tpu.memory_space<vmem>>, vector<1x16xf32>,
          %get3A_1263 = arith.index_cast %add3A_1252 : i32 to index
          %get3A_1264 = arith.constant 16 : index
          %get3A_1265 = tpu.vector_load %arg11[%get3A_1263, %get3A_1264] {strides = array<i32>} : memref<128x128xf32, #tpu.memory_space<vmem>>, vector<1x16xf32>,
          %get3A_1266 = vector.shape_cast %get3A_1265 : vector<1x16xf32> to vector<16xf32>
          %mul3A_1267 = arith.mulf %get3A_1266, %gather3A_1248 : vector<16xf32>
          %swap3A_1268 = arith.index_cast %add3A_1252 : i32 to index
          %swap3A_1269 = arith.constant 16 : index
          %swap3A_1270 = tpu.vector_load %arg11[%swap3A_1268, %swap3A_1269] {strides = array<i32>} : memref<128x128xf32, #tpu.memory_space<vmem>>, vector<1x16xf32>,
          %swap3A_1271 = vector.shape_cast %swap3A_1270 : vector<1x16xf32> to vector<16xf32>
          %swap3A_1272 = vector.shape_cast %mul3A_1267 : vector<16xf32> to vector<1x16xf32>
          tpu.vector_store %arg11[%swap3A_1268, %swap3A_1269], %swap3A_1272 {strides = array<i32>} : memref<128x128xf32, #tpu.memory_space<vmem>>, vector<1x16xf32>,
          %get3A_1273 = arith.index_cast %add3A_1252 : i32 to index
          %get3A_1274 = arith.constant 32 : index
          %get3A_1275 = tpu.vector_load %arg11[%get3A_1273, %get3A_1274] {strides = array<i32>} : memref<128x128xf32, #tpu.memory_space<vmem>>, vector<1x16xf32>,
          %get3A_1276 = vector.shape_cast %get3A_1275 : vector<1x16xf32> to vector<16xf32>
          %mul3A_1277 = arith.mulf %get3A_1276, %gather3A_1248 : vector<16xf32>
          %swap3A_1278 = arith.index_cast %add3A_1252 : i32 to index
          %swap3A_1279 = arith.constant 32 : index
          %swap3A_1280 = tpu.vector_load %arg11[%swap3A_1278, %swap3A_1279] {strides = array<i32>} : memref<128x128xf32, #tpu.memory_space<vmem>>, vector<1x16xf32>,
          %swap3A_1281 = vector.shape_cast %swap3A_1280 : vector<1x16xf32> to vector<16xf32>
          %swap3A_1282 = vector.shape_cast %mul3A_1277 : vector<16xf32> to vector<1x16xf32>
          tpu.vector_store %arg11[%swap3A_1278, %swap3A_1279], %swap3A_1282 {strides = array<i32>} : memref<128x128xf32, #tpu.memory_space<vmem>>, vector<1x16xf32>,
          %get3A_1283 = arith.index_cast %add3A_1252 : i32 to index
          %get3A_1284 = arith.constant 48 : index
          %get3A_1285 = tpu.vector_load %arg11[%get3A_1283, %get3A_1284] {strides = array<i32>} : memref<128x128xf32, #tpu.memory_space<vmem>>, vector<1x16xf32>,
          %get3A_1286 = vector.shape_cast %get3A_1285 : vector<1x16xf32> to vector<16xf32>
          %mul3A_1287 = arith.mulf %get3A_1286, %gather3A_1248 : vector<16xf32>
          %swap3A_1288 = arith.index_cast %add3A_1252 : i32 to index
          %swap3A_1289 = arith.constant 48 : index
          %swap3A_1290 = tpu.vector_load %arg11[%swap3A_1288, %swap3A_1289] {strides = array<i32>} : memref<128x128xf32, #tpu.memory_space<vmem>>, vector<1x16xf32>,
          %swap3A_1291 = vector.shape_cast %swap3A_1290 : vector<1x16xf32> to vector<16xf32>
          %swap3A_1292 = vector.shape_cast %mul3A_1287 : vector<16xf32> to vector<1x16xf32>
          tpu.vector_store %arg11[%swap3A_1288, %swap3A_1289], %swap3A_1292 {strides = array<i32>} : memref<128x128xf32, #tpu.memory_space<vmem>>, vector<1x16xf32>,
          %get3A_1293 = arith.index_cast %add3A_1252 : i32 to index
          %get3A_1294 = arith.constant 64 : index
          %get3A_1295 = tpu.vector_load %arg11[%get3A_1293, %get3A_1294] {strides = array<i32>} : memref<128x128xf32, #tpu.memory_space<vmem>>, vector<1x16xf32>,
          %get3A_1296 = vector.shape_cast %get3A_1295 : vector<1x16xf32> to vector<16xf32>
          %mul3A_1297 = arith.mulf %get3A_1296, %gather3A_1248 : vector<16xf32>
          %swap3A_1298 = arith.index_cast %add3A_1252 : i32 to index
          %swap3A_1299 = arith.constant 64 : index
          %swap3A_1300 = tpu.vector_load %arg11[%swap3A_1298, %swap3A_1299] {strides = array<i32>} : memref<128x128xf32, #tpu.memory_space<vmem>>, vector<1x16xf32>,
          %swap3A_1301 = vector.shape_cast %swap3A_1300 : vector<1x16xf32> to vector<16xf32>
          %swap3A_1302 = vector.shape_cast %mul3A_1297 : vector<16xf32> to vector<1x16xf32>
          tpu.vector_store %arg11[%swap3A_1298, %swap3A_1299], %swap3A_1302 {strides = array<i32>} : memref<128x128xf32, #tpu.memory_space<vmem>>, vector<1x16xf32>,
          %get3A_1303 = arith.index_cast %add3A_1252 : i32 to index
          %get3A_1304 = arith.constant 80 : index
          %get3A_1305 = tpu.vector_load %arg11[%get3A_1303, %get3A_1304] {strides = array<i32>} : memref<128x128xf32, #tpu.memory_space<vmem>>, vector<1x16xf32>,
          %get3A_1306 = vector.shape_cast %get3A_1305 : vector<1x16xf32> to vector<16xf32>
          %mul3A_1307 = arith.mulf %get3A_1306, %gather3A_1248 : vector<16xf32>
          %swap3A_1308 = arith.index_cast %add3A_1252 : i32 to index
          %swap3A_1309 = arith.constant 80 : index
          %swap3A_1310 = tpu.vector_load %arg11[%swap3A_1308, %swap3A_1309] {strides = array<i32>} : memref<128x128xf32, #tpu.memory_space<vmem>>, vector<1x16xf32>,
          %swap3A_1311 = vector.shape_cast %swap3A_1310 : vector<1x16xf32> to vector<16xf32>
          %swap3A_1312 = vector.shape_cast %mul3A_1307 : vector<16xf32> to vector<1x16xf32>
          tpu.vector_store %arg11[%swap3A_1308, %swap3A_1309], %swap3A_1312 {strides = array<i32>} : memref<128x128xf32, #tpu.memory_space<vmem>>, vector<1x16xf32>,
          %get3A_1313 = arith.index_cast %add3A_1252 : i32 to index
          %get3A_1314 = arith.constant 96 : index
          %get3A_1315 = tpu.vector_load %arg11[%get3A_1313, %get3A_1314] {strides = array<i32>} : memref<128x128xf32, #tpu.memory_space<vmem>>, vector<1x16xf32>,
          %get3A_1316 = vector.shape_cast %get3A_1315 : vector<1x16xf32> to vector<16xf32>
          %mul3A_1317 = arith.mulf %get3A_1316, %gather3A_1248 : vector<16xf32>
          %swap3A_1318 = arith.index_cast %add3A_1252 : i32 to index
          %swap3A_1319 = arith.constant 96 : index
          %swap3A_1320 = tpu.vector_load %arg11[%swap3A_1318, %swap3A_1319] {strides = array<i32>} : memref<128x128xf32, #tpu.memory_space<vmem>>, vector<1x16xf32>,
          %swap3A_1321 = vector.shape_cast %swap3A_1320 : vector<1x16xf32> to vector<16xf32>
          %swap3A_1322 = vector.shape_cast %mul3A_1317 : vector<16xf32> to vector<1x16xf32>
          tpu.vector_store %arg11[%swap3A_1318, %swap3A_1319], %swap3A_1322 {strides = array<i32>} : memref<128x128xf32, #tpu.memory_space<vmem>>, vector<1x16xf32>,
          %get3A_1323 = arith.index_cast %add3A_1252 : i32 to index
          %get3A_1324 = arith.constant 112 : index
          %get3A_1325 = tpu.vector_load %arg11[%get3A_1323, %get3A_1324] {strides = array<i32>} : memref<128x128xf32, #tpu.memory_space<vmem>>, vector<1x16xf32>,
          %get3A_1326 = vector.shape_cast %get3A_1325 : vector<1x16xf32> to vector<16xf32>
          %mul3A_1327 = arith.mulf %get3A_1326, %gather3A_1248 : vector<16xf32>
          %swap3A_1328 = arith.index_cast %add3A_1252 : i32 to index
          %swap3A_1329 = arith.constant 112 : index
          %swap3A_1330 = tpu.vector_load %arg11[%swap3A_1328, %swap3A_1329] {strides = array<i32>} : memref<128x128xf32, #tpu.memory_space<vmem>>, vector<1x16xf32>,
          %swap3A_1331 = vector.shape_cast %swap3A_1330 : vector<1x16xf32> to vector<16xf32>
          %swap3A_1332 = vector.shape_cast %mul3A_1327 : vector<16xf32> to vector<1x16xf32>
          tpu.vector_store %arg11[%swap3A_1328, %swap3A_1329], %swap3A_1332 {strides = array<i32>} : memref<128x128xf32, #tpu.memory_space<vmem>>, vector<1x16xf32>,
          %broadcast_in_dim3A_1333 = arith.constant 12 : i32
          %broadcast_in_dim3A_1334 = vector.broadcast %broadcast_in_dim3A_1333 : i32 to vector<16x1xi32>
          %gather3A_1335 = vector.shape_cast %broadcast_in_dim3A_1334 : vector<16x1xi32> to vector<16xi32>
          %gather3A_1336 = tpu.dynamic_gather %get3A_279[%gather3A_1335] in [0] : vector<16xf32>, vector<16xi32> -> vector<16xf32>
          %mul3A_1337 = arith.constant 16 : i32
          %mul3A_1338 = arith.muli %scan3A_273, %mul3A_1337 : i32
          %add3A_1339 = arith.constant 12 : i32
          %add3A_1340 = arith.addi %mul3A_1338, %add3A_1339 : i32
          %get3A_1341 = arith.index_cast %add3A_1340 : i32 to index
          %get3A_1342 = arith.constant 0 : index
          %get3A_1343 = tpu.vector_load %arg11[%get3A_1341, %get3A_1342] {strides = array<i32>} : memref<128x128xf32, #tpu.memory_space<vmem>>, vector<1x16xf32>,
          %get3A_1344 = vector.shape_cast %get3A_1343 : vector<1x16xf32> to vector<16xf32>
          %mul3A_1345 = arith.mulf %get3A_1344, %gather3A_1336 : vector<16xf32>
          %swap3A_1346 = arith.index_cast %add3A_1340 : i32 to index
          %swap3A_1347 = arith.constant 0 : index
          %swap3A_1348 = tpu.vector_load %arg11[%swap3A_1346, %swap3A_1347] {strides = array<i32>} : memref<128x128xf32, #tpu.memory_space<vmem>>, vector<1x16xf32>,
          %swap3A_1349 = vector.shape_cast %swap3A_1348 : vector<1x16xf32> to vector<16xf32>
          %swap3A_1350 = vector.shape_cast %mul3A_1345 : vector<16xf32> to vector<1x16xf32>
          tpu.vector_store %arg11[%swap3A_1346, %swap3A_1347], %swap3A_1350 {strides = array<i32>} : memref<128x128xf32, #tpu.memory_space<vmem>>, vector<1x16xf32>,
          %get3A_1351 = arith.index_cast %add3A_1340 : i32 to index
          %get3A_1352 = arith.constant 16 : index
          %get3A_1353 = tpu.vector_load %arg11[%get3A_1351, %get3A_1352] {strides = array<i32>} : memref<128x128xf32, #tpu.memory_space<vmem>>, vector<1x16xf32>,
          %get3A_1354 = vector.shape_cast %get3A_1353 : vector<1x16xf32> to vector<16xf32>
          %mul3A_1355 = arith.mulf %get3A_1354, %gather3A_1336 : vector<16xf32>
          %swap3A_1356 = arith.index_cast %add3A_1340 : i32 to index
          %swap3A_1357 = arith.constant 16 : index
          %swap3A_1358 = tpu.vector_load %arg11[%swap3A_1356, %swap3A_1357] {strides = array<i32>} : memref<128x128xf32, #tpu.memory_space<vmem>>, vector<1x16xf32>,
          %swap3A_1359 = vector.shape_cast %swap3A_1358 : vector<1x16xf32> to vector<16xf32>
          %swap3A_1360 = vector.shape_cast %mul3A_1355 : vector<16xf32> to vector<1x16xf32>
          tpu.vector_store %arg11[%swap3A_1356, %swap3A_1357], %swap3A_1360 {strides = array<i32>} : memref<128x128xf32, #tpu.memory_space<vmem>>, vector<1x16xf32>,
          %get3A_1361 = arith.index_cast %add3A_1340 : i32 to index
          %get3A_1362 = arith.constant 32 : index
          %get3A_1363 = tpu.vector_load %arg11[%get3A_1361, %get3A_1362] {strides = array<i32>} : memref<128x128xf32, #tpu.memory_space<vmem>>, vector<1x16xf32>,
          %get3A_1364 = vector.shape_cast %get3A_1363 : vector<1x16xf32> to vector<16xf32>
          %mul3A_1365 = arith.mulf %get3A_1364, %gather3A_1336 : vector<16xf32>
          %swap3A_1366 = arith.index_cast %add3A_1340 : i32 to index
          %swap3A_1367 = arith.constant 32 : index
          %swap3A_1368 = tpu.vector_load %arg11[%swap3A_1366, %swap3A_1367] {strides = array<i32>} : memref<128x128xf32, #tpu.memory_space<vmem>>, vector<1x16xf32>,
          %swap3A_1369 = vector.shape_cast %swap3A_1368 : vector<1x16xf32> to vector<16xf32>
          %swap3A_1370 = vector.shape_cast %mul3A_1365 : vector<16xf32> to vector<1x16xf32>
          tpu.vector_store %arg11[%swap3A_1366, %swap3A_1367], %swap3A_1370 {strides = array<i32>} : memref<128x128xf32, #tpu.memory_space<vmem>>, vector<1x16xf32>,
          %get3A_1371 = arith.index_cast %add3A_1340 : i32 to index
          %get3A_1372 = arith.constant 48 : index
          %get3A_1373 = tpu.vector_load %arg11[%get3A_1371, %get3A_1372] {strides = array<i32>} : memref<128x128xf32, #tpu.memory_space<vmem>>, vector<1x16xf32>,
          %get3A_1374 = vector.shape_cast %get3A_1373 : vector<1x16xf32> to vector<16xf32>
          %mul3A_1375 = arith.mulf %get3A_1374, %gather3A_1336 : vector<16xf32>
          %swap3A_1376 = arith.index_cast %add3A_1340 : i32 to index
          %swap3A_1377 = arith.constant 48 : index
          %swap3A_1378 = tpu.vector_load %arg11[%swap3A_1376, %swap3A_1377] {strides = array<i32>} : memref<128x128xf32, #tpu.memory_space<vmem>>, vector<1x16xf32>,
          %swap3A_1379 = vector.shape_cast %swap3A_1378 : vector<1x16xf32> to vector<16xf32>
          %swap3A_1380 = vector.shape_cast %mul3A_1375 : vector<16xf32> to vector<1x16xf32>
          tpu.vector_store %arg11[%swap3A_1376, %swap3A_1377], %swap3A_1380 {strides = array<i32>} : memref<128x128xf32, #tpu.memory_space<vmem>>, vector<1x16xf32>,
          %get3A_1381 = arith.index_cast %add3A_1340 : i32 to index
          %get3A_1382 = arith.constant 64 : index
          %get3A_1383 = tpu.vector_load %arg11[%get3A_1381, %get3A_1382] {strides = array<i32>} : memref<128x128xf32, #tpu.memory_space<vmem>>, vector<1x16xf32>,
          %get3A_1384 = vector.shape_cast %get3A_1383 : vector<1x16xf32> to vector<16xf32>
          %mul3A_1385 = arith.mulf %get3A_1384, %gather3A_1336 : vector<16xf32>
          %swap3A_1386 = arith.index_cast %add3A_1340 : i32 to index
          %swap3A_1387 = arith.constant 64 : index
          %swap3A_1388 = tpu.vector_load %arg11[%swap3A_1386, %swap3A_1387] {strides = array<i32>} : memref<128x128xf32, #tpu.memory_space<vmem>>, vector<1x16xf32>,
          %swap3A_1389 = vector.shape_cast %swap3A_1388 : vector<1x16xf32> to vector<16xf32>
          %swap3A_1390 = vector.shape_cast %mul3A_1385 : vector<16xf32> to vector<1x16xf32>
          tpu.vector_store %arg11[%swap3A_1386, %swap3A_1387], %swap3A_1390 {strides = array<i32>} : memref<128x128xf32, #tpu.memory_space<vmem>>, vector<1x16xf32>,
          %get3A_1391 = arith.index_cast %add3A_1340 : i32 to index
          %get3A_1392 = arith.constant 80 : index
          %get3A_1393 = tpu.vector_load %arg11[%get3A_1391, %get3A_1392] {strides = array<i32>} : memref<128x128xf32, #tpu.memory_space<vmem>>, vector<1x16xf32>,
          %get3A_1394 = vector.shape_cast %get3A_1393 : vector<1x16xf32> to vector<16xf32>
          %mul3A_1395 = arith.mulf %get3A_1394, %gather3A_1336 : vector<16xf32>
          %swap3A_1396 = arith.index_cast %add3A_1340 : i32 to index
          %swap3A_1397 = arith.constant 80 : index
          %swap3A_1398 = tpu.vector_load %arg11[%swap3A_1396, %swap3A_1397] {strides = array<i32>} : memref<128x128xf32, #tpu.memory_space<vmem>>, vector<1x16xf32>,
          %swap3A_1399 = vector.shape_cast %swap3A_1398 : vector<1x16xf32> to vector<16xf32>
          %swap3A_1400 = vector.shape_cast %mul3A_1395 : vector<16xf32> to vector<1x16xf32>
          tpu.vector_store %arg11[%swap3A_1396, %swap3A_1397], %swap3A_1400 {strides = array<i32>} : memref<128x128xf32, #tpu.memory_space<vmem>>, vector<1x16xf32>,
          %get3A_1401 = arith.index_cast %add3A_1340 : i32 to index
          %get3A_1402 = arith.constant 96 : index
          %get3A_1403 = tpu.vector_load %arg11[%get3A_1401, %get3A_1402] {strides = array<i32>} : memref<128x128xf32, #tpu.memory_space<vmem>>, vector<1x16xf32>,
          %get3A_1404 = vector.shape_cast %get3A_1403 : vector<1x16xf32> to vector<16xf32>
          %mul3A_1405 = arith.mulf %get3A_1404, %gather3A_1336 : vector<16xf32>
          %swap3A_1406 = arith.index_cast %add3A_1340 : i32 to index
          %swap3A_1407 = arith.constant 96 : index
          %swap3A_1408 = tpu.vector_load %arg11[%swap3A_1406, %swap3A_1407] {strides = array<i32>} : memref<128x128xf32, #tpu.memory_space<vmem>>, vector<1x16xf32>,
          %swap3A_1409 = vector.shape_cast %swap3A_1408 : vector<1x16xf32> to vector<16xf32>
          %swap3A_1410 = vector.shape_cast %mul3A_1405 : vector<16xf32> to vector<1x16xf32>
          tpu.vector_store %arg11[%swap3A_1406, %swap3A_1407], %swap3A_1410 {strides = array<i32>} : memref<128x128xf32, #tpu.memory_space<vmem>>, vector<1x16xf32>,
          %get3A_1411 = arith.index_cast %add3A_1340 : i32 to index
          %get3A_1412 = arith.constant 112 : index
          %get3A_1413 = tpu.vector_load %arg11[%get3A_1411, %get3A_1412] {strides = array<i32>} : memref<128x128xf32, #tpu.memory_space<vmem>>, vector<1x16xf32>,
          %get3A_1414 = vector.shape_cast %get3A_1413 : vector<1x16xf32> to vector<16xf32>
          %mul3A_1415 = arith.mulf %get3A_1414, %gather3A_1336 : vector<16xf32>
          %swap3A_1416 = arith.index_cast %add3A_1340 : i32 to index
          %swap3A_1417 = arith.constant 112 : index
          %swap3A_1418 = tpu.vector_load %arg11[%swap3A_1416, %swap3A_1417] {strides = array<i32>} : memref<128x128xf32, #tpu.memory_space<vmem>>, vector<1x16xf32>,
          %swap3A_1419 = vector.shape_cast %swap3A_1418 : vector<1x16xf32> to vector<16xf32>
          %swap3A_1420 = vector.shape_cast %mul3A_1415 : vector<16xf32> to vector<1x16xf32>
          tpu.vector_store %arg11[%swap3A_1416, %swap3A_1417], %swap3A_1420 {strides = array<i32>} : memref<128x128xf32, #tpu.memory_space<vmem>>, vector<1x16xf32>,
          %broadcast_in_dim3A_1421 = arith.constant 13 : i32
          %broadcast_in_dim3A_1422 = vector.broadcast %broadcast_in_dim3A_1421 : i32 to vector<16x1xi32>
          %gather3A_1423 = vector.shape_cast %broadcast_in_dim3A_1422 : vector<16x1xi32> to vector<16xi32>
          %gather3A_1424 = tpu.dynamic_gather %get3A_279[%gather3A_1423] in [0] : vector<16xf32>, vector<16xi32> -> vector<16xf32>
          %mul3A_1425 = arith.constant 16 : i32
          %mul3A_1426 = arith.muli %scan3A_273, %mul3A_1425 : i32
          %add3A_1427 = arith.constant 13 : i32
          %add3A_1428 = arith.addi %mul3A_1426, %add3A_1427 : i32
          %get3A_1429 = arith.index_cast %add3A_1428 : i32 to index
          %get3A_1430 = arith.constant 0 : index
          %get3A_1431 = tpu.vector_load %arg11[%get3A_1429, %get3A_1430] {strides = array<i32>} : memref<128x128xf32, #tpu.memory_space<vmem>>, vector<1x16xf32>,
          %get3A_1432 = vector.shape_cast %get3A_1431 : vector<1x16xf32> to vector<16xf32>
          %mul3A_1433 = arith.mulf %get3A_1432, %gather3A_1424 : vector<16xf32>
          %swap3A_1434 = arith.index_cast %add3A_1428 : i32 to index
          %swap3A_1435 = arith.constant 0 : index
          %swap3A_1436 = tpu.vector_load %arg11[%swap3A_1434, %swap3A_1435] {strides = array<i32>} : memref<128x128xf32, #tpu.memory_space<vmem>>, vector<1x16xf32>,
          %swap3A_1437 = vector.shape_cast %swap3A_1436 : vector<1x16xf32> to vector<16xf32>
          %swap3A_1438 = vector.shape_cast %mul3A_1433 : vector<16xf32> to vector<1x16xf32>
          tpu.vector_store %arg11[%swap3A_1434, %swap3A_1435], %swap3A_1438 {strides = array<i32>} : memref<128x128xf32, #tpu.memory_space<vmem>>, vector<1x16xf32>,
          %get3A_1439 = arith.index_cast %add3A_1428 : i32 to index
          %get3A_1440 = arith.constant 16 : index
          %get3A_1441 = tpu.vector_load %arg11[%get3A_1439, %get3A_1440] {strides = array<i32>} : memref<128x128xf32, #tpu.memory_space<vmem>>, vector<1x16xf32>,
          %get3A_1442 = vector.shape_cast %get3A_1441 : vector<1x16xf32> to vector<16xf32>
          %mul3A_1443 = arith.mulf %get3A_1442, %gather3A_1424 : vector<16xf32>
          %swap3A_1444 = arith.index_cast %add3A_1428 : i32 to index
          %swap3A_1445 = arith.constant 16 : index
          %swap3A_1446 = tpu.vector_load %arg11[%swap3A_1444, %swap3A_1445] {strides = array<i32>} : memref<128x128xf32, #tpu.memory_space<vmem>>, vector<1x16xf32>,
          %swap3A_1447 = vector.shape_cast %swap3A_1446 : vector<1x16xf32> to vector<16xf32>
          %swap3A_1448 = vector.shape_cast %mul3A_1443 : vector<16xf32> to vector<1x16xf32>
          tpu.vector_store %arg11[%swap3A_1444, %swap3A_1445], %swap3A_1448 {strides = array<i32>} : memref<128x128xf32, #tpu.memory_space<vmem>>, vector<1x16xf32>,
          %get3A_1449 = arith.index_cast %add3A_1428 : i32 to index
          %get3A_1450 = arith.constant 32 : index
          %get3A_1451 = tpu.vector_load %arg11[%get3A_1449, %get3A_1450] {strides = array<i32>} : memref<128x128xf32, #tpu.memory_space<vmem>>, vector<1x16xf32>,
          %get3A_1452 = vector.shape_cast %get3A_1451 : vector<1x16xf32> to vector<16xf32>
          %mul3A_1453 = arith.mulf %get3A_1452, %gather3A_1424 : vector<16xf32>
          %swap3A_1454 = arith.index_cast %add3A_1428 : i32 to index
          %swap3A_1455 = arith.constant 32 : index
          %swap3A_1456 = tpu.vector_load %arg11[%swap3A_1454, %swap3A_1455] {strides = array<i32>} : memref<128x128xf32, #tpu.memory_space<vmem>>, vector<1x16xf32>,
          %swap3A_1457 = vector.shape_cast %swap3A_1456 : vector<1x16xf32> to vector<16xf32>
          %swap3A_1458 = vector.shape_cast %mul3A_1453 : vector<16xf32> to vector<1x16xf32>
          tpu.vector_store %arg11[%swap3A_1454, %swap3A_1455], %swap3A_1458 {strides = array<i32>} : memref<128x128xf32, #tpu.memory_space<vmem>>, vector<1x16xf32>,
          %get3A_1459 = arith.index_cast %add3A_1428 : i32 to index
          %get3A_1460 = arith.constant 48 : index
          %get3A_1461 = tpu.vector_load %arg11[%get3A_1459, %get3A_1460] {strides = array<i32>} : memref<128x128xf32, #tpu.memory_space<vmem>>, vector<1x16xf32>,
          %get3A_1462 = vector.shape_cast %get3A_1461 : vector<1x16xf32> to vector<16xf32>
          %mul3A_1463 = arith.mulf %get3A_1462, %gather3A_1424 : vector<16xf32>
          %swap3A_1464 = arith.index_cast %add3A_1428 : i32 to index
          %swap3A_1465 = arith.constant 48 : index
          %swap3A_1466 = tpu.vector_load %arg11[%swap3A_1464, %swap3A_1465] {strides = array<i32>} : memref<128x128xf32, #tpu.memory_space<vmem>>, vector<1x16xf32>,
          %swap3A_1467 = vector.shape_cast %swap3A_1466 : vector<1x16xf32> to vector<16xf32>
          %swap3A_1468 = vector.shape_cast %mul3A_1463 : vector<16xf32> to vector<1x16xf32>
          tpu.vector_store %arg11[%swap3A_1464, %swap3A_1465], %swap3A_1468 {strides = array<i32>} : memref<128x128xf32, #tpu.memory_space<vmem>>, vector<1x16xf32>,
          %get3A_1469 = arith.index_cast %add3A_1428 : i32 to index
          %get3A_1470 = arith.constant 64 : index
          %get3A_1471 = tpu.vector_load %arg11[%get3A_1469, %get3A_1470] {strides = array<i32>} : memref<128x128xf32, #tpu.memory_space<vmem>>, vector<1x16xf32>,
          %get3A_1472 = vector.shape_cast %get3A_1471 : vector<1x16xf32> to vector<16xf32>
          %mul3A_1473 = arith.mulf %get3A_1472, %gather3A_1424 : vector<16xf32>
          %swap3A_1474 = arith.index_cast %add3A_1428 : i32 to index
          %swap3A_1475 = arith.constant 64 : index
          %swap3A_1476 = tpu.vector_load %arg11[%swap3A_1474, %swap3A_1475] {strides = array<i32>} : memref<128x128xf32, #tpu.memory_space<vmem>>, vector<1x16xf32>,
          %swap3A_1477 = vector.shape_cast %swap3A_1476 : vector<1x16xf32> to vector<16xf32>
          %swap3A_1478 = vector.shape_cast %mul3A_1473 : vector<16xf32> to vector<1x16xf32>
          tpu.vector_store %arg11[%swap3A_1474, %swap3A_1475], %swap3A_1478 {strides = array<i32>} : memref<128x128xf32, #tpu.memory_space<vmem>>, vector<1x16xf32>,
          %get3A_1479 = arith.index_cast %add3A_1428 : i32 to index
          %get3A_1480 = arith.constant 80 : index
          %get3A_1481 = tpu.vector_load %arg11[%get3A_1479, %get3A_1480] {strides = array<i32>} : memref<128x128xf32, #tpu.memory_space<vmem>>, vector<1x16xf32>,
          %get3A_1482 = vector.shape_cast %get3A_1481 : vector<1x16xf32> to vector<16xf32>
          %mul3A_1483 = arith.mulf %get3A_1482, %gather3A_1424 : vector<16xf32>
          %swap3A_1484 = arith.index_cast %add3A_1428 : i32 to index
          %swap3A_1485 = arith.constant 80 : index
          %swap3A_1486 = tpu.vector_load %arg11[%swap3A_1484, %swap3A_1485] {strides = array<i32>} : memref<128x128xf32, #tpu.memory_space<vmem>>, vector<1x16xf32>,
          %swap3A_1487 = vector.shape_cast %swap3A_1486 : vector<1x16xf32> to vector<16xf32>
          %swap3A_1488 = vector.shape_cast %mul3A_1483 : vector<16xf32> to vector<1x16xf32>
          tpu.vector_store %arg11[%swap3A_1484, %swap3A_1485], %swap3A_1488 {strides = array<i32>} : memref<128x128xf32, #tpu.memory_space<vmem>>, vector<1x16xf32>,
          %get3A_1489 = arith.index_cast %add3A_1428 : i32 to index
          %get3A_1490 = arith.constant 96 : index
          %get3A_1491 = tpu.vector_load %arg11[%get3A_1489, %get3A_1490] {strides = array<i32>} : memref<128x128xf32, #tpu.memory_space<vmem>>, vector<1x16xf32>,
          %get3A_1492 = vector.shape_cast %get3A_1491 : vector<1x16xf32> to vector<16xf32>
          %mul3A_1493 = arith.mulf %get3A_1492, %gather3A_1424 : vector<16xf32>
          %swap3A_1494 = arith.index_cast %add3A_1428 : i32 to index
          %swap3A_1495 = arith.constant 96 : index
          %swap3A_1496 = tpu.vector_load %arg11[%swap3A_1494, %swap3A_1495] {strides = array<i32>} : memref<128x128xf32, #tpu.memory_space<vmem>>, vector<1x16xf32>,
          %swap3A_1497 = vector.shape_cast %swap3A_1496 : vector<1x16xf32> to vector<16xf32>
          %swap3A_1498 = vector.shape_cast %mul3A_1493 : vector<16xf32> to vector<1x16xf32>
          tpu.vector_store %arg11[%swap3A_1494, %swap3A_1495], %swap3A_1498 {strides = array<i32>} : memref<128x128xf32, #tpu.memory_space<vmem>>, vector<1x16xf32>,
          %get3A_1499 = arith.index_cast %add3A_1428 : i32 to index
          %get3A_1500 = arith.constant 112 : index
          %get3A_1501 = tpu.vector_load %arg11[%get3A_1499, %get3A_1500] {strides = array<i32>} : memref<128x128xf32, #tpu.memory_space<vmem>>, vector<1x16xf32>,
          %get3A_1502 = vector.shape_cast %get3A_1501 : vector<1x16xf32> to vector<16xf32>
          %mul3A_1503 = arith.mulf %get3A_1502, %gather3A_1424 : vector<16xf32>
          %swap3A_1504 = arith.index_cast %add3A_1428 : i32 to index
          %swap3A_1505 = arith.constant 112 : index
          %swap3A_1506 = tpu.vector_load %arg11[%swap3A_1504, %swap3A_1505] {strides = array<i32>} : memref<128x128xf32, #tpu.memory_space<vmem>>, vector<1x16xf32>,
          %swap3A_1507 = vector.shape_cast %swap3A_1506 : vector<1x16xf32> to vector<16xf32>
          %swap3A_1508 = vector.shape_cast %mul3A_1503 : vector<16xf32> to vector<1x16xf32>
          tpu.vector_store %arg11[%swap3A_1504, %swap3A_1505], %swap3A_1508 {strides = array<i32>} : memref<128x128xf32, #tpu.memory_space<vmem>>, vector<1x16xf32>,
          %broadcast_in_dim3A_1509 = arith.constant 14 : i32
          %broadcast_in_dim3A_1510 = vector.broadcast %broadcast_in_dim3A_1509 : i32 to vector<16x1xi32>
          %gather3A_1511 = vector.shape_cast %broadcast_in_dim3A_1510 : vector<16x1xi32> to vector<16xi32>
          %gather3A_1512 = tpu.dynamic_gather %get3A_279[%gather3A_1511] in [0] : vector<16xf32>, vector<16xi32> -> vector<16xf32>
          %mul3A_1513 = arith.constant 16 : i32
          %mul3A_1514 = arith.muli %scan3A_273, %mul3A_1513 : i32
          %add3A_1515 = arith.constant 14 : i32
          %add3A_1516 = arith.addi %mul3A_1514, %add3A_1515 : i32
          %get3A_1517 = arith.index_cast %add3A_1516 : i32 to index
          %get3A_1518 = arith.constant 0 : index
          %get3A_1519 = tpu.vector_load %arg11[%get3A_1517, %get3A_1518] {strides = array<i32>} : memref<128x128xf32, #tpu.memory_space<vmem>>, vector<1x16xf32>,
          %get3A_1520 = vector.shape_cast %get3A_1519 : vector<1x16xf32> to vector<16xf32>
          %mul3A_1521 = arith.mulf %get3A_1520, %gather3A_1512 : vector<16xf32>
          %swap3A_1522 = arith.index_cast %add3A_1516 : i32 to index
          %swap3A_1523 = arith.constant 0 : index
          %swap3A_1524 = tpu.vector_load %arg11[%swap3A_1522, %swap3A_1523] {strides = array<i32>} : memref<128x128xf32, #tpu.memory_space<vmem>>, vector<1x16xf32>,
          %swap3A_1525 = vector.shape_cast %swap3A_1524 : vector<1x16xf32> to vector<16xf32>
          %swap3A_1526 = vector.shape_cast %mul3A_1521 : vector<16xf32> to vector<1x16xf32>
          tpu.vector_store %arg11[%swap3A_1522, %swap3A_1523], %swap3A_1526 {strides = array<i32>} : memref<128x128xf32, #tpu.memory_space<vmem>>, vector<1x16xf32>,
          %get3A_1527 = arith.index_cast %add3A_1516 : i32 to index
          %get3A_1528 = arith.constant 16 : index
          %get3A_1529 = tpu.vector_load %arg11[%get3A_1527, %get3A_1528] {strides = array<i32>} : memref<128x128xf32, #tpu.memory_space<vmem>>, vector<1x16xf32>,
          %get3A_1530 = vector.shape_cast %get3A_1529 : vector<1x16xf32> to vector<16xf32>
          %mul3A_1531 = arith.mulf %get3A_1530, %gather3A_1512 : vector<16xf32>
          %swap3A_1532 = arith.index_cast %add3A_1516 : i32 to index
          %swap3A_1533 = arith.constant 16 : index
          %swap3A_1534 = tpu.vector_load %arg11[%swap3A_1532, %swap3A_1533] {strides = array<i32>} : memref<128x128xf32, #tpu.memory_space<vmem>>, vector<1x16xf32>,
          %swap3A_1535 = vector.shape_cast %swap3A_1534 : vector<1x16xf32> to vector<16xf32>
          %swap3A_1536 = vector.shape_cast %mul3A_1531 : vector<16xf32> to vector<1x16xf32>
          tpu.vector_store %arg11[%swap3A_1532, %swap3A_1533], %swap3A_1536 {strides = array<i32>} : memref<128x128xf32, #tpu.memory_space<vmem>>, vector<1x16xf32>,
          %get3A_1537 = arith.index_cast %add3A_1516 : i32 to index
          %get3A_1538 = arith.constant 32 : index
          %get3A_1539 = tpu.vector_load %arg11[%get3A_1537, %get3A_1538] {strides = array<i32>} : memref<128x128xf32, #tpu.memory_space<vmem>>, vector<1x16xf32>,
          %get3A_1540 = vector.shape_cast %get3A_1539 : vector<1x16xf32> to vector<16xf32>
          %mul3A_1541 = arith.mulf %get3A_1540, %gather3A_1512 : vector<16xf32>
          %swap3A_1542 = arith.index_cast %add3A_1516 : i32 to index
          %swap3A_1543 = arith.constant 32 : index
          %swap3A_1544 = tpu.vector_load %arg11[%swap3A_1542, %swap3A_1543] {strides = array<i32>} : memref<128x128xf32, #tpu.memory_space<vmem>>, vector<1x16xf32>,
          %swap3A_1545 = vector.shape_cast %swap3A_1544 : vector<1x16xf32> to vector<16xf32>
          %swap3A_1546 = vector.shape_cast %mul3A_1541 : vector<16xf32> to vector<1x16xf32>
          tpu.vector_store %arg11[%swap3A_1542, %swap3A_1543], %swap3A_1546 {strides = array<i32>} : memref<128x128xf32, #tpu.memory_space<vmem>>, vector<1x16xf32>,
          %get3A_1547 = arith.index_cast %add3A_1516 : i32 to index
          %get3A_1548 = arith.constant 48 : index
          %get3A_1549 = tpu.vector_load %arg11[%get3A_1547, %get3A_1548] {strides = array<i32>} : memref<128x128xf32, #tpu.memory_space<vmem>>, vector<1x16xf32>,
          %get3A_1550 = vector.shape_cast %get3A_1549 : vector<1x16xf32> to vector<16xf32>
          %mul3A_1551 = arith.mulf %get3A_1550, %gather3A_1512 : vector<16xf32>
          %swap3A_1552 = arith.index_cast %add3A_1516 : i32 to index
          %swap3A_1553 = arith.constant 48 : index
          %swap3A_1554 = tpu.vector_load %arg11[%swap3A_1552, %swap3A_1553] {strides = array<i32>} : memref<128x128xf32, #tpu.memory_space<vmem>>, vector<1x16xf32>,
          %swap3A_1555 = vector.shape_cast %swap3A_1554 : vector<1x16xf32> to vector<16xf32>
          %swap3A_1556 = vector.shape_cast %mul3A_1551 : vector<16xf32> to vector<1x16xf32>
          tpu.vector_store %arg11[%swap3A_1552, %swap3A_1553], %swap3A_1556 {strides = array<i32>} : memref<128x128xf32, #tpu.memory_space<vmem>>, vector<1x16xf32>,
          %get3A_1557 = arith.index_cast %add3A_1516 : i32 to index
          %get3A_1558 = arith.constant 64 : index
          %get3A_1559 = tpu.vector_load %arg11[%get3A_1557, %get3A_1558] {strides = array<i32>} : memref<128x128xf32, #tpu.memory_space<vmem>>, vector<1x16xf32>,
          %get3A_1560 = vector.shape_cast %get3A_1559 : vector<1x16xf32> to vector<16xf32>
          %mul3A_1561 = arith.mulf %get3A_1560, %gather3A_1512 : vector<16xf32>
          %swap3A_1562 = arith.index_cast %add3A_1516 : i32 to index
          %swap3A_1563 = arith.constant 64 : index
          %swap3A_1564 = tpu.vector_load %arg11[%swap3A_1562, %swap3A_1563] {strides = array<i32>} : memref<128x128xf32, #tpu.memory_space<vmem>>, vector<1x16xf32>,
          %swap3A_1565 = vector.shape_cast %swap3A_1564 : vector<1x16xf32> to vector<16xf32>
          %swap3A_1566 = vector.shape_cast %mul3A_1561 : vector<16xf32> to vector<1x16xf32>
          tpu.vector_store %arg11[%swap3A_1562, %swap3A_1563], %swap3A_1566 {strides = array<i32>} : memref<128x128xf32, #tpu.memory_space<vmem>>, vector<1x16xf32>,
          %get3A_1567 = arith.index_cast %add3A_1516 : i32 to index
          %get3A_1568 = arith.constant 80 : index
          %get3A_1569 = tpu.vector_load %arg11[%get3A_1567, %get3A_1568] {strides = array<i32>} : memref<128x128xf32, #tpu.memory_space<vmem>>, vector<1x16xf32>,
          %get3A_1570 = vector.shape_cast %get3A_1569 : vector<1x16xf32> to vector<16xf32>
          %mul3A_1571 = arith.mulf %get3A_1570, %gather3A_1512 : vector<16xf32>
          %swap3A_1572 = arith.index_cast %add3A_1516 : i32 to index
          %swap3A_1573 = arith.constant 80 : index
          %swap3A_1574 = tpu.vector_load %arg11[%swap3A_1572, %swap3A_1573] {strides = array<i32>} : memref<128x128xf32, #tpu.memory_space<vmem>>, vector<1x16xf32>,
          %swap3A_1575 = vector.shape_cast %swap3A_1574 : vector<1x16xf32> to vector<16xf32>
          %swap3A_1576 = vector.shape_cast %mul3A_1571 : vector<16xf32> to vector<1x16xf32>
          tpu.vector_store %arg11[%swap3A_1572, %swap3A_1573], %swap3A_1576 {strides = array<i32>} : memref<128x128xf32, #tpu.memory_space<vmem>>, vector<1x16xf32>,
          %get3A_1577 = arith.index_cast %add3A_1516 : i32 to index
          %get3A_1578 = arith.constant 96 : index
          %get3A_1579 = tpu.vector_load %arg11[%get3A_1577, %get3A_1578] {strides = array<i32>} : memref<128x128xf32, #tpu.memory_space<vmem>>, vector<1x16xf32>,
          %get3A_1580 = vector.shape_cast %get3A_1579 : vector<1x16xf32> to vector<16xf32>
          %mul3A_1581 = arith.mulf %get3A_1580, %gather3A_1512 : vector<16xf32>
          %swap3A_1582 = arith.index_cast %add3A_1516 : i32 to index
          %swap3A_1583 = arith.constant 96 : index
          %swap3A_1584 = tpu.vector_load %arg11[%swap3A_1582, %swap3A_1583] {strides = array<i32>} : memref<128x128xf32, #tpu.memory_space<vmem>>, vector<1x16xf32>,
          %swap3A_1585 = vector.shape_cast %swap3A_1584 : vector<1x16xf32> to vector<16xf32>
          %swap3A_1586 = vector.shape_cast %mul3A_1581 : vector<16xf32> to vector<1x16xf32>
          tpu.vector_store %arg11[%swap3A_1582, %swap3A_1583], %swap3A_1586 {strides = array<i32>} : memref<128x128xf32, #tpu.memory_space<vmem>>, vector<1x16xf32>,
          %get3A_1587 = arith.index_cast %add3A_1516 : i32 to index
          %get3A_1588 = arith.constant 112 : index
          %get3A_1589 = tpu.vector_load %arg11[%get3A_1587, %get3A_1588] {strides = array<i32>} : memref<128x128xf32, #tpu.memory_space<vmem>>, vector<1x16xf32>,
          %get3A_1590 = vector.shape_cast %get3A_1589 : vector<1x16xf32> to vector<16xf32>
          %mul3A_1591 = arith.mulf %get3A_1590, %gather3A_1512 : vector<16xf32>
          %swap3A_1592 = arith.index_cast %add3A_1516 : i32 to index
          %swap3A_1593 = arith.constant 112 : index
          %swap3A_1594 = tpu.vector_load %arg11[%swap3A_1592, %swap3A_1593] {strides = array<i32>} : memref<128x128xf32, #tpu.memory_space<vmem>>, vector<1x16xf32>,
          %swap3A_1595 = vector.shape_cast %swap3A_1594 : vector<1x16xf32> to vector<16xf32>
          %swap3A_1596 = vector.shape_cast %mul3A_1591 : vector<16xf32> to vector<1x16xf32>
          tpu.vector_store %arg11[%swap3A_1592, %swap3A_1593], %swap3A_1596 {strides = array<i32>} : memref<128x128xf32, #tpu.memory_space<vmem>>, vector<1x16xf32>,
          %broadcast_in_dim3A_1597 = arith.constant 15 : i32
          %broadcast_in_dim3A_1598 = vector.broadcast %broadcast_in_dim3A_1597 : i32 to vector<16x1xi32>
          %gather3A_1599 = vector.shape_cast %broadcast_in_dim3A_1598 : vector<16x1xi32> to vector<16xi32>
          %gather3A_1600 = tpu.dynamic_gather %get3A_279[%gather3A_1599] in [0] : vector<16xf32>, vector<16xi32> -> vector<16xf32>
          %mul3A_1601 = arith.constant 16 : i32
          %mul3A_1602 = arith.muli %scan3A_273, %mul3A_1601 : i32
          %add3A_1603 = arith.constant 15 : i32
          %add3A_1604 = arith.addi %mul3A_1602, %add3A_1603 : i32
          %get3A_1605 = arith.index_cast %add3A_1604 : i32 to index
          %get3A_1606 = arith.constant 0 : index
          %get3A_1607 = tpu.vector_load %arg11[%get3A_1605, %get3A_1606] {strides = array<i32>} : memref<128x128xf32, #tpu.memory_space<vmem>>, vector<1x16xf32>,
          %get3A_1608 = vector.shape_cast %get3A_1607 : vector<1x16xf32> to vector<16xf32>
          %mul3A_1609 = arith.mulf %get3A_1608, %gather3A_1600 : vector<16xf32>
          %swap3A_1610 = arith.index_cast %add3A_1604 : i32 to index
          %swap3A_1611 = arith.constant 0 : index
          %swap3A_1612 = tpu.vector_load %arg11[%swap3A_1610, %swap3A_1611] {strides = array<i32>} : memref<128x128xf32, #tpu.memory_space<vmem>>, vector<1x16xf32>,
          %swap3A_1613 = vector.shape_cast %swap3A_1612 : vector<1x16xf32> to vector<16xf32>
          %swap3A_1614 = vector.shape_cast %mul3A_1609 : vector<16xf32> to vector<1x16xf32>
          tpu.vector_store %arg11[%swap3A_1610, %swap3A_1611], %swap3A_1614 {strides = array<i32>} : memref<128x128xf32, #tpu.memory_space<vmem>>, vector<1x16xf32>,
          %get3A_1615 = arith.index_cast %add3A_1604 : i32 to index
          %get3A_1616 = arith.constant 16 : index
          %get3A_1617 = tpu.vector_load %arg11[%get3A_1615, %get3A_1616] {strides = array<i32>} : memref<128x128xf32, #tpu.memory_space<vmem>>, vector<1x16xf32>,
          %get3A_1618 = vector.shape_cast %get3A_1617 : vector<1x16xf32> to vector<16xf32>
          %mul3A_1619 = arith.mulf %get3A_1618, %gather3A_1600 : vector<16xf32>
          %swap3A_1620 = arith.index_cast %add3A_1604 : i32 to index
          %swap3A_1621 = arith.constant 16 : index
          %swap3A_1622 = tpu.vector_load %arg11[%swap3A_1620, %swap3A_1621] {strides = array<i32>} : memref<128x128xf32, #tpu.memory_space<vmem>>, vector<1x16xf32>,
          %swap3A_1623 = vector.shape_cast %swap3A_1622 : vector<1x16xf32> to vector<16xf32>
          %swap3A_1624 = vector.shape_cast %mul3A_1619 : vector<16xf32> to vector<1x16xf32>
          tpu.vector_store %arg11[%swap3A_1620, %swap3A_1621], %swap3A_1624 {strides = array<i32>} : memref<128x128xf32, #tpu.memory_space<vmem>>, vector<1x16xf32>,
          %get3A_1625 = arith.index_cast %add3A_1604 : i32 to index
          %get3A_1626 = arith.constant 32 : index
          %get3A_1627 = tpu.vector_load %arg11[%get3A_1625, %get3A_1626] {strides = array<i32>} : memref<128x128xf32, #tpu.memory_space<vmem>>, vector<1x16xf32>,
          %get3A_1628 = vector.shape_cast %get3A_1627 : vector<1x16xf32> to vector<16xf32>
          %mul3A_1629 = arith.mulf %get3A_1628, %gather3A_1600 : vector<16xf32>
          %swap3A_1630 = arith.index_cast %add3A_1604 : i32 to index
          %swap3A_1631 = arith.constant 32 : index
          %swap3A_1632 = tpu.vector_load %arg11[%swap3A_1630, %swap3A_1631] {strides = array<i32>} : memref<128x128xf32, #tpu.memory_space<vmem>>, vector<1x16xf32>,
          %swap3A_1633 = vector.shape_cast %swap3A_1632 : vector<1x16xf32> to vector<16xf32>
          %swap3A_1634 = vector.shape_cast %mul3A_1629 : vector<16xf32> to vector<1x16xf32>
          tpu.vector_store %arg11[%swap3A_1630, %swap3A_1631], %swap3A_1634 {strides = array<i32>} : memref<128x128xf32, #tpu.memory_space<vmem>>, vector<1x16xf32>,
          %get3A_1635 = arith.index_cast %add3A_1604 : i32 to index
          %get3A_1636 = arith.constant 48 : index
          %get3A_1637 = tpu.vector_load %arg11[%get3A_1635, %get3A_1636] {strides = array<i32>} : memref<128x128xf32, #tpu.memory_space<vmem>>, vector<1x16xf32>,
          %get3A_1638 = vector.shape_cast %get3A_1637 : vector<1x16xf32> to vector<16xf32>
          %mul3A_1639 = arith.mulf %get3A_1638, %gather3A_1600 : vector<16xf32>
          %swap3A_1640 = arith.index_cast %add3A_1604 : i32 to index
          %swap3A_1641 = arith.constant 48 : index
          %swap3A_1642 = tpu.vector_load %arg11[%swap3A_1640, %swap3A_1641] {strides = array<i32>} : memref<128x128xf32, #tpu.memory_space<vmem>>, vector<1x16xf32>,
          %swap3A_1643 = vector.shape_cast %swap3A_1642 : vector<1x16xf32> to vector<16xf32>
          %swap3A_1644 = vector.shape_cast %mul3A_1639 : vector<16xf32> to vector<1x16xf32>
          tpu.vector_store %arg11[%swap3A_1640, %swap3A_1641], %swap3A_1644 {strides = array<i32>} : memref<128x128xf32, #tpu.memory_space<vmem>>, vector<1x16xf32>,
          %get3A_1645 = arith.index_cast %add3A_1604 : i32 to index
          %get3A_1646 = arith.constant 64 : index
          %get3A_1647 = tpu.vector_load %arg11[%get3A_1645, %get3A_1646] {strides = array<i32>} : memref<128x128xf32, #tpu.memory_space<vmem>>, vector<1x16xf32>,
          %get3A_1648 = vector.shape_cast %get3A_1647 : vector<1x16xf32> to vector<16xf32>
          %mul3A_1649 = arith.mulf %get3A_1648, %gather3A_1600 : vector<16xf32>
          %swap3A_1650 = arith.index_cast %add3A_1604 : i32 to index
          %swap3A_1651 = arith.constant 64 : index
          %swap3A_1652 = tpu.vector_load %arg11[%swap3A_1650, %swap3A_1651] {strides = array<i32>} : memref<128x128xf32, #tpu.memory_space<vmem>>, vector<1x16xf32>,
          %swap3A_1653 = vector.shape_cast %swap3A_1652 : vector<1x16xf32> to vector<16xf32>
          %swap3A_1654 = vector.shape_cast %mul3A_1649 : vector<16xf32> to vector<1x16xf32>
          tpu.vector_store %arg11[%swap3A_1650, %swap3A_1651], %swap3A_1654 {strides = array<i32>} : memref<128x128xf32, #tpu.memory_space<vmem>>, vector<1x16xf32>,
          %get3A_1655 = arith.index_cast %add3A_1604 : i32 to index
          %get3A_1656 = arith.constant 80 : index
          %get3A_1657 = tpu.vector_load %arg11[%get3A_1655, %get3A_1656] {strides = array<i32>} : memref<128x128xf32, #tpu.memory_space<vmem>>, vector<1x16xf32>,
          %get3A_1658 = vector.shape_cast %get3A_1657 : vector<1x16xf32> to vector<16xf32>
          %mul3A_1659 = arith.mulf %get3A_1658, %gather3A_1600 : vector<16xf32>
          %swap3A_1660 = arith.index_cast %add3A_1604 : i32 to index
          %swap3A_1661 = arith.constant 80 : index
          %swap3A_1662 = tpu.vector_load %arg11[%swap3A_1660, %swap3A_1661] {strides = array<i32>} : memref<128x128xf32, #tpu.memory_space<vmem>>, vector<1x16xf32>,
          %swap3A_1663 = vector.shape_cast %swap3A_1662 : vector<1x16xf32> to vector<16xf32>
          %swap3A_1664 = vector.shape_cast %mul3A_1659 : vector<16xf32> to vector<1x16xf32>
          tpu.vector_store %arg11[%swap3A_1660, %swap3A_1661], %swap3A_1664 {strides = array<i32>} : memref<128x128xf32, #tpu.memory_space<vmem>>, vector<1x16xf32>,
          %get3A_1665 = arith.index_cast %add3A_1604 : i32 to index
          %get3A_1666 = arith.constant 96 : index
          %get3A_1667 = tpu.vector_load %arg11[%get3A_1665, %get3A_1666] {strides = array<i32>} : memref<128x128xf32, #tpu.memory_space<vmem>>, vector<1x16xf32>,
          %get3A_1668 = vector.shape_cast %get3A_1667 : vector<1x16xf32> to vector<16xf32>
          %mul3A_1669 = arith.mulf %get3A_1668, %gather3A_1600 : vector<16xf32>
          %swap3A_1670 = arith.index_cast %add3A_1604 : i32 to index
          %swap3A_1671 = arith.constant 96 : index
          %swap3A_1672 = tpu.vector_load %arg11[%swap3A_1670, %swap3A_1671] {strides = array<i32>} : memref<128x128xf32, #tpu.memory_space<vmem>>, vector<1x16xf32>,
          %swap3A_1673 = vector.shape_cast %swap3A_1672 : vector<1x16xf32> to vector<16xf32>
          %swap3A_1674 = vector.shape_cast %mul3A_1669 : vector<16xf32> to vector<1x16xf32>
          tpu.vector_store %arg11[%swap3A_1670, %swap3A_1671], %swap3A_1674 {strides = array<i32>} : memref<128x128xf32, #tpu.memory_space<vmem>>, vector<1x16xf32>,
          %get3A_1675 = arith.index_cast %add3A_1604 : i32 to index
          %get3A_1676 = arith.constant 112 : index
          %get3A_1677 = tpu.vector_load %arg11[%get3A_1675, %get3A_1676] {strides = array<i32>} : memref<128x128xf32, #tpu.memory_space<vmem>>, vector<1x16xf32>,
          %get3A_1678 = vector.shape_cast %get3A_1677 : vector<1x16xf32> to vector<16xf32>
          %mul3A_1679 = arith.mulf %get3A_1678, %gather3A_1600 : vector<16xf32>
          %swap3A_1680 = arith.index_cast %add3A_1604 : i32 to index
          %swap3A_1681 = arith.constant 112 : index
          %swap3A_1682 = tpu.vector_load %arg11[%swap3A_1680, %swap3A_1681] {strides = array<i32>} : memref<128x128xf32, #tpu.memory_space<vmem>>, vector<1x16xf32>,
          %swap3A_1683 = vector.shape_cast %swap3A_1682 : vector<1x16xf32> to vector<16xf32>
          %swap3A_1684 = vector.shape_cast %mul3A_1679 : vector<16xf32> to vector<1x16xf32>
          tpu.vector_store %arg11[%swap3A_1680, %swap3A_1681], %swap3A_1684 {strides = array<i32>} : memref<128x128xf32, #tpu.memory_space<vmem>>, vector<1x16xf32>,
        }
        %scan3A_272 = arith.constant 8 : i32
        "tpu.region"() ({
          %run_scoped3A = tpu.sem_alloc : memref<!tpu.dma_semaphore, #tpu.memory_space<semaphore_mem>>
          %dma_start3A_273 = arith.constant 0 : i32
          %dma_start3A_274 = tpu.memref_slice %arg8[%and3A_161, %add3A_201, %dma_start3A_273] : memref<2x8x128xi32, #tpu.memory_space<vmem>> -> memref<1x1x128xi32, #tpu.memory_space<vmem>>
          %dma_start3A_275 = tpu.memref_squeeze %dma_start3A_274 : memref<1x1x128xi32, #tpu.memory_space<vmem>> -> memref<128xi32, #tpu.memory_space<vmem>>
          %dma_start3A_276 = arith.constant 0 : i32
          %dma_start3A_277 = arith.constant 0 : i32
          %dma_start3A_278 = tpu.memref_slice %arg12[%dma_start3A_276, %dma_start3A_277] : memref<10000x128xf32, #tpu.memory_space<vmem_shared>> -> memref<10000x128xf32, #tpu.memory_space<vmem_shared>>
          tpu.enqueue_indirect_dma source(%arg11 : memref<128x128xf32, #tpu.memory_space<vmem>>) target(%dma_start3A_278 : memref<10000x128xf32, #tpu.memory_space<vmem_shared>>) offsets(%dma_start3A_275 : memref<128xi32, #tpu.memory_space<vmem>>) semaphore(%run_scoped3A : memref<!tpu.dma_semaphore, #tpu.memory_space<semaphore_mem>>) {add = true}
          %dma_wait3A_279 = arith.constant 0 : i32
          %dma_wait3A_280 = tpu.memref_slice %arg8[%and3A_161, %add3A_201, %dma_wait3A_279] : memref<2x8x128xi32, #tpu.memory_space<vmem>> -> memref<1x1x128xi32, #tpu.memory_space<vmem>>
          %dma_wait3A_281 = tpu.memref_squeeze %dma_wait3A_280 : memref<1x1x128xi32, #tpu.memory_space<vmem>> -> memref<128xi32, #tpu.memory_space<vmem>>
          %dma_wait3A_282 = arith.constant 0 : i32
          %dma_wait3A_283 = arith.constant 0 : i32
          %dma_wait3A_284 = tpu.memref_slice %arg12[%dma_wait3A_282, %dma_wait3A_283] : memref<10000x128xf32, #tpu.memory_space<vmem_shared>> -> memref<10000x128xf32, #tpu.memory_space<vmem_shared>>
          tpu.wait_indirect_dma semaphore(%run_scoped3A : memref<!tpu.dma_semaphore, #tpu.memory_space<semaphore_mem>>) src(%arg11 : memref<128x128xf32, #tpu.memory_space<vmem>>) dst(%dma_wait3A_284 : memref<10000x128xf32, #tpu.memory_space<vmem_shared>>)
          tpu.yield
        }) : () -> ()
      }
      %scan3A_191 = arith.constant 4 : i32
      %lt3A_192 = arith.constant 19 : i32
      %lt3A_193 = arith.cmpi slt, %scan3A_160, %lt3A_192 : i32
      %convert_element_type3A_194 = arith.extui %lt3A_193 : i1 to i32
      %cond3A_195 = arith.constant 0 : i32
      %cond3A_196 = arith.cmpi ne, %convert_element_type3A_194, %cond3A_195 : i32
      scf.if %cond3A_196 {
        %add3A_197 = arith.constant 1 : i32
        %add3A_198 = arith.addi %scan3A_160, %add3A_197 : i32
        %sub3A = arith.constant 1 : i32
        %sub3A_199 = arith.subi %sub3A, %and3A_161 : i32
        %mul3A_200 = arith.constant 8 : i32
        %mul3A_201 = arith.muli %add3A_198, %mul3A_200 : i32
        %dma_wait3A_202 = arith.constant 0 : i32
        %dma_wait3A_203 = arith.constant 0 : i32
        %dma_wait3A_204 = tpu.memref_slice %arg7[%sub3A_199, %dma_wait3A_202, %dma_wait3A_203] : memref<2x8x128xi32, #tpu.memory_space<vmem>> -> memref<1x8x128xi32, #tpu.memory_space<vmem>>
        %dma_wait3A_205 = tpu.memref_squeeze %dma_wait3A_204 : memref<1x8x128xi32, #tpu.memory_space<vmem>> -> memref<8x128xi32, #tpu.memory_space<vmem>>
        %dma_wait3A_206 = arith.constant 0 : i32
        %dma_wait3A_207 = tpu.memref_slice %arg3[%add3A, %mul3A_201, %dma_wait3A_206] : memref<32x160x128xi32, #tpu.memory_space<hbm>> -> memref<1x8x128xi32, #tpu.memory_space<hbm>>
        %dma_wait3A_208 = tpu.memref_squeeze %dma_wait3A_207 : memref<1x8x128xi32, #tpu.memory_space<hbm>> -> memref<8x128xi32, #tpu.memory_space<hbm>>
        %dma_wait3A_209 = arith.constant 0 : i32
        %dma_wait3A_210 = arith.constant 0 : i32
        %dma_wait3A_211 = tpu.memref_slice %arg7[%sub3A_199, %dma_wait3A_209, %dma_wait3A_210] : memref<2x8x128xi32, #tpu.memory_space<vmem>> -> memref<1x8x128xi32, #tpu.memory_space<vmem>>
        %dma_wait3A_212 = tpu.memref_squeeze %dma_wait3A_211 : memref<1x8x128xi32, #tpu.memory_space<vmem>> -> memref<8x128xi32, #tpu.memory_space<vmem>>
        %dma_wait3A_213 = arith.constant 0 : i32
        %dma_wait3A_214 = tpu.memref_slice %arg3[%add3A, %mul3A_201, %dma_wait3A_213] : memref<32x160x128xi32, #tpu.memory_space<hbm>> -> memref<1x8x128xi32, #tpu.memory_space<hbm>>
        %dma_wait3A_215 = tpu.memref_squeeze %dma_wait3A_214 : memref<1x8x128xi32, #tpu.memory_space<hbm>> -> memref<8x128xi32, #tpu.memory_space<hbm>>
        tpu.wait_dma2 semaphore(%arg17 : memref<!tpu.dma_semaphore, #tpu.memory_space<semaphore_mem>>) src(%dma_wait3A_215 : memref<8x128xi32, #tpu.memory_space<hbm>>) dst(%dma_wait3A_212 : memref<8x128xi32, #tpu.memory_space<vmem>>)
        %dma_wait3A_216 = arith.constant 0 : i32
        %dma_wait3A_217 = arith.constant 0 : i32
        %dma_wait3A_218 = tpu.memref_slice %arg8[%sub3A_199, %dma_wait3A_216, %dma_wait3A_217] : memref<2x8x128xi32, #tpu.memory_space<vmem>> -> memref<1x8x128xi32, #tpu.memory_space<vmem>>
        %dma_wait3A_219 = tpu.memref_squeeze %dma_wait3A_218 : memref<1x8x128xi32, #tpu.memory_space<vmem>> -> memref<8x128xi32, #tpu.memory_space<vmem>>
        %dma_wait3A_220 = arith.constant 0 : i32
        %dma_wait3A_221 = tpu.memref_slice %arg4[%add3A, %mul3A_201, %dma_wait3A_220] : memref<32x160x128xi32, #tpu.memory_space<hbm>> -> memref<1x8x128xi32, #tpu.memory_space<hbm>>
        %dma_wait3A_222 = tpu.memref_squeeze %dma_wait3A_221 : memref<1x8x128xi32, #tpu.memory_space<hbm>> -> memref<8x128xi32, #tpu.memory_space<hbm>>
        %dma_wait3A_223 = arith.constant 0 : i32
        %dma_wait3A_224 = arith.constant 0 : i32
        %dma_wait3A_225 = tpu.memref_slice %arg8[%sub3A_199, %dma_wait3A_223, %dma_wait3A_224] : memref<2x8x128xi32, #tpu.memory_space<vmem>> -> memref<1x8x128xi32, #tpu.memory_space<vmem>>
        %dma_wait3A_226 = tpu.memref_squeeze %dma_wait3A_225 : memref<1x8x128xi32, #tpu.memory_space<vmem>> -> memref<8x128xi32, #tpu.memory_space<vmem>>
        %dma_wait3A_227 = arith.constant 0 : i32
        %dma_wait3A_228 = tpu.memref_slice %arg4[%add3A, %mul3A_201, %dma_wait3A_227] : memref<32x160x128xi32, #tpu.memory_space<hbm>> -> memref<1x8x128xi32, #tpu.memory_space<hbm>>
        %dma_wait3A_229 = tpu.memref_squeeze %dma_wait3A_228 : memref<1x8x128xi32, #tpu.memory_space<hbm>> -> memref<8x128xi32, #tpu.memory_space<hbm>>
        tpu.wait_dma2 semaphore(%arg17 : memref<!tpu.dma_semaphore, #tpu.memory_space<semaphore_mem>>) src(%dma_wait3A_229 : memref<8x128xi32, #tpu.memory_space<hbm>>) dst(%dma_wait3A_226 : memref<8x128xi32, #tpu.memory_space<vmem>>)
        %dma_wait3A_230 = arith.constant 0 : i32
        %dma_wait3A_231 = arith.constant 0 : i32
        %dma_wait3A_232 = tpu.memref_slice %arg9[%sub3A_199, %dma_wait3A_230, %dma_wait3A_231] : memref<2x8x128xf32, #tpu.memory_space<vmem>> -> memref<1x8x128xf32, #tpu.memory_space<vmem>>
        %dma_wait3A_233 = tpu.memref_squeeze %dma_wait3A_232 : memref<1x8x128xf32, #tpu.memory_space<vmem>> -> memref<8x128xf32, #tpu.memory_space<vmem>>
        %dma_wait3A_234 = arith.constant 0 : i32
        %dma_wait3A_235 = tpu.memref_slice %arg5[%add3A, %mul3A_201, %dma_wait3A_234] : memref<32x160x128xf32, #tpu.memory_space<hbm>> -> memref<1x8x128xf32, #tpu.memory_space<hbm>>
        %dma_wait3A_236 = tpu.memref_squeeze %dma_wait3A_235 : memref<1x8x128xf32, #tpu.memory_space<hbm>> -> memref<8x128xf32, #tpu.memory_space<hbm>>
        %dma_wait3A_237 = arith.constant 0 : i32
        %dma_wait3A_238 = arith.constant 0 : i32
        %dma_wait3A_239 = tpu.memref_slice %arg9[%sub3A_199, %dma_wait3A_237, %dma_wait3A_238] : memref<2x8x128xf32, #tpu.memory_space<vmem>> -> memref<1x8x128xf32, #tpu.memory_space<vmem>>
        %dma_wait3A_240 = tpu.memref_squeeze %dma_wait3A_239 : memref<1x8x128xf32, #tpu.memory_space<vmem>> -> memref<8x128xf32, #tpu.memory_space<vmem>>
        %dma_wait3A_241 = arith.constant 0 : i32
        %dma_wait3A_242 = tpu.memref_slice %arg5[%add3A, %mul3A_201, %dma_wait3A_241] : memref<32x160x128xf32, #tpu.memory_space<hbm>> -> memref<1x8x128xf32, #tpu.memory_space<hbm>>
        %dma_wait3A_243 = tpu.memref_squeeze %dma_wait3A_242 : memref<1x8x128xf32, #tpu.memory_space<hbm>> -> memref<8x128xf32, #tpu.memory_space<hbm>>
        tpu.wait_dma2 semaphore(%arg17 : memref<!tpu.dma_semaphore, #tpu.memory_space<semaphore_mem>>) src(%dma_wait3A_243 : memref<8x128xf32, #tpu.memory_space<hbm>>) dst(%dma_wait3A_240 : memref<8x128xf32, #tpu.memory_space<vmem>>)
      } else {
      }
    }
    %scan3A_133 = arith.constant 20 : i32
    %barrier3A_134 = arith.constant 0 : index
    tpu.barrier barrier_id(%barrier3A_134)
    %mul3A_135 = arith.constant 624 : i32
    %mul3A_136 = arith.muli %arg1, %mul3A_135 : i32
    %add3A_137 = arith.constant 0 : i32
    %add3A_138 = arith.addi %mul3A_136, %add3A_137 : i32
    "tpu.region"() ({
      %run_scoped3A = tpu.sem_alloc : memref<!tpu.dma_semaphore, #tpu.memory_space<semaphore_mem>>
      %dma_start3A_160 = arith.constant 0 : i32
      %dma_start3A_161 = tpu.memref_slice %arg6[%arg0, %add3A_138, %dma_start3A_160] : memref<2x10000x128xf32, #tpu.memory_space<hbm>> -> memref<1x128x128xf32, #tpu.memory_space<hbm>>
      %dma_start3A_162 = tpu.memref_squeeze %dma_start3A_161 : memref<1x128x128xf32, #tpu.memory_space<hbm>> -> memref<128x128xf32, #tpu.memory_space<hbm>>
      %dma_start3A_163 = arith.constant 0 : i32
      %dma_start3A_164 = tpu.memref_slice %arg12[%add3A_138, %dma_start3A_163] : memref<10000x128xf32, #tpu.memory_space<vmem_shared>> -> memref<128x128xf32, #tpu.memory_space<vmem_shared>>
      tpu.enqueue_dma source(%dma_start3A_164 : memref<128x128xf32, #tpu.memory_space<vmem_shared>>) target(%dma_start3A_162 : memref<128x128xf32, #tpu.memory_space<hbm>>) target_semaphore(%run_scoped3A : memref<!tpu.dma_semaphore, #tpu.memory_space<semaphore_mem>>)
      %dma_wait3A_165 = arith.constant 0 : i32
      %dma_wait3A_166 = tpu.memref_slice %arg6[%arg0, %add3A_138, %dma_wait3A_165] : memref<2x10000x128xf32, #tpu.memory_space<hbm>> -> memref<1x128x128xf32, #tpu.memory_space<hbm>>
      %dma_wait3A_167 = tpu.memref_squeeze %dma_wait3A_166 : memref<1x128x128xf32, #tpu.memory_space<hbm>> -> memref<128x128xf32, #tpu.memory_space<hbm>>
      %dma_wait3A_168 = arith.constant 0 : i32
      %dma_wait3A_169 = tpu.memref_slice %arg12[%add3A_138, %dma_wait3A_168] : memref<10000x128xf32, #tpu.memory_space<vmem_shared>> -> memref<128x128xf32, #tpu.memory_space<vmem_shared>>
      tpu.wait_dma2 semaphore(%run_scoped3A : memref<!tpu.dma_semaphore, #tpu.memory_space<semaphore_mem>>) src(%dma_wait3A_169 : memref<128x128xf32, #tpu.memory_space<vmem_shared>>) dst(%dma_wait3A_167 : memref<128x128xf32, #tpu.memory_space<hbm>>)
      tpu.yield
    }) : () -> ()
    %mul3A_139 = arith.constant 624 : i32
    %mul3A_140 = arith.muli %arg1, %mul3A_139 : i32
    %add3A_141 = arith.constant 128 : i32
    %add3A_142 = arith.addi %mul3A_140, %add3A_141 : i32
    "tpu.region"() ({
      %run_scoped3A = tpu.sem_alloc : memref<!tpu.dma_semaphore, #tpu.memory_space<semaphore_mem>>
      %dma_start3A_160 = arith.constant 0 : i32
      %dma_start3A_161 = tpu.memref_slice %arg6[%arg0, %add3A_142, %dma_start3A_160] : memref<2x10000x128xf32, #tpu.memory_space<hbm>> -> memref<1x128x128xf32, #tpu.memory_space<hbm>>
      %dma_start3A_162 = tpu.memref_squeeze %dma_start3A_161 : memref<1x128x128xf32, #tpu.memory_space<hbm>> -> memref<128x128xf32, #tpu.memory_space<hbm>>
      %dma_start3A_163 = arith.constant 0 : i32
      %dma_start3A_164 = tpu.memref_slice %arg12[%add3A_142, %dma_start3A_163] : memref<10000x128xf32, #tpu.memory_space<vmem_shared>> -> memref<128x128xf32, #tpu.memory_space<vmem_shared>>
      tpu.enqueue_dma source(%dma_start3A_164 : memref<128x128xf32, #tpu.memory_space<vmem_shared>>) target(%dma_start3A_162 : memref<128x128xf32, #tpu.memory_space<hbm>>) target_semaphore(%run_scoped3A : memref<!tpu.dma_semaphore, #tpu.memory_space<semaphore_mem>>)
      %dma_wait3A_165 = arith.constant 0 : i32
      %dma_wait3A_166 = tpu.memref_slice %arg6[%arg0, %add3A_142, %dma_wait3A_165] : memref<2x10000x128xf32, #tpu.memory_space<hbm>> -> memref<1x128x128xf32, #tpu.memory_space<hbm>>
      %dma_wait3A_167 = tpu.memref_squeeze %dma_wait3A_166 : memref<1x128x128xf32, #tpu.memory_space<hbm>> -> memref<128x128xf32, #tpu.memory_space<hbm>>
      %dma_wait3A_168 = arith.constant 0 : i32
      %dma_wait3A_169 = tpu.memref_slice %arg12[%add3A_142, %dma_wait3A_168] : memref<10000x128xf32, #tpu.memory_space<vmem_shared>> -> memref<128x128xf32, #tpu.memory_space<vmem_shared>>
      tpu.wait_dma2 semaphore(%run_scoped3A : memref<!tpu.dma_semaphore, #tpu.memory_space<semaphore_mem>>) src(%dma_wait3A_169 : memref<128x128xf32, #tpu.memory_space<vmem_shared>>) dst(%dma_wait3A_167 : memref<128x128xf32, #tpu.memory_space<hbm>>)
      tpu.yield
    }) : () -> ()
    %mul3A_143 = arith.constant 624 : i32
    %mul3A_144 = arith.muli %arg1, %mul3A_143 : i32
    %add3A_145 = arith.constant 256 : i32
    %add3A_146 = arith.addi %mul3A_144, %add3A_145 : i32
    "tpu.region"() ({
      %run_scoped3A = tpu.sem_alloc : memref<!tpu.dma_semaphore, #tpu.memory_space<semaphore_mem>>
      %dma_start3A_160 = arith.constant 0 : i32
      %dma_start3A_161 = tpu.memref_slice %arg6[%arg0, %add3A_146, %dma_start3A_160] : memref<2x10000x128xf32, #tpu.memory_space<hbm>> -> memref<1x128x128xf32, #tpu.memory_space<hbm>>
      %dma_start3A_162 = tpu.memref_squeeze %dma_start3A_161 : memref<1x128x128xf32, #tpu.memory_space<hbm>> -> memref<128x128xf32, #tpu.memory_space<hbm>>
      %dma_start3A_163 = arith.constant 0 : i32
      %dma_start3A_164 = tpu.memref_slice %arg12[%add3A_146, %dma_start3A_163] : memref<10000x128xf32, #tpu.memory_space<vmem_shared>> -> memref<128x128xf32, #tpu.memory_space<vmem_shared>>
      tpu.enqueue_dma source(%dma_start3A_164 : memref<128x128xf32, #tpu.memory_space<vmem_shared>>) target(%dma_start3A_162 : memref<128x128xf32, #tpu.memory_space<hbm>>) target_semaphore(%run_scoped3A : memref<!tpu.dma_semaphore, #tpu.memory_space<semaphore_mem>>)
      %dma_wait3A_165 = arith.constant 0 : i32
      %dma_wait3A_166 = tpu.memref_slice %arg6[%arg0, %add3A_146, %dma_wait3A_165] : memref<2x10000x128xf32, #tpu.memory_space<hbm>> -> memref<1x128x128xf32, #tpu.memory_space<hbm>>
      %dma_wait3A_167 = tpu.memref_squeeze %dma_wait3A_166 : memref<1x128x128xf32, #tpu.memory_space<hbm>> -> memref<128x128xf32, #tpu.memory_space<hbm>>
      %dma_wait3A_168 = arith.constant 0 : i32
      %dma_wait3A_169 = tpu.memref_slice %arg12[%add3A_146, %dma_wait3A_168] : memref<10000x128xf32, #tpu.memory_space<vmem_shared>> -> memref<128x128xf32, #tpu.memory_space<vmem_shared>>
      tpu.wait_dma2 semaphore(%run_scoped3A : memref<!tpu.dma_semaphore, #tpu.memory_space<semaphore_mem>>) src(%dma_wait3A_169 : memref<128x128xf32, #tpu.memory_space<vmem_shared>>) dst(%dma_wait3A_167 : memref<128x128xf32, #tpu.memory_space<hbm>>)
      tpu.yield
    }) : () -> ()
    %mul3A_147 = arith.constant 624 : i32
    %mul3A_148 = arith.muli %arg1, %mul3A_147 : i32
    %add3A_149 = arith.constant 384 : i32
    %add3A_150 = arith.addi %mul3A_148, %add3A_149 : i32
    "tpu.region"() ({
      %run_scoped3A = tpu.sem_alloc : memref<!tpu.dma_semaphore, #tpu.memory_space<semaphore_mem>>
      %dma_start3A_160 = arith.constant 0 : i32
      %dma_start3A_161 = tpu.memref_slice %arg6[%arg0, %add3A_150, %dma_start3A_160] : memref<2x10000x128xf32, #tpu.memory_space<hbm>> -> memref<1x128x128xf32, #tpu.memory_space<hbm>>
      %dma_start3A_162 = tpu.memref_squeeze %dma_start3A_161 : memref<1x128x128xf32, #tpu.memory_space<hbm>> -> memref<128x128xf32, #tpu.memory_space<hbm>>
      %dma_start3A_163 = arith.constant 0 : i32
      %dma_start3A_164 = tpu.memref_slice %arg12[%add3A_150, %dma_start3A_163] : memref<10000x128xf32, #tpu.memory_space<vmem_shared>> -> memref<128x128xf32, #tpu.memory_space<vmem_shared>>
      tpu.enqueue_dma source(%dma_start3A_164 : memref<128x128xf32, #tpu.memory_space<vmem_shared>>) target(%dma_start3A_162 : memref<128x128xf32, #tpu.memory_space<hbm>>) target_semaphore(%run_scoped3A : memref<!tpu.dma_semaphore, #tpu.memory_space<semaphore_mem>>)
      %dma_wait3A_165 = arith.constant 0 : i32
      %dma_wait3A_166 = tpu.memref_slice %arg6[%arg0, %add3A_150, %dma_wait3A_165] : memref<2x10000x128xf32, #tpu.memory_space<hbm>> -> memref<1x128x128xf32, #tpu.memory_space<hbm>>
      %dma_wait3A_167 = tpu.memref_squeeze %dma_wait3A_166 : memref<1x128x128xf32, #tpu.memory_space<hbm>> -> memref<128x128xf32, #tpu.memory_space<hbm>>
      %dma_wait3A_168 = arith.constant 0 : i32
      %dma_wait3A_169 = tpu.memref_slice %arg12[%add3A_150, %dma_wait3A_168] : memref<10000x128xf32, #tpu.memory_space<vmem_shared>> -> memref<128x128xf32, #tpu.memory_space<vmem_shared>>
      tpu.wait_dma2 semaphore(%run_scoped3A : memref<!tpu.dma_semaphore, #tpu.memory_space<semaphore_mem>>) src(%dma_wait3A_169 : memref<128x128xf32, #tpu.memory_space<vmem_shared>>) dst(%dma_wait3A_167 : memref<128x128xf32, #tpu.memory_space<hbm>>)
      tpu.yield
    }) : () -> ()
    %mul3A_151 = arith.constant 624 : i32
    %mul3A_152 = arith.muli %arg1, %mul3A_151 : i32
    %add3A_153 = arith.constant 512 : i32
    %add3A_154 = arith.addi %mul3A_152, %add3A_153 : i32
    "tpu.region"() ({
      %run_scoped3A = tpu.sem_alloc : memref<!tpu.dma_semaphore, #tpu.memory_space<semaphore_mem>>
      %dma_start3A_160 = arith.constant 0 : i32
      %dma_start3A_161 = tpu.memref_slice %arg6[%arg0, %add3A_154, %dma_start3A_160] : memref<2x10000x128xf32, #tpu.memory_space<hbm>> -> memref<1x112x128xf32, #tpu.memory_space<hbm>>
      %dma_start3A_162 = tpu.memref_squeeze %dma_start3A_161 : memref<1x112x128xf32, #tpu.memory_space<hbm>> -> memref<112x128xf32, #tpu.memory_space<hbm>>
      %dma_start3A_163 = arith.constant 0 : i32
      %dma_start3A_164 = tpu.memref_slice %arg12[%add3A_154, %dma_start3A_163] : memref<10000x128xf32, #tpu.memory_space<vmem_shared>> -> memref<112x128xf32, #tpu.memory_space<vmem_shared>>
      tpu.enqueue_dma source(%dma_start3A_164 : memref<112x128xf32, #tpu.memory_space<vmem_shared>>) target(%dma_start3A_162 : memref<112x128xf32, #tpu.memory_space<hbm>>) target_semaphore(%run_scoped3A : memref<!tpu.dma_semaphore, #tpu.memory_space<semaphore_mem>>)
      %dma_wait3A_165 = arith.constant 0 : i32
      %dma_wait3A_166 = tpu.memref_slice %arg6[%arg0, %add3A_154, %dma_wait3A_165] : memref<2x10000x128xf32, #tpu.memory_space<hbm>> -> memref<1x112x128xf32, #tpu.memory_space<hbm>>
      %dma_wait3A_167 = tpu.memref_squeeze %dma_wait3A_166 : memref<1x112x128xf32, #tpu.memory_space<hbm>> -> memref<112x128xf32, #tpu.memory_space<hbm>>
      %dma_wait3A_168 = arith.constant 0 : i32
      %dma_wait3A_169 = tpu.memref_slice %arg12[%add3A_154, %dma_wait3A_168] : memref<10000x128xf32, #tpu.memory_space<vmem_shared>> -> memref<112x128xf32, #tpu.memory_space<vmem_shared>>
      tpu.wait_dma2 semaphore(%run_scoped3A : memref<!tpu.dma_semaphore, #tpu.memory_space<semaphore_mem>>) src(%dma_wait3A_169 : memref<112x128xf32, #tpu.memory_space<vmem_shared>>) dst(%dma_wait3A_167 : memref<112x128xf32, #tpu.memory_space<hbm>>)
      tpu.yield
    }) : () -> ()
    %eq3A_155 = arith.constant 0 : i32
    %eq3A_156 = arith.cmpi eq, %arg1, %eq3A_155 : i32
    %convert_element_type3A_157 = arith.extui %eq3A_156 : i1 to i32
    %cond3A_158 = arith.constant 0 : i32
    %cond3A_159 = arith.cmpi ne, %convert_element_type3A_157, %cond3A_158 : i32
    scf.if %cond3A_159 {
      "tpu.region"() ({
        %run_scoped3A = tpu.sem_alloc : memref<!tpu.dma_semaphore, #tpu.memory_space<semaphore_mem>>
        %dma_start3A_160 = arith.constant 9984 : i32
        %dma_start3A_161 = arith.constant 0 : i32
        %dma_start3A_162 = tpu.memref_slice %arg6[%arg0, %dma_start3A_160, %dma_start3A_161] : memref<2x10000x128xf32, #tpu.memory_space<hbm>> -> memref<1x16x128xf32, #tpu.memory_space<hbm>>
        %dma_start3A_163 = tpu.memref_squeeze %dma_start3A_162 : memref<1x16x128xf32, #tpu.memory_space<hbm>> -> memref<16x128xf32, #tpu.memory_space<hbm>>
        %dma_start3A_164 = arith.constant 9984 : i32
        %dma_start3A_165 = arith.constant 0 : i32
        %dma_start3A_166 = tpu.memref_slice %arg12[%dma_start3A_164, %dma_start3A_165] : memref<10000x128xf32, #tpu.memory_space<vmem_shared>> -> memref<16x128xf32, #tpu.memory_space<vmem_shared>>
        tpu.enqueue_dma source(%dma_start3A_166 : memref<16x128xf32, #tpu.memory_space<vmem_shared>>) target(%dma_start3A_163 : memref<16x128xf32, #tpu.memory_space<hbm>>) target_semaphore(%run_scoped3A : memref<!tpu.dma_semaphore, #tpu.memory_space<semaphore_mem>>)
        %dma_wait3A_167 = arith.constant 9984 : i32
        %dma_wait3A_168 = arith.constant 0 : i32
        %dma_wait3A_169 = tpu.memref_slice %arg6[%arg0, %dma_wait3A_167, %dma_wait3A_168] : memref<2x10000x128xf32, #tpu.memory_space<hbm>> -> memref<1x16x128xf32, #tpu.memory_space<hbm>>
        %dma_wait3A_170 = tpu.memref_squeeze %dma_wait3A_169 : memref<1x16x128xf32, #tpu.memory_space<hbm>> -> memref<16x128xf32, #tpu.memory_space<hbm>>
        %dma_wait3A_171 = arith.constant 9984 : i32
        %dma_wait3A_172 = arith.constant 0 : i32
        %dma_wait3A_173 = tpu.memref_slice %arg12[%dma_wait3A_171, %dma_wait3A_172] : memref<10000x128xf32, #tpu.memory_space<vmem_shared>> -> memref<16x128xf32, #tpu.memory_space<vmem_shared>>
        tpu.wait_dma2 semaphore(%run_scoped3A : memref<!tpu.dma_semaphore, #tpu.memory_space<semaphore_mem>>) src(%dma_wait3A_173 : memref<16x128xf32, #tpu.memory_space<vmem_shared>>) dst(%dma_wait3A_170 : memref<16x128xf32, #tpu.memory_space<hbm>>)
        tpu.yield
      }) : () -> ()
    } else {
    }
    return
  }
}

module attributes {stable_mosaic.version = 14 : i64} {
  func.func @_mm_body(%arg0: i32, %arg1: i32, %arg2: memref<2000x128xf32, #tpu.memory_space<vmem>>, %arg3: memref<1x128x128xf32, #tpu.memory_space<vmem>>, %arg4: memref<1x2000x128xf32, #tpu.memory_space<vmem>>) attributes {dimension_semantics = [#tpu.dimension_semantics<arbitrary>, #tpu.dimension_semantics<arbitrary>], iteration_bounds = array<i64: 2, 5>, scalar_prefetch = 0 : i64, scratch_operands = 0 : i64, tpu.core_type = #tpu.core_type<tc>, window_params = [{transform_indices = @transform_0, window_bounds = array<i64: 2000, 128>}, {transform_indices = @transform_1, window_bounds = array<i64: 1, 128, 128>}, {transform_indices = @transform_2, window_bounds = array<i64: 1, 2000, 128>}]} {
    %get3A = arith.constant 0 : index
    %get3A_0 = arith.constant 0 : index
    %get3A_1 = vector.load %arg2[%get3A, %get3A_0] : memref<2000x128xf32, #tpu.memory_space<vmem>>, vector<2000x128xf32>
    %get3A_2 = arith.constant 0 : index
    %get3A_3 = arith.constant 0 : index
    %get3A_4 = arith.constant 0 : index
    %get3A_5 = vector.load %arg3[%get3A_2, %get3A_3, %get3A_4] : memref<1x128x128xf32, #tpu.memory_space<vmem>>, vector<1x128x128xf32>
    %get3A_6 = vector.shape_cast %get3A_5 : vector<1x128x128xf32> to vector<128x128xf32>
    %dot_general3A = arith.constant dense<0.000000e+00> : vector<2000x128xf32>
    %dot_general3A_7 = tpu.matmul %get3A_1, %get3A_6, %dot_general3A {dimension_numbers = #tpu.dot_dimension_numbers<[1], [0], [0], [1], [0, 0, 1, 1], [], []>, transpose_lhs_hint = false} : vector<2000x128xf32>, vector<128x128xf32>, vector<2000x128xf32> -> vector<2000x128xf32>
    %broadcast_in_dim3A = vector.shape_cast %dot_general3A_7 : vector<2000x128xf32> to vector<1x2000x128xf32>
    %swap3A = arith.constant 0 : index
    %swap3A_8 = arith.constant 0 : index
    %swap3A_9 = arith.constant 0 : index
    %swap3A_10 = vector.load %arg4[%swap3A, %swap3A_8, %swap3A_9] : memref<1x2000x128xf32, #tpu.memory_space<vmem>>, vector<1x2000x128xf32>
    tpu.vector_store %arg4[%swap3A, %swap3A_8, %swap3A_9], %broadcast_in_dim3A {strides = array<i32>} : memref<1x2000x128xf32, #tpu.memory_space<vmem>>, vector<1x2000x128xf32>,
    return
  }
  func.func @transform_0(%arg0: i32, %arg1: i32) -> (i32, i32) {
    %c0_i32 = arith.constant 0 : i32
    %c0_i32_0 = arith.constant 0 : i32
    return %arg1, %c0_i32 : i32, i32
  }
  func.func @transform_1(%arg0: i32, %arg1: i32) -> (i32, i32, i32) {
    %c0_i32 = arith.constant 0 : i32
    %c0_i32_0 = arith.constant 0 : i32
    %c0_i32_1 = arith.constant 0 : i32
    return %arg0, %c0_i32, %c0_i32_0 : i32, i32, i32
  }
  func.func @transform_2(%arg0: i32, %arg1: i32) -> (i32, i32, i32) {
    %c0_i32 = arith.constant 0 : i32
    %c0_i32_0 = arith.constant 0 : i32
    return %arg0, %arg1, %c0_i32 : i32, i32, i32
  }
}

module attributes {stable_mosaic.version = 14 : i64} {
  func.func @_add_body(%arg0: i32, %arg1: memref<2x2000x128xf32, #tpu.memory_space<vmem>>, %arg2: memref<2000x128xf32, #tpu.memory_space<vmem>>) attributes {dimension_semantics = [#tpu.dimension_semantics<arbitrary>], iteration_bounds = array<i64: 5>, scalar_prefetch = 0 : i64, scratch_operands = 0 : i64, tpu.core_type = #tpu.core_type<tc>, window_params = [{transform_indices = @transform_0, window_bounds = array<i64: 2, 2000, 128>}, {transform_indices = @transform_1, window_bounds = array<i64: 2000, 128>}]} {
    %get3A = arith.constant 0 : index
    %get3A_0 = arith.constant 0 : index
    %get3A_1 = arith.constant 0 : index
    %get3A_2 = vector.load %arg1[%get3A, %get3A_0, %get3A_1] : memref<2x2000x128xf32, #tpu.memory_space<vmem>>, vector<1x2000x128xf32>
    %get3A_3 = vector.shape_cast %get3A_2 : vector<1x2000x128xf32> to vector<2000x128xf32>
    %get3A_4 = arith.constant 1 : index
    %get3A_5 = arith.constant 0 : index
    %get3A_6 = arith.constant 0 : index
    %get3A_7 = vector.load %arg1[%get3A_4, %get3A_5, %get3A_6] : memref<2x2000x128xf32, #tpu.memory_space<vmem>>, vector<1x2000x128xf32>
    %get3A_8 = vector.shape_cast %get3A_7 : vector<1x2000x128xf32> to vector<2000x128xf32>
    %add3A = arith.addf %get3A_3, %get3A_8 : vector<2000x128xf32>
    %swap3A = arith.constant 0 : index
    %swap3A_9 = arith.constant 0 : index
    %swap3A_10 = vector.load %arg2[%swap3A, %swap3A_9] : memref<2000x128xf32, #tpu.memory_space<vmem>>, vector<2000x128xf32>
    tpu.vector_store %arg2[%swap3A, %swap3A_9], %add3A {strides = array<i32>} : memref<2000x128xf32, #tpu.memory_space<vmem>>, vector<2000x128xf32>,
    return
  }
  func.func @transform_0(%arg0: i32) -> (i32, i32, i32) {
    %c0_i32 = arith.constant 0 : i32
    %c0_i32_0 = arith.constant 0 : i32
    %c0_i32_1 = arith.constant 0 : i32
    return %c0_i32, %arg0, %c0_i32_0 : i32, i32, i32
  }
  func.func @transform_1(%arg0: i32) -> (i32, i32) {
    %c0_i32 = arith.constant 0 : i32
    %c0_i32_0 = arith.constant 0 : i32
    return %arg0, %c0_i32 : i32, i32
  }
}

</mosaic_0001>

<sc_bundles>
// kernel: kernel.5.cloned.1.call-start
scs
__scs_entry_jumppad:
0x0: {  	(pc) =	sbr.rel $0x88, $3  }
0x1: {  	(tag) =	ssettag $0x0;
	lr =	simm.s32 $0x1  }
0x2: {  	[smem:$0x3F9B] =	sst lr;
	_ =	strace $0xD0000000  }
0x3: {  	_ = 	snop  }
0x4: {  	_ = 	snop  }
0x5: {  	_ = 	snop  }
0x6: {  	_ = 	snop  }
0x7: {  	_ = 	snop  }
__scs_overlays_trampoline_lowered:
0x8: {  	[smem:$0x3FAA] =	sst s0  }
0x9: {  	[smem:$0x3FAB] =	sst s1  }
0xa: {  	[smem:$0x3FAC] =	sst s2  }
0xb: {  	[smem:$0x3FAD] =	sst s3  }
0xc: {  	[smem:$0x3FAE] =	sst s4  }
0xd: {  	[smem:$0x3FAF] =	sst s5  }
0xe: {  	[smem:$0x3FB0] =	sst s6  }
0xf: {  	[smem:$0x3FB1] =	sst s7  }
0x10: {  	[smem:$0x3FB2] =	sst s8  }
0x11: {  	[smem:$0x3FB3] =	sst s9;
	s0 =	simm.s32 @!p0 $0x0  }
0x12: {  	s1 =	sld [smem:$0x3F99];
	s0 =	simm.s32 @p0 $0x1  }
0x13: {  	[smem:$0x3FB4] =	sst s0;
	s0 =	simm.s32 @!p1 $0x0  }
0x14: {  	s2 =	sld [smem:$0x3F98];
	s0 =	simm.s32 @p1 $0x1  }
0x15: {  	[smem:$0x3FB5] =	sst s0;
	s0 =	simm.s32 @!p2 $0x0  }
0x16: {  	s3 =	sld [smem:$0x3FDB];
	s0 =	simm.s32 @p2 $0x1  }
0x17: {  	s4 =	simm.s32 $0x1BF5;
	[smem:$0x3FB7] =	sst s0  }
0x18: {  	s0 =	sld [smem:$0x3F9A];
	_ =	swait.ge [sflag:s4], $0x0  }
0x19: {  	s7 =	sld [smem:$0x3F9B]  }
0x1a: {  	s8 =	sadd.s32 $0xFFFFE003, lr  }
0x1b: {  	s9 =	sadd.s32 $0xFFFFFEF7, lr;
	s5 =	simm.s32 $0xFFFFFFFF;
	p2 =	slt.u32 s8, $0xFFFFF086  }
0x1c: {  	p1 =	slt.u32 s9, $0xF7A;
	s5 =	simm.s32 @!p2 $0x0  }
0x1d: {  	s5 =	simm.s32 @p1 $0x1;
	p0 =	seq.s32 s7, s2  }
0x1e: {  	s7 =	smul.u32 @!p0 $0xF7A, s2;
	p2 =	seq.s32 @!p0 s5, $0x0  }
0x1f: {  	s9 =	smul.u32 $0xF7A, s1;
	s8 =	simm.s32 @!p0 $0x1BF5;
	p2 =	por !p2, p0  }
0x20: {  	[sflag:s8] =	ssyncset.s32 @!p0 $0xFFFFF086;
	s6 =	sadd.s32 @!p0 s3, s7;
	s7 =	simm.s32 @!p0 $0x108  }
0x21: {  	s3 =	sadd.s32 s3, s9;
	s6 =	sadd.s32 @!p0 $0x88, s6;
	s7 =	simm.s32 @p2 $0x1082  }
0x22: {  	[simem:s7], [sflag:s8] =	dma.local @!p0 [hbm:s6], $0xF7A  }
0x23: {  	s9 =	sor.u32 $0xD0000000, s2;
	s6 =	simm.s32 $0x108;
	_ =	swait.ge @!p0 [sflag:s8], $0x0  }
0x24: {  	s3 =	sadd.s32 $0x88, s3;
	s6 =	simm.s32 @!p1 $0x1082;
	[sflag:s4] =	ssyncset.s32 $0xFFFFF086  }
0x25: {  	[simem:s6], [sflag:s4] =	dma.local [hbm:s3], $0xF7A  }
0x26: {  	[smem:$0x3F9B] =	sst s1;
	(tag) =	ssettag s2;
	_ =	strace s9  }
0x27: {  	s1 =	sld [smem:$0x3FAB]  }
0x28: {  	s2 =	sld [smem:$0x3FAC]  }
0x29: {  	s4 =	sld [smem:$0x3FAE]  }
0x2a: {  	p0 =	seq.s32 s5, $0x0;
	s5 =	sld [smem:$0x3FAF]  }
0x2b: {  	s6 =	sld [smem:$0x3FB0]  }
0x2c: {  	s7 =	sld [smem:$0x3FB1]  }
0x2d: {  	s3 =	simm.s32 $0x108;
	s8 =	sld [smem:$0x3FB2]  }
0x2e: {  	s3 =	simm.s32 @!p0 $0x1082;
	s9 =	sld [smem:$0x3FB3]  }
0x2f: {  	lr =	sadd.s32 s0, s3;
	s0 =	sld [smem:$0x3FAA]  }
0x30: {  	s3 =	sld [smem:$0x3FAD]  }
0x31: {  	[smem:$0x3FB6] =	sst s10  }
0x32: {  	s10 =	sld [smem:$0x3FB4];
	_ =	sdelay $0x3  }
0x33: {  	p0 =	seq.s32 s10, $0x1;
	s10 =	sld [smem:$0x3FB6];
	_ =	sdelay $0x3  }
0x34: {  	[smem:$0x3FB6] =	sst s10  }
0x35: {  	s10 =	sld [smem:$0x3FB5];
	_ =	sdelay $0x3  }
0x36: {  	p1 =	seq.s32 s10, $0x1;
	s10 =	sld [smem:$0x3FB6];
	_ =	sdelay $0x3  }
0x37: {  	[smem:$0x3FB6] =	sst s10  }
0x38: {  	s10 =	sld [smem:$0x3FB7]  }
0x39: {  	_ = 	snop;
	(pc) =	sbr.ind lr, $3  }
0x3a: {  	_ = 	snop  }
0x3b: {  	_ = 	snop  }
0x3c: {  	p2 =	seq.s32 s10, $0x1;
	s10 =	sld [smem:$0x3FB6]  }
0x3d: {  	_ =	shalt  }
0x3e: {  	_ =	shalt  }
0x3f: {  	_ =	shalt  }
0x40: {  	_ =	shalt  }
0x41: {  	_ =	shalt  }
0x42: {  	_ =	shalt  }
0x43: {  	_ =	shalt  }
0x44: {  	_ =	shalt  }
0x45: {  	_ =	shalt  }
0x46: {  	_ =	shalt  }
0x47: {  	_ =	shalt  }
0x48: {  	_ =	shalt  }
0x49: {  	_ =	shalt  }
0x4a: {  	_ =	shalt  }
0x4b: {  	_ =	shalt  }
0x4c: {  	_ =	shalt  }
0x4d: {  	_ =	shalt  }
0x4e: {  	_ =	shalt  }
0x4f: {  	_ =	shalt  }
0x50: {  	_ =	shalt  }
0x51: {  	_ =	shalt  }
0x52: {  	_ =	shalt  }
0x53: {  	_ =	shalt  }
0x54: {  	_ =	shalt  }
0x55: {  	_ =	shalt  }
0x56: {  	_ =	shalt  }
0x57: {  	_ =	shalt  }
0x58: {  	_ =	shalt  }
0x59: {  	_ =	shalt  }
0x5a: {  	_ =	shalt  }
0x5b: {  	_ =	shalt  }
0x5c: {  	_ =	shalt  }
0x5d: {  	_ =	shalt  }
0x5e: {  	_ =	shalt  }
0x5f: {  	_ =	shalt  }
0x60: {  	_ =	shalt  }
0x61: {  	_ =	shalt  }
0x62: {  	_ =	shalt  }
0x63: {  	_ =	shalt  }
0x64: {  	_ =	shalt  }
0x65: {  	_ =	shalt  }
0x66: {  	_ =	shalt  }
0x67: {  	_ =	shalt  }
0x68: {  	_ =	shalt  }
0x69: {  	_ =	shalt  }
0x6a: {  	_ =	shalt  }
0x6b: {  	_ =	shalt  }
0x6c: {  	_ =	shalt  }
0x6d: {  	_ =	shalt  }
0x6e: {  	_ =	shalt  }
0x6f: {  	_ =	shalt  }
0x70: {  	_ =	shalt  }
0x71: {  	_ =	shalt  }
0x72: {  	_ =	shalt  }
0x73: {  	_ =	shalt  }
0x74: {  	_ =	shalt  }
0x75: {  	_ =	shalt  }
0x76: {  	_ =	shalt  }
0x77: {  	_ =	shalt  }
0x78: {  	_ =	shalt  }
0x79: {  	_ =	shalt  }
0x7a: {  	_ =	shalt  }
0x7b: {  	_ =	shalt  }
0x7c: {  	_ =	shalt  }
0x7d: {  	_ =	shalt  }
0x7e: {  	_ =	shalt  }
0x7f: {  	_ =	shalt  }
0x80: {  	_ =	shalt  }
0x81: {  	_ =	shalt  }
0x82: {  	_ =	shalt  }
0x83: {  	_ =	shalt  }
0x84: {  	_ =	shalt  }
0x85: {  	_ =	shalt  }
0x86: {  	_ =	shalt  }
0x87: {  	_ =	shalt  }
.Lfunc_end0:
.L_simem_size_0:
called_computation_lowered:
.L_overlay_start_0:
0x88: {  	s2 =	sld [smem:$0x3FD9]  }
0x89: {  	s3 =	sld [smem:$0x3FFE];
	_ =	sdelay $0x1  }
0x8a: {  	s1 =	srdreg.scid  }
0x8b: {  	s0 =	sand.u32 $0x1, s1  }
0x8c: {  	s17 =	sshll.u32 s0, $0xA;
	s2 =	sadd.s32 s3, s2  }
0x8d: {  	s2 =	sadd.s32 s2, s17  }
0x8e: {  	[smem:$0x3FC2] =	sst s2  }
0x8f: {  	_ = 	snop  }
0x90: {  	s2 =	sld [smem:$0x3FD0];
	(tm) =	ssettm $0x1  }
0x91: {  	s18 =	sld [smem:$0x3FFB];
	_ =	sdelay $0x3  }
0x92: {  	_ =	strace s18  }
0x93: {  	s3 =	sld [smem:$0x3FFC];
	_ =	sdelay $0x3  }
0x94: {  	_ =	strace s3  }
0x95: {  	s3 =	sld [smem:$0x3FFD];
	_ =	sdelay $0x3  }
0x96: {  	_ =	strace s3  }
0x97: {  	_ =	strace $0x8FFFFFFF  }
0x98: {  	s19 =	sld [smem:$0x3FDB];
	_ =	sdelay $0x1  }
0x99: {  	s4 =	simm.s32 $_scs_section_size  }
0x9a: {  	s5 =	simm.s32 $_size__tile_overlayer_lowered;
	s6 =	simm.s32 $_tile_overlayer_lowered  }
0x9b: {  	s22 =	simm.s32 $0x1BFF;
	s21 =	sshll.u32 s6, $0x1;
	s3 =	sadd.s32 s4, s19  }
0x9c: {  	s7 =	simm.s32 $0x0;
	s20 =	sshll.u32 s5, $0x1;
	s5 =	sadd.s32 s21, s3  }
0x9d: {  	[timem:s7], [sflag:s22] =	dma.local [hbm:s5], s20  }
0x9e: {  	_ =	swait.ge [sflag:s22], s20  }
0x9f: {  	s4 =	ssub.s32 $0x0, s20;
	[sflag:s22] =	ssyncset.done $0x0  }
0xa0: {  	[sflag:s22] =	ssyncadd.s32 s4;
	_ =	sdelay $0x1  }
0xa1: {  	s23 =	simm.s32 $0x1B8B  }
0xa2: {  	_ =	swait.ge [sflag:s23], $0x1  }
0xa3: {  	[sflag:s23] =	ssyncset.done $0x0  }
0xa4: {  	s25 =	simm.s32 $0x1B8E;
	s24 =	sld [smem:$0x3FFE];
	[sflag:s23] =	ssyncadd.s32 $0xFFFFFFFF  }
0xa5: {  	s26 =	simm.s32 $execute0_lowered;
	[smem:$0x3FD2] =	sst s25  }
0xa6: {  	s5 =	sshll.u32 s26, $0x1;
	_ =	strace $0x80000046;
	[dreg:$0x1] =	wrdreg $0xFFFFFFFF  }
0xa7: {  	s28 =	simm.s32 $_size_execute0_lowered;
	s3 =	sadd.s32 s3, s5;
	[dreg:$0x0] =	wrdreg $0x0  }
0xa8: {  	s5 =	sshll.u32 s28, $0x1;
	[dreg:$0x2] =	wrdreg s3  }
0xa9: {  	[dreg:$0x3] =	wrdreg s5  }
0xaa: {  	[dreg:$0x4] =	wrdreg $0xC0  }
0xab: {  	_ =	task [dreg:s7], $0x5FFFF  }
0xac: {  	[dreg:$0x1] =	wrdreg $0xFFFFFFFF  }
0xad: {  	[dreg:$0x0] =	wrdreg $0x60  }
0xae: {  	[dreg:$0x2] =	wrdreg s24  }
0xaf: {  	[dreg:$0x3] =	wrdreg s2  }
0xb0: {  	[dreg:$0x4] =	wrdreg $0x98000  }
0xb1: {  	[dreg:$0x5] =	wrdreg $0x9  }
0xb2: {  	_ =	task.clear_ibuf [dreg:s7], $0x6FFFF;
	_ =	strace $0x90000046  }
0xb3: {  	s29 =	simm.s32 $0x9;
	_ =	strace $0x80000048  }
0xb4: {  	_ =	swait.ge [sflag:s29], $0x1  }
0xb5: {  	[sflag:s29] =	ssyncadd.s32 $0xFFFFFFFF  }
0xb6: {  	_ =	strace $0x90000048  }
0xb7: {  	_ =	sfence  }
0xb8: {  	s30 =	sld [smem:$0x0];
	_ =	sdelay $0x2  }
0xb9: {  	s31 =	sshll.u32 s1, $0xD;
	s1 =	sshrl.u32 s1, $0x2  }
0xba: {  	s3 =	sand.u32 $0x4000, s31;
	s1 =	sadd.s32 s1, s30  }
0xbb: {  	s0 =	sor.u32 s3, s0;
	s1 =	sshll.u32 s1, $0x11  }
0xbc: {  	s0 =	sor.u32 s1, s0  }
0xbd: {  	s0 =	sadd.s32 $0x8F2B, s0  }
0xbe: {  	[sflag:s0] =	ssyncadd.remote.s32 $0x1  }
0xbf: {  	_ =	sfence.sel $0xFFFF  }
0xc0: {  	[dreg:$0x0] =	wrdreg $0xFFFFFFFF;
	(pc) =	sbr.abs _section_cstart, $3  }
0xc1: {  	[dreg:$0x1] =	wrdreg $0xFFFFFFFF  }
0xc2: {  	_ =	task.clear_ibuf [dreg:s7], $0x2FFFF;
	_ =	strace $0x9FFFFFFF  }
0xc3: {  	(tm) =	ssettm $0x7FFFFFFF  }
tec
execute0_lowered:
.L_overlay_start_1:
0x0: {  	(tag) =	ssettag $0x1  }
0x1: {  	s1 =	rddreg [dreg:$0x0]  }
0x2: {  	s2 =	rddreg [dreg:$0x1]  }
0x3: {  	s3 =	rddreg [dreg:$0x2];
	s4 =	simm.s32 $0x0  }
0x4: {  	s0 =	srdreg.scid;
	s18 =	stileid.u32;
	s30 =	simm.s32 $0x5  }
0x5: {  	s31 =	simm.s32 $0x40;
	s28 =	simm.s32 $0x1;
	s29 =	simm.s32 $0x2  }
0x6: {  	[smem:$0x7FF] =	sst s4;
	s0 =	sand.u32 $0x1, s0;
	s8 =	smul.u32 $0x4E000, s18  }
0x7: {  	s6 =	sadd.s32 $0x62200, s1;
	s10 =	smul.u32 $0x13800, s18;
	s7 =	sadd.s32 $0x4E200, s1  }
0x8: {  	s11 =	sadd.s32 $0x76200, s1;
	p0 =	sne.s32 s18, $0x0;
	_ =	strace $0x80000047  }
0x9: {  	s5 =	ssub.s32 $0x2, s0;
	s24 =	sshll.u32 s0, $0x4;
	s0 =	smul.u32 $0x138800, s0  }
0xa: {  	s9 =	sshrl.u32 s5, $0x1;
	s8 =	sshrl.u32 s8, $0x2;
	s12 =	sadd.s32 $0x4000, s10  }
0xb: {  	s14 =	sadd.s32 $0xC000, s10;
	s15 =	sadd.s32 $0x10000, s10;
	s5 =	ssub.s32 s5, s9  }
0xc: {  	s9 =	sor.u32 s18, s24;
	s19 =	sadd.s32 s8, s3;
	s20 =	sadd.s32 s12, s3  }
0xd: {  	s8 =	sadd.s32 $0x8000, s10;
	s22 =	sadd.s32 s14, s3;
	s23 =	sadd.s32 s15, s3  }
0xe: {  	s24 =	sadd.s32 $0x138000, s3;
	s10 =	sadd.s32 s10, s0;
	[dreg:$0x4] =	wrdreg s20  }
0xf: {  	s12 =	sadd.s32 s0, s12;
	s14 =	sadd.s32 s0, s14;
	[dreg:$0x6] =	wrdreg s22  }
0x10: {  	s18 =	simm.s32 $0x4;
	s9 =	smul.u32 $0x5000, s9;
	[dreg:$0x7] =	wrdreg s23  }
0x11: {  	s21 =	sadd.s32 s8, s3;
	s8 =	sadd.s32 s0, s8;
	[dreg:$0x8] =	wrdreg s24  }
0x12: {  	s8 =	sshrl.u32 s8, $0x3;
	[dreg:$0x5] =	wrdreg s21;
	s16 =	sshrl.u32 s9, $0x3  }
0x13: {  	s17 =	sor.u32 $0x400, s9;
	s9 =	sshrl.u32 s10, $0x3;
	s8 =	sadd.s32 s11, s8  }
0x14: {  	s13 =	sadd.s32 s6, s16;
	s25 =	sadd.s32 s2, s16;
	[dreg:$0xe] =	wrdreg s8  }
0x15: {  	s26 =	sadd.s32 s7, s16;
	s9 =	sadd.s32 s11, s9;
	[dreg:$0x9] =	wrdreg s13  }
0x16: {  	s8 =	sshrl.u32 s14, $0x3;
	s16 =	sadd.s32 s0, s15;
	[dreg:$0xa] =	wrdreg s25  }
0x17: {  	s0 =	sshrl.u32 s0, $0x3;
	s14 =	simm.s32 $0x7800;
	[dreg:$0xb] =	wrdreg s26  }
0x18: {  	s15 =	simm.s32 $0x80;
	[dreg:$0xc] =	wrdreg s9;
	s13 =	sshrl.u32 s12, $0x3  }
0x19: {  	v0 =	vimm.f32 $0.0e+00;
	v1 =	vimm.s32 $0x0;
	s8 =	sadd.s32 s11, s8;
	s25 =	sshrl.u32 s16, $0x3;
	s0 =	sadd.s32 s11, s0  }
.Ltmp0:
0x1a: {  	v2 =	vimm.s32 $0x1;
	v3 =	vimm.s32 $0x2;
	v4 =	vimm.s32 $0x3;
	s26 =	smax.u32 s5, $0x1;
	[dreg:$0xf] =	wrdreg s8;
	(pc) =	sbr.rel .LBB2_1-.Ltmp0, $4  }
0x1b: {  	v5 =	vimm.s32 $0x4;
	v6 =	vimm.s32 $0x5;
	v7 =	vimm.s32 $0x6;
	s5 =	simm.s32 $0x5800;
	s9 =	sadd.s32 s11, s13;
	[dreg:$0x12] =	wrdreg s26  }
0x1c: {  	v8 =	vimm.s32 $0x7;
	v9 =	vimm.s32 $0x8;
	v10 =	vimm.s32 $0x9;
	s16 =	simm.s32 $0x3;
	s8 =	sadd.s32 s11, s25;
	[dreg:$0xd] =	wrdreg s9  }
0x1d: {  	v11 =	vimm.s32 $0xA;
	v12 =	vimm.s32 $0xB;
	v13 =	vimm.s32 $0xC;
	s0 =	sadd.s32 $0x27000, s0;
	s25 =	simm.s32 $0x1800;
	[dreg:$0x10] =	wrdreg s8  }
0x1e: {  	v14 =	vimm.s32 $0xD;
	v15 =	vimm.s32 $0xE;
	v16 =	vimm.s32 $0xF;
	s26 =	simm.s32 $0x6;
	[dreg:$0x11] =	wrdreg s0;
	s0 =	simm.s32 $0x3800  }
.LBB2_12:
0x1f: {  	s8 =	stileid.u32  }
0x20: {  	[bflag:$0x0] =	sbarrier.arrive $0xFFFF;
	s8 =	sshll.u32 s8, $0x6  }
0x21: {  	s9 =	sshrl.u32 s13, $0x3;
	s10 =	rddreg [dreg:$0xc];
	s8 =	sor.u32 $0x1C06, s8  }
0x22: {  	[hbm:s10], [sflag:s8] =	dma.local [spmem:s9], $0x800  }
0x23: {  	_ =	swait.ge [sflag:s26], $0x800  }
0x24: {  	[sflag:s26] =	ssyncset.done $0x0;
	s20 =	rddreg [dreg:$0x4]  }
0x25: {  	s12 =	rddreg [dreg:$0xd];
	[sflag:s26] =	ssyncadd.s32 $0xFFFFF800;
	s11 =	sshrl.u32 s20, $0x3  }
0x26: {  	[hbm:s12], [sflag:s8] =	dma.local [spmem:s11], $0x800  }
0x27: {  	_ =	swait.ge [sflag:s26], $0x800  }
0x28: {  	s19 =	smov.u32 s13;
	[sflag:s26] =	ssyncset.done $0x0;
	s21 =	rddreg [dreg:$0x5]  }
0x29: {  	s22 =	rddreg [dreg:$0xe];
	[sflag:s26] =	ssyncadd.s32 $0xFFFFF800;
	s13 =	sshrl.u32 s21, $0x3  }
0x2a: {  	[hbm:s22], [sflag:s8] =	dma.local [spmem:s13], $0x800  }
0x2b: {  	_ =	swait.ge [sflag:s26], $0x800  }
0x2c: {  	[sflag:s26] =	ssyncset.done $0x0;
	s22 =	rddreg [dreg:$0x6]  }
0x2d: {  	s24 =	rddreg [dreg:$0xf];
	[sflag:s26] =	ssyncadd.s32 $0xFFFFF800;
	s23 =	sshrl.u32 s22, $0x3  }
0x2e: {  	[hbm:s24], [sflag:s8] =	dma.local [spmem:s23], $0x800  }
0x2f: {  	_ =	swait.ge [sflag:s26], $0x800  }
0x30: {  	[sflag:s26] =	ssyncset.done $0x0;
	s23 =	rddreg [dreg:$0x7]  }
0x31: {  	s12 =	rddreg [dreg:$0x10];
	[sflag:s26] =	ssyncadd.s32 $0xFFFFF800;
	s11 =	sshrl.u32 s23, $0x3  }
0x32: {  	[hbm:s12], [sflag:s8] =	dma.local [spmem:s11], $0x700  }
0x33: {  	_ =	swait.ge [sflag:s26], $0x700  }
0x34: {  	[sflag:s26] =	ssyncset.done $0x0;
	s24 =	rddreg [dreg:$0x8]  }
0x35: {  	s10 =	rddreg [dreg:$0x11];
	[sflag:s26] =	ssyncadd.s32 $0xFFFFF900;
	s9 =	sshrl.u32 @!p0 s24, $0x3  }
0x36: {  	[hbm:s10], [sflag:s8] =	dma.local @!p0 [spmem:s9], $0x100  }
0x37: {  	s8 =	simm.s32 @!p0 $0x6  }
0x38: {  	_ =	swait.ge @!p0 [sflag:s8], $0x100  }
0x39: {  	s4 =	sadd.s32 $0x1, s4;
	s13 =	rddreg [dreg:$0x12]  }
0x3a: {  	p1 =	sne.s32 s4, s13  }
.Ltmp1:
0x3b: {  	_ = 	snop;
	(pc) =	sbr.rel @!p1 .LBB2_13-.Ltmp1, $3  }
0x3c: {  	_ =	sdelay $0x1  }
0x3d: {  	[sflag:s8] =	ssyncset.done @!p0 $0x0  }
0x3e: {  	[sflag:s8] =	ssyncadd.s32 @!p0 $0xFFFFFF00  }
.LBB2_1:
0x3f: {  	s8 =	simm.s32 $0x0;
	s9 =	simm.s32 $0x200  }
.LBB2_2:
0x40: {  	p1 =	sne.s32 s9, $0xFE00;
	[tilespmem:s8+$0x1870] =	vst v0  }
0x41: {  	[tilespmem:s8+$0x1800] =	vst v0  }
0x42: {  	[tilespmem:s8+$0x1810] =	vst v0  }
.Ltmp2:
0x43: {  	[tilespmem:s8+$0x1820] =	vst v0;
	(pc) =	sbr.rel @p1 .LBB2_2-.Ltmp2, $4  }
0x44: {  	[tilespmem:s8+$0x1830] =	vst v0  }
0x45: {  	[tilespmem:s8+$0x1840] =	vst v0  }
0x46: {  	[tilespmem:s8+$0x1850] =	vst v0  }
0x47: {  	[tilespmem:s8+$0x1860] =	vst v0;
	s8 =	sshra.s32 s9, $0x2;
	s9 =	sadd.s32 $0x200, s9  }
0x48: {  	[tilespmem:s8+$0x1870] =	vst v0  }
0x49: {  	[tilespmem:s8+$0x1800] =	vst v0  }
0x4a: {  	[tilespmem:s8+$0x1810] =	vst v0  }
0x4b: {  	[tilespmem:s8+$0x1820] =	vst v0  }
0x4c: {  	[tilespmem:s8+$0x1830] =	vst v0  }
0x4d: {  	[tilespmem:s8+$0x1840] =	vst v0  }
0x4e: {  	[tilespmem:s8+$0x1850] =	vst v0  }
0x4f: {  	[tilespmem:s8+$0x1860] =	vst v0  }
0x50: {  	[spmem:s19] =	stream.linear.scatter [tilespmem:s25], [sflag:$0x6], $0x4000, $0x38;
	[tilespmem:$0x1D080] =	vst v63  }
0x51: {  	_ =	swait.ge [sflag:s26], $0x4000  }
0x52: {  	[sflag:s26] =	ssyncset.done $0x0  }
0x53: {  	[sflag:s26] =	ssyncadd.s32 $0xFFFFC000  }
0x54: {  	[spmem:s20] =	stream.linear.scatter [tilespmem:s25], [sflag:$0x6], $0x4000, $0x38;
	[tilespmem:$0x1D080] =	vst v63  }
0x55: {  	_ =	swait.ge [sflag:s26], $0x4000  }
0x56: {  	[sflag:s26] =	ssyncset.done $0x0  }
0x57: {  	[sflag:s26] =	ssyncadd.s32 $0xFFFFC000  }
0x58: {  	[spmem:s21] =	stream.linear.scatter [tilespmem:s25], [sflag:$0x6], $0x4000, $0x38;
	[tilespmem:$0x1D080] =	vst v63  }
0x59: {  	_ =	swait.ge [sflag:s26], $0x4000  }
0x5a: {  	[sflag:s26] =	ssyncset.done $0x0  }
0x5b: {  	[sflag:s26] =	ssyncadd.s32 $0xFFFFC000  }
0x5c: {  	[spmem:s22] =	stream.linear.scatter [tilespmem:s25], [sflag:$0x6], $0x4000, $0x38;
	[tilespmem:$0x1D080] =	vst v63  }
0x5d: {  	_ =	swait.ge [sflag:s26], $0x4000  }
0x5e: {  	[sflag:s26] =	ssyncset.done $0x0  }
0x5f: {  	[sflag:s26] =	ssyncadd.s32 $0xFFFFC000  }
0x60: {  	[spmem:s23] =	stream.linear.scatter [tilespmem:s25], [sflag:$0x6], $0x3800, $0x38;
	[tilespmem:$0x1D080] =	vst v63  }
0x61: {  	_ =	swait.ge [sflag:s26], $0x3800  }
0x62: {  	[sflag:s26] =	ssyncset.done $0x0  }
0x63: {  	s8 =	simm.s32 @!p0 $0x1800;
	[sflag:s26] =	ssyncadd.s32 $0xFFFFC800  }
0x64: {  	[spmem:s24] =	stream.linear.scatter @!p0 [tilespmem:s8], [sflag:$0x6], $0x800, $0x38;
	[tilespmem:$0x1D080] =	vst v63  }
0x65: {  	s8 =	simm.s32 @!p0 $0x6  }
0x66: {  	_ =	swait.ge @!p0 [sflag:s8], $0x800  }
0x67: {  	[sflag:s8] =	ssyncset.done @!p0 $0x0  }
0x68: {  	[sflag:s8] =	ssyncadd.s32 @!p0 $0xFFFFF800  }
0x69: {  	[bflag:$0x0] =	sbarrier.arrive $0xFFFF  }
0x6a: {  	s13 =	smov.u32 s19;
	s19 =	simm.s32 $0x0;
	s21 =	rddreg [dreg:$0x9]  }
0x6b: {  	[tilespmem:s19], [sflag:$0x5] =	stream.linear.gather [hbm4b:s21+s19], $0x400, $0x38;
	[tilespmem:$0x1D080] =	vst v63  }
0x6c: {  	s9 =	simm.s32 $0x800;
	s22 =	rddreg [dreg:$0xa]  }
0x6d: {  	[tilespmem:s9], [sflag:$0x5] =	stream.linear.gather [hbm4b:s22+s19], $0x400, $0x38;
	[tilespmem:$0x1D080] =	vst v63  }
0x6e: {  	s24 =	simm.s32 $0x1000;
	s23 =	rddreg [dreg:$0xb]  }
0x6f: {  	[tilespmem:s24], [sflag:$0x5] =	stream.linear.gather [hbm4b:s23+s19], $0x400, $0x38;
	[tilespmem:$0x1D080] =	vst v63  }
0x70: {  	_ =	swait.ge [sflag:s30], $0x400  }
0x71: {  	[sflag:s30] =	ssyncset.done $0x0  }
0x72: {  	[sflag:s30] =	ssyncadd.s32 $0xFFFFFC00  }
0x73: {  	_ =	swait.ge [sflag:s30], $0x400  }
0x74: {  	[sflag:s30] =	ssyncset.done $0x0  }
0x75: {  	[sflag:s30] =	ssyncadd.s32 $0xFFFFFC00  }
0x76: {  	_ =	swait.ge [sflag:s30], $0x400  }
0x77: {  	[sflag:s30] =	ssyncset.done $0x0  }
0x78: {  	[sflag:s30] =	ssyncadd.s32 $0xFFFFFC00  }
.LBB2_4:
0x79: {  	p1 =	seq.s32 s19, $0x13  }
0x7a: {  	s8 =	sshll.u32 @!p1 s19, $0xA  }
0x7b: {  	s9 =	sadd.s32 @!p1 s8, s17  }
0x7c: {  	s20 =	sand.u32 @!p1 $0x400, s8;
	s8 =	sshrl.u32 @!p1 s9, $0x3  }
0x7d: {  	s11 =	simm.s32 @!p1 $0x0;
	s9 =	sxor.u32 @!p1 $0x400, s20;
	s10 =	sadd.s32 @!p1 s6, s8  }
0x7e: {  	[tilespmem:s9], [sflag:$0x5] =	stream.linear.gather @!p1 [hbm4b:s10+s11], $0x400, $0x38;
	[tilespmem:$0x1D080] =	vst v63  }
0x7f: {  	s12 =	sadd.s32 @!p1 s2, s8;
	s10 =	sor.u32 @!p1 $0x800, s9  }
0x80: {  	[tilespmem:s10], [sflag:$0x5] =	stream.linear.gather @!p1 [hbm4b:s12+s11], $0x400, $0x38;
	[tilespmem:$0x1D080] =	vst v63  }
0x81: {  	s8 =	sadd.s32 @!p1 s7, s8;
	s9 =	sor.u32 @!p1 $0x1000, s9  }
0x82: {  	[tilespmem:s9], [sflag:$0x5] =	stream.linear.gather @!p1 [hbm4b:s8+s11], $0x400, $0x38;
	[tilespmem:$0x1D080] =	vst v63  }
0x83: {  	s20 =	simm.s32 @p1 $0x400  }
0x84: {  	[tilespmem:s25], [sflag:$0x1] =	stream.indirect.gather [hbm4b:s1+s31], $0x80, s20, s31, $0xb8;
	[tilespmem:$0x1D080] =	vst v63  }
0x85: {  	s24 =	sadd.s32 $0x40, s20;
	s21 =	sor.u32 $0x1000, s20  }
0x86: {  	[tilespmem:s0], [sflag:$0x2] =	stream.indirect.gather [hbm4b:s1+s31], $0x80, s24, s31, $0xb8;
	[tilespmem:$0x1D080] =	vst v63  }
0x87: {  	s22 =	sor.u32 $0x800, s20;
	s23 =	sor.u32 $0x80, s20;
	s24 =	simm.s32 $0x0  }
.LBB2_5:
0x88: {  	_ =	swait.ge [sflag:s28], $0x2000  }
0x89: {  	[sflag:s28] =	ssyncset.done $0x0  }
0x8a: {  	[sflag:s28] =	ssyncadd.s32 $0xFFFFE000  }
0x8b: {  	_ =	swait.ge [sflag:s29], $0x2000  }
0x8c: {  	s9 =	sshll.u32 s24, $0x8;
	[sflag:s29] =	ssyncset.done $0x0  }
0x8d: {  	s8 =	sor.u32 s23, s9;
	[sflag:s29] =	ssyncadd.s32 $0xFFFFE000  }
0x8e: {  	[tilespmem:s5], [sflag:$0x3] =	stream.indirect.gather [hbm4b:s1+s31], $0x80, s8, s31, $0xb8;
	[tilespmem:$0x1D080] =	vst v63  }
0x8f: {  	s12 =	sshll.u32 s24, $0xA;
	s10 =	sadd.s32 $0x40, s8  }
0x90: {  	[tilespmem:s14], [sflag:$0x4] =	stream.indirect.gather [hbm4b:s1+s31], $0x80, s10, s31, $0xb8;
	[tilespmem:$0x1D080] =	vst v63  }
0x91: {  	s10 =	sshrl.u32 s12, $0x2  }
0x92: {  	s12 =	sadd.s32 s10, s21  }
0x93: {  	v17 =	vmov s12;
	_ =	sdelay $0x1  }
0x94: {  	s11 =	simm.s32 $0x0  }
.LBB2_6:
0x95: {  	s12 =	sshll.u32 s11, $0x4  }
0x96: {  	s12 =	sand.u32 $0x3FFFFFF0, s12  }
0x97: {  	v18 =	vld.idx.msk [tilespmem:v17+s12+$0x0 ss:$0x1], $0xffff;
	s12 =	sshll.u32 s11, $0xB  }
0x98: {  	s12 =	sand.u32 $0x3FFFF800, s12  }
0x99: {  	v19 =	vld [tilespmem:s12+$0x1800]  }
0x9a: {  	v20 =	vld [tilespmem:s12+$0x1810]  }
0x9b: {  	v21 =	vld [tilespmem:s12+$0x1820]  }
0x9c: {  	v23 =	vld [tilespmem:s12+$0x1830];
	v22 =	vperm.xlane v18, v1  }
0x9d: {  	v24 =	vld [tilespmem:s12+$0x1840]  }
0x9e: {  	v25 =	vld [tilespmem:s12+$0x1850];
	v19 =	vmul.f32 v19, v22  }
0x9f: {  	v26 =	vld [tilespmem:s12+$0x1860];
	v20 =	vmul.f32 v20, v22  }
0xa0: {  	v43 =	vld [tilespmem:s12+$0x1870];
	[tilespmem:s12+$0x1800] =	vst v19;
	v19 =	vmul.f32 v21, v22  }
0xa1: {  	v45 =	vld [tilespmem:s12+$0x1880];
	v44 =	vmul.f32 v23, v22;
	[tilespmem:s12+$0x1810] =	vst v20  }
0xa2: {  	v46 =	vld [tilespmem:s12+$0x1890];
	[tilespmem:s12+$0x1820] =	vst v19;
	v19 =	vmul.f32 v24, v22  }
0xa3: {  	v48 =	vld [tilespmem:s12+$0x18A0];
	v47 =	vmul.f32 v25, v22;
	[tilespmem:s12+$0x1830] =	vst v44  }
0xa4: {  	v27 =	vld [tilespmem:s12+$0x18B0];
	v49 =	vperm.xlane v18, v2;
	[tilespmem:s12+$0x1840] =	vst v19;
	v19 =	vmul.f32 v26, v22  }
0xa5: {  	v51 =	vld [tilespmem:s12+$0x18C0];
	v50 =	vmul.f32 v43, v22;
	[tilespmem:s12+$0x1850] =	vst v47  }
0xa6: {  	v52 =	vld [tilespmem:s12+$0x18D0];
	[tilespmem:s12+$0x1860] =	vst v19;
	v19 =	vmul.f32 v45, v49  }
0xa7: {  	v54 =	vld [tilespmem:s12+$0x18E0];
	v53 =	vmul.f32 v46, v49;
	[tilespmem:s12+$0x1870] =	vst v50  }
0xa8: {  	v55 =	vld [tilespmem:s12+$0x18F0];
	[tilespmem:s12+$0x1880] =	vst v19;
	v19 =	vmul.f32 v48, v49  }
0xa9: {  	v57 =	vld [tilespmem:s12+$0x1900];
	v56 =	vmul.f32 v27, v49;
	[tilespmem:s12+$0x1890] =	vst v53  }
0xaa: {  	v58 =	vld [tilespmem:s12+$0x1910];
	[tilespmem:s12+$0x18A0] =	vst v19;
	v19 =	vmul.f32 v51, v49  }
0xab: {  	v60 =	vld [tilespmem:s12+$0x1920];
	v59 =	vmul.f32 v52, v49;
	[tilespmem:s12+$0x18B0] =	vst v56  }
0xac: {  	v62 =	vld [tilespmem:s12+$0x1930];
	v61 =	vperm.xlane v18, v3;
	[tilespmem:s12+$0x18C0] =	vst v19;
	v19 =	vmul.f32 v54, v49  }
0xad: {  	v28 =	vld [tilespmem:s12+$0x1940];
	v63 =	vmul.f32 v55, v49;
	[tilespmem:s12+$0x18D0] =	vst v59  }
0xae: {  	v29 =	vld [tilespmem:s12+$0x1950];
	[tilespmem:s12+$0x18E0] =	vst v19;
	v19 =	vmul.f32 v57, v61  }
0xaf: {  	v31 =	vld [tilespmem:s12+$0x1960];
	v30 =	vmul.f32 v58, v61;
	[tilespmem:s12+$0x18F0] =	vst v63  }
0xb0: {  	v32 =	vld [tilespmem:s12+$0x1970];
	[tilespmem:s12+$0x1900] =	vst v19;
	v19 =	vmul.f32 v60, v61  }
0xb1: {  	v34 =	vld [tilespmem:s12+$0x1980];
	v33 =	vmul.f32 v62, v61;
	[tilespmem:s12+$0x1910] =	vst v30  }
0xb2: {  	v35 =	vld [tilespmem:s12+$0x1990];
	[tilespmem:s12+$0x1920] =	vst v19;
	v19 =	vmul.f32 v28, v61  }
0xb3: {  	v37 =	vld [tilespmem:s12+$0x19A0];
	v36 =	vmul.f32 v29, v61;
	[tilespmem:s12+$0x1930] =	vst v33  }
0xb4: {  	v39 =	vld [tilespmem:s12+$0x19B0];
	v38 =	vperm.xlane v18, v4;
	[tilespmem:s12+$0x1940] =	vst v19;
	v19 =	vmul.f32 v31, v61  }
0xb5: {  	v41 =	vld [tilespmem:s12+$0x19C0];
	v40 =	vmul.f32 v32, v61;
	[tilespmem:s12+$0x1950] =	vst v36  }
0xb6: {  	v45 =	vld [tilespmem:s12+$0x19F0];
	[tilespmem:s12+$0x1960] =	vst v19;
	v19 =	vmul.f32 v34, v38  }
0xb7: {  	v43 =	vmul.f32 v35, v38;
	[tilespmem:s12+$0x1970] =	vst v40;
	v44 =	vld [tilespmem:s12+$0x19E0]  }
0xb8: {  	v42 =	vld [tilespmem:s12+$0x19D0];
	[tilespmem:s12+$0x1980] =	vst v19;
	v19 =	vmul.f32 v37, v38  }
0xb9: {  	v46 =	vmul.f32 v39, v38;
	[tilespmem:s12+$0x1990] =	vst v43;
	v47 =	vld [tilespmem:s12+$0x1A00]  }
0xba: {  	v52 =	vld [tilespmem:s12+$0x1A30];
	[tilespmem:s12+$0x19A0] =	vst v19;
	v19 =	vmul.f32 v41, v38  }
0xbb: {  	[tilespmem:s12+$0x19B0] =	vst v46;
	v50 =	vld [tilespmem:s12+$0x1A20];
	v53 =	vmul.f32 v45, v38  }
0xbc: {  	v55 =	vld [tilespmem:s12+$0x1A50];
	v51 =	vperm.xlane v18, v5;
	[tilespmem:s12+$0x19C0] =	vst v19;
	v19 =	vmul.f32 v44, v38  }
0xbd: {  	v49 =	vmul.f32 v42, v38;
	v54 =	vld [tilespmem:s12+$0x1A40];
	[tilespmem:s12+$0x19F0] =	vst v53  }
0xbe: {  	v58 =	vld [tilespmem:s12+$0x1A70];
	[tilespmem:s12+$0x19E0] =	vst v19;
	v19 =	vmul.f32 v47, v51  }
0xbf: {  	v59 =	vmul.f32 v52, v51;
	[tilespmem:s12+$0x19D0] =	vst v49;
	v57 =	vld [tilespmem:s12+$0x1A60]  }
0xc0: {  	v48 =	vld [tilespmem:s12+$0x1A10];
	[tilespmem:s12+$0x1A00] =	vst v19;
	v19 =	vmul.f32 v50, v51  }
0xc1: {  	v62 =	vmul.f32 v55, v51;
	[tilespmem:s12+$0x1A30] =	vst v59;
	v60 =	vld [tilespmem:s12+$0x1A80]  }
0xc2: {  	v40 =	vld [tilespmem:s12+$0x1B10];
	[tilespmem:s12+$0x1A20] =	vst v19;
	v19 =	vmul.f32 v54, v51  }
0xc3: {  	v63 =	vld [tilespmem:s12+$0x1AA0];
	v32 =	vmul.f32 v58, v51;
	[tilespmem:s12+$0x1A50] =	vst v62  }
0xc4: {  	v30 =	vperm.xlane v18, v6;
	v61 =	vld [tilespmem:s12+$0x1A90];
	[tilespmem:s12+$0x1A40] =	vst v19;
	v19 =	vmul.f32 v57, v51  }
0xc5: {  	v33 =	vld [tilespmem:s12+$0x1AC0];
	v43 =	vperm.xlane v18, v7;
	v56 =	vmul.f32 v48, v51;
	[tilespmem:s12+$0x1A70] =	vst v32  }
0xc6: {  	v53 =	vld [tilespmem:s12+$0x1B90];
	[tilespmem:s12+$0x1A60] =	vst v19;
	v19 =	vmul.f32 v60, v30  }
0xc7: {  	v36 =	vld [tilespmem:s12+$0x1AE0];
	v48 =	vmul.f32 v40, v43;
	[tilespmem:s12+$0x1A10] =	vst v56  }
0xc8: {  	v31 =	vld [tilespmem:s12+$0x1AB0];
	[tilespmem:s12+$0x1A80] =	vst v19;
	v19 =	vmul.f32 v63, v30  }
0xc9: {  	v39 =	vld [tilespmem:s12+$0x1B00];
	[tilespmem:s12+$0x1B10] =	vst v48;
	v56 =	vperm.xlane v18, v8;
	v35 =	vmul.f32 v61, v30  }
0xca: {  	v34 =	vld [tilespmem:s12+$0x1AD0];
	[tilespmem:s12+$0x1AA0] =	vst v19;
	v19 =	vmul.f32 v33, v30  }
0xcb: {  	v42 =	vld [tilespmem:s12+$0x1B20];
	v61 =	vmul.f32 v53, v56;
	[tilespmem:s12+$0x1A90] =	vst v35  }
0xcc: {  	v37 =	vld [tilespmem:s12+$0x1AF0];
	[tilespmem:s12+$0x1AC0] =	vst v19;
	v19 =	vmul.f32 v36, v30  }
0xcd: {  	v46 =	vld [tilespmem:s12+$0x1B40];
	[tilespmem:s12+$0x1B90] =	vst v61;
	v38 =	vmul.f32 v31, v30  }
0xce: {  	v47 =	vld [tilespmem:s12+$0x1B50];
	[tilespmem:s12+$0x1AE0] =	vst v19;
	v19 =	vmul.f32 v39, v43  }
0xcf: {  	v49 =	vld [tilespmem:s12+$0x1B60];
	v41 =	vmul.f32 v34, v30;
	[tilespmem:s12+$0x1AB0] =	vst v38  }
0xd0: {  	v38 =	vld [tilespmem:s12+$0x1C50];
	[tilespmem:s12+$0x1B00] =	vst v19;
	v19 =	vmul.f32 v42, v43  }
0xd1: {  	v52 =	vld [tilespmem:s12+$0x1B80];
	[tilespmem:s12+$0x1AD0] =	vst v41;
	v45 =	vmul.f32 v37, v30  }
0xd2: {  	v44 =	vld [tilespmem:s12+$0x1B30];
	[tilespmem:s12+$0x1B20] =	vst v19;
	v19 =	vmul.f32 v46, v43  }
0xd3: {  	v55 =	vld [tilespmem:s12+$0x1BA0];
	v34 =	vperm.xlane v18, v9;
	[tilespmem:s12+$0x1AF0] =	vst v45;
	v54 =	vmul.f32 v47, v43  }
0xd4: {  	v50 =	vld [tilespmem:s12+$0x1B70];
	[tilespmem:s12+$0x1B40] =	vst v19;
	v19 =	vmul.f32 v49, v43  }
0xd5: {  	v59 =	vld [tilespmem:s12+$0x1BC0];
	v45 =	vmul.f32 v38, v34;
	[tilespmem:s12+$0x1B50] =	vst v54  }
0xd6: {  	v57 =	vld [tilespmem:s12+$0x1BB0];
	[tilespmem:s12+$0x1B60] =	vst v19;
	v19 =	vmul.f32 v52, v56  }
0xd7: {  	v62 =	vld [tilespmem:s12+$0x1BE0];
	v51 =	vmul.f32 v44, v43;
	[tilespmem:s12+$0x1C50] =	vst v45  }
0xd8: {  	v60 =	vld [tilespmem:s12+$0x1BD0];
	[tilespmem:s12+$0x1B80] =	vst v19;
	v19 =	vmul.f32 v55, v56  }
0xd9: {  	v58 =	vmul.f32 v50, v43;
	[tilespmem:s12+$0x1B30] =	vst v51;
	v30 =	vld [tilespmem:s12+$0x1C00]  }
0xda: {  	v51 =	vld [tilespmem:s12+$0x1CD0];
	[tilespmem:s12+$0x1BA0] =	vst v19;
	v19 =	vmul.f32 v59, v56  }
0xdb: {  	[tilespmem:s12+$0x1B70] =	vst v58;
	v29 =	vmul.f32 v57, v56;
	v33 =	vld [tilespmem:s12+$0x1C20]  }
0xdc: {  	v63 =	vld [tilespmem:s12+$0x1BF0];
	[tilespmem:s12+$0x1BC0] =	vst v19;
	v19 =	vmul.f32 v62, v56  }
0xdd: {  	v37 =	vld [tilespmem:s12+$0x1C40];
	v47 =	vperm.xlane v18, v10;
	[tilespmem:s12+$0x1BB0] =	vst v29;
	v32 =	vmul.f32 v60, v56  }
0xde: {  	v61 =	vld [tilespmem:s12+$0x1D30];
	[tilespmem:s12+$0x1BE0] =	vst v19;
	v19 =	vmul.f32 v30, v34  }
0xdf: {  	v40 =	vld [tilespmem:s12+$0x1C60];
	v58 =	vmul.f32 v51, v47;
	[tilespmem:s12+$0x1BD0] =	vst v32  }
0xe0: {  	v31 =	vld [tilespmem:s12+$0x1C10];
	[tilespmem:s12+$0x1C00] =	vst v19;
	v19 =	vmul.f32 v33, v34  }
0xe1: {  	v60 =	vperm.xlane v18, v11;
	v36 =	vmul.f32 v63, v56;
	[tilespmem:s12+$0x1CD0] =	vst v58;
	v43 =	vld [tilespmem:s12+$0x1C80]  }
0xe2: {  	v57 =	vld [tilespmem:s12+$0x1D10];
	[tilespmem:s12+$0x1C20] =	vst v19;
	v19 =	vmul.f32 v37, v34  }
0xe3: {  	v32 =	vmul.f32 v61, v60;
	[tilespmem:s12+$0x1BF0] =	vst v36;
	v46 =	vld [tilespmem:s12+$0x1CA0]  }
0xe4: {  	v35 =	vld [tilespmem:s12+$0x1C30];
	[tilespmem:s12+$0x1C40] =	vst v19;
	v19 =	vmul.f32 v40, v34  }
0xe5: {  	v50 =	vld [tilespmem:s12+$0x1CC0];
	v39 =	vmul.f32 v31, v34;
	[tilespmem:s12+$0x1D30] =	vst v32  }
0xe6: {  	v28 =	vld [tilespmem:s12+$0x1D50];
	[tilespmem:s12+$0x1C60] =	vst v19;
	v19 =	vmul.f32 v43, v47  }
0xe7: {  	v53 =	vld [tilespmem:s12+$0x1CE0];
	v29 =	vmul.f32 v57, v60;
	[tilespmem:s12+$0x1C10] =	vst v39  }
0xe8: {  	v31 =	vld [tilespmem:s12+$0x1D70];
	[tilespmem:s12+$0x1C80] =	vst v19;
	v19 =	vmul.f32 v46, v47  }
0xe9: {  	v42 =	vmul.f32 v35, v34;
	[tilespmem:s12+$0x1D10] =	vst v29;
	v56 =	vld [tilespmem:s12+$0x1D00]  }
0xea: {  	v41 =	vld [tilespmem:s12+$0x1C70];
	[tilespmem:s12+$0x1CA0] =	vst v19;
	v19 =	vmul.f32 v50, v47  }
0xeb: {  	v35 =	vmul.f32 v28, v60;
	[tilespmem:s12+$0x1C30] =	vst v42;
	v59 =	vld [tilespmem:s12+$0x1D20]  }
0xec: {  	v44 =	vld [tilespmem:s12+$0x1C90];
	[tilespmem:s12+$0x1CC0] =	vst v19;
	v19 =	vmul.f32 v53, v47  }
0xed: {  	v63 =	vld [tilespmem:s12+$0x1D40];
	[tilespmem:s12+$0x1D50] =	vst v35;
	v39 =	vmul.f32 v31, v60  }
0xee: {  	v48 =	vld [tilespmem:s12+$0x1CB0];
	[tilespmem:s12+$0x1CE0] =	vst v19;
	v19 =	vmul.f32 v56, v60  }
0xef: {  	v49 =	vmul.f32 v41, v34;
	[tilespmem:s12+$0x1D70] =	vst v39;
	v30 =	vld [tilespmem:s12+$0x1D60]  }
0xf0: {  	v54 =	vld [tilespmem:s12+$0x1CF0];
	[tilespmem:s12+$0x1D00] =	vst v19;
	v19 =	vmul.f32 v59, v60  }
0xf1: {  	[tilespmem:s12+$0x1C70] =	vst v49;
	v52 =	vmul.f32 v44, v47;
	v33 =	vld [tilespmem:s12+$0x1D80]  }
0xf2: {  	v38 =	vld [tilespmem:s12+$0x1DB0];
	[tilespmem:s12+$0x1D20] =	vst v19;
	v19 =	vmul.f32 v63, v60  }
0xf3: {  	v36 =	vld [tilespmem:s12+$0x1DA0];
	[tilespmem:s12+$0x1C90] =	vst v52;
	v55 =	vmul.f32 v48, v47  }
0xf4: {  	v41 =	vld [tilespmem:s12+$0x1DD0];
	v37 =	vperm.xlane v18, v12;
	[tilespmem:s12+$0x1D40] =	vst v19;
	v19 =	vmul.f32 v30, v60  }
0xf5: {  	[tilespmem:s12+$0x1CB0] =	vst v55;
	v62 =	vmul.f32 v54, v47;
	v40 =	vld [tilespmem:s12+$0x1DC0]  }
0xf6: {  	v44 =	vld [tilespmem:s12+$0x1DF0];
	[tilespmem:s12+$0x1D60] =	vst v19;
	v19 =	vmul.f32 v33, v37  }
0xf7: {  	[tilespmem:s12+$0x1CF0] =	vst v62;
	v45 =	vmul.f32 v38, v37;
	v43 =	vld [tilespmem:s12+$0x1DE0]  }
0xf8: {  	v34 =	vld [tilespmem:s12+$0x1D90];
	[tilespmem:s12+$0x1D80] =	vst v19;
	v19 =	vmul.f32 v36, v37  }
0xf9: {  	v48 =	vmul.f32 v41, v37;
	[tilespmem:s12+$0x1DB0] =	vst v45;
	v46 =	vld [tilespmem:s12+$0x1E00]  }
0xfa: {  	v51 =	vld [tilespmem:s12+$0x1E30];
	[tilespmem:s12+$0x1DA0] =	vst v19;
	v19 =	vmul.f32 v40, v37  }
0xfb: {  	v49 =	vld [tilespmem:s12+$0x1E20];
	v52 =	vmul.f32 v44, v37;
	[tilespmem:s12+$0x1DD0] =	vst v48  }
0xfc: {  	v54 =	vld [tilespmem:s12+$0x1E50];
	v50 =	vperm.xlane v18, v13;
	[tilespmem:s12+$0x1DC0] =	vst v19;
	v19 =	vmul.f32 v43, v37  }
0xfd: {  	[tilespmem:s12+$0x1DF0] =	vst v52;
	v42 =	vmul.f32 v34, v37;
	v53 =	vld [tilespmem:s12+$0x1E40]  }
0xfe: {  	v57 =	vld [tilespmem:s12+$0x1E70];
	[tilespmem:s12+$0x1DE0] =	vst v19;
	v19 =	vmul.f32 v46, v50  }
0xff: {  	[tilespmem:s12+$0x1D90] =	vst v42;
	v58 =	vmul.f32 v51, v50;
	v56 =	vld [tilespmem:s12+$0x1E60]  }
0x100: {  	v47 =	vld [tilespmem:s12+$0x1E10];
	[tilespmem:s12+$0x1E00] =	vst v19;
	v19 =	vmul.f32 v49, v50  }
0x101: {  	v61 =	vmul.f32 v54, v50;
	[tilespmem:s12+$0x1E30] =	vst v58;
	v59 =	vld [tilespmem:s12+$0x1E80]  }
0x102: {  	v39 =	vld [tilespmem:s12+$0x1F10];
	[tilespmem:s12+$0x1E20] =	vst v19;
	v19 =	vmul.f32 v53, v50  }
0x103: {  	v62 =	vld [tilespmem:s12+$0x1EA0];
	v31 =	vmul.f32 v57, v50;
	[tilespmem:s12+$0x1E50] =	vst v61  }
0x104: {  	v63 =	vperm.xlane v18, v14;
	v60 =	vld [tilespmem:s12+$0x1E90];
	[tilespmem:s12+$0x1E40] =	vst v19;
	v19 =	vmul.f32 v56, v50  }
0x105: {  	v32 =	vld [tilespmem:s12+$0x1EC0];
	v42 =	vperm.xlane v18, v15;
	[tilespmem:s12+$0x1E70] =	vst v31;
	v55 =	vmul.f32 v47, v50  }
0x106: {  	v33 =	vld [tilespmem:s12+$0x1ED0];
	[tilespmem:s12+$0x1E60] =	vst v19;
	v19 =	vmul.f32 v59, v63  }
0x107: {  	v35 =	vld [tilespmem:s12+$0x1EE0];
	v47 =	vmul.f32 v39, v42;
	[tilespmem:s12+$0x1E10] =	vst v55  }
0x108: {  	v30 =	vld [tilespmem:s12+$0x1EB0];
	[tilespmem:s12+$0x1E80] =	vst v19;
	v19 =	vmul.f32 v62, v63  }
0x109: {  	v38 =	vld [tilespmem:s12+$0x1F00];
	[tilespmem:s12+$0x1F10] =	vst v47;
	v34 =	vmul.f32 v60, v63  }
0x10a: {  	v36 =	vld [tilespmem:s12+$0x1EF0];
	[tilespmem:s12+$0x1EA0] =	vst v19;
	v19 =	vmul.f32 v32, v63  }
0x10b: {  	v41 =	vld [tilespmem:s12+$0x1F20];
	[tilespmem:s12+$0x1E90] =	vst v34;
	v40 =	vmul.f32 v33, v63  }
0x10c: {  	v46 =	vld [tilespmem:s12+$0x1F50];
	[tilespmem:s12+$0x1EC0] =	vst v19;
	v19 =	vmul.f32 v35, v63  }
0x10d: {  	v45 =	vld [tilespmem:s12+$0x1F40];
	v37 =	vmul.f32 v30, v63;
	[tilespmem:s12+$0x1ED0] =	vst v40  }
0x10e: {  	v43 =	vld [tilespmem:s12+$0x1F30];
	[tilespmem:s12+$0x1EE0] =	vst v19;
	v19 =	vmul.f32 v38, v42  }
0x10f: {  	v48 =	vld [tilespmem:s12+$0x1F60];
	v44 =	vmul.f32 v36, v63;
	[tilespmem:s12+$0x1EB0] =	vst v37  }
0x110: {  	v49 =	vld [tilespmem:s12+$0x1F70];
	[tilespmem:s12+$0x1F00] =	vst v19;
	v19 =	vmul.f32 v41, v42  }
0x111: {  	v51 =	vld [tilespmem:s12+$0x1F80];
	[tilespmem:s12+$0x1EF0] =	vst v44;
	v53 =	vmul.f32 v46, v42  }
0x112: {  	v52 =	vld [tilespmem:s12+$0x1F90];
	[tilespmem:s12+$0x1F20] =	vst v19;
	v19 =	vmul.f32 v45, v42  }
0x113: {  	v54 =	vld [tilespmem:s12+$0x1FA0];
	v50 =	vmul.f32 v43, v42;
	[tilespmem:s12+$0x1F50] =	vst v53  }
0x114: {  	v18 =	vperm.xlane v18, v16;
	v55 =	vld [tilespmem:s12+$0x1FB0];
	[tilespmem:s12+$0x1F40] =	vst v19;
	v19 =	vmul.f32 v48, v42  }
0x115: {  	v57 =	vld [tilespmem:s12+$0x1FC0];
	v56 =	vmul.f32 v49, v42;
	[tilespmem:s12+$0x1F30] =	vst v50  }
0x116: {  	v58 =	vld [tilespmem:s12+$0x1FD0];
	[tilespmem:s12+$0x1F60] =	vst v19;
	v19 =	vmul.f32 v51, v18  }
0x117: {  	v60 =	vld [tilespmem:s12+$0x1FE0];
	v59 =	vmul.f32 v52, v18;
	[tilespmem:s12+$0x1F70] =	vst v56  }
0x118: {  	v61 =	vld [tilespmem:s12+$0x1FF0];
	[tilespmem:s12+$0x1F80] =	vst v19;
	v19 =	vmul.f32 v54, v18  }
0x119: {  	[tilespmem:s12+$0x1F90] =	vst v59;
	v62 =	vmul.f32 v55, v18  }
0x11a: {  	p2 =	sne.s32 s11, $0x7;
	[tilespmem:s12+$0x1FA0] =	vst v19;
	v19 =	vmul.f32 v57, v18  }
.Ltmp3:
0x11b: {  	[tilespmem:s12+$0x1FB0] =	vst v62;
	v63 =	vmul.f32 v58, v18;
	(pc) =	sbr.rel @p2 .LBB2_6-.Ltmp3, $4  }
0x11c: {  	[tilespmem:s12+$0x1FC0] =	vst v19;
	v19 =	vmul.f32 v60, v18  }
0x11d: {  	[tilespmem:s12+$0x1FD0] =	vst v63;
	v18 =	vmul.f32 v61, v18  }
0x11e: {  	[tilespmem:s12+$0x1FE0] =	vst v19  }
0x11f: {  	s11 =	sadd.s32 $0x1, s11;
	[tilespmem:s12+$0x1FF0] =	vst v18  }
0x120: {  	s10 =	sadd.s32 s10, s22  }
0x121: {  	[spmem:s3] =	stream.indirect.scatter.add.f32 [tilespmem:s25], [sflag:$0x6], $0x80, s10, s15, $0xb8;
	[tilespmem:$0x1D080] =	vst v63  }
0x122: {  	_ =	swait.ge [sflag:s26], $0x4000  }
0x123: {  	[sflag:s26] =	ssyncset.done $0x0  }
0x124: {  	[sflag:s26] =	ssyncadd.s32 $0xFFFFC000  }
0x125: {  	_ =	swait.ge [sflag:s16], $0x2000  }
0x126: {  	[sflag:s16] =	ssyncset.done $0x0  }
0x127: {  	[sflag:s16] =	ssyncadd.s32 $0xFFFFE000  }
0x128: {  	p2 =	seq.s32 s24, $0x3;
	_ =	swait.ge [sflag:s18], $0x2000  }
0x129: {  	s9 =	sadd.s32 @!p2 s9, s20;
	s11 =	simm.s32 @!p2 $0x40;
	[sflag:s18] =	ssyncset.done $0x0  }
0x12a: {  	s12 =	simm.s32 @!p2 $0x1800;
	s10 =	sadd.s32 @!p2 $0x100, s9;
	[sflag:s18] =	ssyncadd.s32 $0xFFFFE000  }
0x12b: {  	[tilespmem:s12], [sflag:$0x1] =	stream.indirect.gather @!p2 [hbm4b:s1+s11], $0x80, s10, s11, $0xb8;
	[tilespmem:$0x1D080] =	vst v63  }
0x12c: {  	s12 =	sadd.s32 $0x1000, s8  }
0x12d: {  	s9 =	sadd.s32 @!p2 $0x140, s9;
	s10 =	simm.s32 @!p2 $0x3800;
	v17 =	vmov s12  }
0x12e: {  	[tilespmem:s10], [sflag:$0x2] =	stream.indirect.gather @!p2 [hbm4b:s1+s11], $0x80, s9, s11, $0xb8;
	[tilespmem:$0x1D080] =	vst v63  }
0x12f: {  	s9 =	simm.s32 $0x0  }
.LBB2_8:
0x130: {  	s10 =	sshll.u32 s9, $0x4  }
0x131: {  	s10 =	sand.u32 $0x3FFFFFF0, s10  }
0x132: {  	s12 =	sshll.u32 s9, $0xB;
	v18 =	vld.idx.msk [tilespmem:v17+s10+$0x0 ss:$0x1], $0xffff  }
0x133: {  	s10 =	sand.u32 $0x3FFFF800, s12  }
0x134: {  	v19 =	vld [tilespmem:s10+$0x5800]  }
0x135: {  	v20 =	vld [tilespmem:s10+$0x5810]  }
0x136: {  	v21 =	vld [tilespmem:s10+$0x5820]  }
0x137: {  	v23 =	vld [tilespmem:s10+$0x5830];
	v22 =	vperm.xlane v18, v1  }
0x138: {  	v24 =	vld [tilespmem:s10+$0x5840]  }
0x139: {  	v25 =	vld [tilespmem:s10+$0x5850];
	v19 =	vmul.f32 v19, v22  }
0x13a: {  	v26 =	vld [tilespmem:s10+$0x5860];
	v20 =	vmul.f32 v20, v22  }
0x13b: {  	v43 =	vld [tilespmem:s10+$0x5870];
	[tilespmem:s10+$0x5800] =	vst v19;
	v19 =	vmul.f32 v21, v22  }
0x13c: {  	v45 =	vld [tilespmem:s10+$0x5880];
	v44 =	vmul.f32 v23, v22;
	[tilespmem:s10+$0x5810] =	vst v20  }
0x13d: {  	v46 =	vld [tilespmem:s10+$0x5890];
	[tilespmem:s10+$0x5820] =	vst v19;
	v19 =	vmul.f32 v24, v22  }
0x13e: {  	v48 =	vld [tilespmem:s10+$0x58A0];
	v47 =	vmul.f32 v25, v22;
	[tilespmem:s10+$0x5830] =	vst v44  }
0x13f: {  	v27 =	vld [tilespmem:s10+$0x58B0];
	v49 =	vperm.xlane v18, v2;
	[tilespmem:s10+$0x5840] =	vst v19;
	v19 =	vmul.f32 v26, v22  }
0x140: {  	v51 =	vld [tilespmem:s10+$0x58C0];
	v50 =	vmul.f32 v43, v22;
	[tilespmem:s10+$0x5850] =	vst v47  }
0x141: {  	v52 =	vld [tilespmem:s10+$0x58D0];
	[tilespmem:s10+$0x5860] =	vst v19;
	v19 =	vmul.f32 v45, v49  }
0x142: {  	v54 =	vld [tilespmem:s10+$0x58E0];
	v53 =	vmul.f32 v46, v49;
	[tilespmem:s10+$0x5870] =	vst v50  }
0x143: {  	v55 =	vld [tilespmem:s10+$0x58F0];
	[tilespmem:s10+$0x5880] =	vst v19;
	v19 =	vmul.f32 v48, v49  }
0x144: {  	v57 =	vld [tilespmem:s10+$0x5900];
	v56 =	vmul.f32 v27, v49;
	[tilespmem:s10+$0x5890] =	vst v53  }
0x145: {  	v58 =	vld [tilespmem:s10+$0x5910];
	[tilespmem:s10+$0x58A0] =	vst v19;
	v19 =	vmul.f32 v51, v49  }
0x146: {  	v60 =	vld [tilespmem:s10+$0x5920];
	v59 =	vmul.f32 v52, v49;
	[tilespmem:s10+$0x58B0] =	vst v56  }
0x147: {  	v62 =	vld [tilespmem:s10+$0x5930];
	v61 =	vperm.xlane v18, v3;
	[tilespmem:s10+$0x58C0] =	vst v19;
	v19 =	vmul.f32 v54, v49  }
0x148: {  	v28 =	vld [tilespmem:s10+$0x5940];
	v63 =	vmul.f32 v55, v49;
	[tilespmem:s10+$0x58D0] =	vst v59  }
0x149: {  	v29 =	vld [tilespmem:s10+$0x5950];
	[tilespmem:s10+$0x58E0] =	vst v19;
	v19 =	vmul.f32 v57, v61  }
0x14a: {  	v31 =	vld [tilespmem:s10+$0x5960];
	v30 =	vmul.f32 v58, v61;
	[tilespmem:s10+$0x58F0] =	vst v63  }
0x14b: {  	v32 =	vld [tilespmem:s10+$0x5970];
	[tilespmem:s10+$0x5900] =	vst v19;
	v19 =	vmul.f32 v60, v61  }
0x14c: {  	v34 =	vld [tilespmem:s10+$0x5980];
	v33 =	vmul.f32 v62, v61;
	[tilespmem:s10+$0x5910] =	vst v30  }
0x14d: {  	v35 =	vld [tilespmem:s10+$0x5990];
	[tilespmem:s10+$0x5920] =	vst v19;
	v19 =	vmul.f32 v28, v61  }
0x14e: {  	v37 =	vld [tilespmem:s10+$0x59A0];
	v36 =	vmul.f32 v29, v61;
	[tilespmem:s10+$0x5930] =	vst v33  }
0x14f: {  	v39 =	vld [tilespmem:s10+$0x59B0];
	v38 =	vperm.xlane v18, v4;
	[tilespmem:s10+$0x5940] =	vst v19;
	v19 =	vmul.f32 v31, v61  }
0x150: {  	v41 =	vld [tilespmem:s10+$0x59C0];
	v40 =	vmul.f32 v32, v61;
	[tilespmem:s10+$0x5950] =	vst v36  }
0x151: {  	v45 =	vld [tilespmem:s10+$0x59F0];
	[tilespmem:s10+$0x5960] =	vst v19;
	v19 =	vmul.f32 v34, v38  }
0x152: {  	v43 =	vmul.f32 v35, v38;
	[tilespmem:s10+$0x5970] =	vst v40;
	v44 =	vld [tilespmem:s10+$0x59E0]  }
0x153: {  	v42 =	vld [tilespmem:s10+$0x59D0];
	[tilespmem:s10+$0x5980] =	vst v19;
	v19 =	vmul.f32 v37, v38  }
0x154: {  	v46 =	vmul.f32 v39, v38;
	[tilespmem:s10+$0x5990] =	vst v43;
	v47 =	vld [tilespmem:s10+$0x5A00]  }
0x155: {  	v52 =	vld [tilespmem:s10+$0x5A30];
	[tilespmem:s10+$0x59A0] =	vst v19;
	v19 =	vmul.f32 v41, v38  }
0x156: {  	[tilespmem:s10+$0x59B0] =	vst v46;
	v50 =	vld [tilespmem:s10+$0x5A20];
	v53 =	vmul.f32 v45, v38  }
0x157: {  	v55 =	vld [tilespmem:s10+$0x5A50];
	v51 =	vperm.xlane v18, v5;
	[tilespmem:s10+$0x59C0] =	vst v19;
	v19 =	vmul.f32 v44, v38  }
0x158: {  	v49 =	vmul.f32 v42, v38;
	v54 =	vld [tilespmem:s10+$0x5A40];
	[tilespmem:s10+$0x59F0] =	vst v53  }
0x159: {  	v58 =	vld [tilespmem:s10+$0x5A70];
	[tilespmem:s10+$0x59E0] =	vst v19;
	v19 =	vmul.f32 v47, v51  }
0x15a: {  	v59 =	vmul.f32 v52, v51;
	[tilespmem:s10+$0x59D0] =	vst v49;
	v57 =	vld [tilespmem:s10+$0x5A60]  }
0x15b: {  	v48 =	vld [tilespmem:s10+$0x5A10];
	[tilespmem:s10+$0x5A00] =	vst v19;
	v19 =	vmul.f32 v50, v51  }
0x15c: {  	v62 =	vmul.f32 v55, v51;
	[tilespmem:s10+$0x5A30] =	vst v59;
	v60 =	vld [tilespmem:s10+$0x5A80]  }
0x15d: {  	v40 =	vld [tilespmem:s10+$0x5B10];
	[tilespmem:s10+$0x5A20] =	vst v19;
	v19 =	vmul.f32 v54, v51  }
0x15e: {  	v63 =	vld [tilespmem:s10+$0x5AA0];
	v32 =	vmul.f32 v58, v51;
	[tilespmem:s10+$0x5A50] =	vst v62  }
0x15f: {  	v30 =	vperm.xlane v18, v6;
	v61 =	vld [tilespmem:s10+$0x5A90];
	[tilespmem:s10+$0x5A40] =	vst v19;
	v19 =	vmul.f32 v57, v51  }
0x160: {  	v33 =	vld [tilespmem:s10+$0x5AC0];
	v43 =	vperm.xlane v18, v7;
	v56 =	vmul.f32 v48, v51;
	[tilespmem:s10+$0x5A70] =	vst v32  }
0x161: {  	v53 =	vld [tilespmem:s10+$0x5B90];
	[tilespmem:s10+$0x5A60] =	vst v19;
	v19 =	vmul.f32 v60, v30  }
0x162: {  	v36 =	vld [tilespmem:s10+$0x5AE0];
	v48 =	vmul.f32 v40, v43;
	[tilespmem:s10+$0x5A10] =	vst v56  }
0x163: {  	v31 =	vld [tilespmem:s10+$0x5AB0];
	[tilespmem:s10+$0x5A80] =	vst v19;
	v19 =	vmul.f32 v63, v30  }
0x164: {  	v39 =	vld [tilespmem:s10+$0x5B00];
	[tilespmem:s10+$0x5B10] =	vst v48;
	v56 =	vperm.xlane v18, v8;
	v35 =	vmul.f32 v61, v30  }
0x165: {  	v34 =	vld [tilespmem:s10+$0x5AD0];
	[tilespmem:s10+$0x5AA0] =	vst v19;
	v19 =	vmul.f32 v33, v30  }
0x166: {  	v42 =	vld [tilespmem:s10+$0x5B20];
	v61 =	vmul.f32 v53, v56;
	[tilespmem:s10+$0x5A90] =	vst v35  }
0x167: {  	v37 =	vld [tilespmem:s10+$0x5AF0];
	[tilespmem:s10+$0x5AC0] =	vst v19;
	v19 =	vmul.f32 v36, v30  }
0x168: {  	v46 =	vld [tilespmem:s10+$0x5B40];
	[tilespmem:s10+$0x5B90] =	vst v61;
	v38 =	vmul.f32 v31, v30  }
0x169: {  	v47 =	vld [tilespmem:s10+$0x5B50];
	[tilespmem:s10+$0x5AE0] =	vst v19;
	v19 =	vmul.f32 v39, v43  }
0x16a: {  	v49 =	vld [tilespmem:s10+$0x5B60];
	v41 =	vmul.f32 v34, v30;
	[tilespmem:s10+$0x5AB0] =	vst v38  }
0x16b: {  	v38 =	vld [tilespmem:s10+$0x5C50];
	[tilespmem:s10+$0x5B00] =	vst v19;
	v19 =	vmul.f32 v42, v43  }
0x16c: {  	v52 =	vld [tilespmem:s10+$0x5B80];
	[tilespmem:s10+$0x5AD0] =	vst v41;
	v45 =	vmul.f32 v37, v30  }
0x16d: {  	v44 =	vld [tilespmem:s10+$0x5B30];
	[tilespmem:s10+$0x5B20] =	vst v19;
	v19 =	vmul.f32 v46, v43  }
0x16e: {  	v55 =	vld [tilespmem:s10+$0x5BA0];
	v34 =	vperm.xlane v18, v9;
	[tilespmem:s10+$0x5AF0] =	vst v45;
	v54 =	vmul.f32 v47, v43  }
0x16f: {  	v50 =	vld [tilespmem:s10+$0x5B70];
	[tilespmem:s10+$0x5B40] =	vst v19;
	v19 =	vmul.f32 v49, v43  }
0x170: {  	v59 =	vld [tilespmem:s10+$0x5BC0];
	v45 =	vmul.f32 v38, v34;
	[tilespmem:s10+$0x5B50] =	vst v54  }
0x171: {  	v57 =	vld [tilespmem:s10+$0x5BB0];
	[tilespmem:s10+$0x5B60] =	vst v19;
	v19 =	vmul.f32 v52, v56  }
0x172: {  	v62 =	vld [tilespmem:s10+$0x5BE0];
	v51 =	vmul.f32 v44, v43;
	[tilespmem:s10+$0x5C50] =	vst v45  }
0x173: {  	v60 =	vld [tilespmem:s10+$0x5BD0];
	[tilespmem:s10+$0x5B80] =	vst v19;
	v19 =	vmul.f32 v55, v56  }
0x174: {  	v58 =	vmul.f32 v50, v43;
	[tilespmem:s10+$0x5B30] =	vst v51;
	v30 =	vld [tilespmem:s10+$0x5C00]  }
0x175: {  	v51 =	vld [tilespmem:s10+$0x5CD0];
	[tilespmem:s10+$0x5BA0] =	vst v19;
	v19 =	vmul.f32 v59, v56  }
0x176: {  	[tilespmem:s10+$0x5B70] =	vst v58;
	v29 =	vmul.f32 v57, v56;
	v33 =	vld [tilespmem:s10+$0x5C20]  }
0x177: {  	v63 =	vld [tilespmem:s10+$0x5BF0];
	[tilespmem:s10+$0x5BC0] =	vst v19;
	v19 =	vmul.f32 v62, v56  }
0x178: {  	v37 =	vld [tilespmem:s10+$0x5C40];
	v47 =	vperm.xlane v18, v10;
	[tilespmem:s10+$0x5BB0] =	vst v29;
	v32 =	vmul.f32 v60, v56  }
0x179: {  	v61 =	vld [tilespmem:s10+$0x5D30];
	[tilespmem:s10+$0x5BE0] =	vst v19;
	v19 =	vmul.f32 v30, v34  }
0x17a: {  	v40 =	vld [tilespmem:s10+$0x5C60];
	v58 =	vmul.f32 v51, v47;
	[tilespmem:s10+$0x5BD0] =	vst v32  }
0x17b: {  	v31 =	vld [tilespmem:s10+$0x5C10];
	[tilespmem:s10+$0x5C00] =	vst v19;
	v19 =	vmul.f32 v33, v34  }
0x17c: {  	v60 =	vperm.xlane v18, v11;
	v36 =	vmul.f32 v63, v56;
	[tilespmem:s10+$0x5CD0] =	vst v58;
	v43 =	vld [tilespmem:s10+$0x5C80]  }
0x17d: {  	v57 =	vld [tilespmem:s10+$0x5D10];
	[tilespmem:s10+$0x5C20] =	vst v19;
	v19 =	vmul.f32 v37, v34  }
0x17e: {  	v32 =	vmul.f32 v61, v60;
	[tilespmem:s10+$0x5BF0] =	vst v36;
	v46 =	vld [tilespmem:s10+$0x5CA0]  }
0x17f: {  	v35 =	vld [tilespmem:s10+$0x5C30];
	[tilespmem:s10+$0x5C40] =	vst v19;
	v19 =	vmul.f32 v40, v34  }
0x180: {  	v50 =	vld [tilespmem:s10+$0x5CC0];
	v39 =	vmul.f32 v31, v34;
	[tilespmem:s10+$0x5D30] =	vst v32  }
0x181: {  	v28 =	vld [tilespmem:s10+$0x5D50];
	[tilespmem:s10+$0x5C60] =	vst v19;
	v19 =	vmul.f32 v43, v47  }
0x182: {  	v53 =	vld [tilespmem:s10+$0x5CE0];
	v29 =	vmul.f32 v57, v60;
	[tilespmem:s10+$0x5C10] =	vst v39  }
0x183: {  	v31 =	vld [tilespmem:s10+$0x5D70];
	[tilespmem:s10+$0x5C80] =	vst v19;
	v19 =	vmul.f32 v46, v47  }
0x184: {  	v42 =	vmul.f32 v35, v34;
	[tilespmem:s10+$0x5D10] =	vst v29;
	v56 =	vld [tilespmem:s10+$0x5D00]  }
0x185: {  	v41 =	vld [tilespmem:s10+$0x5C70];
	[tilespmem:s10+$0x5CA0] =	vst v19;
	v19 =	vmul.f32 v50, v47  }
0x186: {  	v35 =	vmul.f32 v28, v60;
	[tilespmem:s10+$0x5C30] =	vst v42;
	v59 =	vld [tilespmem:s10+$0x5D20]  }
0x187: {  	v44 =	vld [tilespmem:s10+$0x5C90];
	[tilespmem:s10+$0x5CC0] =	vst v19;
	v19 =	vmul.f32 v53, v47  }
0x188: {  	v63 =	vld [tilespmem:s10+$0x5D40];
	[tilespmem:s10+$0x5D50] =	vst v35;
	v39 =	vmul.f32 v31, v60  }
0x189: {  	v48 =	vld [tilespmem:s10+$0x5CB0];
	[tilespmem:s10+$0x5CE0] =	vst v19;
	v19 =	vmul.f32 v56, v60  }
0x18a: {  	v49 =	vmul.f32 v41, v34;
	[tilespmem:s10+$0x5D70] =	vst v39;
	v30 =	vld [tilespmem:s10+$0x5D60]  }
0x18b: {  	v54 =	vld [tilespmem:s10+$0x5CF0];
	[tilespmem:s10+$0x5D00] =	vst v19;
	v19 =	vmul.f32 v59, v60  }
0x18c: {  	[tilespmem:s10+$0x5C70] =	vst v49;
	v52 =	vmul.f32 v44, v47;
	v33 =	vld [tilespmem:s10+$0x5D80]  }
0x18d: {  	v38 =	vld [tilespmem:s10+$0x5DB0];
	[tilespmem:s10+$0x5D20] =	vst v19;
	v19 =	vmul.f32 v63, v60  }
0x18e: {  	v36 =	vld [tilespmem:s10+$0x5DA0];
	[tilespmem:s10+$0x5C90] =	vst v52;
	v55 =	vmul.f32 v48, v47  }
0x18f: {  	v41 =	vld [tilespmem:s10+$0x5DD0];
	v37 =	vperm.xlane v18, v12;
	[tilespmem:s10+$0x5D40] =	vst v19;
	v19 =	vmul.f32 v30, v60  }
0x190: {  	[tilespmem:s10+$0x5CB0] =	vst v55;
	v62 =	vmul.f32 v54, v47;
	v40 =	vld [tilespmem:s10+$0x5DC0]  }
0x191: {  	v44 =	vld [tilespmem:s10+$0x5DF0];
	[tilespmem:s10+$0x5D60] =	vst v19;
	v19 =	vmul.f32 v33, v37  }
0x192: {  	[tilespmem:s10+$0x5CF0] =	vst v62;
	v45 =	vmul.f32 v38, v37;
	v43 =	vld [tilespmem:s10+$0x5DE0]  }
0x193: {  	v34 =	vld [tilespmem:s10+$0x5D90];
	[tilespmem:s10+$0x5D80] =	vst v19;
	v19 =	vmul.f32 v36, v37  }
0x194: {  	v48 =	vmul.f32 v41, v37;
	[tilespmem:s10+$0x5DB0] =	vst v45;
	v46 =	vld [tilespmem:s10+$0x5E00]  }
0x195: {  	v51 =	vld [tilespmem:s10+$0x5E30];
	[tilespmem:s10+$0x5DA0] =	vst v19;
	v19 =	vmul.f32 v40, v37  }
0x196: {  	v49 =	vld [tilespmem:s10+$0x5E20];
	v52 =	vmul.f32 v44, v37;
	[tilespmem:s10+$0x5DD0] =	vst v48  }
0x197: {  	v54 =	vld [tilespmem:s10+$0x5E50];
	v50 =	vperm.xlane v18, v13;
	[tilespmem:s10+$0x5DC0] =	vst v19;
	v19 =	vmul.f32 v43, v37  }
0x198: {  	[tilespmem:s10+$0x5DF0] =	vst v52;
	v42 =	vmul.f32 v34, v37;
	v53 =	vld [tilespmem:s10+$0x5E40]  }
0x199: {  	v57 =	vld [tilespmem:s10+$0x5E70];
	[tilespmem:s10+$0x5DE0] =	vst v19;
	v19 =	vmul.f32 v46, v50  }
0x19a: {  	[tilespmem:s10+$0x5D90] =	vst v42;
	v58 =	vmul.f32 v51, v50;
	v56 =	vld [tilespmem:s10+$0x5E60]  }
0x19b: {  	v47 =	vld [tilespmem:s10+$0x5E10];
	[tilespmem:s10+$0x5E00] =	vst v19;
	v19 =	vmul.f32 v49, v50  }
0x19c: {  	v61 =	vmul.f32 v54, v50;
	[tilespmem:s10+$0x5E30] =	vst v58;
	v59 =	vld [tilespmem:s10+$0x5E80]  }
0x19d: {  	v39 =	vld [tilespmem:s10+$0x5F10];
	[tilespmem:s10+$0x5E20] =	vst v19;
	v19 =	vmul.f32 v53, v50  }
0x19e: {  	v62 =	vld [tilespmem:s10+$0x5EA0];
	v31 =	vmul.f32 v57, v50;
	[tilespmem:s10+$0x5E50] =	vst v61  }
0x19f: {  	v63 =	vperm.xlane v18, v14;
	v60 =	vld [tilespmem:s10+$0x5E90];
	[tilespmem:s10+$0x5E40] =	vst v19;
	v19 =	vmul.f32 v56, v50  }
0x1a0: {  	v32 =	vld [tilespmem:s10+$0x5EC0];
	v42 =	vperm.xlane v18, v15;
	[tilespmem:s10+$0x5E70] =	vst v31;
	v55 =	vmul.f32 v47, v50  }
0x1a1: {  	v33 =	vld [tilespmem:s10+$0x5ED0];
	[tilespmem:s10+$0x5E60] =	vst v19;
	v19 =	vmul.f32 v59, v63  }
0x1a2: {  	v35 =	vld [tilespmem:s10+$0x5EE0];
	v47 =	vmul.f32 v39, v42;
	[tilespmem:s10+$0x5E10] =	vst v55  }
0x1a3: {  	v30 =	vld [tilespmem:s10+$0x5EB0];
	[tilespmem:s10+$0x5E80] =	vst v19;
	v19 =	vmul.f32 v62, v63  }
0x1a4: {  	v38 =	vld [tilespmem:s10+$0x5F00];
	[tilespmem:s10+$0x5F10] =	vst v47;
	v34 =	vmul.f32 v60, v63  }
0x1a5: {  	v36 =	vld [tilespmem:s10+$0x5EF0];
	[tilespmem:s10+$0x5EA0] =	vst v19;
	v19 =	vmul.f32 v32, v63  }
0x1a6: {  	v41 =	vld [tilespmem:s10+$0x5F20];
	[tilespmem:s10+$0x5E90] =	vst v34;
	v40 =	vmul.f32 v33, v63  }
0x1a7: {  	v46 =	vld [tilespmem:s10+$0x5F50];
	[tilespmem:s10+$0x5EC0] =	vst v19;
	v19 =	vmul.f32 v35, v63  }
0x1a8: {  	v45 =	vld [tilespmem:s10+$0x5F40];
	v37 =	vmul.f32 v30, v63;
	[tilespmem:s10+$0x5ED0] =	vst v40  }
0x1a9: {  	v43 =	vld [tilespmem:s10+$0x5F30];
	[tilespmem:s10+$0x5EE0] =	vst v19;
	v19 =	vmul.f32 v38, v42  }
0x1aa: {  	v48 =	vld [tilespmem:s10+$0x5F60];
	v44 =	vmul.f32 v36, v63;
	[tilespmem:s10+$0x5EB0] =	vst v37  }
0x1ab: {  	v49 =	vld [tilespmem:s10+$0x5F70];
	[tilespmem:s10+$0x5F00] =	vst v19;
	v19 =	vmul.f32 v41, v42  }
0x1ac: {  	v51 =	vld [tilespmem:s10+$0x5F80];
	[tilespmem:s10+$0x5EF0] =	vst v44;
	v53 =	vmul.f32 v46, v42  }
0x1ad: {  	v52 =	vld [tilespmem:s10+$0x5F90];
	[tilespmem:s10+$0x5F20] =	vst v19;
	v19 =	vmul.f32 v45, v42  }
0x1ae: {  	v54 =	vld [tilespmem:s10+$0x5FA0];
	v50 =	vmul.f32 v43, v42;
	[tilespmem:s10+$0x5F50] =	vst v53  }
0x1af: {  	v18 =	vperm.xlane v18, v16;
	v55 =	vld [tilespmem:s10+$0x5FB0];
	[tilespmem:s10+$0x5F40] =	vst v19;
	v19 =	vmul.f32 v48, v42  }
0x1b0: {  	v57 =	vld [tilespmem:s10+$0x5FC0];
	v56 =	vmul.f32 v49, v42;
	[tilespmem:s10+$0x5F30] =	vst v50  }
0x1b1: {  	v58 =	vld [tilespmem:s10+$0x5FD0];
	[tilespmem:s10+$0x5F60] =	vst v19;
	v19 =	vmul.f32 v51, v18  }
0x1b2: {  	v60 =	vld [tilespmem:s10+$0x5FE0];
	v59 =	vmul.f32 v52, v18;
	[tilespmem:s10+$0x5F70] =	vst v56  }
0x1b3: {  	v61 =	vld [tilespmem:s10+$0x5FF0];
	[tilespmem:s10+$0x5F80] =	vst v19;
	v19 =	vmul.f32 v54, v18  }
0x1b4: {  	[tilespmem:s10+$0x5F90] =	vst v59;
	v62 =	vmul.f32 v55, v18  }
0x1b5: {  	p2 =	sne.s32 s9, $0x7;
	[tilespmem:s10+$0x5FA0] =	vst v19;
	v19 =	vmul.f32 v57, v18  }
.Ltmp4:
0x1b6: {  	[tilespmem:s10+$0x5FB0] =	vst v62;
	v63 =	vmul.f32 v58, v18;
	(pc) =	sbr.rel @p2 .LBB2_8-.Ltmp4, $4  }
0x1b7: {  	[tilespmem:s10+$0x5FC0] =	vst v19;
	v19 =	vmul.f32 v60, v18  }
0x1b8: {  	[tilespmem:s10+$0x5FD0] =	vst v63;
	v18 =	vmul.f32 v61, v18  }
0x1b9: {  	[tilespmem:s10+$0x5FE0] =	vst v19  }
0x1ba: {  	s9 =	sadd.s32 $0x1, s9;
	[tilespmem:s10+$0x5FF0] =	vst v18  }
0x1bb: {  	s24 =	sadd.s32 $0x1, s24  }
0x1bc: {  	p2 =	sne.s32 s24, $0x4  }
.Ltmp5:
0x1bd: {  	s8 =	sadd.s32 $0x800, s8;
	(pc) =	sbr.rel @p2 .LBB2_5-.Ltmp5, $4  }
0x1be: {  	[spmem:s3] =	stream.indirect.scatter.add.f32 [tilespmem:s5], [sflag:$0x6], $0x80, s8, s15, $0xb8;
	[tilespmem:$0x1D080] =	vst v63  }
0x1bf: {  	_ =	swait.ge [sflag:s26], $0x4000  }
0x1c0: {  	[sflag:s26] =	ssyncset.done $0x0  }
0x1c1: {  	[sflag:s26] =	ssyncadd.s32 $0xFFFFC000  }
.Ltmp6:
0x1c2: {  	(pc) =	sbr.rel @p1 .LBB2_12-.Ltmp6, $1  }
0x1c3: {  	_ =	sdelay $0x3  }
0x1c4: {  	_ =	swait.ge [sflag:s30], $0x400  }
0x1c5: {  	[sflag:s30] =	ssyncset.done $0x0  }
0x1c6: {  	[sflag:s30] =	ssyncadd.s32 $0xFFFFFC00  }
0x1c7: {  	_ =	swait.ge [sflag:s30], $0x400  }
.Ltmp7:
0x1c8: {  	[sflag:s30] =	ssyncset.done $0x0;
	(pc) =	sbr.rel .LBB2_4-.Ltmp7, $4  }
0x1c9: {  	[sflag:s30] =	ssyncadd.s32 $0xFFFFFC00  }
0x1ca: {  	_ =	swait.ge [sflag:s30], $0x400  }
0x1cb: {  	[sflag:s30] =	ssyncset.done $0x0  }
0x1cc: {  	s19 =	sadd.s32 $0x1, s19;
	[sflag:s30] =	ssyncadd.s32 $0xFFFFFC00  }
.LBB2_13:
0x1cd: {  	_ =	sfence.sel $0x180000  }
0x1ce: {  	[bflag:$0x0] =	sbarrier.arrive $0xFFFF  }
0x1cf: {  	_ =	strace $0x90000047  }
0x1d0: {  	[bflag:$0x2] =	sbarrier.arrive $0xFFFF  }
0x1d1: {  	s0 =	rddreg [dreg:$0x3]  }
0x1d2: {  	s0 =	sadd.s32 @!p0 $0x100000, s0  }
0x1d3: {  	[sflag:s0] =	ssyncadd.tile.s32 @!p0 $0x1;
	_ =	shalt  }
.Lfunc_end2:
_tile_overlayer_lowered:
.L_overlay_start_2:
0x1d4: {  	(tag) =	ssettag $0x2  }
0x1d5: {  	s0 =	rddreg [dreg:$0x0];
	s2 =	stileid.u32  }
0x1d6: {  	s1 =	rddreg [dreg:$0x1];
	p0 =	sne.s32 s2, $0x0  }
0x1d7: {  	s3 =	rddreg [dreg:$0x2];
	[bflag:$0x3] =	sbarrier.arrive $0xFFFF;
	s2 =	simm.s32 @!p0 $0x1C06  }
0x1d8: {  	[timem:s3], [sflag:s2] =	dma.local @!p0 [hbm:s0], s1  }
0x1d9: {  	s0 =	simm.s32 @!p0 $0x6  }
0x1da: {  	_ =	swait.ge @!p0 [sflag:s0], s1  }
0x1db: {  	s1 =	ssub.s32 @!p0 $0x0, s1;
	[sflag:s0] =	ssyncset.done @!p0 $0x0  }
0x1dc: {  	[sflag:s0] =	ssyncadd.s32 @!p0 s1  }
0x1dd: {  	[bflag:$0x3] =	sbarrier.arrive $0xFFFF  }
0x1de: {  	_ =	shalt  }

</sc_bundles>
